<compile_context>
chip_gen: v7x
topology: tpu7x:2x2x1
jax: 0.10.2.dev20260603
libtpu: 0.0.44.dev20260713+nightly
codegen_flags: <defaults>
</compile_context>

<pallas_src>
import functools

import jax
import jax.numpy as jnp
from jax import lax
from jax.experimental import pallas as pl
from jax.experimental.pallas import tpu as pltpu
from jax.experimental.pallas import tpu_sc as plsc

_CH = 128
_NW = 32
_IB = 4
_PAD = 16


def _sc_mesh():
    return plsc.VectorSubcoreMesh(core_axis_name="c", subcore_axis_name="s")


def _make_deg_kernel(n, nchunkp):
    cpw = nchunkp // _NW
    nbatch = cpw // _IB
    span = ((n // 16 + 15) // 16) * 16
    last = n - 15 * span

    @functools.partial(
        pl.kernel,
        out_type=jax.ShapeDtypeStruct((2 * n,), jnp.float32),
        mesh=_sc_mesh(),
        scratch_types=[
            pltpu.VMEM((_IB, _CH), jnp.int32),
            pltpu.VMEM((_CH,), jnp.float32),
            pltpu.VMEM((span,), jnp.float32),
            pltpu.VMEM_SHARED((n + _PAD,), jnp.float32),
        ],
    )
    def deg_kernel(dst_hbm, out_hbm, idx_v, ones_v, stage_v, acc_sh):
        c = lax.axis_index("c")
        s = lax.axis_index("s")
        wid = s * 2 + c
        for i in range(_CH // 16):
            ones_v[pl.ds(i * 16, 16)] = jnp.ones((16,), jnp.float32)

        def zbody(i, carry):
            stage_v[pl.ds(i * 16, 16)] = jnp.zeros((16,), jnp.float32)
            return carry

        lax.fori_loop(0, span // 16, zbody, 0)
        @pl.when(s < 15)
        def _():
            pltpu.sync_copy(stage_v, acc_sh.at[pl.ds(s * span, span)])

        @pl.when(s == 15)
        def _():
            pltpu.sync_copy(stage_v.at[pl.ds(0, last + _PAD)],
                            acc_sh.at[pl.ds(15 * span, last + _PAD)])

        plsc.subcore_barrier()
        first = wid * cpw

        def body(b, carry):
            cbase = first + b * _IB
            pltpu.sync_copy(dst_hbm.at[pl.ds(cbase, _IB)], idx_v)
            for k in range(_IB):
                pltpu.sync_copy(ones_v, acc_sh.at[idx_v.at[k]], add=True)
            return carry

        lax.fori_loop(0, nbatch, body, 0)
        plsc.subcore_barrier()

        @pl.when(s < 15)
        def _():
            pltpu.sync_copy(acc_sh.at[pl.ds(s * span, span)], stage_v)
            pltpu.sync_copy(stage_v, out_hbm.at[pl.ds(c * n + s * span, span)])

        @pl.when(s == 15)
        def _():
            pltpu.sync_copy(acc_sh.at[pl.ds(15 * span, last)],
                            stage_v.at[pl.ds(0, last)])
            pltpu.sync_copy(stage_v.at[pl.ds(0, last)],
                            out_hbm.at[pl.ds(c * n + 15 * span, last)])

    return deg_kernel


def _make_scatter_col_kernel(n, d, nchunkp):
    cpt = nchunkp // 16
    nbatch = cpt // _IB
    span = ((n // 16 + 7) // 8) * 8
    last = n - 15 * span

    @functools.partial(
        pl.kernel,
        out_type=[jax.ShapeDtypeStruct((n, d), jnp.float32),
                  jax.ShapeDtypeStruct((n, d), jnp.float32)],
        mesh=_sc_mesh(),
        scratch_types=[
            pltpu.VMEM((_IB * _CH,), jnp.int32),
            pltpu.VMEM((_IB, _CH), jnp.int32),
            pltpu.VMEM((_IB * _CH, d), jnp.float32),
            pltpu.VMEM((span, d), jnp.float32),
            pltpu.VMEM_SHARED((n + _PAD, d), jnp.float32),
            pltpu.SemaphoreType.DMA,
        ],
        compiler_params=pltpu.CompilerParams(use_tc_tiling_on_sc=False),
    )
    def scat_kernel(ua_hbm, ub_hbm, src_hbm, dst_hbm, outa_hbm, outb_hbm,
                    sidx_v, didx_v, rows_v, stage_v, acc_sh, sem):
        c = lax.axis_index("c")
        s = lax.axis_index("s")

        def run(u_hbm, out_hbm):
            @pl.when(s < 15)
            def _():
                rb = s * span
                pltpu.sync_copy(u_hbm.at[pl.ds(rb, span)], stage_v)
                pltpu.sync_copy(stage_v, acc_sh.at[pl.ds(rb, span)])

            @pl.when(s == 15)
            def _():
                pltpu.sync_copy(u_hbm.at[pl.ds(15 * span, last)],
                                stage_v.at[pl.ds(0, last)])
                pltpu.sync_copy(stage_v.at[pl.ds(0, last)],
                                acc_sh.at[pl.ds(15 * span, last)])

            plsc.subcore_barrier()
            first = s * cpt

            def body(b, carry):
                cbase = first + b * _IB
                pltpu.sync_copy(src_hbm.at[pl.ds(cbase * _CH, _IB * _CH)],
                                sidx_v)
                pltpu.sync_copy(dst_hbm.at[pl.ds(cbase, _IB)], didx_v)
                cps = [
                    pltpu.async_copy(
                        u_hbm.at[sidx_v.at[pl.ds(k * _CH, _CH)]],
                        rows_v.at[pl.ds(k * _CH, _CH)], sem)
                    for k in range(_IB)
                ]
                for cp in cps:
                    cp.wait()
                for k in range(_IB):
                    pltpu.sync_copy(rows_v.at[pl.ds(k * _CH, _CH)],
                                    acc_sh.at[didx_v.at[k]], add=True)
                return carry

            lax.fori_loop(0, nbatch, body, 0)
            plsc.subcore_barrier()

            @pl.when(s < 15)
            def _():
                rb = s * span
                pltpu.sync_copy(acc_sh.at[pl.ds(rb, span)], stage_v)
                pltpu.sync_copy(stage_v, out_hbm.at[pl.ds(rb, span)])

            @pl.when(s == 15)
            def _():
                pltpu.sync_copy(acc_sh.at[pl.ds(15 * span, last)],
                                stage_v.at[pl.ds(0, last)])
                pltpu.sync_copy(stage_v.at[pl.ds(0, last)],
                                out_hbm.at[pl.ds(15 * span, last)])

        @pl.when(c == 0)
        def _():
            run(ua_hbm, outa_hbm)

        @pl.when(c == 1)
        def _():
            run(ub_hbm, outb_hbm)

    return scat_kernel


def _prep_body(deg0, deg1, x, w1a, w1b, dinv_o, u1a_o, u1b_o):
    deg = deg0[...] + deg1[...] + 1.0
    dinv = lax.rsqrt(deg)
    dinv_o[...] = dinv
    u1a_o[...] = dinv * jnp.dot(x[...], w1a[...],
                                preferred_element_type=jnp.float32)
    u1b_o[...] = dinv * jnp.dot(x[...], w1b[...],
                                preferred_element_type=jnp.float32)


def _mid_body(acc1a, acc1b, dinv, b1, w2a, w2b, u2a_o, u2b_o):
    di = dinv[...]
    acc = jnp.concatenate([acc1a[...], acc1b[...]], axis=1)
    h1 = jnp.maximum(di * acc + b1[...], 0.0)
    u2a_o[...] = di * jnp.dot(h1, w2a[...], preferred_element_type=jnp.float32)
    u2b_o[...] = di * jnp.dot(h1, w2b[...], preferred_element_type=jnp.float32)


def _segmax_body(acc2a, acc2b, dinv, b2, batch, g0_o, *, num_graphs):
    i = pl.program_id(0)
    neg = jnp.float32(-jnp.inf)

    @pl.when(i == 0)
    def _():
        g0_o[...] = jnp.full(g0_o.shape, neg, jnp.float32)

    acc = jnp.concatenate([acc2a[...], acc2b[...]], axis=1)
    h2 = jnp.maximum(dinv[...] * acc + b2[...], 0.0)
    bb = batch[...]
    g_lo = jnp.min(bb)
    g_hi = jnp.max(bb)
    giota = lax.broadcasted_iota(jnp.int32, (num_graphs, 1), 0)

    def body(g, m_acc):
        m = jnp.max(jnp.where(bb == g, h2, neg), axis=0, keepdims=True)
        return jnp.where(giota == g, jnp.maximum(m_acc, m), m_acc)

    g0_o[...] = lax.fori_loop(g_lo, g_hi + 1, body, g0_o[...])


def _tail_body(g0, tgt, wg, bg, wc2, bc, wxt, bxt, wf, bf, wo, bo, out_o,
               *, bg_rows, seq, ctx, h):
    gv = jnp.dot(g0[...], wg[...], preferred_element_type=jnp.float32) + bg[...]
    t = tgt[...].reshape(bg_rows * seq, ctx)
    z = jnp.dot(t, wc2[...], preferred_element_type=jnp.float32)
    z = z.reshape(bg_rows, seq, 3 * h)
    y = (z[:, 0:seq - 2, 0:h] + z[:, 1:seq - 1, h:2 * h]
         + z[:, 2:seq, 2 * h:3 * h]) + bc[...]
    y = jnp.maximum(jnp.max(y, axis=1), 0.0)
    tv = jnp.dot(y, wxt[...], preferred_element_type=jnp.float32) + bxt[...]
    xc = jnp.concatenate([gv, tv], axis=1)
    f = jnp.maximum(
        jnp.dot(xc, wf[...], preferred_element_type=jnp.float32) + bf[...], 0.0)
    out_o[...] = jnp.dot(f, wo[...],
                         preferred_element_type=jnp.float32) + bo[...]


def kernel(x, edge_index, batch, target, W1, b1, W2, b2, Wg, bg, Wc, bc,
           Wxt, bxt, Wf, bf, Wo, bo):
    n, d_in = x.shape
    e = edge_index.shape[1]
    g, seq, ctx = target.shape
    h = W1.shape[1]
    h2 = W2.shape[1]
    nout = Wo.shape[1]
    epc = _NW * _IB * _CH
    ep = ((e + epc - 1) // epc) * epc
    nchunkp = ep // _CH
    it = jnp.arange(ep - e, dtype=jnp.int32)
    src = jnp.concatenate([edge_index[0], it % n])
    dst2d = jnp.concatenate([edge_index[1],
                             n + (it % _PAD)]).reshape(nchunkp, _CH)

    deg2 = _make_deg_kernel(n, nchunkp)(dst2d)
    deg2 = deg2.reshape(2 * n, 1)

    bn = 2000
    nblk = n // bn
    hq = h // 2
    dinv, u1a, u1b = pl.pallas_call(
        _prep_body,
        grid=(nblk,),
        in_specs=[
            pl.BlockSpec((bn, 1), lambda i: (i, 0)),
            pl.BlockSpec((bn, 1), lambda i: (i + nblk, 0)),
            pl.BlockSpec((bn, d_in), lambda i: (i, 0)),
            pl.BlockSpec((d_in, hq), lambda i: (0, 0)),
            pl.BlockSpec((d_in, hq), lambda i: (0, 0)),
        ],
        out_specs=[
            pl.BlockSpec((bn, 1), lambda i: (i, 0)),
            pl.BlockSpec((bn, hq), lambda i: (i, 0)),
            pl.BlockSpec((bn, hq), lambda i: (i, 0)),
        ],
        out_shape=[
            jax.ShapeDtypeStruct((n, 1), jnp.float32),
            jax.ShapeDtypeStruct((n, hq), jnp.float32),
            jax.ShapeDtypeStruct((n, hq), jnp.float32),
        ],
    )(deg2, deg2, x, W1[:, :hq], W1[:, hq:])

    acc1a, acc1b = _make_scatter_col_kernel(n, hq, nchunkp)(u1a, u1b, src,
                                                            dst2d)

    hh = h2 // 2
    u2a, u2b = pl.pallas_call(
        _mid_body,
        grid=(nblk,),
        in_specs=[
            pl.BlockSpec((bn, hq), lambda i: (i, 0)),
            pl.BlockSpec((bn, hq), lambda i: (i, 0)),
            pl.BlockSpec((bn, 1), lambda i: (i, 0)),
            pl.BlockSpec((1, h), lambda i: (0, 0)),
            pl.BlockSpec((h, hh), lambda i: (0, 0)),
            pl.BlockSpec((h, hh), lambda i: (0, 0)),
        ],
        out_specs=[
            pl.BlockSpec((bn, hh), lambda i: (i, 0)),
            pl.BlockSpec((bn, hh), lambda i: (i, 0)),
        ],
        out_shape=[
            jax.ShapeDtypeStruct((n, hh), jnp.float32),
            jax.ShapeDtypeStruct((n, hh), jnp.float32),
        ],
    )(acc1a, acc1b, dinv, b1.reshape(1, h), W2[:, :hh], W2[:, hh:])

    acc2a, acc2b = _make_scatter_col_kernel(n, hh, nchunkp)(u2a, u2b, src,
                                                            dst2d)

    g0 = pl.pallas_call(
        functools.partial(_segmax_body, num_graphs=g),
        grid=(nblk,),
        in_specs=[
            pl.BlockSpec((bn, hh), lambda i: (i, 0)),
            pl.BlockSpec((bn, hh), lambda i: (i, 0)),
            pl.BlockSpec((bn, 1), lambda i: (i, 0)),
            pl.BlockSpec((1, h2), lambda i: (0, 0)),
            pl.BlockSpec((bn, 1), lambda i: (i, 0)),
        ],
        out_specs=pl.BlockSpec((g, h2), lambda i: (0, 0)),
        out_shape=jax.ShapeDtypeStruct((g, h2), jnp.float32),
    )(acc2a, acc2b, dinv, b2.reshape(1, h2), batch.reshape(n, 1))

    wc2 = jnp.transpose(Wc, (1, 2, 0)).reshape(ctx, 3 * h)
    wo_pad = jnp.zeros((h, 128), jnp.float32).at[:, :nout].set(Wo)
    bo_pad = jnp.zeros((1, 128), jnp.float32).at[:, :nout].set(bo)
    bg_rows = 8
    gblk = g // bg_rows
    out_pad = pl.pallas_call(
        functools.partial(_tail_body, bg_rows=bg_rows, seq=seq, ctx=ctx, h=h),
        grid=(gblk,),
        in_specs=[
            pl.BlockSpec((bg_rows, h2), lambda i: (i, 0)),
            pl.BlockSpec((bg_rows, seq, ctx), lambda i: (i, 0, 0)),
            pl.BlockSpec((h2, h), lambda i: (0, 0)),
            pl.BlockSpec((1, h), lambda i: (0, 0)),
            pl.BlockSpec((ctx, 3 * h), lambda i: (0, 0)),
            pl.BlockSpec((1, 1, h), lambda i: (0, 0, 0)),
            pl.BlockSpec((h, h), lambda i: (0, 0)),
            pl.BlockSpec((1, h), lambda i: (0, 0)),
            pl.BlockSpec((h2, h), lambda i: (0, 0)),
            pl.BlockSpec((1, h), lambda i: (0, 0)),
            pl.BlockSpec((h, 128), lambda i: (0, 0)),
            pl.BlockSpec((1, 128), lambda i: (0, 0)),
        ],
        out_specs=pl.BlockSpec((bg_rows, 128), lambda i: (i, 0)),
        out_shape=jax.ShapeDtypeStruct((g, 128), jnp.float32),
    )(g0, target, Wg, bg.reshape(1, h), wc2, bc.reshape(1, 1, h), Wxt,
      bxt.reshape(1, h), Wf, bf.reshape(1, h), wo_pad, bo_pad)

    return out_pad[:, :nout]

# --- scband reference (transcript-rebuilt; emitter-appended) ---
"""Pipeline reference for scband-gcnnet-simple-34626026340853 (READ-ONLY COPY).

The authoritative reference and input builder live on the scoring server;
editing this copy changes nothing except your own understanding.
"""

import jax, jax.numpy as jnp
import numpy as np

N = 10000
E = 320000
G = 128
D = 128
H = 64
L = 1000
CXT = 25
NOUT = 2


def setup_inputs(seed: int = 0) -> dict:
    key = jax.random.key(seed)
    ks = jax.random.split(key, 20)
    x = jax.random.normal(ks[0], (N, D), dtype=jnp.float32)
    edge_index = jax.random.randint(ks[1], (2, E), 0, N, dtype=jnp.int32)
    batch = jnp.sort(jax.random.randint(ks[2], (N,), 0, G, dtype=jnp.int32))
    target = jax.random.normal(ks[3], (G, L, CXT), dtype=jnp.float32)
    s1 = 1.0 / np.sqrt(D)
    s2 = 1.0 / np.sqrt(H)
    s3 = 1.0 / np.sqrt(2 * H)
    sc = 1.0 / np.sqrt(CXT * 3)
    W1 = jax.random.uniform(ks[4], (D, H), jnp.float32, -s1, s1)
    b1 = jax.random.uniform(ks[5], (H,), jnp.float32, -s1, s1)
    W2 = jax.random.uniform(ks[6], (H, 2 * H), jnp.float32, -s2, s2)
    b2 = jax.random.uniform(ks[7], (2 * H,), jnp.float32, -s2, s2)
    Wg = jax.random.uniform(ks[8], (2 * H, H), jnp.float32, -s3, s3)
    bg = jax.random.uniform(ks[9], (H,), jnp.float32, -s3, s3)
    Wc = jax.random.uniform(ks[10], (H, CXT, 3), jnp.float32, -sc, sc)
    bc = jax.random.uniform(ks[11], (H,), jnp.float32, -sc, sc)
    Wxt = jax.random.uniform(ks[12], (H, H), jnp.float32, -s2, s2)
    bxt = jax.random.uniform(ks[13], (H,), jnp.float32, -s2, s2)
    Wf = jax.random.uniform(ks[14], (2 * H, H), jnp.float32, -s3, s3)
    bf = jax.random.uniform(ks[15], (H,), jnp.float32, -s3, s3)
    Wo = jax.random.uniform(ks[16], (H, NOUT), jnp.float32, -s2, s2)
    bo = jax.random.uniform(ks[17], (NOUT,), jnp.float32, -s2, s2)
    return {"x": x, "edge_index": edge_index, "batch": batch, "target": target,
            "W1": W1, "b1": b1, "W2": W2, "b2": b2, "Wg": Wg, "bg": bg,
            "Wc": Wc, "bc": bc, "Wxt": Wxt, "bxt": bxt, "Wf": Wf, "bf": bf,
            "Wo": Wo, "bo": bo}


def _gcn_conv(x, edge_index, W, b, n):
    # PyG GCNConv: linear transform, add self-loops, symmetric normalization, scatter-add
    xw = x @ W
    loop = jnp.arange(n, dtype=edge_index.dtype)
    src = jnp.concatenate([edge_index[0], loop])
    dst = jnp.concatenate([edge_index[1], loop])
    deg = jax.ops.segment_sum(jnp.ones_like(src, dtype=xw.dtype), dst, num_segments=n)
    dinv = jnp.where(deg > 0, jax.lax.rsqrt(jnp.maximum(deg, 1e-12)), 0.0)
    norm = dinv[src] * dinv[dst]
    out = jax.ops.segment_sum(xw[src] * norm[:, None], dst, num_segments=n)
    return out + b


def reference(x, edge_index, batch, target, W1, b1, W2, b2, Wg, bg, Wc, bc, Wxt, bxt, Wf, bf, Wo, bo):
    h = jax.nn.relu(_gcn_conv(x, edge_index, W1, b1, N))
    h = jax.nn.relu(_gcn_conv(h, edge_index, W2, b2, N))
    g = jax.ops.segment_max(h, batch, num_segments=G)
    g = g @ Wg + bg  # dropout is identity in eval mode
    t = jnp.transpose(target, (0, 2, 1))  # [G, CXT, L]
    t = jax.lax.conv_general_dilated(t, Wc, (1,), 'VALID',
                                     dimension_numbers=('NCH', 'OIH', 'NCH'))
    t = t + bc[None, :, None]
    t = jax.nn.relu(t)
    t = jnp.max(t, axis=-1)  # AdaptiveMaxPool1d(1) + squeeze
    t = t @ Wxt + bxt
    xc = jnp.concatenate([g, t], axis=1)
    xc = jax.nn.relu(xc @ Wf + bf)
    return xc @ Wo + bo

if __name__ == "__main__":
    import jax
    _d = setup_inputs()
    print(jax.jit(kernel)(*tuple(_d.values())))

</pallas_src>

<mosaic_0001>
#map = affine_map<(d0, d1) -> (0, 0)>
#map1 = affine_map<(d0, d1) -> (0)>
module attributes {stable_mosaic.version = 14 : i64} {
  func.func @deg_kernel(%arg0: i32, %arg1: i32, %arg2: memref<2560x128xi32, #tpu.memory_space<hbm>>, %arg3: memref<20000xf32, #tpu.memory_space<hbm>>, %arg4: memref<4x128xi32, #tpu.memory_space<vmem>>, %arg5: memref<128xf32, #tpu.memory_space<vmem>>, %arg6: memref<640xf32, #tpu.memory_space<vmem>>, %arg7: memref<10016xf32, #tpu.memory_space<vmem_shared>>) attributes {dimension_semantics = [#tpu.dimension_semantics<core_parallel>, #tpu.dimension_semantics<subcore_parallel>], iteration_bounds = array<i64: 2, 16>, scalar_prefetch = 0 : i64, scratch_operands = 4 : i64, tpu.core_type = #tpu.core_type<sc_vector_subcore>, window_params = [{transform_indices = #map}, {transform_indices = #map1}]} {
    %mul3A = arith.constant 2 : i32
    %mul3A_0 = arith.muli %arg1, %mul3A : i32
    %add3A = arith.addi %mul3A_0, %arg0 : i32
    %broadcast_in_dim3A = arith.constant 1.000000e+00 : f32
    %broadcast_in_dim3A_1 = vector.broadcast %broadcast_in_dim3A : f32 to vector<16xf32>
    %swap3A = arith.constant 0 : index
    %swap3A_2 = tpu.vector_load %arg5[%swap3A] {strides = array<i32>} : memref<128xf32, #tpu.memory_space<vmem>>, vector<16xf32>,
    %swap3A_3 = vector.shape_cast %swap3A_2 : vector<16xf32> to vector<16xf32>
    %swap3A_4 = vector.shape_cast %broadcast_in_dim3A_1 : vector<16xf32> to vector<16xf32>
    tpu.vector_store %arg5[%swap3A], %swap3A_4 {strides = array<i32>} : memref<128xf32, #tpu.memory_space<vmem>>, vector<16xf32>,
    %broadcast_in_dim3A_5 = arith.constant 1.000000e+00 : f32
    %broadcast_in_dim3A_6 = vector.broadcast %broadcast_in_dim3A_5 : f32 to vector<16xf32>
    %swap3A_7 = arith.constant 16 : index
    %swap3A_8 = tpu.vector_load %arg5[%swap3A_7] {strides = array<i32>} : memref<128xf32, #tpu.memory_space<vmem>>, vector<16xf32>,
    %swap3A_9 = vector.shape_cast %swap3A_8 : vector<16xf32> to vector<16xf32>
    %swap3A_10 = vector.shape_cast %broadcast_in_dim3A_6 : vector<16xf32> to vector<16xf32>
    tpu.vector_store %arg5[%swap3A_7], %swap3A_10 {strides = array<i32>} : memref<128xf32, #tpu.memory_space<vmem>>, vector<16xf32>,
    %broadcast_in_dim3A_11 = arith.constant 1.000000e+00 : f32
    %broadcast_in_dim3A_12 = vector.broadcast %broadcast_in_dim3A_11 : f32 to vector<16xf32>
    %swap3A_13 = arith.constant 32 : index
    %swap3A_14 = tpu.vector_load %arg5[%swap3A_13] {strides = array<i32>} : memref<128xf32, #tpu.memory_space<vmem>>, vector<16xf32>,
    %swap3A_15 = vector.shape_cast %swap3A_14 : vector<16xf32> to vector<16xf32>
    %swap3A_16 = vector.shape_cast %broadcast_in_dim3A_12 : vector<16xf32> to vector<16xf32>
    tpu.vector_store %arg5[%swap3A_13], %swap3A_16 {strides = array<i32>} : memref<128xf32, #tpu.memory_space<vmem>>, vector<16xf32>,
    %broadcast_in_dim3A_17 = arith.constant 1.000000e+00 : f32
    %broadcast_in_dim3A_18 = vector.broadcast %broadcast_in_dim3A_17 : f32 to vector<16xf32>
    %swap3A_19 = arith.constant 48 : index
    %swap3A_20 = tpu.vector_load %arg5[%swap3A_19] {strides = array<i32>} : memref<128xf32, #tpu.memory_space<vmem>>, vector<16xf32>,
    %swap3A_21 = vector.shape_cast %swap3A_20 : vector<16xf32> to vector<16xf32>
    %swap3A_22 = vector.shape_cast %broadcast_in_dim3A_18 : vector<16xf32> to vector<16xf32>
    tpu.vector_store %arg5[%swap3A_19], %swap3A_22 {strides = array<i32>} : memref<128xf32, #tpu.memory_space<vmem>>, vector<16xf32>,
    %broadcast_in_dim3A_23 = arith.constant 1.000000e+00 : f32
    %broadcast_in_dim3A_24 = vector.broadcast %broadcast_in_dim3A_23 : f32 to vector<16xf32>
    %swap3A_25 = arith.constant 64 : index
    %swap3A_26 = tpu.vector_load %arg5[%swap3A_25] {strides = array<i32>} : memref<128xf32, #tpu.memory_space<vmem>>, vector<16xf32>,
    %swap3A_27 = vector.shape_cast %swap3A_26 : vector<16xf32> to vector<16xf32>
    %swap3A_28 = vector.shape_cast %broadcast_in_dim3A_24 : vector<16xf32> to vector<16xf32>
    tpu.vector_store %arg5[%swap3A_25], %swap3A_28 {strides = array<i32>} : memref<128xf32, #tpu.memory_space<vmem>>, vector<16xf32>,
    %broadcast_in_dim3A_29 = arith.constant 1.000000e+00 : f32
    %broadcast_in_dim3A_30 = vector.broadcast %broadcast_in_dim3A_29 : f32 to vector<16xf32>
    %swap3A_31 = arith.constant 80 : index
    %swap3A_32 = tpu.vector_load %arg5[%swap3A_31] {strides = array<i32>} : memref<128xf32, #tpu.memory_space<vmem>>, vector<16xf32>,
    %swap3A_33 = vector.shape_cast %swap3A_32 : vector<16xf32> to vector<16xf32>
    %swap3A_34 = vector.shape_cast %broadcast_in_dim3A_30 : vector<16xf32> to vector<16xf32>
    tpu.vector_store %arg5[%swap3A_31], %swap3A_34 {strides = array<i32>} : memref<128xf32, #tpu.memory_space<vmem>>, vector<16xf32>,
    %broadcast_in_dim3A_35 = arith.constant 1.000000e+00 : f32
    %broadcast_in_dim3A_36 = vector.broadcast %broadcast_in_dim3A_35 : f32 to vector<16xf32>
    %swap3A_37 = arith.constant 96 : index
    %swap3A_38 = tpu.vector_load %arg5[%swap3A_37] {strides = array<i32>} : memref<128xf32, #tpu.memory_space<vmem>>, vector<16xf32>,
    %swap3A_39 = vector.shape_cast %swap3A_38 : vector<16xf32> to vector<16xf32>
    %swap3A_40 = vector.shape_cast %broadcast_in_dim3A_36 : vector<16xf32> to vector<16xf32>
    tpu.vector_store %arg5[%swap3A_37], %swap3A_40 {strides = array<i32>} : memref<128xf32, #tpu.memory_space<vmem>>, vector<16xf32>,
    %broadcast_in_dim3A_41 = arith.constant 1.000000e+00 : f32
    %broadcast_in_dim3A_42 = vector.broadcast %broadcast_in_dim3A_41 : f32 to vector<16xf32>
    %swap3A_43 = arith.constant 112 : index
    %swap3A_44 = tpu.vector_load %arg5[%swap3A_43] {strides = array<i32>} : memref<128xf32, #tpu.memory_space<vmem>>, vector<16xf32>,
    %swap3A_45 = vector.shape_cast %swap3A_44 : vector<16xf32> to vector<16xf32>
    %swap3A_46 = vector.shape_cast %broadcast_in_dim3A_42 : vector<16xf32> to vector<16xf32>
    tpu.vector_store %arg5[%swap3A_43], %swap3A_46 {strides = array<i32>} : memref<128xf32, #tpu.memory_space<vmem>>, vector<16xf32>,
    %scan3A = arith.constant 0 : i32
    %scan3A_47 = arith.constant 0 : i32
    %scan3A_48 = arith.constant 40 : i32
    %scan3A_49 = arith.addi %scan3A_47, %scan3A_48 : i32
    %scan3A_50 = arith.constant 1 : i32
    scf.for %scan3A_77 = %scan3A_47 to %scan3A_49 step %scan3A_50  : i32 {
      %broadcast_in_dim3A_78 = arith.constant 0.000000e+00 : f32
      %broadcast_in_dim3A_79 = vector.broadcast %broadcast_in_dim3A_78 : f32 to vector<16xf32>
      %mul3A_80 = arith.constant 16 : i32
      %mul3A_81 = arith.muli %scan3A_77, %mul3A_80 : i32
      %swap3A_82 = arith.index_cast %mul3A_81 : i32 to index
      %swap3A_83 = tpu.vector_load %arg6[%swap3A_82] {strides = array<i32>} : memref<640xf32, #tpu.memory_space<vmem>>, vector<16xf32>,
      %swap3A_84 = vector.shape_cast %swap3A_83 : vector<16xf32> to vector<16xf32>
      %swap3A_85 = vector.shape_cast %broadcast_in_dim3A_79 : vector<16xf32> to vector<16xf32>
      tpu.vector_store %arg6[%swap3A_82], %swap3A_85 {strides = array<i32>} : memref<640xf32, #tpu.memory_space<vmem>>, vector<16xf32>,
    }
    %scan3A_51 = arith.constant 40 : i32
    %lt3A = arith.constant 15 : i32
    %lt3A_52 = arith.cmpi slt, %arg1, %lt3A : i32
    %convert_element_type3A = arith.extui %lt3A_52 : i1 to i32
    %cond3A = arith.constant 0 : i32
    %cond3A_53 = arith.cmpi ne, %convert_element_type3A, %cond3A : i32
    scf.if %cond3A_53 {
      %mul3A_77 = arith.constant 640 : i32
      %mul3A_78 = arith.muli %arg1, %mul3A_77 : i32
      "tpu.region"() ({
        %run_scoped3A = tpu.sem_alloc : memref<!tpu.dma_semaphore, #tpu.memory_space<semaphore_mem>>
        %dma_start3A = tpu.memref_slice %arg7[%mul3A_78] : memref<10016xf32, #tpu.memory_space<vmem_shared>> -> memref<640xf32, #tpu.memory_space<vmem_shared>>
        %dma_start3A_79 = tpu.memref_slice %arg7[%mul3A_78] : memref<10016xf32, #tpu.memory_space<vmem_shared>> -> memref<640xf32, #tpu.memory_space<vmem_shared>>
        tpu.enqueue_dma source(%arg6 : memref<640xf32, #tpu.memory_space<vmem>>) target(%dma_start3A_79 : memref<640xf32, #tpu.memory_space<vmem_shared>>) target_semaphore(%run_scoped3A : memref<!tpu.dma_semaphore, #tpu.memory_space<semaphore_mem>>)
        %dma_wait3A = tpu.memref_slice %arg7[%mul3A_78] : memref<10016xf32, #tpu.memory_space<vmem_shared>> -> memref<640xf32, #tpu.memory_space<vmem_shared>>
        %dma_wait3A_80 = tpu.memref_slice %arg7[%mul3A_78] : memref<10016xf32, #tpu.memory_space<vmem_shared>> -> memref<640xf32, #tpu.memory_space<vmem_shared>>
        tpu.wait_dma2 semaphore(%run_scoped3A : memref<!tpu.dma_semaphore, #tpu.memory_space<semaphore_mem>>) src(%arg6 : memref<640xf32, #tpu.memory_space<vmem>>) dst(%dma_wait3A_80 : memref<640xf32, #tpu.memory_space<vmem_shared>>)
        tpu.yield
      }) : () -> ()
    } else {
    }
    %eq3A = arith.constant 15 : i32
    %eq3A_54 = arith.cmpi eq, %arg1, %eq3A : i32
    %convert_element_type3A_55 = arith.extui %eq3A_54 : i1 to i32
    %cond3A_56 = arith.constant 0 : i32
    %cond3A_57 = arith.cmpi ne, %convert_element_type3A_55, %cond3A_56 : i32
    scf.if %cond3A_57 {
      "tpu.region"() ({
        %run_scoped3A = tpu.sem_alloc : memref<!tpu.dma_semaphore, #tpu.memory_space<semaphore_mem>>
        %dma_start3A = arith.constant 0 : i32
        %dma_start3A_77 = tpu.memref_slice %arg6[%dma_start3A] : memref<640xf32, #tpu.memory_space<vmem>> -> memref<416xf32, #tpu.memory_space<vmem>>
        %dma_start3A_78 = arith.constant 9600 : i32
        %dma_start3A_79 = tpu.memref_slice %arg7[%dma_start3A_78] : memref<10016xf32, #tpu.memory_space<vmem_shared>> -> memref<416xf32, #tpu.memory_space<vmem_shared>>
        %dma_start3A_80 = arith.constant 9600 : i32
        %dma_start3A_81 = tpu.memref_slice %arg7[%dma_start3A_80] : memref<10016xf32, #tpu.memory_space<vmem_shared>> -> memref<416xf32, #tpu.memory_space<vmem_shared>>
        %dma_start3A_82 = arith.constant 0 : i32
        %dma_start3A_83 = tpu.memref_slice %arg6[%dma_start3A_82] : memref<640xf32, #tpu.memory_space<vmem>> -> memref<416xf32, #tpu.memory_space<vmem>>
        tpu.enqueue_dma source(%dma_start3A_83 : memref<416xf32, #tpu.memory_space<vmem>>) target(%dma_start3A_81 : memref<416xf32, #tpu.memory_space<vmem_shared>>) target_semaphore(%run_scoped3A : memref<!tpu.dma_semaphore, #tpu.memory_space<semaphore_mem>>)
        %dma_wait3A = arith.constant 0 : i32
        %dma_wait3A_84 = tpu.memref_slice %arg6[%dma_wait3A] : memref<640xf32, #tpu.memory_space<vmem>> -> memref<416xf32, #tpu.memory_space<vmem>>
        %dma_wait3A_85 = arith.constant 9600 : i32
        %dma_wait3A_86 = tpu.memref_slice %arg7[%dma_wait3A_85] : memref<10016xf32, #tpu.memory_space<vmem_shared>> -> memref<416xf32, #tpu.memory_space<vmem_shared>>
        %dma_wait3A_87 = arith.constant 9600 : i32
        %dma_wait3A_88 = tpu.memref_slice %arg7[%dma_wait3A_87] : memref<10016xf32, #tpu.memory_space<vmem_shared>> -> memref<416xf32, #tpu.memory_space<vmem_shared>>
        %dma_wait3A_89 = arith.constant 0 : i32
        %dma_wait3A_90 = tpu.memref_slice %arg6[%dma_wait3A_89] : memref<640xf32, #tpu.memory_space<vmem>> -> memref<416xf32, #tpu.memory_space<vmem>>
        tpu.wait_dma2 semaphore(%run_scoped3A : memref<!tpu.dma_semaphore, #tpu.memory_space<semaphore_mem>>) src(%dma_wait3A_90 : memref<416xf32, #tpu.memory_space<vmem>>) dst(%dma_wait3A_88 : memref<416xf32, #tpu.memory_space<vmem_shared>>)
        tpu.yield
      }) : () -> ()
    } else {
    }
    %barrier3A = arith.constant 0 : index
    tpu.barrier barrier_id(%barrier3A)
    %mul3A_58 = arith.constant 80 : i32
    %mul3A_59 = arith.muli %add3A, %mul3A_58 : i32
    %scan3A_60 = arith.constant 0 : i32
    %scan3A_61 = arith.constant 0 : i32
    %scan3A_62 = arith.constant 20 : i32
    %scan3A_63 = arith.addi %scan3A_61, %scan3A_62 : i32
    %scan3A_64 = arith.constant 1 : i32
    scf.for %scan3A_77 = %scan3A_61 to %scan3A_63 step %scan3A_64  : i32 {
      %mul3A_78 = arith.constant 4 : i32
      %mul3A_79 = arith.muli %scan3A_77, %mul3A_78 : i32
      %add3A_80 = arith.addi %mul3A_59, %mul3A_79 : i32
      "tpu.region"() ({
        %run_scoped3A_84 = tpu.sem_alloc : memref<!tpu.dma_semaphore, #tpu.memory_space<semaphore_mem>>
        %dma_start3A = arith.constant 0 : i32
        %dma_start3A_85 = tpu.memref_slice %arg2[%add3A_80, %dma_start3A] : memref<2560x128xi32, #tpu.memory_space<hbm>> -> memref<4x128xi32, #tpu.memory_space<hbm>>
        %dma_start3A_86 = arith.constant 0 : i32
        %dma_start3A_87 = tpu.memref_slice %arg2[%add3A_80, %dma_start3A_86] : memref<2560x128xi32, #tpu.memory_space<hbm>> -> memref<4x128xi32, #tpu.memory_space<hbm>>
        tpu.enqueue_dma source(%dma_start3A_87 : memref<4x128xi32, #tpu.memory_space<hbm>>) target(%arg4 : memref<4x128xi32, #tpu.memory_space<vmem>>) target_semaphore(%run_scoped3A_84 : memref<!tpu.dma_semaphore, #tpu.memory_space<semaphore_mem>>)
        %dma_wait3A = arith.constant 0 : i32
        %dma_wait3A_88 = tpu.memref_slice %arg2[%add3A_80, %dma_wait3A] : memref<2560x128xi32, #tpu.memory_space<hbm>> -> memref<4x128xi32, #tpu.memory_space<hbm>>
        %dma_wait3A_89 = arith.constant 0 : i32
        %dma_wait3A_90 = tpu.memref_slice %arg2[%add3A_80, %dma_wait3A_89] : memref<2560x128xi32, #tpu.memory_space<hbm>> -> memref<4x128xi32, #tpu.memory_space<hbm>>
        tpu.wait_dma2 semaphore(%run_scoped3A_84 : memref<!tpu.dma_semaphore, #tpu.memory_space<semaphore_mem>>) src(%dma_wait3A_90 : memref<4x128xi32, #tpu.memory_space<hbm>>) dst(%arg4 : memref<4x128xi32, #tpu.memory_space<vmem>>)
        tpu.yield
      }) : () -> ()
      %run_scoped3A = arith.constant 0 : i32
      "tpu.region"() ({
        %run_scoped3A_84 = tpu.sem_alloc : memref<!tpu.dma_semaphore, #tpu.memory_space<semaphore_mem>>
        %dma_start3A = arith.constant 0 : i32
        %dma_start3A_85 = tpu.memref_slice %arg4[%run_scoped3A, %dma_start3A] : memref<4x128xi32, #tpu.memory_space<vmem>> -> memref<1x128xi32, #tpu.memory_space<vmem>>
        %dma_start3A_86 = tpu.memref_squeeze %dma_start3A_85 : memref<1x128xi32, #tpu.memory_space<vmem>> -> memref<128xi32, #tpu.memory_space<vmem>>
        %dma_start3A_87 = arith.constant 0 : i32
        %dma_start3A_88 = tpu.memref_slice %arg7[%dma_start3A_87] : memref<10016xf32, #tpu.memory_space<vmem_shared>> -> memref<10016xf32, #tpu.memory_space<vmem_shared>>
        tpu.enqueue_indirect_dma source(%arg5 : memref<128xf32, #tpu.memory_space<vmem>>) target(%dma_start3A_88 : memref<10016xf32, #tpu.memory_space<vmem_shared>>) offsets(%dma_start3A_86 : memref<128xi32, #tpu.memory_space<vmem>>) semaphore(%run_scoped3A_84 : memref<!tpu.dma_semaphore, #tpu.memory_space<semaphore_mem>>) {add = true}
        %dma_wait3A = arith.constant 0 : i32
        %dma_wait3A_89 = tpu.memref_slice %arg4[%run_scoped3A, %dma_wait3A] : memref<4x128xi32, #tpu.memory_space<vmem>> -> memref<1x128xi32, #tpu.memory_space<vmem>>
        %dma_wait3A_90 = tpu.memref_squeeze %dma_wait3A_89 : memref<1x128xi32, #tpu.memory_space<vmem>> -> memref<128xi32, #tpu.memory_space<vmem>>
        %dma_wait3A_91 = arith.constant 0 : i32
        %dma_wait3A_92 = tpu.memref_slice %arg7[%dma_wait3A_91] : memref<10016xf32, #tpu.memory_space<vmem_shared>> -> memref<10016xf32, #tpu.memory_space<vmem_shared>>
        tpu.wait_indirect_dma semaphore(%run_scoped3A_84 : memref<!tpu.dma_semaphore, #tpu.memory_space<semaphore_mem>>) src(%arg5 : memref<128xf32, #tpu.memory_space<vmem>>) dst(%dma_wait3A_92 : memref<10016xf32, #tpu.memory_space<vmem_shared>>)
        tpu.yield
      }) : () -> ()
      %run_scoped3A_81 = arith.constant 1 : i32
      "tpu.region"() ({
        %run_scoped3A_84 = tpu.sem_alloc : memref<!tpu.dma_semaphore, #tpu.memory_space<semaphore_mem>>
        %dma_start3A = arith.constant 0 : i32
        %dma_start3A_85 = tpu.memref_slice %arg4[%run_scoped3A_81, %dma_start3A] : memref<4x128xi32, #tpu.memory_space<vmem>> -> memref<1x128xi32, #tpu.memory_space<vmem>>
        %dma_start3A_86 = tpu.memref_squeeze %dma_start3A_85 : memref<1x128xi32, #tpu.memory_space<vmem>> -> memref<128xi32, #tpu.memory_space<vmem>>
        %dma_start3A_87 = arith.constant 0 : i32
        %dma_start3A_88 = tpu.memref_slice %arg7[%dma_start3A_87] : memref<10016xf32, #tpu.memory_space<vmem_shared>> -> memref<10016xf32, #tpu.memory_space<vmem_shared>>
        tpu.enqueue_indirect_dma source(%arg5 : memref<128xf32, #tpu.memory_space<vmem>>) target(%dma_start3A_88 : memref<10016xf32, #tpu.memory_space<vmem_shared>>) offsets(%dma_start3A_86 : memref<128xi32, #tpu.memory_space<vmem>>) semaphore(%run_scoped3A_84 : memref<!tpu.dma_semaphore, #tpu.memory_space<semaphore_mem>>) {add = true}
        %dma_wait3A = arith.constant 0 : i32
        %dma_wait3A_89 = tpu.memref_slice %arg4[%run_scoped3A_81, %dma_wait3A] : memref<4x128xi32, #tpu.memory_space<vmem>> -> memref<1x128xi32, #tpu.memory_space<vmem>>
        %dma_wait3A_90 = tpu.memref_squeeze %dma_wait3A_89 : memref<1x128xi32, #tpu.memory_space<vmem>> -> memref<128xi32, #tpu.memory_space<vmem>>
        %dma_wait3A_91 = arith.constant 0 : i32
        %dma_wait3A_92 = tpu.memref_slice %arg7[%dma_wait3A_91] : memref<10016xf32, #tpu.memory_space<vmem_shared>> -> memref<10016xf32, #tpu.memory_space<vmem_shared>>
        tpu.wait_indirect_dma semaphore(%run_scoped3A_84 : memref<!tpu.dma_semaphore, #tpu.memory_space<semaphore_mem>>) src(%arg5 : memref<128xf32, #tpu.memory_space<vmem>>) dst(%dma_wait3A_92 : memref<10016xf32, #tpu.memory_space<vmem_shared>>)
        tpu.yield
      }) : () -> ()
      %run_scoped3A_82 = arith.constant 2 : i32
      "tpu.region"() ({
        %run_scoped3A_84 = tpu.sem_alloc : memref<!tpu.dma_semaphore, #tpu.memory_space<semaphore_mem>>
        %dma_start3A = arith.constant 0 : i32
        %dma_start3A_85 = tpu.memref_slice %arg4[%run_scoped3A_82, %dma_start3A] : memref<4x128xi32, #tpu.memory_space<vmem>> -> memref<1x128xi32, #tpu.memory_space<vmem>>
        %dma_start3A_86 = tpu.memref_squeeze %dma_start3A_85 : memref<1x128xi32, #tpu.memory_space<vmem>> -> memref<128xi32, #tpu.memory_space<vmem>>
        %dma_start3A_87 = arith.constant 0 : i32
        %dma_start3A_88 = tpu.memref_slice %arg7[%dma_start3A_87] : memref<10016xf32, #tpu.memory_space<vmem_shared>> -> memref<10016xf32, #tpu.memory_space<vmem_shared>>
        tpu.enqueue_indirect_dma source(%arg5 : memref<128xf32, #tpu.memory_space<vmem>>) target(%dma_start3A_88 : memref<10016xf32, #tpu.memory_space<vmem_shared>>) offsets(%dma_start3A_86 : memref<128xi32, #tpu.memory_space<vmem>>) semaphore(%run_scoped3A_84 : memref<!tpu.dma_semaphore, #tpu.memory_space<semaphore_mem>>) {add = true}
        %dma_wait3A = arith.constant 0 : i32
        %dma_wait3A_89 = tpu.memref_slice %arg4[%run_scoped3A_82, %dma_wait3A] : memref<4x128xi32, #tpu.memory_space<vmem>> -> memref<1x128xi32, #tpu.memory_space<vmem>>
        %dma_wait3A_90 = tpu.memref_squeeze %dma_wait3A_89 : memref<1x128xi32, #tpu.memory_space<vmem>> -> memref<128xi32, #tpu.memory_space<vmem>>
        %dma_wait3A_91 = arith.constant 0 : i32
        %dma_wait3A_92 = tpu.memref_slice %arg7[%dma_wait3A_91] : memref<10016xf32, #tpu.memory_space<vmem_shared>> -> memref<10016xf32, #tpu.memory_space<vmem_shared>>
        tpu.wait_indirect_dma semaphore(%run_scoped3A_84 : memref<!tpu.dma_semaphore, #tpu.memory_space<semaphore_mem>>) src(%arg5 : memref<128xf32, #tpu.memory_space<vmem>>) dst(%dma_wait3A_92 : memref<10016xf32, #tpu.memory_space<vmem_shared>>)
        tpu.yield
      }) : () -> ()
      %run_scoped3A_83 = arith.constant 3 : i32
      "tpu.region"() ({
        %run_scoped3A_84 = tpu.sem_alloc : memref<!tpu.dma_semaphore, #tpu.memory_space<semaphore_mem>>
        %dma_start3A = arith.constant 0 : i32
        %dma_start3A_85 = tpu.memref_slice %arg4[%run_scoped3A_83, %dma_start3A] : memref<4x128xi32, #tpu.memory_space<vmem>> -> memref<1x128xi32, #tpu.memory_space<vmem>>
        %dma_start3A_86 = tpu.memref_squeeze %dma_start3A_85 : memref<1x128xi32, #tpu.memory_space<vmem>> -> memref<128xi32, #tpu.memory_space<vmem>>
        %dma_start3A_87 = arith.constant 0 : i32
        %dma_start3A_88 = tpu.memref_slice %arg7[%dma_start3A_87] : memref<10016xf32, #tpu.memory_space<vmem_shared>> -> memref<10016xf32, #tpu.memory_space<vmem_shared>>
        tpu.enqueue_indirect_dma source(%arg5 : memref<128xf32, #tpu.memory_space<vmem>>) target(%dma_start3A_88 : memref<10016xf32, #tpu.memory_space<vmem_shared>>) offsets(%dma_start3A_86 : memref<128xi32, #tpu.memory_space<vmem>>) semaphore(%run_scoped3A_84 : memref<!tpu.dma_semaphore, #tpu.memory_space<semaphore_mem>>) {add = true}
        %dma_wait3A = arith.constant 0 : i32
        %dma_wait3A_89 = tpu.memref_slice %arg4[%run_scoped3A_83, %dma_wait3A] : memref<4x128xi32, #tpu.memory_space<vmem>> -> memref<1x128xi32, #tpu.memory_space<vmem>>
        %dma_wait3A_90 = tpu.memref_squeeze %dma_wait3A_89 : memref<1x128xi32, #tpu.memory_space<vmem>> -> memref<128xi32, #tpu.memory_space<vmem>>
        %dma_wait3A_91 = arith.constant 0 : i32
        %dma_wait3A_92 = tpu.memref_slice %arg7[%dma_wait3A_91] : memref<10016xf32, #tpu.memory_space<vmem_shared>> -> memref<10016xf32, #tpu.memory_space<vmem_shared>>
        tpu.wait_indirect_dma semaphore(%run_scoped3A_84 : memref<!tpu.dma_semaphore, #tpu.memory_space<semaphore_mem>>) src(%arg5 : memref<128xf32, #tpu.memory_space<vmem>>) dst(%dma_wait3A_92 : memref<10016xf32, #tpu.memory_space<vmem_shared>>)
        tpu.yield
      }) : () -> ()
    }
    %scan3A_65 = arith.constant 20 : i32
    %barrier3A_66 = arith.constant 0 : index
    tpu.barrier barrier_id(%barrier3A_66)
    %lt3A_67 = arith.constant 15 : i32
    %lt3A_68 = arith.cmpi slt, %arg1, %lt3A_67 : i32
    %convert_element_type3A_69 = arith.extui %lt3A_68 : i1 to i32
    %cond3A_70 = arith.constant 0 : i32
    %cond3A_71 = arith.cmpi ne, %convert_element_type3A_69, %cond3A_70 : i32
    scf.if %cond3A_71 {
      %mul3A_77 = arith.constant 640 : i32
      %mul3A_78 = arith.muli %arg1, %mul3A_77 : i32
      "tpu.region"() ({
        %run_scoped3A = tpu.sem_alloc : memref<!tpu.dma_semaphore, #tpu.memory_space<semaphore_mem>>
        %dma_start3A = tpu.memref_slice %arg7[%mul3A_78] : memref<10016xf32, #tpu.memory_space<vmem_shared>> -> memref<640xf32, #tpu.memory_space<vmem_shared>>
        %dma_start3A_84 = tpu.memref_slice %arg7[%mul3A_78] : memref<10016xf32, #tpu.memory_space<vmem_shared>> -> memref<640xf32, #tpu.memory_space<vmem_shared>>
        tpu.enqueue_dma source(%dma_start3A_84 : memref<640xf32, #tpu.memory_space<vmem_shared>>) target(%arg6 : memref<640xf32, #tpu.memory_space<vmem>>) target_semaphore(%run_scoped3A : memref<!tpu.dma_semaphore, #tpu.memory_space<semaphore_mem>>)
        %dma_wait3A = tpu.memref_slice %arg7[%mul3A_78] : memref<10016xf32, #tpu.memory_space<vmem_shared>> -> memref<640xf32, #tpu.memory_space<vmem_shared>>
        %dma_wait3A_85 = tpu.memref_slice %arg7[%mul3A_78] : memref<10016xf32, #tpu.memory_space<vmem_shared>> -> memref<640xf32, #tpu.memory_space<vmem_shared>>
        tpu.wait_dma2 semaphore(%run_scoped3A : memref<!tpu.dma_semaphore, #tpu.memory_space<semaphore_mem>>) src(%dma_wait3A_85 : memref<640xf32, #tpu.memory_space<vmem_shared>>) dst(%arg6 : memref<640xf32, #tpu.memory_space<vmem>>)
        tpu.yield
      }) : () -> ()
      %mul3A_79 = arith.constant 10000 : i32
      %mul3A_80 = arith.muli %arg0, %mul3A_79 : i32
      %mul3A_81 = arith.constant 640 : i32
      %mul3A_82 = arith.muli %arg1, %mul3A_81 : i32
      %add3A_83 = arith.addi %mul3A_80, %mul3A_82 : i32
      "tpu.region"() ({
        %run_scoped3A = tpu.sem_alloc : memref<!tpu.dma_semaphore, #tpu.memory_space<semaphore_mem>>
        %dma_start3A = tpu.memref_slice %arg3[%add3A_83] : memref<20000xf32, #tpu.memory_space<hbm>> -> memref<640xf32, #tpu.memory_space<hbm>>
        %dma_start3A_84 = tpu.memref_slice %arg3[%add3A_83] : memref<20000xf32, #tpu.memory_space<hbm>> -> memref<640xf32, #tpu.memory_space<hbm>>
        tpu.enqueue_dma source(%arg6 : memref<640xf32, #tpu.memory_space<vmem>>) target(%dma_start3A_84 : memref<640xf32, #tpu.memory_space<hbm>>) target_semaphore(%run_scoped3A : memref<!tpu.dma_semaphore, #tpu.memory_space<semaphore_mem>>)
        %dma_wait3A = tpu.memref_slice %arg3[%add3A_83] : memref<20000xf32, #tpu.memory_space<hbm>> -> memref<640xf32, #tpu.memory_space<hbm>>
        %dma_wait3A_85 = tpu.memref_slice %arg3[%add3A_83] : memref<20000xf32, #tpu.memory_space<hbm>> -> memref<640xf32, #tpu.memory_space<hbm>>
        tpu.wait_dma2 semaphore(%run_scoped3A : memref<!tpu.dma_semaphore, #tpu.memory_space<semaphore_mem>>) src(%arg6 : memref<640xf32, #tpu.memory_space<vmem>>) dst(%dma_wait3A_85 : memref<640xf32, #tpu.memory_space<hbm>>)
        tpu.yield
      }) : () -> ()
    } else {
    }
    %eq3A_72 = arith.constant 15 : i32
    %eq3A_73 = arith.cmpi eq, %arg1, %eq3A_72 : i32
    %convert_element_type3A_74 = arith.extui %eq3A_73 : i1 to i32
    %cond3A_75 = arith.constant 0 : i32
    %cond3A_76 = arith.cmpi ne, %convert_element_type3A_74, %cond3A_75 : i32
    scf.if %cond3A_76 {
      "tpu.region"() ({
        %run_scoped3A = tpu.sem_alloc : memref<!tpu.dma_semaphore, #tpu.memory_space<semaphore_mem>>
        %dma_start3A = arith.constant 0 : i32
        %dma_start3A_81 = tpu.memref_slice %arg6[%dma_start3A] : memref<640xf32, #tpu.memory_space<vmem>> -> memref<400xf32, #tpu.memory_space<vmem>>
        %dma_start3A_82 = arith.constant 9600 : i32
        %dma_start3A_83 = tpu.memref_slice %arg7[%dma_start3A_82] : memref<10016xf32, #tpu.memory_space<vmem_shared>> -> memref<400xf32, #tpu.memory_space<vmem_shared>>
        %dma_start3A_84 = arith.constant 0 : i32
        %dma_start3A_85 = tpu.memref_slice %arg6[%dma_start3A_84] : memref<640xf32, #tpu.memory_space<vmem>> -> memref<400xf32, #tpu.memory_space<vmem>>
        %dma_start3A_86 = arith.constant 9600 : i32
        %dma_start3A_87 = tpu.memref_slice %arg7[%dma_start3A_86] : memref<10016xf32, #tpu.memory_space<vmem_shared>> -> memref<400xf32, #tpu.memory_space<vmem_shared>>
        tpu.enqueue_dma source(%dma_start3A_87 : memref<400xf32, #tpu.memory_space<vmem_shared>>) target(%dma_start3A_85 : memref<400xf32, #tpu.memory_space<vmem>>) target_semaphore(%run_scoped3A : memref<!tpu.dma_semaphore, #tpu.memory_space<semaphore_mem>>)
        %dma_wait3A = arith.constant 0 : i32
        %dma_wait3A_88 = tpu.memref_slice %arg6[%dma_wait3A] : memref<640xf32, #tpu.memory_space<vmem>> -> memref<400xf32, #tpu.memory_space<vmem>>
        %dma_wait3A_89 = arith.constant 9600 : i32
        %dma_wait3A_90 = tpu.memref_slice %arg7[%dma_wait3A_89] : memref<10016xf32, #tpu.memory_space<vmem_shared>> -> memref<400xf32, #tpu.memory_space<vmem_shared>>
        %dma_wait3A_91 = arith.constant 0 : i32
        %dma_wait3A_92 = tpu.memref_slice %arg6[%dma_wait3A_91] : memref<640xf32, #tpu.memory_space<vmem>> -> memref<400xf32, #tpu.memory_space<vmem>>
        %dma_wait3A_93 = arith.constant 9600 : i32
        %dma_wait3A_94 = tpu.memref_slice %arg7[%dma_wait3A_93] : memref<10016xf32, #tpu.memory_space<vmem_shared>> -> memref<400xf32, #tpu.memory_space<vmem_shared>>
        tpu.wait_dma2 semaphore(%run_scoped3A : memref<!tpu.dma_semaphore, #tpu.memory_space<semaphore_mem>>) src(%dma_wait3A_94 : memref<400xf32, #tpu.memory_space<vmem_shared>>) dst(%dma_wait3A_92 : memref<400xf32, #tpu.memory_space<vmem>>)
        tpu.yield
      }) : () -> ()
      %mul3A_77 = arith.constant 10000 : i32
      %mul3A_78 = arith.muli %arg0, %mul3A_77 : i32
      %add3A_79 = arith.constant 9600 : i32
      %add3A_80 = arith.addi %mul3A_78, %add3A_79 : i32
      "tpu.region"() ({
        %run_scoped3A = tpu.sem_alloc : memref<!tpu.dma_semaphore, #tpu.memory_space<semaphore_mem>>
        %dma_start3A = arith.constant 0 : i32
        %dma_start3A_81 = tpu.memref_slice %arg6[%dma_start3A] : memref<640xf32, #tpu.memory_space<vmem>> -> memref<400xf32, #tpu.memory_space<vmem>>
        %dma_start3A_82 = tpu.memref_slice %arg3[%add3A_80] : memref<20000xf32, #tpu.memory_space<hbm>> -> memref<400xf32, #tpu.memory_space<hbm>>
        %dma_start3A_83 = tpu.memref_slice %arg3[%add3A_80] : memref<20000xf32, #tpu.memory_space<hbm>> -> memref<400xf32, #tpu.memory_space<hbm>>
        %dma_start3A_84 = arith.constant 0 : i32
        %dma_start3A_85 = tpu.memref_slice %arg6[%dma_start3A_84] : memref<640xf32, #tpu.memory_space<vmem>> -> memref<400xf32, #tpu.memory_space<vmem>>
        tpu.enqueue_dma source(%dma_start3A_85 : memref<400xf32, #tpu.memory_space<vmem>>) target(%dma_start3A_83 : memref<400xf32, #tpu.memory_space<hbm>>) target_semaphore(%run_scoped3A : memref<!tpu.dma_semaphore, #tpu.memory_space<semaphore_mem>>)
        %dma_wait3A = arith.constant 0 : i32
        %dma_wait3A_86 = tpu.memref_slice %arg6[%dma_wait3A] : memref<640xf32, #tpu.memory_space<vmem>> -> memref<400xf32, #tpu.memory_space<vmem>>
        %dma_wait3A_87 = tpu.memref_slice %arg3[%add3A_80] : memref<20000xf32, #tpu.memory_space<hbm>> -> memref<400xf32, #tpu.memory_space<hbm>>
        %dma_wait3A_88 = tpu.memref_slice %arg3[%add3A_80] : memref<20000xf32, #tpu.memory_space<hbm>> -> memref<400xf32, #tpu.memory_space<hbm>>
        %dma_wait3A_89 = arith.constant 0 : i32
        %dma_wait3A_90 = tpu.memref_slice %arg6[%dma_wait3A_89] : memref<640xf32, #tpu.memory_space<vmem>> -> memref<400xf32, #tpu.memory_space<vmem>>
        tpu.wait_dma2 semaphore(%run_scoped3A : memref<!tpu.dma_semaphore, #tpu.memory_space<semaphore_mem>>) src(%dma_wait3A_90 : memref<400xf32, #tpu.memory_space<vmem>>) dst(%dma_wait3A_88 : memref<400xf32, #tpu.memory_space<hbm>>)
        tpu.yield
      }) : () -> ()
    } else {
    }
    return
  }
}

#map = affine_map<(d0, d1) -> (0, 0)>
#map1 = affine_map<(d0, d1) -> (0)>
module attributes {stable_mosaic.version = 14 : i64} {
  func.func @scat_kernel(%arg0: i32, %arg1: i32, %arg2: memref<10000x64xf32, #tpu.memory_space<hbm>>, %arg3: memref<10000x64xf32, #tpu.memory_space<hbm>>, %arg4: memref<327680xi32, #tpu.memory_space<hbm>>, %arg5: memref<2560x128xi32, #tpu.memory_space<hbm>>, %arg6: memref<10000x64xf32, #tpu.memory_space<hbm>>, %arg7: memref<10000x64xf32, #tpu.memory_space<hbm>>, %arg8: memref<512xi32, #tpu.memory_space<vmem>>, %arg9: memref<4x128xi32, #tpu.memory_space<vmem>>, %arg10: memref<512x64xf32, #tpu.memory_space<vmem>>, %arg11: memref<632x64xf32, #tpu.memory_space<vmem>>, %arg12: memref<10016x64xf32, #tpu.memory_space<vmem_shared>>, %arg13: memref<!tpu.dma_semaphore, #tpu.memory_space<semaphore_mem>>) attributes {dimension_semantics = [#tpu.dimension_semantics<core_parallel>, #tpu.dimension_semantics<subcore_parallel>], iteration_bounds = array<i64: 2, 16>, scalar_prefetch = 0 : i64, scratch_operands = 6 : i64, tpu.core_type = #tpu.core_type<sc_vector_subcore>, window_params = [{transform_indices = #map}, {transform_indices = #map}, {transform_indices = #map1}, {transform_indices = #map}, {transform_indices = #map}, {transform_indices = #map}]} {
    %eq3A = arith.constant 0 : i32
    %eq3A_0 = arith.cmpi eq, %arg0, %eq3A : i32
    %convert_element_type3A = arith.extui %eq3A_0 : i1 to i32
    %cond3A = arith.constant 0 : i32
    %cond3A_1 = arith.cmpi ne, %convert_element_type3A, %cond3A : i32
    scf.if %cond3A_1 {
      %lt3A = arith.constant 15 : i32
      %lt3A_7 = arith.cmpi slt, %arg1, %lt3A : i32
      %convert_element_type3A_8 = arith.extui %lt3A_7 : i1 to i32
      %cond3A_9 = arith.constant 0 : i32
      %cond3A_10 = arith.cmpi ne, %convert_element_type3A_8, %cond3A_9 : i32
      scf.if %cond3A_10 {
        %mul3A_33 = arith.constant 632 : i32
        %mul3A_34 = arith.muli %arg1, %mul3A_33 : i32
        "tpu.region"() ({
          %run_scoped3A = tpu.sem_alloc : memref<!tpu.dma_semaphore, #tpu.memory_space<semaphore_mem>>
          %dma_start3A = arith.constant 0 : i32
          %dma_start3A_35 = tpu.memref_slice %arg2[%mul3A_34, %dma_start3A] : memref<10000x64xf32, #tpu.memory_space<hbm>> -> memref<632x64xf32, #tpu.memory_space<hbm>>
          %dma_start3A_36 = arith.constant 0 : i32
          %dma_start3A_37 = tpu.memref_slice %arg2[%mul3A_34, %dma_start3A_36] : memref<10000x64xf32, #tpu.memory_space<hbm>> -> memref<632x64xf32, #tpu.memory_space<hbm>>
          tpu.enqueue_dma source(%dma_start3A_37 : memref<632x64xf32, #tpu.memory_space<hbm>>) target(%arg11 : memref<632x64xf32, #tpu.memory_space<vmem>>) target_semaphore(%run_scoped3A : memref<!tpu.dma_semaphore, #tpu.memory_space<semaphore_mem>>)
          %dma_wait3A = arith.constant 0 : i32
          %dma_wait3A_38 = tpu.memref_slice %arg2[%mul3A_34, %dma_wait3A] : memref<10000x64xf32, #tpu.memory_space<hbm>> -> memref<632x64xf32, #tpu.memory_space<hbm>>
          %dma_wait3A_39 = arith.constant 0 : i32
          %dma_wait3A_40 = tpu.memref_slice %arg2[%mul3A_34, %dma_wait3A_39] : memref<10000x64xf32, #tpu.memory_space<hbm>> -> memref<632x64xf32, #tpu.memory_space<hbm>>
          tpu.wait_dma2 semaphore(%run_scoped3A : memref<!tpu.dma_semaphore, #tpu.memory_space<semaphore_mem>>) src(%dma_wait3A_40 : memref<632x64xf32, #tpu.memory_space<hbm>>) dst(%arg11 : memref<632x64xf32, #tpu.memory_space<vmem>>)
          tpu.yield
        }) : () -> ()
        "tpu.region"() ({
          %run_scoped3A = tpu.sem_alloc : memref<!tpu.dma_semaphore, #tpu.memory_space<semaphore_mem>>
          %dma_start3A = arith.constant 0 : i32
          %dma_start3A_35 = tpu.memref_slice %arg12[%mul3A_34, %dma_start3A] : memref<10016x64xf32, #tpu.memory_space<vmem_shared>> -> memref<632x64xf32, #tpu.memory_space<vmem_shared>>
          %dma_start3A_36 = arith.constant 0 : i32
          %dma_start3A_37 = tpu.memref_slice %arg12[%mul3A_34, %dma_start3A_36] : memref<10016x64xf32, #tpu.memory_space<vmem_shared>> -> memref<632x64xf32, #tpu.memory_space<vmem_shared>>
          tpu.enqueue_dma source(%arg11 : memref<632x64xf32, #tpu.memory_space<vmem>>) target(%dma_start3A_37 : memref<632x64xf32, #tpu.memory_space<vmem_shared>>) target_semaphore(%run_scoped3A : memref<!tpu.dma_semaphore, #tpu.memory_space<semaphore_mem>>)
          %dma_wait3A = arith.constant 0 : i32
          %dma_wait3A_38 = tpu.memref_slice %arg12[%mul3A_34, %dma_wait3A] : memref<10016x64xf32, #tpu.memory_space<vmem_shared>> -> memref<632x64xf32, #tpu.memory_space<vmem_shared>>
          %dma_wait3A_39 = arith.constant 0 : i32
          %dma_wait3A_40 = tpu.memref_slice %arg12[%mul3A_34, %dma_wait3A_39] : memref<10016x64xf32, #tpu.memory_space<vmem_shared>> -> memref<632x64xf32, #tpu.memory_space<vmem_shared>>
          tpu.wait_dma2 semaphore(%run_scoped3A : memref<!tpu.dma_semaphore, #tpu.memory_space<semaphore_mem>>) src(%arg11 : memref<632x64xf32, #tpu.memory_space<vmem>>) dst(%dma_wait3A_40 : memref<632x64xf32, #tpu.memory_space<vmem_shared>>)
          tpu.yield
        }) : () -> ()
      } else {
      }
      %eq3A_11 = arith.constant 15 : i32
      %eq3A_12 = arith.cmpi eq, %arg1, %eq3A_11 : i32
      %convert_element_type3A_13 = arith.extui %eq3A_12 : i1 to i32
      %cond3A_14 = arith.constant 0 : i32
      %cond3A_15 = arith.cmpi ne, %convert_element_type3A_13, %cond3A_14 : i32
      scf.if %cond3A_15 {
        "tpu.region"() ({
          %run_scoped3A = tpu.sem_alloc : memref<!tpu.dma_semaphore, #tpu.memory_space<semaphore_mem>>
          %dma_start3A = arith.constant 0 : i32
          %dma_start3A_33 = arith.constant 0 : i32
          %dma_start3A_34 = tpu.memref_slice %arg11[%dma_start3A, %dma_start3A_33] : memref<632x64xf32, #tpu.memory_space<vmem>> -> memref<520x64xf32, #tpu.memory_space<vmem>>
          %dma_start3A_35 = arith.constant 9480 : i32
          %dma_start3A_36 = arith.constant 0 : i32
          %dma_start3A_37 = tpu.memref_slice %arg2[%dma_start3A_35, %dma_start3A_36] : memref<10000x64xf32, #tpu.memory_space<hbm>> -> memref<520x64xf32, #tpu.memory_space<hbm>>
          %dma_start3A_38 = arith.constant 0 : i32
          %dma_start3A_39 = arith.constant 0 : i32
          %dma_start3A_40 = tpu.memref_slice %arg11[%dma_start3A_38, %dma_start3A_39] : memref<632x64xf32, #tpu.memory_space<vmem>> -> memref<520x64xf32, #tpu.memory_space<vmem>>
          %dma_start3A_41 = arith.constant 9480 : i32
          %dma_start3A_42 = arith.constant 0 : i32
          %dma_start3A_43 = tpu.memref_slice %arg2[%dma_start3A_41, %dma_start3A_42] : memref<10000x64xf32, #tpu.memory_space<hbm>> -> memref<520x64xf32, #tpu.memory_space<hbm>>
          tpu.enqueue_dma source(%dma_start3A_43 : memref<520x64xf32, #tpu.memory_space<hbm>>) target(%dma_start3A_40 : memref<520x64xf32, #tpu.memory_space<vmem>>) target_semaphore(%run_scoped3A : memref<!tpu.dma_semaphore, #tpu.memory_space<semaphore_mem>>)
          %dma_wait3A = arith.constant 0 : i32
          %dma_wait3A_44 = arith.constant 0 : i32
          %dma_wait3A_45 = tpu.memref_slice %arg11[%dma_wait3A, %dma_wait3A_44] : memref<632x64xf32, #tpu.memory_space<vmem>> -> memref<520x64xf32, #tpu.memory_space<vmem>>
          %dma_wait3A_46 = arith.constant 9480 : i32
          %dma_wait3A_47 = arith.constant 0 : i32
          %dma_wait3A_48 = tpu.memref_slice %arg2[%dma_wait3A_46, %dma_wait3A_47] : memref<10000x64xf32, #tpu.memory_space<hbm>> -> memref<520x64xf32, #tpu.memory_space<hbm>>
          %dma_wait3A_49 = arith.constant 0 : i32
          %dma_wait3A_50 = arith.constant 0 : i32
          %dma_wait3A_51 = tpu.memref_slice %arg11[%dma_wait3A_49, %dma_wait3A_50] : memref<632x64xf32, #tpu.memory_space<vmem>> -> memref<520x64xf32, #tpu.memory_space<vmem>>
          %dma_wait3A_52 = arith.constant 9480 : i32
          %dma_wait3A_53 = arith.constant 0 : i32
          %dma_wait3A_54 = tpu.memref_slice %arg2[%dma_wait3A_52, %dma_wait3A_53] : memref<10000x64xf32, #tpu.memory_space<hbm>> -> memref<520x64xf32, #tpu.memory_space<hbm>>
          tpu.wait_dma2 semaphore(%run_scoped3A : memref<!tpu.dma_semaphore, #tpu.memory_space<semaphore_mem>>) src(%dma_wait3A_54 : memref<520x64xf32, #tpu.memory_space<hbm>>) dst(%dma_wait3A_51 : memref<520x64xf32, #tpu.memory_space<vmem>>)
          tpu.yield
        }) : () -> ()
        "tpu.region"() ({
          %run_scoped3A = tpu.sem_alloc : memref<!tpu.dma_semaphore, #tpu.memory_space<semaphore_mem>>
          %dma_start3A = arith.constant 0 : i32
          %dma_start3A_33 = arith.constant 0 : i32
          %dma_start3A_34 = tpu.memref_slice %arg11[%dma_start3A, %dma_start3A_33] : memref<632x64xf32, #tpu.memory_space<vmem>> -> memref<520x64xf32, #tpu.memory_space<vmem>>
          %dma_start3A_35 = arith.constant 9480 : i32
          %dma_start3A_36 = arith.constant 0 : i32
          %dma_start3A_37 = tpu.memref_slice %arg12[%dma_start3A_35, %dma_start3A_36] : memref<10016x64xf32, #tpu.memory_space<vmem_shared>> -> memref<520x64xf32, #tpu.memory_space<vmem_shared>>
          %dma_start3A_38 = arith.constant 9480 : i32
          %dma_start3A_39 = arith.constant 0 : i32
          %dma_start3A_40 = tpu.memref_slice %arg12[%dma_start3A_38, %dma_start3A_39] : memref<10016x64xf32, #tpu.memory_space<vmem_shared>> -> memref<520x64xf32, #tpu.memory_space<vmem_shared>>
          %dma_start3A_41 = arith.constant 0 : i32
          %dma_start3A_42 = arith.constant 0 : i32
          %dma_start3A_43 = tpu.memref_slice %arg11[%dma_start3A_41, %dma_start3A_42] : memref<632x64xf32, #tpu.memory_space<vmem>> -> memref<520x64xf32, #tpu.memory_space<vmem>>
          tpu.enqueue_dma source(%dma_start3A_43 : memref<520x64xf32, #tpu.memory_space<vmem>>) target(%dma_start3A_40 : memref<520x64xf32, #tpu.memory_space<vmem_shared>>) target_semaphore(%run_scoped3A : memref<!tpu.dma_semaphore, #tpu.memory_space<semaphore_mem>>)
          %dma_wait3A = arith.constant 0 : i32
          %dma_wait3A_44 = arith.constant 0 : i32
          %dma_wait3A_45 = tpu.memref_slice %arg11[%dma_wait3A, %dma_wait3A_44] : memref<632x64xf32, #tpu.memory_space<vmem>> -> memref<520x64xf32, #tpu.memory_space<vmem>>
          %dma_wait3A_46 = arith.constant 9480 : i32
          %dma_wait3A_47 = arith.constant 0 : i32
          %dma_wait3A_48 = tpu.memref_slice %arg12[%dma_wait3A_46, %dma_wait3A_47] : memref<10016x64xf32, #tpu.memory_space<vmem_shared>> -> memref<520x64xf32, #tpu.memory_space<vmem_shared>>
          %dma_wait3A_49 = arith.constant 9480 : i32
          %dma_wait3A_50 = arith.constant 0 : i32
          %dma_wait3A_51 = tpu.memref_slice %arg12[%dma_wait3A_49, %dma_wait3A_50] : memref<10016x64xf32, #tpu.memory_space<vmem_shared>> -> memref<520x64xf32, #tpu.memory_space<vmem_shared>>
          %dma_wait3A_52 = arith.constant 0 : i32
          %dma_wait3A_53 = arith.constant 0 : i32
          %dma_wait3A_54 = tpu.memref_slice %arg11[%dma_wait3A_52, %dma_wait3A_53] : memref<632x64xf32, #tpu.memory_space<vmem>> -> memref<520x64xf32, #tpu.memory_space<vmem>>
          tpu.wait_dma2 semaphore(%run_scoped3A : memref<!tpu.dma_semaphore, #tpu.memory_space<semaphore_mem>>) src(%dma_wait3A_54 : memref<520x64xf32, #tpu.memory_space<vmem>>) dst(%dma_wait3A_51 : memref<520x64xf32, #tpu.memory_space<vmem_shared>>)
          tpu.yield
        }) : () -> ()
      } else {
      }
      %barrier3A = arith.constant 0 : index
      tpu.barrier barrier_id(%barrier3A)
      %mul3A = arith.constant 160 : i32
      %mul3A_16 = arith.muli %arg1, %mul3A : i32
      %scan3A = arith.constant 0 : i32
      %scan3A_17 = arith.constant 0 : i32
      %scan3A_18 = arith.constant 40 : i32
      %scan3A_19 = arith.addi %scan3A_17, %scan3A_18 : i32
      %scan3A_20 = arith.constant 1 : i32
      scf.for %scan3A_33 = %scan3A_17 to %scan3A_19 step %scan3A_20  : i32 {
        %mul3A_34 = arith.constant 4 : i32
        %mul3A_35 = arith.muli %scan3A_33, %mul3A_34 : i32
        %add3A = arith.addi %mul3A_16, %mul3A_35 : i32
        %mul3A_36 = arith.constant 128 : i32
        %mul3A_37 = arith.muli %add3A, %mul3A_36 : i32
        "tpu.region"() ({
          %run_scoped3A_103 = tpu.sem_alloc : memref<!tpu.dma_semaphore, #tpu.memory_space<semaphore_mem>>
          %dma_start3A_104 = tpu.memref_slice %arg4[%mul3A_37] : memref<327680xi32, #tpu.memory_space<hbm>> -> memref<512xi32, #tpu.memory_space<hbm>>
          %dma_start3A_105 = tpu.memref_slice %arg4[%mul3A_37] : memref<327680xi32, #tpu.memory_space<hbm>> -> memref<512xi32, #tpu.memory_space<hbm>>
          tpu.enqueue_dma source(%dma_start3A_105 : memref<512xi32, #tpu.memory_space<hbm>>) target(%arg8 : memref<512xi32, #tpu.memory_space<vmem>>) target_semaphore(%run_scoped3A_103 : memref<!tpu.dma_semaphore, #tpu.memory_space<semaphore_mem>>)
          %dma_wait3A_106 = tpu.memref_slice %arg4[%mul3A_37] : memref<327680xi32, #tpu.memory_space<hbm>> -> memref<512xi32, #tpu.memory_space<hbm>>
          %dma_wait3A_107 = tpu.memref_slice %arg4[%mul3A_37] : memref<327680xi32, #tpu.memory_space<hbm>> -> memref<512xi32, #tpu.memory_space<hbm>>
          tpu.wait_dma2 semaphore(%run_scoped3A_103 : memref<!tpu.dma_semaphore, #tpu.memory_space<semaphore_mem>>) src(%dma_wait3A_107 : memref<512xi32, #tpu.memory_space<hbm>>) dst(%arg8 : memref<512xi32, #tpu.memory_space<vmem>>)
          tpu.yield
        }) : () -> ()
        "tpu.region"() ({
          %run_scoped3A_103 = tpu.sem_alloc : memref<!tpu.dma_semaphore, #tpu.memory_space<semaphore_mem>>
          %dma_start3A_104 = arith.constant 0 : i32
          %dma_start3A_105 = tpu.memref_slice %arg5[%add3A, %dma_start3A_104] : memref<2560x128xi32, #tpu.memory_space<hbm>> -> memref<4x128xi32, #tpu.memory_space<hbm>>
          %dma_start3A_106 = arith.constant 0 : i32
          %dma_start3A_107 = tpu.memref_slice %arg5[%add3A, %dma_start3A_106] : memref<2560x128xi32, #tpu.memory_space<hbm>> -> memref<4x128xi32, #tpu.memory_space<hbm>>
          tpu.enqueue_dma source(%dma_start3A_107 : memref<4x128xi32, #tpu.memory_space<hbm>>) target(%arg9 : memref<4x128xi32, #tpu.memory_space<vmem>>) target_semaphore(%run_scoped3A_103 : memref<!tpu.dma_semaphore, #tpu.memory_space<semaphore_mem>>)
          %dma_wait3A_108 = arith.constant 0 : i32
          %dma_wait3A_109 = tpu.memref_slice %arg5[%add3A, %dma_wait3A_108] : memref<2560x128xi32, #tpu.memory_space<hbm>> -> memref<4x128xi32, #tpu.memory_space<hbm>>
          %dma_wait3A_110 = arith.constant 0 : i32
          %dma_wait3A_111 = tpu.memref_slice %arg5[%add3A, %dma_wait3A_110] : memref<2560x128xi32, #tpu.memory_space<hbm>> -> memref<4x128xi32, #tpu.memory_space<hbm>>
          tpu.wait_dma2 semaphore(%run_scoped3A_103 : memref<!tpu.dma_semaphore, #tpu.memory_space<semaphore_mem>>) src(%dma_wait3A_111 : memref<4x128xi32, #tpu.memory_space<hbm>>) dst(%arg9 : memref<4x128xi32, #tpu.memory_space<vmem>>)
          tpu.yield
        }) : () -> ()
        %dma_start3A = arith.constant 0 : i32
        %dma_start3A_38 = arith.constant 0 : i32
        %dma_start3A_39 = tpu.memref_slice %arg10[%dma_start3A, %dma_start3A_38] : memref<512x64xf32, #tpu.memory_space<vmem>> -> memref<128x64xf32, #tpu.memory_space<vmem>>
        %dma_start3A_40 = arith.constant 0 : i32
        %dma_start3A_41 = tpu.memref_slice %arg8[%dma_start3A_40] : memref<512xi32, #tpu.memory_space<vmem>> -> memref<128xi32, #tpu.memory_space<vmem>>
        %dma_start3A_42 = arith.constant 0 : i32
        %dma_start3A_43 = arith.constant 0 : i32
        %dma_start3A_44 = tpu.memref_slice %arg2[%dma_start3A_42, %dma_start3A_43] : memref<10000x64xf32, #tpu.memory_space<hbm>> -> memref<10000x64xf32, #tpu.memory_space<hbm>>
        tpu.enqueue_indirect_dma source(%dma_start3A_44 : memref<10000x64xf32, #tpu.memory_space<hbm>>) target(%dma_start3A_39 : memref<128x64xf32, #tpu.memory_space<vmem>>) offsets(%dma_start3A_41 : memref<128xi32, #tpu.memory_space<vmem>>) semaphore(%arg13 : memref<!tpu.dma_semaphore, #tpu.memory_space<semaphore_mem>>)
        %dma_start3A_45 = arith.constant 128 : i32
        %dma_start3A_46 = arith.constant 0 : i32
        %dma_start3A_47 = tpu.memref_slice %arg10[%dma_start3A_45, %dma_start3A_46] : memref<512x64xf32, #tpu.memory_space<vmem>> -> memref<128x64xf32, #tpu.memory_space<vmem>>
        %dma_start3A_48 = arith.constant 128 : i32
        %dma_start3A_49 = tpu.memref_slice %arg8[%dma_start3A_48] : memref<512xi32, #tpu.memory_space<vmem>> -> memref<128xi32, #tpu.memory_space<vmem>>
        %dma_start3A_50 = arith.constant 0 : i32
        %dma_start3A_51 = arith.constant 0 : i32
        %dma_start3A_52 = tpu.memref_slice %arg2[%dma_start3A_50, %dma_start3A_51] : memref<10000x64xf32, #tpu.memory_space<hbm>> -> memref<10000x64xf32, #tpu.memory_space<hbm>>
        tpu.enqueue_indirect_dma source(%dma_start3A_52 : memref<10000x64xf32, #tpu.memory_space<hbm>>) target(%dma_start3A_47 : memref<128x64xf32, #tpu.memory_space<vmem>>) offsets(%dma_start3A_49 : memref<128xi32, #tpu.memory_space<vmem>>) semaphore(%arg13 : memref<!tpu.dma_semaphore, #tpu.memory_space<semaphore_mem>>)
        %dma_start3A_53 = arith.constant 256 : i32
        %dma_start3A_54 = arith.constant 0 : i32
        %dma_start3A_55 = tpu.memref_slice %arg10[%dma_start3A_53, %dma_start3A_54] : memref<512x64xf32, #tpu.memory_space<vmem>> -> memref<128x64xf32, #tpu.memory_space<vmem>>
        %dma_start3A_56 = arith.constant 256 : i32
        %dma_start3A_57 = tpu.memref_slice %arg8[%dma_start3A_56] : memref<512xi32, #tpu.memory_space<vmem>> -> memref<128xi32, #tpu.memory_space<vmem>>
        %dma_start3A_58 = arith.constant 0 : i32
        %dma_start3A_59 = arith.constant 0 : i32
        %dma_start3A_60 = tpu.memref_slice %arg2[%dma_start3A_58, %dma_start3A_59] : memref<10000x64xf32, #tpu.memory_space<hbm>> -> memref<10000x64xf32, #tpu.memory_space<hbm>>
        tpu.enqueue_indirect_dma source(%dma_start3A_60 : memref<10000x64xf32, #tpu.memory_space<hbm>>) target(%dma_start3A_55 : memref<128x64xf32, #tpu.memory_space<vmem>>) offsets(%dma_start3A_57 : memref<128xi32, #tpu.memory_space<vmem>>) semaphore(%arg13 : memref<!tpu.dma_semaphore, #tpu.memory_space<semaphore_mem>>)
        %dma_start3A_61 = arith.constant 384 : i32
        %dma_start3A_62 = arith.constant 0 : i32
        %dma_start3A_63 = tpu.memref_slice %arg10[%dma_start3A_61, %dma_start3A_62] : memref<512x64xf32, #tpu.memory_space<vmem>> -> memref<128x64xf32, #tpu.memory_space<vmem>>
        %dma_start3A_64 = arith.constant 384 : i32
        %dma_start3A_65 = tpu.memref_slice %arg8[%dma_start3A_64] : memref<512xi32, #tpu.memory_space<vmem>> -> memref<128xi32, #tpu.memory_space<vmem>>
        %dma_start3A_66 = arith.constant 0 : i32
        %dma_start3A_67 = arith.constant 0 : i32
        %dma_start3A_68 = tpu.memref_slice %arg2[%dma_start3A_66, %dma_start3A_67] : memref<10000x64xf32, #tpu.memory_space<hbm>> -> memref<10000x64xf32, #tpu.memory_space<hbm>>
        tpu.enqueue_indirect_dma source(%dma_start3A_68 : memref<10000x64xf32, #tpu.memory_space<hbm>>) target(%dma_start3A_63 : memref<128x64xf32, #tpu.memory_space<vmem>>) offsets(%dma_start3A_65 : memref<128xi32, #tpu.memory_space<vmem>>) semaphore(%arg13 : memref<!tpu.dma_semaphore, #tpu.memory_space<semaphore_mem>>)
        %dma_wait3A = arith.constant 0 : i32
        %dma_wait3A_69 = arith.constant 0 : i32
        %dma_wait3A_70 = tpu.memref_slice %arg10[%dma_wait3A, %dma_wait3A_69] : memref<512x64xf32, #tpu.memory_space<vmem>> -> memref<128x64xf32, #tpu.memory_space<vmem>>
        %dma_wait3A_71 = arith.constant 0 : i32
        %dma_wait3A_72 = tpu.memref_slice %arg8[%dma_wait3A_71] : memref<512xi32, #tpu.memory_space<vmem>> -> memref<128xi32, #tpu.memory_space<vmem>>
        %dma_wait3A_73 = arith.constant 0 : i32
        %dma_wait3A_74 = arith.constant 0 : i32
        %dma_wait3A_75 = tpu.memref_slice %arg2[%dma_wait3A_73, %dma_wait3A_74] : memref<10000x64xf32, #tpu.memory_space<hbm>> -> memref<10000x64xf32, #tpu.memory_space<hbm>>
        tpu.wait_indirect_dma semaphore(%arg13 : memref<!tpu.dma_semaphore, #tpu.memory_space<semaphore_mem>>) src(%dma_wait3A_75 : memref<10000x64xf32, #tpu.memory_space<hbm>>) dst(%dma_wait3A_70 : memref<128x64xf32, #tpu.memory_space<vmem>>)
        %dma_wait3A_76 = arith.constant 128 : i32
        %dma_wait3A_77 = arith.constant 0 : i32
        %dma_wait3A_78 = tpu.memref_slice %arg10[%dma_wait3A_76, %dma_wait3A_77] : memref<512x64xf32, #tpu.memory_space<vmem>> -> memref<128x64xf32, #tpu.memory_space<vmem>>
        %dma_wait3A_79 = arith.constant 128 : i32
        %dma_wait3A_80 = tpu.memref_slice %arg8[%dma_wait3A_79] : memref<512xi32, #tpu.memory_space<vmem>> -> memref<128xi32, #tpu.memory_space<vmem>>
        %dma_wait3A_81 = arith.constant 0 : i32
        %dma_wait3A_82 = arith.constant 0 : i32
        %dma_wait3A_83 = tpu.memref_slice %arg2[%dma_wait3A_81, %dma_wait3A_82] : memref<10000x64xf32, #tpu.memory_space<hbm>> -> memref<10000x64xf32, #tpu.memory_space<hbm>>
        tpu.wait_indirect_dma semaphore(%arg13 : memref<!tpu.dma_semaphore, #tpu.memory_space<semaphore_mem>>) src(%dma_wait3A_83 : memref<10000x64xf32, #tpu.memory_space<hbm>>) dst(%dma_wait3A_78 : memref<128x64xf32, #tpu.memory_space<vmem>>)
        %dma_wait3A_84 = arith.constant 256 : i32
        %dma_wait3A_85 = arith.constant 0 : i32
        %dma_wait3A_86 = tpu.memref_slice %arg10[%dma_wait3A_84, %dma_wait3A_85] : memref<512x64xf32, #tpu.memory_space<vmem>> -> memref<128x64xf32, #tpu.memory_space<vmem>>
        %dma_wait3A_87 = arith.constant 256 : i32
        %dma_wait3A_88 = tpu.memref_slice %arg8[%dma_wait3A_87] : memref<512xi32, #tpu.memory_space<vmem>> -> memref<128xi32, #tpu.memory_space<vmem>>
        %dma_wait3A_89 = arith.constant 0 : i32
        %dma_wait3A_90 = arith.constant 0 : i32
        %dma_wait3A_91 = tpu.memref_slice %arg2[%dma_wait3A_89, %dma_wait3A_90] : memref<10000x64xf32, #tpu.memory_space<hbm>> -> memref<10000x64xf32, #tpu.memory_space<hbm>>
        tpu.wait_indirect_dma semaphore(%arg13 : memref<!tpu.dma_semaphore, #tpu.memory_space<semaphore_mem>>) src(%dma_wait3A_91 : memref<10000x64xf32, #tpu.memory_space<hbm>>) dst(%dma_wait3A_86 : memref<128x64xf32, #tpu.memory_space<vmem>>)
        %dma_wait3A_92 = arith.constant 384 : i32
        %dma_wait3A_93 = arith.constant 0 : i32
        %dma_wait3A_94 = tpu.memref_slice %arg10[%dma_wait3A_92, %dma_wait3A_93] : memref<512x64xf32, #tpu.memory_space<vmem>> -> memref<128x64xf32, #tpu.memory_space<vmem>>
        %dma_wait3A_95 = arith.constant 384 : i32
        %dma_wait3A_96 = tpu.memref_slice %arg8[%dma_wait3A_95] : memref<512xi32, #tpu.memory_space<vmem>> -> memref<128xi32, #tpu.memory_space<vmem>>
        %dma_wait3A_97 = arith.constant 0 : i32
        %dma_wait3A_98 = arith.constant 0 : i32
        %dma_wait3A_99 = tpu.memref_slice %arg2[%dma_wait3A_97, %dma_wait3A_98] : memref<10000x64xf32, #tpu.memory_space<hbm>> -> memref<10000x64xf32, #tpu.memory_space<hbm>>
        tpu.wait_indirect_dma semaphore(%arg13 : memref<!tpu.dma_semaphore, #tpu.memory_space<semaphore_mem>>) src(%dma_wait3A_99 : memref<10000x64xf32, #tpu.memory_space<hbm>>) dst(%dma_wait3A_94 : memref<128x64xf32, #tpu.memory_space<vmem>>)
        %run_scoped3A = arith.constant 0 : i32
        "tpu.region"() ({
          %run_scoped3A_103 = tpu.sem_alloc : memref<!tpu.dma_semaphore, #tpu.memory_space<semaphore_mem>>
          %dma_start3A_104 = arith.constant 0 : i32
          %dma_start3A_105 = arith.constant 0 : i32
          %dma_start3A_106 = tpu.memref_slice %arg10[%dma_start3A_104, %dma_start3A_105] : memref<512x64xf32, #tpu.memory_space<vmem>> -> memref<128x64xf32, #tpu.memory_space<vmem>>
          %dma_start3A_107 = arith.constant 0 : i32
          %dma_start3A_108 = tpu.memref_slice %arg9[%run_scoped3A, %dma_start3A_107] : memref<4x128xi32, #tpu.memory_space<vmem>> -> memref<1x128xi32, #tpu.memory_space<vmem>>
          %dma_start3A_109 = tpu.memref_squeeze %dma_start3A_108 : memref<1x128xi32, #tpu.memory_space<vmem>> -> memref<128xi32, #tpu.memory_space<vmem>>
          %dma_start3A_110 = arith.constant 0 : i32
          %dma_start3A_111 = arith.constant 0 : i32
          %dma_start3A_112 = tpu.memref_slice %arg12[%dma_start3A_110, %dma_start3A_111] : memref<10016x64xf32, #tpu.memory_space<vmem_shared>> -> memref<10016x64xf32, #tpu.memory_space<vmem_shared>>
          tpu.enqueue_indirect_dma source(%dma_start3A_106 : memref<128x64xf32, #tpu.memory_space<vmem>>) target(%dma_start3A_112 : memref<10016x64xf32, #tpu.memory_space<vmem_shared>>) offsets(%dma_start3A_109 : memref<128xi32, #tpu.memory_space<vmem>>) semaphore(%run_scoped3A_103 : memref<!tpu.dma_semaphore, #tpu.memory_space<semaphore_mem>>) {add = true}
          %dma_wait3A_113 = arith.constant 0 : i32
          %dma_wait3A_114 = arith.constant 0 : i32
          %dma_wait3A_115 = tpu.memref_slice %arg10[%dma_wait3A_113, %dma_wait3A_114] : memref<512x64xf32, #tpu.memory_space<vmem>> -> memref<128x64xf32, #tpu.memory_space<vmem>>
          %dma_wait3A_116 = arith.constant 0 : i32
          %dma_wait3A_117 = tpu.memref_slice %arg9[%run_scoped3A, %dma_wait3A_116] : memref<4x128xi32, #tpu.memory_space<vmem>> -> memref<1x128xi32, #tpu.memory_space<vmem>>
          %dma_wait3A_118 = tpu.memref_squeeze %dma_wait3A_117 : memref<1x128xi32, #tpu.memory_space<vmem>> -> memref<128xi32, #tpu.memory_space<vmem>>
          %dma_wait3A_119 = arith.constant 0 : i32
          %dma_wait3A_120 = arith.constant 0 : i32
          %dma_wait3A_121 = tpu.memref_slice %arg12[%dma_wait3A_119, %dma_wait3A_120] : memref<10016x64xf32, #tpu.memory_space<vmem_shared>> -> memref<10016x64xf32, #tpu.memory_space<vmem_shared>>
          tpu.wait_indirect_dma semaphore(%run_scoped3A_103 : memref<!tpu.dma_semaphore, #tpu.memory_space<semaphore_mem>>) src(%dma_wait3A_115 : memref<128x64xf32, #tpu.memory_space<vmem>>) dst(%dma_wait3A_121 : memref<10016x64xf32, #tpu.memory_space<vmem_shared>>)
          tpu.yield
        }) : () -> ()
        %run_scoped3A_100 = arith.constant 1 : i32
        "tpu.region"() ({
          %run_scoped3A_103 = tpu.sem_alloc : memref<!tpu.dma_semaphore, #tpu.memory_space<semaphore_mem>>
          %dma_start3A_104 = arith.constant 128 : i32
          %dma_start3A_105 = arith.constant 0 : i32
          %dma_start3A_106 = tpu.memref_slice %arg10[%dma_start3A_104, %dma_start3A_105] : memref<512x64xf32, #tpu.memory_space<vmem>> -> memref<128x64xf32, #tpu.memory_space<vmem>>
          %dma_start3A_107 = arith.constant 0 : i32
          %dma_start3A_108 = tpu.memref_slice %arg9[%run_scoped3A_100, %dma_start3A_107] : memref<4x128xi32, #tpu.memory_space<vmem>> -> memref<1x128xi32, #tpu.memory_space<vmem>>
          %dma_start3A_109 = tpu.memref_squeeze %dma_start3A_108 : memref<1x128xi32, #tpu.memory_space<vmem>> -> memref<128xi32, #tpu.memory_space<vmem>>
          %dma_start3A_110 = arith.constant 0 : i32
          %dma_start3A_111 = arith.constant 0 : i32
          %dma_start3A_112 = tpu.memref_slice %arg12[%dma_start3A_110, %dma_start3A_111] : memref<10016x64xf32, #tpu.memory_space<vmem_shared>> -> memref<10016x64xf32, #tpu.memory_space<vmem_shared>>
          tpu.enqueue_indirect_dma source(%dma_start3A_106 : memref<128x64xf32, #tpu.memory_space<vmem>>) target(%dma_start3A_112 : memref<10016x64xf32, #tpu.memory_space<vmem_shared>>) offsets(%dma_start3A_109 : memref<128xi32, #tpu.memory_space<vmem>>) semaphore(%run_scoped3A_103 : memref<!tpu.dma_semaphore, #tpu.memory_space<semaphore_mem>>) {add = true}
          %dma_wait3A_113 = arith.constant 128 : i32
          %dma_wait3A_114 = arith.constant 0 : i32
          %dma_wait3A_115 = tpu.memref_slice %arg10[%dma_wait3A_113, %dma_wait3A_114] : memref<512x64xf32, #tpu.memory_space<vmem>> -> memref<128x64xf32, #tpu.memory_space<vmem>>
          %dma_wait3A_116 = arith.constant 0 : i32
          %dma_wait3A_117 = tpu.memref_slice %arg9[%run_scoped3A_100, %dma_wait3A_116] : memref<4x128xi32, #tpu.memory_space<vmem>> -> memref<1x128xi32, #tpu.memory_space<vmem>>
          %dma_wait3A_118 = tpu.memref_squeeze %dma_wait3A_117 : memref<1x128xi32, #tpu.memory_space<vmem>> -> memref<128xi32, #tpu.memory_space<vmem>>
          %dma_wait3A_119 = arith.constant 0 : i32
          %dma_wait3A_120 = arith.constant 0 : i32
          %dma_wait3A_121 = tpu.memref_slice %arg12[%dma_wait3A_119, %dma_wait3A_120] : memref<10016x64xf32, #tpu.memory_space<vmem_shared>> -> memref<10016x64xf32, #tpu.memory_space<vmem_shared>>
          tpu.wait_indirect_dma semaphore(%run_scoped3A_103 : memref<!tpu.dma_semaphore, #tpu.memory_space<semaphore_mem>>) src(%dma_wait3A_115 : memref<128x64xf32, #tpu.memory_space<vmem>>) dst(%dma_wait3A_121 : memref<10016x64xf32, #tpu.memory_space<vmem_shared>>)
          tpu.yield
        }) : () -> ()
        %run_scoped3A_101 = arith.constant 2 : i32
        "tpu.region"() ({
          %run_scoped3A_103 = tpu.sem_alloc : memref<!tpu.dma_semaphore, #tpu.memory_space<semaphore_mem>>
          %dma_start3A_104 = arith.constant 256 : i32
          %dma_start3A_105 = arith.constant 0 : i32
          %dma_start3A_106 = tpu.memref_slice %arg10[%dma_start3A_104, %dma_start3A_105] : memref<512x64xf32, #tpu.memory_space<vmem>> -> memref<128x64xf32, #tpu.memory_space<vmem>>
          %dma_start3A_107 = arith.constant 0 : i32
          %dma_start3A_108 = tpu.memref_slice %arg9[%run_scoped3A_101, %dma_start3A_107] : memref<4x128xi32, #tpu.memory_space<vmem>> -> memref<1x128xi32, #tpu.memory_space<vmem>>
          %dma_start3A_109 = tpu.memref_squeeze %dma_start3A_108 : memref<1x128xi32, #tpu.memory_space<vmem>> -> memref<128xi32, #tpu.memory_space<vmem>>
          %dma_start3A_110 = arith.constant 0 : i32
          %dma_start3A_111 = arith.constant 0 : i32
          %dma_start3A_112 = tpu.memref_slice %arg12[%dma_start3A_110, %dma_start3A_111] : memref<10016x64xf32, #tpu.memory_space<vmem_shared>> -> memref<10016x64xf32, #tpu.memory_space<vmem_shared>>
          tpu.enqueue_indirect_dma source(%dma_start3A_106 : memref<128x64xf32, #tpu.memory_space<vmem>>) target(%dma_start3A_112 : memref<10016x64xf32, #tpu.memory_space<vmem_shared>>) offsets(%dma_start3A_109 : memref<128xi32, #tpu.memory_space<vmem>>) semaphore(%run_scoped3A_103 : memref<!tpu.dma_semaphore, #tpu.memory_space<semaphore_mem>>) {add = true}
          %dma_wait3A_113 = arith.constant 256 : i32
          %dma_wait3A_114 = arith.constant 0 : i32
          %dma_wait3A_115 = tpu.memref_slice %arg10[%dma_wait3A_113, %dma_wait3A_114] : memref<512x64xf32, #tpu.memory_space<vmem>> -> memref<128x64xf32, #tpu.memory_space<vmem>>
          %dma_wait3A_116 = arith.constant 0 : i32
          %dma_wait3A_117 = tpu.memref_slice %arg9[%run_scoped3A_101, %dma_wait3A_116] : memref<4x128xi32, #tpu.memory_space<vmem>> -> memref<1x128xi32, #tpu.memory_space<vmem>>
          %dma_wait3A_118 = tpu.memref_squeeze %dma_wait3A_117 : memref<1x128xi32, #tpu.memory_space<vmem>> -> memref<128xi32, #tpu.memory_space<vmem>>
          %dma_wait3A_119 = arith.constant 0 : i32
          %dma_wait3A_120 = arith.constant 0 : i32
          %dma_wait3A_121 = tpu.memref_slice %arg12[%dma_wait3A_119, %dma_wait3A_120] : memref<10016x64xf32, #tpu.memory_space<vmem_shared>> -> memref<10016x64xf32, #tpu.memory_space<vmem_shared>>
          tpu.wait_indirect_dma semaphore(%run_scoped3A_103 : memref<!tpu.dma_semaphore, #tpu.memory_space<semaphore_mem>>) src(%dma_wait3A_115 : memref<128x64xf32, #tpu.memory_space<vmem>>) dst(%dma_wait3A_121 : memref<10016x64xf32, #tpu.memory_space<vmem_shared>>)
          tpu.yield
        }) : () -> ()
        %run_scoped3A_102 = arith.constant 3 : i32
        "tpu.region"() ({
          %run_scoped3A_103 = tpu.sem_alloc : memref<!tpu.dma_semaphore, #tpu.memory_space<semaphore_mem>>
          %dma_start3A_104 = arith.constant 384 : i32
          %dma_start3A_105 = arith.constant 0 : i32
          %dma_start3A_106 = tpu.memref_slice %arg10[%dma_start3A_104, %dma_start3A_105] : memref<512x64xf32, #tpu.memory_space<vmem>> -> memref<128x64xf32, #tpu.memory_space<vmem>>
          %dma_start3A_107 = arith.constant 0 : i32
          %dma_start3A_108 = tpu.memref_slice %arg9[%run_scoped3A_102, %dma_start3A_107] : memref<4x128xi32, #tpu.memory_space<vmem>> -> memref<1x128xi32, #tpu.memory_space<vmem>>
          %dma_start3A_109 = tpu.memref_squeeze %dma_start3A_108 : memref<1x128xi32, #tpu.memory_space<vmem>> -> memref<128xi32, #tpu.memory_space<vmem>>
          %dma_start3A_110 = arith.constant 0 : i32
          %dma_start3A_111 = arith.constant 0 : i32
          %dma_start3A_112 = tpu.memref_slice %arg12[%dma_start3A_110, %dma_start3A_111] : memref<10016x64xf32, #tpu.memory_space<vmem_shared>> -> memref<10016x64xf32, #tpu.memory_space<vmem_shared>>
          tpu.enqueue_indirect_dma source(%dma_start3A_106 : memref<128x64xf32, #tpu.memory_space<vmem>>) target(%dma_start3A_112 : memref<10016x64xf32, #tpu.memory_space<vmem_shared>>) offsets(%dma_start3A_109 : memref<128xi32, #tpu.memory_space<vmem>>) semaphore(%run_scoped3A_103 : memref<!tpu.dma_semaphore, #tpu.memory_space<semaphore_mem>>) {add = true}
          %dma_wait3A_113 = arith.constant 384 : i32
          %dma_wait3A_114 = arith.constant 0 : i32
          %dma_wait3A_115 = tpu.memref_slice %arg10[%dma_wait3A_113, %dma_wait3A_114] : memref<512x64xf32, #tpu.memory_space<vmem>> -> memref<128x64xf32, #tpu.memory_space<vmem>>
          %dma_wait3A_116 = arith.constant 0 : i32
          %dma_wait3A_117 = tpu.memref_slice %arg9[%run_scoped3A_102, %dma_wait3A_116] : memref<4x128xi32, #tpu.memory_space<vmem>> -> memref<1x128xi32, #tpu.memory_space<vmem>>
          %dma_wait3A_118 = tpu.memref_squeeze %dma_wait3A_117 : memref<1x128xi32, #tpu.memory_space<vmem>> -> memref<128xi32, #tpu.memory_space<vmem>>
          %dma_wait3A_119 = arith.constant 0 : i32
          %dma_wait3A_120 = arith.constant 0 : i32
          %dma_wait3A_121 = tpu.memref_slice %arg12[%dma_wait3A_119, %dma_wait3A_120] : memref<10016x64xf32, #tpu.memory_space<vmem_shared>> -> memref<10016x64xf32, #tpu.memory_space<vmem_shared>>
          tpu.wait_indirect_dma semaphore(%run_scoped3A_103 : memref<!tpu.dma_semaphore, #tpu.memory_space<semaphore_mem>>) src(%dma_wait3A_115 : memref<128x64xf32, #tpu.memory_space<vmem>>) dst(%dma_wait3A_121 : memref<10016x64xf32, #tpu.memory_space<vmem_shared>>)
          tpu.yield
        }) : () -> ()
      }
      %scan3A_21 = arith.constant 40 : i32
      %barrier3A_22 = arith.constant 0 : index
      tpu.barrier barrier_id(%barrier3A_22)
      %lt3A_23 = arith.constant 15 : i32
      %lt3A_24 = arith.cmpi slt, %arg1, %lt3A_23 : i32
      %convert_element_type3A_25 = arith.extui %lt3A_24 : i1 to i32
      %cond3A_26 = arith.constant 0 : i32
      %cond3A_27 = arith.cmpi ne, %convert_element_type3A_25, %cond3A_26 : i32
      scf.if %cond3A_27 {
        %mul3A_33 = arith.constant 632 : i32
        %mul3A_34 = arith.muli %arg1, %mul3A_33 : i32
        "tpu.region"() ({
          %run_scoped3A = tpu.sem_alloc : memref<!tpu.dma_semaphore, #tpu.memory_space<semaphore_mem>>
          %dma_start3A = arith.constant 0 : i32
          %dma_start3A_35 = tpu.memref_slice %arg12[%mul3A_34, %dma_start3A] : memref<10016x64xf32, #tpu.memory_space<vmem_shared>> -> memref<632x64xf32, #tpu.memory_space<vmem_shared>>
          %dma_start3A_36 = arith.constant 0 : i32
          %dma_start3A_37 = tpu.memref_slice %arg12[%mul3A_34, %dma_start3A_36] : memref<10016x64xf32, #tpu.memory_space<vmem_shared>> -> memref<632x64xf32, #tpu.memory_space<vmem_shared>>
          tpu.enqueue_dma source(%dma_start3A_37 : memref<632x64xf32, #tpu.memory_space<vmem_shared>>) target(%arg11 : memref<632x64xf32, #tpu.memory_space<vmem>>) target_semaphore(%run_scoped3A : memref<!tpu.dma_semaphore, #tpu.memory_space<semaphore_mem>>)
          %dma_wait3A = arith.constant 0 : i32
          %dma_wait3A_38 = tpu.memref_slice %arg12[%mul3A_34, %dma_wait3A] : memref<10016x64xf32, #tpu.memory_space<vmem_shared>> -> memref<632x64xf32, #tpu.memory_space<vmem_shared>>
          %dma_wait3A_39 = arith.constant 0 : i32
          %dma_wait3A_40 = tpu.memref_slice %arg12[%mul3A_34, %dma_wait3A_39] : memref<10016x64xf32, #tpu.memory_space<vmem_shared>> -> memref<632x64xf32, #tpu.memory_space<vmem_shared>>
          tpu.wait_dma2 semaphore(%run_scoped3A : memref<!tpu.dma_semaphore, #tpu.memory_space<semaphore_mem>>) src(%dma_wait3A_40 : memref<632x64xf32, #tpu.memory_space<vmem_shared>>) dst(%arg11 : memref<632x64xf32, #tpu.memory_space<vmem>>)
          tpu.yield
        }) : () -> ()
        "tpu.region"() ({
          %run_scoped3A = tpu.sem_alloc : memref<!tpu.dma_semaphore, #tpu.memory_space<semaphore_mem>>
          %dma_start3A = arith.constant 0 : i32
          %dma_start3A_35 = tpu.memref_slice %arg6[%mul3A_34, %dma_start3A] : memref<10000x64xf32, #tpu.memory_space<hbm>> -> memref<632x64xf32, #tpu.memory_space<hbm>>
          %dma_start3A_36 = arith.constant 0 : i32
          %dma_start3A_37 = tpu.memref_slice %arg6[%mul3A_34, %dma_start3A_36] : memref<10000x64xf32, #tpu.memory_space<hbm>> -> memref<632x64xf32, #tpu.memory_space<hbm>>
          tpu.enqueue_dma source(%arg11 : memref<632x64xf32, #tpu.memory_space<vmem>>) target(%dma_start3A_37 : memref<632x64xf32, #tpu.memory_space<hbm>>) target_semaphore(%run_scoped3A : memref<!tpu.dma_semaphore, #tpu.memory_space<semaphore_mem>>)
          %dma_wait3A = arith.constant 0 : i32
          %dma_wait3A_38 = tpu.memref_slice %arg6[%mul3A_34, %dma_wait3A] : memref<10000x64xf32, #tpu.memory_space<hbm>> -> memref<632x64xf32, #tpu.memory_space<hbm>>
          %dma_wait3A_39 = arith.constant 0 : i32
          %dma_wait3A_40 = tpu.memref_slice %arg6[%mul3A_34, %dma_wait3A_39] : memref<10000x64xf32, #tpu.memory_space<hbm>> -> memref<632x64xf32, #tpu.memory_space<hbm>>
          tpu.wait_dma2 semaphore(%run_scoped3A : memref<!tpu.dma_semaphore, #tpu.memory_space<semaphore_mem>>) src(%arg11 : memref<632x64xf32, #tpu.memory_space<vmem>>) dst(%dma_wait3A_40 : memref<632x64xf32, #tpu.memory_space<hbm>>)
          tpu.yield
        }) : () -> ()
      } else {
      }
      %eq3A_28 = arith.constant 15 : i32
      %eq3A_29 = arith.cmpi eq, %arg1, %eq3A_28 : i32
      %convert_element_type3A_30 = arith.extui %eq3A_29 : i1 to i32
      %cond3A_31 = arith.constant 0 : i32
      %cond3A_32 = arith.cmpi ne, %convert_element_type3A_30, %cond3A_31 : i32
      scf.if %cond3A_32 {
        "tpu.region"() ({
          %run_scoped3A = tpu.sem_alloc : memref<!tpu.dma_semaphore, #tpu.memory_space<semaphore_mem>>
          %dma_start3A = arith.constant 0 : i32
          %dma_start3A_33 = arith.constant 0 : i32
          %dma_start3A_34 = tpu.memref_slice %arg11[%dma_start3A, %dma_start3A_33] : memref<632x64xf32, #tpu.memory_space<vmem>> -> memref<520x64xf32, #tpu.memory_space<vmem>>
          %dma_start3A_35 = arith.constant 9480 : i32
          %dma_start3A_36 = arith.constant 0 : i32
          %dma_start3A_37 = tpu.memref_slice %arg12[%dma_start3A_35, %dma_start3A_36] : memref<10016x64xf32, #tpu.memory_space<vmem_shared>> -> memref<520x64xf32, #tpu.memory_space<vmem_shared>>
          %dma_start3A_38 = arith.constant 0 : i32
          %dma_start3A_39 = arith.constant 0 : i32
          %dma_start3A_40 = tpu.memref_slice %arg11[%dma_start3A_38, %dma_start3A_39] : memref<632x64xf32, #tpu.memory_space<vmem>> -> memref<520x64xf32, #tpu.memory_space<vmem>>
          %dma_start3A_41 = arith.constant 9480 : i32
          %dma_start3A_42 = arith.constant 0 : i32
          %dma_start3A_43 = tpu.memref_slice %arg12[%dma_start3A_41, %dma_start3A_42] : memref<10016x64xf32, #tpu.memory_space<vmem_shared>> -> memref<520x64xf32, #tpu.memory_space<vmem_shared>>
          tpu.enqueue_dma source(%dma_start3A_43 : memref<520x64xf32, #tpu.memory_space<vmem_shared>>) target(%dma_start3A_40 : memref<520x64xf32, #tpu.memory_space<vmem>>) target_semaphore(%run_scoped3A : memref<!tpu.dma_semaphore, #tpu.memory_space<semaphore_mem>>)
          %dma_wait3A = arith.constant 0 : i32
          %dma_wait3A_44 = arith.constant 0 : i32
          %dma_wait3A_45 = tpu.memref_slice %arg11[%dma_wait3A, %dma_wait3A_44] : memref<632x64xf32, #tpu.memory_space<vmem>> -> memref<520x64xf32, #tpu.memory_space<vmem>>
          %dma_wait3A_46 = arith.constant 9480 : i32
          %dma_wait3A_47 = arith.constant 0 : i32
          %dma_wait3A_48 = tpu.memref_slice %arg12[%dma_wait3A_46, %dma_wait3A_47] : memref<10016x64xf32, #tpu.memory_space<vmem_shared>> -> memref<520x64xf32, #tpu.memory_space<vmem_shared>>
          %dma_wait3A_49 = arith.constant 0 : i32
          %dma_wait3A_50 = arith.constant 0 : i32
          %dma_wait3A_51 = tpu.memref_slice %arg11[%dma_wait3A_49, %dma_wait3A_50] : memref<632x64xf32, #tpu.memory_space<vmem>> -> memref<520x64xf32, #tpu.memory_space<vmem>>
          %dma_wait3A_52 = arith.constant 9480 : i32
          %dma_wait3A_53 = arith.constant 0 : i32
          %dma_wait3A_54 = tpu.memref_slice %arg12[%dma_wait3A_52, %dma_wait3A_53] : memref<10016x64xf32, #tpu.memory_space<vmem_shared>> -> memref<520x64xf32, #tpu.memory_space<vmem_shared>>
          tpu.wait_dma2 semaphore(%run_scoped3A : memref<!tpu.dma_semaphore, #tpu.memory_space<semaphore_mem>>) src(%dma_wait3A_54 : memref<520x64xf32, #tpu.memory_space<vmem_shared>>) dst(%dma_wait3A_51 : memref<520x64xf32, #tpu.memory_space<vmem>>)
          tpu.yield
        }) : () -> ()
        "tpu.region"() ({
          %run_scoped3A = tpu.sem_alloc : memref<!tpu.dma_semaphore, #tpu.memory_space<semaphore_mem>>
          %dma_start3A = arith.constant 0 : i32
          %dma_start3A_33 = arith.constant 0 : i32
          %dma_start3A_34 = tpu.memref_slice %arg11[%dma_start3A, %dma_start3A_33] : memref<632x64xf32, #tpu.memory_space<vmem>> -> memref<520x64xf32, #tpu.memory_space<vmem>>
          %dma_start3A_35 = arith.constant 9480 : i32
          %dma_start3A_36 = arith.constant 0 : i32
          %dma_start3A_37 = tpu.memref_slice %arg6[%dma_start3A_35, %dma_start3A_36] : memref<10000x64xf32, #tpu.memory_space<hbm>> -> memref<520x64xf32, #tpu.memory_space<hbm>>
          %dma_start3A_38 = arith.constant 9480 : i32
          %dma_start3A_39 = arith.constant 0 : i32
          %dma_start3A_40 = tpu.memref_slice %arg6[%dma_start3A_38, %dma_start3A_39] : memref<10000x64xf32, #tpu.memory_space<hbm>> -> memref<520x64xf32, #tpu.memory_space<hbm>>
          %dma_start3A_41 = arith.constant 0 : i32
          %dma_start3A_42 = arith.constant 0 : i32
          %dma_start3A_43 = tpu.memref_slice %arg11[%dma_start3A_41, %dma_start3A_42] : memref<632x64xf32, #tpu.memory_space<vmem>> -> memref<520x64xf32, #tpu.memory_space<vmem>>
          tpu.enqueue_dma source(%dma_start3A_43 : memref<520x64xf32, #tpu.memory_space<vmem>>) target(%dma_start3A_40 : memref<520x64xf32, #tpu.memory_space<hbm>>) target_semaphore(%run_scoped3A : memref<!tpu.dma_semaphore, #tpu.memory_space<semaphore_mem>>)
          %dma_wait3A = arith.constant 0 : i32
          %dma_wait3A_44 = arith.constant 0 : i32
          %dma_wait3A_45 = tpu.memref_slice %arg11[%dma_wait3A, %dma_wait3A_44] : memref<632x64xf32, #tpu.memory_space<vmem>> -> memref<520x64xf32, #tpu.memory_space<vmem>>
          %dma_wait3A_46 = arith.constant 9480 : i32
          %dma_wait3A_47 = arith.constant 0 : i32
          %dma_wait3A_48 = tpu.memref_slice %arg6[%dma_wait3A_46, %dma_wait3A_47] : memref<10000x64xf32, #tpu.memory_space<hbm>> -> memref<520x64xf32, #tpu.memory_space<hbm>>
          %dma_wait3A_49 = arith.constant 9480 : i32
          %dma_wait3A_50 = arith.constant 0 : i32
          %dma_wait3A_51 = tpu.memref_slice %arg6[%dma_wait3A_49, %dma_wait3A_50] : memref<10000x64xf32, #tpu.memory_space<hbm>> -> memref<520x64xf32, #tpu.memory_space<hbm>>
          %dma_wait3A_52 = arith.constant 0 : i32
          %dma_wait3A_53 = arith.constant 0 : i32
          %dma_wait3A_54 = tpu.memref_slice %arg11[%dma_wait3A_52, %dma_wait3A_53] : memref<632x64xf32, #tpu.memory_space<vmem>> -> memref<520x64xf32, #tpu.memory_space<vmem>>
          tpu.wait_dma2 semaphore(%run_scoped3A : memref<!tpu.dma_semaphore, #tpu.memory_space<semaphore_mem>>) src(%dma_wait3A_54 : memref<520x64xf32, #tpu.memory_space<vmem>>) dst(%dma_wait3A_51 : memref<520x64xf32, #tpu.memory_space<hbm>>)
          tpu.yield
        }) : () -> ()
      } else {
      }
    } else {
    }
    %eq3A_2 = arith.constant 1 : i32
    %eq3A_3 = arith.cmpi eq, %arg0, %eq3A_2 : i32
    %convert_element_type3A_4 = arith.extui %eq3A_3 : i1 to i32
    %cond3A_5 = arith.constant 0 : i32
    %cond3A_6 = arith.cmpi ne, %convert_element_type3A_4, %cond3A_5 : i32
    scf.if %cond3A_6 {
      %lt3A = arith.constant 15 : i32
      %lt3A_7 = arith.cmpi slt, %arg1, %lt3A : i32
      %convert_element_type3A_8 = arith.extui %lt3A_7 : i1 to i32
      %cond3A_9 = arith.constant 0 : i32
      %cond3A_10 = arith.cmpi ne, %convert_element_type3A_8, %cond3A_9 : i32
      scf.if %cond3A_10 {
        %mul3A_33 = arith.constant 632 : i32
        %mul3A_34 = arith.muli %arg1, %mul3A_33 : i32
        "tpu.region"() ({
          %run_scoped3A = tpu.sem_alloc : memref<!tpu.dma_semaphore, #tpu.memory_space<semaphore_mem>>
          %dma_start3A = arith.constant 0 : i32
          %dma_start3A_35 = tpu.memref_slice %arg3[%mul3A_34, %dma_start3A] : memref<10000x64xf32, #tpu.memory_space<hbm>> -> memref<632x64xf32, #tpu.memory_space<hbm>>
          %dma_start3A_36 = arith.constant 0 : i32
          %dma_start3A_37 = tpu.memref_slice %arg3[%mul3A_34, %dma_start3A_36] : memref<10000x64xf32, #tpu.memory_space<hbm>> -> memref<632x64xf32, #tpu.memory_space<hbm>>
          tpu.enqueue_dma source(%dma_start3A_37 : memref<632x64xf32, #tpu.memory_space<hbm>>) target(%arg11 : memref<632x64xf32, #tpu.memory_space<vmem>>) target_semaphore(%run_scoped3A : memref<!tpu.dma_semaphore, #tpu.memory_space<semaphore_mem>>)
          %dma_wait3A = arith.constant 0 : i32
          %dma_wait3A_38 = tpu.memref_slice %arg3[%mul3A_34, %dma_wait3A] : memref<10000x64xf32, #tpu.memory_space<hbm>> -> memref<632x64xf32, #tpu.memory_space<hbm>>
          %dma_wait3A_39 = arith.constant 0 : i32
          %dma_wait3A_40 = tpu.memref_slice %arg3[%mul3A_34, %dma_wait3A_39] : memref<10000x64xf32, #tpu.memory_space<hbm>> -> memref<632x64xf32, #tpu.memory_space<hbm>>
          tpu.wait_dma2 semaphore(%run_scoped3A : memref<!tpu.dma_semaphore, #tpu.memory_space<semaphore_mem>>) src(%dma_wait3A_40 : memref<632x64xf32, #tpu.memory_space<hbm>>) dst(%arg11 : memref<632x64xf32, #tpu.memory_space<vmem>>)
          tpu.yield
        }) : () -> ()
        "tpu.region"() ({
          %run_scoped3A = tpu.sem_alloc : memref<!tpu.dma_semaphore, #tpu.memory_space<semaphore_mem>>
          %dma_start3A = arith.constant 0 : i32
          %dma_start3A_35 = tpu.memref_slice %arg12[%mul3A_34, %dma_start3A] : memref<10016x64xf32, #tpu.memory_space<vmem_shared>> -> memref<632x64xf32, #tpu.memory_space<vmem_shared>>
          %dma_start3A_36 = arith.constant 0 : i32
          %dma_start3A_37 = tpu.memref_slice %arg12[%mul3A_34, %dma_start3A_36] : memref<10016x64xf32, #tpu.memory_space<vmem_shared>> -> memref<632x64xf32, #tpu.memory_space<vmem_shared>>
          tpu.enqueue_dma source(%arg11 : memref<632x64xf32, #tpu.memory_space<vmem>>) target(%dma_start3A_37 : memref<632x64xf32, #tpu.memory_space<vmem_shared>>) target_semaphore(%run_scoped3A : memref<!tpu.dma_semaphore, #tpu.memory_space<semaphore_mem>>)
          %dma_wait3A = arith.constant 0 : i32
          %dma_wait3A_38 = tpu.memref_slice %arg12[%mul3A_34, %dma_wait3A] : memref<10016x64xf32, #tpu.memory_space<vmem_shared>> -> memref<632x64xf32, #tpu.memory_space<vmem_shared>>
          %dma_wait3A_39 = arith.constant 0 : i32
          %dma_wait3A_40 = tpu.memref_slice %arg12[%mul3A_34, %dma_wait3A_39] : memref<10016x64xf32, #tpu.memory_space<vmem_shared>> -> memref<632x64xf32, #tpu.memory_space<vmem_shared>>
          tpu.wait_dma2 semaphore(%run_scoped3A : memref<!tpu.dma_semaphore, #tpu.memory_space<semaphore_mem>>) src(%arg11 : memref<632x64xf32, #tpu.memory_space<vmem>>) dst(%dma_wait3A_40 : memref<632x64xf32, #tpu.memory_space<vmem_shared>>)
          tpu.yield
        }) : () -> ()
      } else {
      }
      %eq3A_11 = arith.constant 15 : i32
      %eq3A_12 = arith.cmpi eq, %arg1, %eq3A_11 : i32
      %convert_element_type3A_13 = arith.extui %eq3A_12 : i1 to i32
      %cond3A_14 = arith.constant 0 : i32
      %cond3A_15 = arith.cmpi ne, %convert_element_type3A_13, %cond3A_14 : i32
      scf.if %cond3A_15 {
        "tpu.region"() ({
          %run_scoped3A = tpu.sem_alloc : memref<!tpu.dma_semaphore, #tpu.memory_space<semaphore_mem>>
          %dma_start3A = arith.constant 0 : i32
          %dma_start3A_33 = arith.constant 0 : i32
          %dma_start3A_34 = tpu.memref_slice %arg11[%dma_start3A, %dma_start3A_33] : memref<632x64xf32, #tpu.memory_space<vmem>> -> memref<520x64xf32, #tpu.memory_space<vmem>>
          %dma_start3A_35 = arith.constant 9480 : i32
          %dma_start3A_36 = arith.constant 0 : i32
          %dma_start3A_37 = tpu.memref_slice %arg3[%dma_start3A_35, %dma_start3A_36] : memref<10000x64xf32, #tpu.memory_space<hbm>> -> memref<520x64xf32, #tpu.memory_space<hbm>>
          %dma_start3A_38 = arith.constant 0 : i32
          %dma_start3A_39 = arith.constant 0 : i32
          %dma_start3A_40 = tpu.memref_slice %arg11[%dma_start3A_38, %dma_start3A_39] : memref<632x64xf32, #tpu.memory_space<vmem>> -> memref<520x64xf32, #tpu.memory_space<vmem>>
          %dma_start3A_41 = arith.constant 9480 : i32
          %dma_start3A_42 = arith.constant 0 : i32
          %dma_start3A_43 = tpu.memref_slice %arg3[%dma_start3A_41, %dma_start3A_42] : memref<10000x64xf32, #tpu.memory_space<hbm>> -> memref<520x64xf32, #tpu.memory_space<hbm>>
          tpu.enqueue_dma source(%dma_start3A_43 : memref<520x64xf32, #tpu.memory_space<hbm>>) target(%dma_start3A_40 : memref<520x64xf32, #tpu.memory_space<vmem>>) target_semaphore(%run_scoped3A : memref<!tpu.dma_semaphore, #tpu.memory_space<semaphore_mem>>)
          %dma_wait3A = arith.constant 0 : i32
          %dma_wait3A_44 = arith.constant 0 : i32
          %dma_wait3A_45 = tpu.memref_slice %arg11[%dma_wait3A, %dma_wait3A_44] : memref<632x64xf32, #tpu.memory_space<vmem>> -> memref<520x64xf32, #tpu.memory_space<vmem>>
          %dma_wait3A_46 = arith.constant 9480 : i32
          %dma_wait3A_47 = arith.constant 0 : i32
          %dma_wait3A_48 = tpu.memref_slice %arg3[%dma_wait3A_46, %dma_wait3A_47] : memref<10000x64xf32, #tpu.memory_space<hbm>> -> memref<520x64xf32, #tpu.memory_space<hbm>>
          %dma_wait3A_49 = arith.constant 0 : i32
          %dma_wait3A_50 = arith.constant 0 : i32
          %dma_wait3A_51 = tpu.memref_slice %arg11[%dma_wait3A_49, %dma_wait3A_50] : memref<632x64xf32, #tpu.memory_space<vmem>> -> memref<520x64xf32, #tpu.memory_space<vmem>>
          %dma_wait3A_52 = arith.constant 9480 : i32
          %dma_wait3A_53 = arith.constant 0 : i32
          %dma_wait3A_54 = tpu.memref_slice %arg3[%dma_wait3A_52, %dma_wait3A_53] : memref<10000x64xf32, #tpu.memory_space<hbm>> -> memref<520x64xf32, #tpu.memory_space<hbm>>
          tpu.wait_dma2 semaphore(%run_scoped3A : memref<!tpu.dma_semaphore, #tpu.memory_space<semaphore_mem>>) src(%dma_wait3A_54 : memref<520x64xf32, #tpu.memory_space<hbm>>) dst(%dma_wait3A_51 : memref<520x64xf32, #tpu.memory_space<vmem>>)
          tpu.yield
        }) : () -> ()
        "tpu.region"() ({
          %run_scoped3A = tpu.sem_alloc : memref<!tpu.dma_semaphore, #tpu.memory_space<semaphore_mem>>
          %dma_start3A = arith.constant 0 : i32
          %dma_start3A_33 = arith.constant 0 : i32
          %dma_start3A_34 = tpu.memref_slice %arg11[%dma_start3A, %dma_start3A_33] : memref<632x64xf32, #tpu.memory_space<vmem>> -> memref<520x64xf32, #tpu.memory_space<vmem>>
          %dma_start3A_35 = arith.constant 9480 : i32
          %dma_start3A_36 = arith.constant 0 : i32
          %dma_start3A_37 = tpu.memref_slice %arg12[%dma_start3A_35, %dma_start3A_36] : memref<10016x64xf32, #tpu.memory_space<vmem_shared>> -> memref<520x64xf32, #tpu.memory_space<vmem_shared>>
          %dma_start3A_38 = arith.constant 9480 : i32
          %dma_start3A_39 = arith.constant 0 : i32
          %dma_start3A_40 = tpu.memref_slice %arg12[%dma_start3A_38, %dma_start3A_39] : memref<10016x64xf32, #tpu.memory_space<vmem_shared>> -> memref<520x64xf32, #tpu.memory_space<vmem_shared>>
          %dma_start3A_41 = arith.constant 0 : i32
          %dma_start3A_42 = arith.constant 0 : i32
          %dma_start3A_43 = tpu.memref_slice %arg11[%dma_start3A_41, %dma_start3A_42] : memref<632x64xf32, #tpu.memory_space<vmem>> -> memref<520x64xf32, #tpu.memory_space<vmem>>
          tpu.enqueue_dma source(%dma_start3A_43 : memref<520x64xf32, #tpu.memory_space<vmem>>) target(%dma_start3A_40 : memref<520x64xf32, #tpu.memory_space<vmem_shared>>) target_semaphore(%run_scoped3A : memref<!tpu.dma_semaphore, #tpu.memory_space<semaphore_mem>>)
          %dma_wait3A = arith.constant 0 : i32
          %dma_wait3A_44 = arith.constant 0 : i32
          %dma_wait3A_45 = tpu.memref_slice %arg11[%dma_wait3A, %dma_wait3A_44] : memref<632x64xf32, #tpu.memory_space<vmem>> -> memref<520x64xf32, #tpu.memory_space<vmem>>
          %dma_wait3A_46 = arith.constant 9480 : i32
          %dma_wait3A_47 = arith.constant 0 : i32
          %dma_wait3A_48 = tpu.memref_slice %arg12[%dma_wait3A_46, %dma_wait3A_47] : memref<10016x64xf32, #tpu.memory_space<vmem_shared>> -> memref<520x64xf32, #tpu.memory_space<vmem_shared>>
          %dma_wait3A_49 = arith.constant 9480 : i32
          %dma_wait3A_50 = arith.constant 0 : i32
          %dma_wait3A_51 = tpu.memref_slice %arg12[%dma_wait3A_49, %dma_wait3A_50] : memref<10016x64xf32, #tpu.memory_space<vmem_shared>> -> memref<520x64xf32, #tpu.memory_space<vmem_shared>>
          %dma_wait3A_52 = arith.constant 0 : i32
          %dma_wait3A_53 = arith.constant 0 : i32
          %dma_wait3A_54 = tpu.memref_slice %arg11[%dma_wait3A_52, %dma_wait3A_53] : memref<632x64xf32, #tpu.memory_space<vmem>> -> memref<520x64xf32, #tpu.memory_space<vmem>>
          tpu.wait_dma2 semaphore(%run_scoped3A : memref<!tpu.dma_semaphore, #tpu.memory_space<semaphore_mem>>) src(%dma_wait3A_54 : memref<520x64xf32, #tpu.memory_space<vmem>>) dst(%dma_wait3A_51 : memref<520x64xf32, #tpu.memory_space<vmem_shared>>)
          tpu.yield
        }) : () -> ()
      } else {
      }
      %barrier3A = arith.constant 0 : index
      tpu.barrier barrier_id(%barrier3A)
      %mul3A = arith.constant 160 : i32
      %mul3A_16 = arith.muli %arg1, %mul3A : i32
      %scan3A = arith.constant 0 : i32
      %scan3A_17 = arith.constant 0 : i32
      %scan3A_18 = arith.constant 40 : i32
      %scan3A_19 = arith.addi %scan3A_17, %scan3A_18 : i32
      %scan3A_20 = arith.constant 1 : i32
      scf.for %scan3A_33 = %scan3A_17 to %scan3A_19 step %scan3A_20  : i32 {
        %mul3A_34 = arith.constant 4 : i32
        %mul3A_35 = arith.muli %scan3A_33, %mul3A_34 : i32
        %add3A = arith.addi %mul3A_16, %mul3A_35 : i32
        %mul3A_36 = arith.constant 128 : i32
        %mul3A_37 = arith.muli %add3A, %mul3A_36 : i32
        "tpu.region"() ({
          %run_scoped3A_103 = tpu.sem_alloc : memref<!tpu.dma_semaphore, #tpu.memory_space<semaphore_mem>>
          %dma_start3A_104 = tpu.memref_slice %arg4[%mul3A_37] : memref<327680xi32, #tpu.memory_space<hbm>> -> memref<512xi32, #tpu.memory_space<hbm>>
          %dma_start3A_105 = tpu.memref_slice %arg4[%mul3A_37] : memref<327680xi32, #tpu.memory_space<hbm>> -> memref<512xi32, #tpu.memory_space<hbm>>
          tpu.enqueue_dma source(%dma_start3A_105 : memref<512xi32, #tpu.memory_space<hbm>>) target(%arg8 : memref<512xi32, #tpu.memory_space<vmem>>) target_semaphore(%run_scoped3A_103 : memref<!tpu.dma_semaphore, #tpu.memory_space<semaphore_mem>>)
          %dma_wait3A_106 = tpu.memref_slice %arg4[%mul3A_37] : memref<327680xi32, #tpu.memory_space<hbm>> -> memref<512xi32, #tpu.memory_space<hbm>>
          %dma_wait3A_107 = tpu.memref_slice %arg4[%mul3A_37] : memref<327680xi32, #tpu.memory_space<hbm>> -> memref<512xi32, #tpu.memory_space<hbm>>
          tpu.wait_dma2 semaphore(%run_scoped3A_103 : memref<!tpu.dma_semaphore, #tpu.memory_space<semaphore_mem>>) src(%dma_wait3A_107 : memref<512xi32, #tpu.memory_space<hbm>>) dst(%arg8 : memref<512xi32, #tpu.memory_space<vmem>>)
          tpu.yield
        }) : () -> ()
        "tpu.region"() ({
          %run_scoped3A_103 = tpu.sem_alloc : memref<!tpu.dma_semaphore, #tpu.memory_space<semaphore_mem>>
          %dma_start3A_104 = arith.constant 0 : i32
          %dma_start3A_105 = tpu.memref_slice %arg5[%add3A, %dma_start3A_104] : memref<2560x128xi32, #tpu.memory_space<hbm>> -> memref<4x128xi32, #tpu.memory_space<hbm>>
          %dma_start3A_106 = arith.constant 0 : i32
          %dma_start3A_107 = tpu.memref_slice %arg5[%add3A, %dma_start3A_106] : memref<2560x128xi32, #tpu.memory_space<hbm>> -> memref<4x128xi32, #tpu.memory_space<hbm>>
          tpu.enqueue_dma source(%dma_start3A_107 : memref<4x128xi32, #tpu.memory_space<hbm>>) target(%arg9 : memref<4x128xi32, #tpu.memory_space<vmem>>) target_semaphore(%run_scoped3A_103 : memref<!tpu.dma_semaphore, #tpu.memory_space<semaphore_mem>>)
          %dma_wait3A_108 = arith.constant 0 : i32
          %dma_wait3A_109 = tpu.memref_slice %arg5[%add3A, %dma_wait3A_108] : memref<2560x128xi32, #tpu.memory_space<hbm>> -> memref<4x128xi32, #tpu.memory_space<hbm>>
          %dma_wait3A_110 = arith.constant 0 : i32
          %dma_wait3A_111 = tpu.memref_slice %arg5[%add3A, %dma_wait3A_110] : memref<2560x128xi32, #tpu.memory_space<hbm>> -> memref<4x128xi32, #tpu.memory_space<hbm>>
          tpu.wait_dma2 semaphore(%run_scoped3A_103 : memref<!tpu.dma_semaphore, #tpu.memory_space<semaphore_mem>>) src(%dma_wait3A_111 : memref<4x128xi32, #tpu.memory_space<hbm>>) dst(%arg9 : memref<4x128xi32, #tpu.memory_space<vmem>>)
          tpu.yield
        }) : () -> ()
        %dma_start3A = arith.constant 0 : i32
        %dma_start3A_38 = arith.constant 0 : i32
        %dma_start3A_39 = tpu.memref_slice %arg10[%dma_start3A, %dma_start3A_38] : memref<512x64xf32, #tpu.memory_space<vmem>> -> memref<128x64xf32, #tpu.memory_space<vmem>>
        %dma_start3A_40 = arith.constant 0 : i32
        %dma_start3A_41 = tpu.memref_slice %arg8[%dma_start3A_40] : memref<512xi32, #tpu.memory_space<vmem>> -> memref<128xi32, #tpu.memory_space<vmem>>
        %dma_start3A_42 = arith.constant 0 : i32
        %dma_start3A_43 = arith.constant 0 : i32
        %dma_start3A_44 = tpu.memref_slice %arg3[%dma_start3A_42, %dma_start3A_43] : memref<10000x64xf32, #tpu.memory_space<hbm>> -> memref<10000x64xf32, #tpu.memory_space<hbm>>
        tpu.enqueue_indirect_dma source(%dma_start3A_44 : memref<10000x64xf32, #tpu.memory_space<hbm>>) target(%dma_start3A_39 : memref<128x64xf32, #tpu.memory_space<vmem>>) offsets(%dma_start3A_41 : memref<128xi32, #tpu.memory_space<vmem>>) semaphore(%arg13 : memref<!tpu.dma_semaphore, #tpu.memory_space<semaphore_mem>>)
        %dma_start3A_45 = arith.constant 128 : i32
        %dma_start3A_46 = arith.constant 0 : i32
        %dma_start3A_47 = tpu.memref_slice %arg10[%dma_start3A_45, %dma_start3A_46] : memref<512x64xf32, #tpu.memory_space<vmem>> -> memref<128x64xf32, #tpu.memory_space<vmem>>
        %dma_start3A_48 = arith.constant 128 : i32
        %dma_start3A_49 = tpu.memref_slice %arg8[%dma_start3A_48] : memref<512xi32, #tpu.memory_space<vmem>> -> memref<128xi32, #tpu.memory_space<vmem>>
        %dma_start3A_50 = arith.constant 0 : i32
        %dma_start3A_51 = arith.constant 0 : i32
        %dma_start3A_52 = tpu.memref_slice %arg3[%dma_start3A_50, %dma_start3A_51] : memref<10000x64xf32, #tpu.memory_space<hbm>> -> memref<10000x64xf32, #tpu.memory_space<hbm>>
        tpu.enqueue_indirect_dma source(%dma_start3A_52 : memref<10000x64xf32, #tpu.memory_space<hbm>>) target(%dma_start3A_47 : memref<128x64xf32, #tpu.memory_space<vmem>>) offsets(%dma_start3A_49 : memref<128xi32, #tpu.memory_space<vmem>>) semaphore(%arg13 : memref<!tpu.dma_semaphore, #tpu.memory_space<semaphore_mem>>)
        %dma_start3A_53 = arith.constant 256 : i32
        %dma_start3A_54 = arith.constant 0 : i32
        %dma_start3A_55 = tpu.memref_slice %arg10[%dma_start3A_53, %dma_start3A_54] : memref<512x64xf32, #tpu.memory_space<vmem>> -> memref<128x64xf32, #tpu.memory_space<vmem>>
        %dma_start3A_56 = arith.constant 256 : i32
        %dma_start3A_57 = tpu.memref_slice %arg8[%dma_start3A_56] : memref<512xi32, #tpu.memory_space<vmem>> -> memref<128xi32, #tpu.memory_space<vmem>>
        %dma_start3A_58 = arith.constant 0 : i32
        %dma_start3A_59 = arith.constant 0 : i32
        %dma_start3A_60 = tpu.memref_slice %arg3[%dma_start3A_58, %dma_start3A_59] : memref<10000x64xf32, #tpu.memory_space<hbm>> -> memref<10000x64xf32, #tpu.memory_space<hbm>>
        tpu.enqueue_indirect_dma source(%dma_start3A_60 : memref<10000x64xf32, #tpu.memory_space<hbm>>) target(%dma_start3A_55 : memref<128x64xf32, #tpu.memory_space<vmem>>) offsets(%dma_start3A_57 : memref<128xi32, #tpu.memory_space<vmem>>) semaphore(%arg13 : memref<!tpu.dma_semaphore, #tpu.memory_space<semaphore_mem>>)
        %dma_start3A_61 = arith.constant 384 : i32
        %dma_start3A_62 = arith.constant 0 : i32
        %dma_start3A_63 = tpu.memref_slice %arg10[%dma_start3A_61, %dma_start3A_62] : memref<512x64xf32, #tpu.memory_space<vmem>> -> memref<128x64xf32, #tpu.memory_space<vmem>>
        %dma_start3A_64 = arith.constant 384 : i32
        %dma_start3A_65 = tpu.memref_slice %arg8[%dma_start3A_64] : memref<512xi32, #tpu.memory_space<vmem>> -> memref<128xi32, #tpu.memory_space<vmem>>
        %dma_start3A_66 = arith.constant 0 : i32
        %dma_start3A_67 = arith.constant 0 : i32
        %dma_start3A_68 = tpu.memref_slice %arg3[%dma_start3A_66, %dma_start3A_67] : memref<10000x64xf32, #tpu.memory_space<hbm>> -> memref<10000x64xf32, #tpu.memory_space<hbm>>
        tpu.enqueue_indirect_dma source(%dma_start3A_68 : memref<10000x64xf32, #tpu.memory_space<hbm>>) target(%dma_start3A_63 : memref<128x64xf32, #tpu.memory_space<vmem>>) offsets(%dma_start3A_65 : memref<128xi32, #tpu.memory_space<vmem>>) semaphore(%arg13 : memref<!tpu.dma_semaphore, #tpu.memory_space<semaphore_mem>>)
        %dma_wait3A = arith.constant 0 : i32
        %dma_wait3A_69 = arith.constant 0 : i32
        %dma_wait3A_70 = tpu.memref_slice %arg10[%dma_wait3A, %dma_wait3A_69] : memref<512x64xf32, #tpu.memory_space<vmem>> -> memref<128x64xf32, #tpu.memory_space<vmem>>
        %dma_wait3A_71 = arith.constant 0 : i32
        %dma_wait3A_72 = tpu.memref_slice %arg8[%dma_wait3A_71] : memref<512xi32, #tpu.memory_space<vmem>> -> memref<128xi32, #tpu.memory_space<vmem>>
        %dma_wait3A_73 = arith.constant 0 : i32
        %dma_wait3A_74 = arith.constant 0 : i32
        %dma_wait3A_75 = tpu.memref_slice %arg3[%dma_wait3A_73, %dma_wait3A_74] : memref<10000x64xf32, #tpu.memory_space<hbm>> -> memref<10000x64xf32, #tpu.memory_space<hbm>>
        tpu.wait_indirect_dma semaphore(%arg13 : memref<!tpu.dma_semaphore, #tpu.memory_space<semaphore_mem>>) src(%dma_wait3A_75 : memref<10000x64xf32, #tpu.memory_space<hbm>>) dst(%dma_wait3A_70 : memref<128x64xf32, #tpu.memory_space<vmem>>)
        %dma_wait3A_76 = arith.constant 128 : i32
        %dma_wait3A_77 = arith.constant 0 : i32
        %dma_wait3A_78 = tpu.memref_slice %arg10[%dma_wait3A_76, %dma_wait3A_77] : memref<512x64xf32, #tpu.memory_space<vmem>> -> memref<128x64xf32, #tpu.memory_space<vmem>>
        %dma_wait3A_79 = arith.constant 128 : i32
        %dma_wait3A_80 = tpu.memref_slice %arg8[%dma_wait3A_79] : memref<512xi32, #tpu.memory_space<vmem>> -> memref<128xi32, #tpu.memory_space<vmem>>
        %dma_wait3A_81 = arith.constant 0 : i32
        %dma_wait3A_82 = arith.constant 0 : i32
        %dma_wait3A_83 = tpu.memref_slice %arg3[%dma_wait3A_81, %dma_wait3A_82] : memref<10000x64xf32, #tpu.memory_space<hbm>> -> memref<10000x64xf32, #tpu.memory_space<hbm>>
        tpu.wait_indirect_dma semaphore(%arg13 : memref<!tpu.dma_semaphore, #tpu.memory_space<semaphore_mem>>) src(%dma_wait3A_83 : memref<10000x64xf32, #tpu.memory_space<hbm>>) dst(%dma_wait3A_78 : memref<128x64xf32, #tpu.memory_space<vmem>>)
        %dma_wait3A_84 = arith.constant 256 : i32
        %dma_wait3A_85 = arith.constant 0 : i32
        %dma_wait3A_86 = tpu.memref_slice %arg10[%dma_wait3A_84, %dma_wait3A_85] : memref<512x64xf32, #tpu.memory_space<vmem>> -> memref<128x64xf32, #tpu.memory_space<vmem>>
        %dma_wait3A_87 = arith.constant 256 : i32
        %dma_wait3A_88 = tpu.memref_slice %arg8[%dma_wait3A_87] : memref<512xi32, #tpu.memory_space<vmem>> -> memref<128xi32, #tpu.memory_space<vmem>>
        %dma_wait3A_89 = arith.constant 0 : i32
        %dma_wait3A_90 = arith.constant 0 : i32
        %dma_wait3A_91 = tpu.memref_slice %arg3[%dma_wait3A_89, %dma_wait3A_90] : memref<10000x64xf32, #tpu.memory_space<hbm>> -> memref<10000x64xf32, #tpu.memory_space<hbm>>
        tpu.wait_indirect_dma semaphore(%arg13 : memref<!tpu.dma_semaphore, #tpu.memory_space<semaphore_mem>>) src(%dma_wait3A_91 : memref<10000x64xf32, #tpu.memory_space<hbm>>) dst(%dma_wait3A_86 : memref<128x64xf32, #tpu.memory_space<vmem>>)
        %dma_wait3A_92 = arith.constant 384 : i32
        %dma_wait3A_93 = arith.constant 0 : i32
        %dma_wait3A_94 = tpu.memref_slice %arg10[%dma_wait3A_92, %dma_wait3A_93] : memref<512x64xf32, #tpu.memory_space<vmem>> -> memref<128x64xf32, #tpu.memory_space<vmem>>
        %dma_wait3A_95 = arith.constant 384 : i32
        %dma_wait3A_96 = tpu.memref_slice %arg8[%dma_wait3A_95] : memref<512xi32, #tpu.memory_space<vmem>> -> memref<128xi32, #tpu.memory_space<vmem>>
        %dma_wait3A_97 = arith.constant 0 : i32
        %dma_wait3A_98 = arith.constant 0 : i32
        %dma_wait3A_99 = tpu.memref_slice %arg3[%dma_wait3A_97, %dma_wait3A_98] : memref<10000x64xf32, #tpu.memory_space<hbm>> -> memref<10000x64xf32, #tpu.memory_space<hbm>>
        tpu.wait_indirect_dma semaphore(%arg13 : memref<!tpu.dma_semaphore, #tpu.memory_space<semaphore_mem>>) src(%dma_wait3A_99 : memref<10000x64xf32, #tpu.memory_space<hbm>>) dst(%dma_wait3A_94 : memref<128x64xf32, #tpu.memory_space<vmem>>)
        %run_scoped3A = arith.constant 0 : i32
        "tpu.region"() ({
          %run_scoped3A_103 = tpu.sem_alloc : memref<!tpu.dma_semaphore, #tpu.memory_space<semaphore_mem>>
          %dma_start3A_104 = arith.constant 0 : i32
          %dma_start3A_105 = arith.constant 0 : i32
          %dma_start3A_106 = tpu.memref_slice %arg10[%dma_start3A_104, %dma_start3A_105] : memref<512x64xf32, #tpu.memory_space<vmem>> -> memref<128x64xf32, #tpu.memory_space<vmem>>
          %dma_start3A_107 = arith.constant 0 : i32
          %dma_start3A_108 = tpu.memref_slice %arg9[%run_scoped3A, %dma_start3A_107] : memref<4x128xi32, #tpu.memory_space<vmem>> -> memref<1x128xi32, #tpu.memory_space<vmem>>
          %dma_start3A_109 = tpu.memref_squeeze %dma_start3A_108 : memref<1x128xi32, #tpu.memory_space<vmem>> -> memref<128xi32, #tpu.memory_space<vmem>>
          %dma_start3A_110 = arith.constant 0 : i32
          %dma_start3A_111 = arith.constant 0 : i32
          %dma_start3A_112 = tpu.memref_slice %arg12[%dma_start3A_110, %dma_start3A_111] : memref<10016x64xf32, #tpu.memory_space<vmem_shared>> -> memref<10016x64xf32, #tpu.memory_space<vmem_shared>>
          tpu.enqueue_indirect_dma source(%dma_start3A_106 : memref<128x64xf32, #tpu.memory_space<vmem>>) target(%dma_start3A_112 : memref<10016x64xf32, #tpu.memory_space<vmem_shared>>) offsets(%dma_start3A_109 : memref<128xi32, #tpu.memory_space<vmem>>) semaphore(%run_scoped3A_103 : memref<!tpu.dma_semaphore, #tpu.memory_space<semaphore_mem>>) {add = true}
          %dma_wait3A_113 = arith.constant 0 : i32
          %dma_wait3A_114 = arith.constant 0 : i32
          %dma_wait3A_115 = tpu.memref_slice %arg10[%dma_wait3A_113, %dma_wait3A_114] : memref<512x64xf32, #tpu.memory_space<vmem>> -> memref<128x64xf32, #tpu.memory_space<vmem>>
          %dma_wait3A_116 = arith.constant 0 : i32
          %dma_wait3A_117 = tpu.memref_slice %arg9[%run_scoped3A, %dma_wait3A_116] : memref<4x128xi32, #tpu.memory_space<vmem>> -> memref<1x128xi32, #tpu.memory_space<vmem>>
          %dma_wait3A_118 = tpu.memref_squeeze %dma_wait3A_117 : memref<1x128xi32, #tpu.memory_space<vmem>> -> memref<128xi32, #tpu.memory_space<vmem>>
          %dma_wait3A_119 = arith.constant 0 : i32
          %dma_wait3A_120 = arith.constant 0 : i32
          %dma_wait3A_121 = tpu.memref_slice %arg12[%dma_wait3A_119, %dma_wait3A_120] : memref<10016x64xf32, #tpu.memory_space<vmem_shared>> -> memref<10016x64xf32, #tpu.memory_space<vmem_shared>>
          tpu.wait_indirect_dma semaphore(%run_scoped3A_103 : memref<!tpu.dma_semaphore, #tpu.memory_space<semaphore_mem>>) src(%dma_wait3A_115 : memref<128x64xf32, #tpu.memory_space<vmem>>) dst(%dma_wait3A_121 : memref<10016x64xf32, #tpu.memory_space<vmem_shared>>)
          tpu.yield
        }) : () -> ()
        %run_scoped3A_100 = arith.constant 1 : i32
        "tpu.region"() ({
          %run_scoped3A_103 = tpu.sem_alloc : memref<!tpu.dma_semaphore, #tpu.memory_space<semaphore_mem>>
          %dma_start3A_104 = arith.constant 128 : i32
          %dma_start3A_105 = arith.constant 0 : i32
          %dma_start3A_106 = tpu.memref_slice %arg10[%dma_start3A_104, %dma_start3A_105] : memref<512x64xf32, #tpu.memory_space<vmem>> -> memref<128x64xf32, #tpu.memory_space<vmem>>
          %dma_start3A_107 = arith.constant 0 : i32
          %dma_start3A_108 = tpu.memref_slice %arg9[%run_scoped3A_100, %dma_start3A_107] : memref<4x128xi32, #tpu.memory_space<vmem>> -> memref<1x128xi32, #tpu.memory_space<vmem>>
          %dma_start3A_109 = tpu.memref_squeeze %dma_start3A_108 : memref<1x128xi32, #tpu.memory_space<vmem>> -> memref<128xi32, #tpu.memory_space<vmem>>
          %dma_start3A_110 = arith.constant 0 : i32
          %dma_start3A_111 = arith.constant 0 : i32
          %dma_start3A_112 = tpu.memref_slice %arg12[%dma_start3A_110, %dma_start3A_111] : memref<10016x64xf32, #tpu.memory_space<vmem_shared>> -> memref<10016x64xf32, #tpu.memory_space<vmem_shared>>
          tpu.enqueue_indirect_dma source(%dma_start3A_106 : memref<128x64xf32, #tpu.memory_space<vmem>>) target(%dma_start3A_112 : memref<10016x64xf32, #tpu.memory_space<vmem_shared>>) offsets(%dma_start3A_109 : memref<128xi32, #tpu.memory_space<vmem>>) semaphore(%run_scoped3A_103 : memref<!tpu.dma_semaphore, #tpu.memory_space<semaphore_mem>>) {add = true}
          %dma_wait3A_113 = arith.constant 128 : i32
          %dma_wait3A_114 = arith.constant 0 : i32
          %dma_wait3A_115 = tpu.memref_slice %arg10[%dma_wait3A_113, %dma_wait3A_114] : memref<512x64xf32, #tpu.memory_space<vmem>> -> memref<128x64xf32, #tpu.memory_space<vmem>>
          %dma_wait3A_116 = arith.constant 0 : i32
          %dma_wait3A_117 = tpu.memref_slice %arg9[%run_scoped3A_100, %dma_wait3A_116] : memref<4x128xi32, #tpu.memory_space<vmem>> -> memref<1x128xi32, #tpu.memory_space<vmem>>
          %dma_wait3A_118 = tpu.memref_squeeze %dma_wait3A_117 : memref<1x128xi32, #tpu.memory_space<vmem>> -> memref<128xi32, #tpu.memory_space<vmem>>
          %dma_wait3A_119 = arith.constant 0 : i32
          %dma_wait3A_120 = arith.constant 0 : i32
          %dma_wait3A_121 = tpu.memref_slice %arg12[%dma_wait3A_119, %dma_wait3A_120] : memref<10016x64xf32, #tpu.memory_space<vmem_shared>> -> memref<10016x64xf32, #tpu.memory_space<vmem_shared>>
          tpu.wait_indirect_dma semaphore(%run_scoped3A_103 : memref<!tpu.dma_semaphore, #tpu.memory_space<semaphore_mem>>) src(%dma_wait3A_115 : memref<128x64xf32, #tpu.memory_space<vmem>>) dst(%dma_wait3A_121 : memref<10016x64xf32, #tpu.memory_space<vmem_shared>>)
          tpu.yield
        }) : () -> ()
        %run_scoped3A_101 = arith.constant 2 : i32
        "tpu.region"() ({
          %run_scoped3A_103 = tpu.sem_alloc : memref<!tpu.dma_semaphore, #tpu.memory_space<semaphore_mem>>
          %dma_start3A_104 = arith.constant 256 : i32
          %dma_start3A_105 = arith.constant 0 : i32
          %dma_start3A_106 = tpu.memref_slice %arg10[%dma_start3A_104, %dma_start3A_105] : memref<512x64xf32, #tpu.memory_space<vmem>> -> memref<128x64xf32, #tpu.memory_space<vmem>>
          %dma_start3A_107 = arith.constant 0 : i32
          %dma_start3A_108 = tpu.memref_slice %arg9[%run_scoped3A_101, %dma_start3A_107] : memref<4x128xi32, #tpu.memory_space<vmem>> -> memref<1x128xi32, #tpu.memory_space<vmem>>
          %dma_start3A_109 = tpu.memref_squeeze %dma_start3A_108 : memref<1x128xi32, #tpu.memory_space<vmem>> -> memref<128xi32, #tpu.memory_space<vmem>>
          %dma_start3A_110 = arith.constant 0 : i32
          %dma_start3A_111 = arith.constant 0 : i32
          %dma_start3A_112 = tpu.memref_slice %arg12[%dma_start3A_110, %dma_start3A_111] : memref<10016x64xf32, #tpu.memory_space<vmem_shared>> -> memref<10016x64xf32, #tpu.memory_space<vmem_shared>>
          tpu.enqueue_indirect_dma source(%dma_start3A_106 : memref<128x64xf32, #tpu.memory_space<vmem>>) target(%dma_start3A_112 : memref<10016x64xf32, #tpu.memory_space<vmem_shared>>) offsets(%dma_start3A_109 : memref<128xi32, #tpu.memory_space<vmem>>) semaphore(%run_scoped3A_103 : memref<!tpu.dma_semaphore, #tpu.memory_space<semaphore_mem>>) {add = true}
          %dma_wait3A_113 = arith.constant 256 : i32
          %dma_wait3A_114 = arith.constant 0 : i32
          %dma_wait3A_115 = tpu.memref_slice %arg10[%dma_wait3A_113, %dma_wait3A_114] : memref<512x64xf32, #tpu.memory_space<vmem>> -> memref<128x64xf32, #tpu.memory_space<vmem>>
          %dma_wait3A_116 = arith.constant 0 : i32
          %dma_wait3A_117 = tpu.memref_slice %arg9[%run_scoped3A_101, %dma_wait3A_116] : memref<4x128xi32, #tpu.memory_space<vmem>> -> memref<1x128xi32, #tpu.memory_space<vmem>>
          %dma_wait3A_118 = tpu.memref_squeeze %dma_wait3A_117 : memref<1x128xi32, #tpu.memory_space<vmem>> -> memref<128xi32, #tpu.memory_space<vmem>>
          %dma_wait3A_119 = arith.constant 0 : i32
          %dma_wait3A_120 = arith.constant 0 : i32
          %dma_wait3A_121 = tpu.memref_slice %arg12[%dma_wait3A_119, %dma_wait3A_120] : memref<10016x64xf32, #tpu.memory_space<vmem_shared>> -> memref<10016x64xf32, #tpu.memory_space<vmem_shared>>
          tpu.wait_indirect_dma semaphore(%run_scoped3A_103 : memref<!tpu.dma_semaphore, #tpu.memory_space<semaphore_mem>>) src(%dma_wait3A_115 : memref<128x64xf32, #tpu.memory_space<vmem>>) dst(%dma_wait3A_121 : memref<10016x64xf32, #tpu.memory_space<vmem_shared>>)
          tpu.yield
        }) : () -> ()
        %run_scoped3A_102 = arith.constant 3 : i32
        "tpu.region"() ({
          %run_scoped3A_103 = tpu.sem_alloc : memref<!tpu.dma_semaphore, #tpu.memory_space<semaphore_mem>>
          %dma_start3A_104 = arith.constant 384 : i32
          %dma_start3A_105 = arith.constant 0 : i32
          %dma_start3A_106 = tpu.memref_slice %arg10[%dma_start3A_104, %dma_start3A_105] : memref<512x64xf32, #tpu.memory_space<vmem>> -> memref<128x64xf32, #tpu.memory_space<vmem>>
          %dma_start3A_107 = arith.constant 0 : i32
          %dma_start3A_108 = tpu.memref_slice %arg9[%run_scoped3A_102, %dma_start3A_107] : memref<4x128xi32, #tpu.memory_space<vmem>> -> memref<1x128xi32, #tpu.memory_space<vmem>>
          %dma_start3A_109 = tpu.memref_squeeze %dma_start3A_108 : memref<1x128xi32, #tpu.memory_space<vmem>> -> memref<128xi32, #tpu.memory_space<vmem>>
          %dma_start3A_110 = arith.constant 0 : i32
          %dma_start3A_111 = arith.constant 0 : i32
          %dma_start3A_112 = tpu.memref_slice %arg12[%dma_start3A_110, %dma_start3A_111] : memref<10016x64xf32, #tpu.memory_space<vmem_shared>> -> memref<10016x64xf32, #tpu.memory_space<vmem_shared>>
          tpu.enqueue_indirect_dma source(%dma_start3A_106 : memref<128x64xf32, #tpu.memory_space<vmem>>) target(%dma_start3A_112 : memref<10016x64xf32, #tpu.memory_space<vmem_shared>>) offsets(%dma_start3A_109 : memref<128xi32, #tpu.memory_space<vmem>>) semaphore(%run_scoped3A_103 : memref<!tpu.dma_semaphore, #tpu.memory_space<semaphore_mem>>) {add = true}
          %dma_wait3A_113 = arith.constant 384 : i32
          %dma_wait3A_114 = arith.constant 0 : i32
          %dma_wait3A_115 = tpu.memref_slice %arg10[%dma_wait3A_113, %dma_wait3A_114] : memref<512x64xf32, #tpu.memory_space<vmem>> -> memref<128x64xf32, #tpu.memory_space<vmem>>
          %dma_wait3A_116 = arith.constant 0 : i32
          %dma_wait3A_117 = tpu.memref_slice %arg9[%run_scoped3A_102, %dma_wait3A_116] : memref<4x128xi32, #tpu.memory_space<vmem>> -> memref<1x128xi32, #tpu.memory_space<vmem>>
          %dma_wait3A_118 = tpu.memref_squeeze %dma_wait3A_117 : memref<1x128xi32, #tpu.memory_space<vmem>> -> memref<128xi32, #tpu.memory_space<vmem>>
          %dma_wait3A_119 = arith.constant 0 : i32
          %dma_wait3A_120 = arith.constant 0 : i32
          %dma_wait3A_121 = tpu.memref_slice %arg12[%dma_wait3A_119, %dma_wait3A_120] : memref<10016x64xf32, #tpu.memory_space<vmem_shared>> -> memref<10016x64xf32, #tpu.memory_space<vmem_shared>>
          tpu.wait_indirect_dma semaphore(%run_scoped3A_103 : memref<!tpu.dma_semaphore, #tpu.memory_space<semaphore_mem>>) src(%dma_wait3A_115 : memref<128x64xf32, #tpu.memory_space<vmem>>) dst(%dma_wait3A_121 : memref<10016x64xf32, #tpu.memory_space<vmem_shared>>)
          tpu.yield
        }) : () -> ()
      }
      %scan3A_21 = arith.constant 40 : i32
      %barrier3A_22 = arith.constant 0 : index
      tpu.barrier barrier_id(%barrier3A_22)
      %lt3A_23 = arith.constant 15 : i32
      %lt3A_24 = arith.cmpi slt, %arg1, %lt3A_23 : i32
      %convert_element_type3A_25 = arith.extui %lt3A_24 : i1 to i32
      %cond3A_26 = arith.constant 0 : i32
      %cond3A_27 = arith.cmpi ne, %convert_element_type3A_25, %cond3A_26 : i32
      scf.if %cond3A_27 {
        %mul3A_33 = arith.constant 632 : i32
        %mul3A_34 = arith.muli %arg1, %mul3A_33 : i32
        "tpu.region"() ({
          %run_scoped3A = tpu.sem_alloc : memref<!tpu.dma_semaphore, #tpu.memory_space<semaphore_mem>>
          %dma_start3A = arith.constant 0 : i32
          %dma_start3A_35 = tpu.memref_slice %arg12[%mul3A_34, %dma_start3A] : memref<10016x64xf32, #tpu.memory_space<vmem_shared>> -> memref<632x64xf32, #tpu.memory_space<vmem_shared>>
          %dma_start3A_36 = arith.constant 0 : i32
          %dma_start3A_37 = tpu.memref_slice %arg12[%mul3A_34, %dma_start3A_36] : memref<10016x64xf32, #tpu.memory_space<vmem_shared>> -> memref<632x64xf32, #tpu.memory_space<vmem_shared>>
          tpu.enqueue_dma source(%dma_start3A_37 : memref<632x64xf32, #tpu.memory_space<vmem_shared>>) target(%arg11 : memref<632x64xf32, #tpu.memory_space<vmem>>) target_semaphore(%run_scoped3A : memref<!tpu.dma_semaphore, #tpu.memory_space<semaphore_mem>>)
          %dma_wait3A = arith.constant 0 : i32
          %dma_wait3A_38 = tpu.memref_slice %arg12[%mul3A_34, %dma_wait3A] : memref<10016x64xf32, #tpu.memory_space<vmem_shared>> -> memref<632x64xf32, #tpu.memory_space<vmem_shared>>
          %dma_wait3A_39 = arith.constant 0 : i32
          %dma_wait3A_40 = tpu.memref_slice %arg12[%mul3A_34, %dma_wait3A_39] : memref<10016x64xf32, #tpu.memory_space<vmem_shared>> -> memref<632x64xf32, #tpu.memory_space<vmem_shared>>
          tpu.wait_dma2 semaphore(%run_scoped3A : memref<!tpu.dma_semaphore, #tpu.memory_space<semaphore_mem>>) src(%dma_wait3A_40 : memref<632x64xf32, #tpu.memory_space<vmem_shared>>) dst(%arg11 : memref<632x64xf32, #tpu.memory_space<vmem>>)
          tpu.yield
        }) : () -> ()
        "tpu.region"() ({
          %run_scoped3A = tpu.sem_alloc : memref<!tpu.dma_semaphore, #tpu.memory_space<semaphore_mem>>
          %dma_start3A = arith.constant 0 : i32
          %dma_start3A_35 = tpu.memref_slice %arg7[%mul3A_34, %dma_start3A] : memref<10000x64xf32, #tpu.memory_space<hbm>> -> memref<632x64xf32, #tpu.memory_space<hbm>>
          %dma_start3A_36 = arith.constant 0 : i32
          %dma_start3A_37 = tpu.memref_slice %arg7[%mul3A_34, %dma_start3A_36] : memref<10000x64xf32, #tpu.memory_space<hbm>> -> memref<632x64xf32, #tpu.memory_space<hbm>>
          tpu.enqueue_dma source(%arg11 : memref<632x64xf32, #tpu.memory_space<vmem>>) target(%dma_start3A_37 : memref<632x64xf32, #tpu.memory_space<hbm>>) target_semaphore(%run_scoped3A : memref<!tpu.dma_semaphore, #tpu.memory_space<semaphore_mem>>)
          %dma_wait3A = arith.constant 0 : i32
          %dma_wait3A_38 = tpu.memref_slice %arg7[%mul3A_34, %dma_wait3A] : memref<10000x64xf32, #tpu.memory_space<hbm>> -> memref<632x64xf32, #tpu.memory_space<hbm>>
          %dma_wait3A_39 = arith.constant 0 : i32
          %dma_wait3A_40 = tpu.memref_slice %arg7[%mul3A_34, %dma_wait3A_39] : memref<10000x64xf32, #tpu.memory_space<hbm>> -> memref<632x64xf32, #tpu.memory_space<hbm>>
          tpu.wait_dma2 semaphore(%run_scoped3A : memref<!tpu.dma_semaphore, #tpu.memory_space<semaphore_mem>>) src(%arg11 : memref<632x64xf32, #tpu.memory_space<vmem>>) dst(%dma_wait3A_40 : memref<632x64xf32, #tpu.memory_space<hbm>>)
          tpu.yield
        }) : () -> ()
      } else {
      }
      %eq3A_28 = arith.constant 15 : i32
      %eq3A_29 = arith.cmpi eq, %arg1, %eq3A_28 : i32
      %convert_element_type3A_30 = arith.extui %eq3A_29 : i1 to i32
      %cond3A_31 = arith.constant 0 : i32
      %cond3A_32 = arith.cmpi ne, %convert_element_type3A_30, %cond3A_31 : i32
      scf.if %cond3A_32 {
        "tpu.region"() ({
          %run_scoped3A = tpu.sem_alloc : memref<!tpu.dma_semaphore, #tpu.memory_space<semaphore_mem>>
          %dma_start3A = arith.constant 0 : i32
          %dma_start3A_33 = arith.constant 0 : i32
          %dma_start3A_34 = tpu.memref_slice %arg11[%dma_start3A, %dma_start3A_33] : memref<632x64xf32, #tpu.memory_space<vmem>> -> memref<520x64xf32, #tpu.memory_space<vmem>>
          %dma_start3A_35 = arith.constant 9480 : i32
          %dma_start3A_36 = arith.constant 0 : i32
          %dma_start3A_37 = tpu.memref_slice %arg12[%dma_start3A_35, %dma_start3A_36] : memref<10016x64xf32, #tpu.memory_space<vmem_shared>> -> memref<520x64xf32, #tpu.memory_space<vmem_shared>>
          %dma_start3A_38 = arith.constant 0 : i32
          %dma_start3A_39 = arith.constant 0 : i32
          %dma_start3A_40 = tpu.memref_slice %arg11[%dma_start3A_38, %dma_start3A_39] : memref<632x64xf32, #tpu.memory_space<vmem>> -> memref<520x64xf32, #tpu.memory_space<vmem>>
          %dma_start3A_41 = arith.constant 9480 : i32
          %dma_start3A_42 = arith.constant 0 : i32
          %dma_start3A_43 = tpu.memref_slice %arg12[%dma_start3A_41, %dma_start3A_42] : memref<10016x64xf32, #tpu.memory_space<vmem_shared>> -> memref<520x64xf32, #tpu.memory_space<vmem_shared>>
          tpu.enqueue_dma source(%dma_start3A_43 : memref<520x64xf32, #tpu.memory_space<vmem_shared>>) target(%dma_start3A_40 : memref<520x64xf32, #tpu.memory_space<vmem>>) target_semaphore(%run_scoped3A : memref<!tpu.dma_semaphore, #tpu.memory_space<semaphore_mem>>)
          %dma_wait3A = arith.constant 0 : i32
          %dma_wait3A_44 = arith.constant 0 : i32
          %dma_wait3A_45 = tpu.memref_slice %arg11[%dma_wait3A, %dma_wait3A_44] : memref<632x64xf32, #tpu.memory_space<vmem>> -> memref<520x64xf32, #tpu.memory_space<vmem>>
          %dma_wait3A_46 = arith.constant 9480 : i32
          %dma_wait3A_47 = arith.constant 0 : i32
          %dma_wait3A_48 = tpu.memref_slice %arg12[%dma_wait3A_46, %dma_wait3A_47] : memref<10016x64xf32, #tpu.memory_space<vmem_shared>> -> memref<520x64xf32, #tpu.memory_space<vmem_shared>>
          %dma_wait3A_49 = arith.constant 0 : i32
          %dma_wait3A_50 = arith.constant 0 : i32
          %dma_wait3A_51 = tpu.memref_slice %arg11[%dma_wait3A_49, %dma_wait3A_50] : memref<632x64xf32, #tpu.memory_space<vmem>> -> memref<520x64xf32, #tpu.memory_space<vmem>>
          %dma_wait3A_52 = arith.constant 9480 : i32
          %dma_wait3A_53 = arith.constant 0 : i32
          %dma_wait3A_54 = tpu.memref_slice %arg12[%dma_wait3A_52, %dma_wait3A_53] : memref<10016x64xf32, #tpu.memory_space<vmem_shared>> -> memref<520x64xf32, #tpu.memory_space<vmem_shared>>
          tpu.wait_dma2 semaphore(%run_scoped3A : memref<!tpu.dma_semaphore, #tpu.memory_space<semaphore_mem>>) src(%dma_wait3A_54 : memref<520x64xf32, #tpu.memory_space<vmem_shared>>) dst(%dma_wait3A_51 : memref<520x64xf32, #tpu.memory_space<vmem>>)
          tpu.yield
        }) : () -> ()
        "tpu.region"() ({
          %run_scoped3A = tpu.sem_alloc : memref<!tpu.dma_semaphore, #tpu.memory_space<semaphore_mem>>
          %dma_start3A = arith.constant 0 : i32
          %dma_start3A_33 = arith.constant 0 : i32
          %dma_start3A_34 = tpu.memref_slice %arg11[%dma_start3A, %dma_start3A_33] : memref<632x64xf32, #tpu.memory_space<vmem>> -> memref<520x64xf32, #tpu.memory_space<vmem>>
          %dma_start3A_35 = arith.constant 9480 : i32
          %dma_start3A_36 = arith.constant 0 : i32
          %dma_start3A_37 = tpu.memref_slice %arg7[%dma_start3A_35, %dma_start3A_36] : memref<10000x64xf32, #tpu.memory_space<hbm>> -> memref<520x64xf32, #tpu.memory_space<hbm>>
          %dma_start3A_38 = arith.constant 9480 : i32
          %dma_start3A_39 = arith.constant 0 : i32
          %dma_start3A_40 = tpu.memref_slice %arg7[%dma_start3A_38, %dma_start3A_39] : memref<10000x64xf32, #tpu.memory_space<hbm>> -> memref<520x64xf32, #tpu.memory_space<hbm>>
          %dma_start3A_41 = arith.constant 0 : i32
          %dma_start3A_42 = arith.constant 0 : i32
          %dma_start3A_43 = tpu.memref_slice %arg11[%dma_start3A_41, %dma_start3A_42] : memref<632x64xf32, #tpu.memory_space<vmem>> -> memref<520x64xf32, #tpu.memory_space<vmem>>
          tpu.enqueue_dma source(%dma_start3A_43 : memref<520x64xf32, #tpu.memory_space<vmem>>) target(%dma_start3A_40 : memref<520x64xf32, #tpu.memory_space<hbm>>) target_semaphore(%run_scoped3A : memref<!tpu.dma_semaphore, #tpu.memory_space<semaphore_mem>>)
          %dma_wait3A = arith.constant 0 : i32
          %dma_wait3A_44 = arith.constant 0 : i32
          %dma_wait3A_45 = tpu.memref_slice %arg11[%dma_wait3A, %dma_wait3A_44] : memref<632x64xf32, #tpu.memory_space<vmem>> -> memref<520x64xf32, #tpu.memory_space<vmem>>
          %dma_wait3A_46 = arith.constant 9480 : i32
          %dma_wait3A_47 = arith.constant 0 : i32
          %dma_wait3A_48 = tpu.memref_slice %arg7[%dma_wait3A_46, %dma_wait3A_47] : memref<10000x64xf32, #tpu.memory_space<hbm>> -> memref<520x64xf32, #tpu.memory_space<hbm>>
          %dma_wait3A_49 = arith.constant 9480 : i32
          %dma_wait3A_50 = arith.constant 0 : i32
          %dma_wait3A_51 = tpu.memref_slice %arg7[%dma_wait3A_49, %dma_wait3A_50] : memref<10000x64xf32, #tpu.memory_space<hbm>> -> memref<520x64xf32, #tpu.memory_space<hbm>>
          %dma_wait3A_52 = arith.constant 0 : i32
          %dma_wait3A_53 = arith.constant 0 : i32
          %dma_wait3A_54 = tpu.memref_slice %arg11[%dma_wait3A_52, %dma_wait3A_53] : memref<632x64xf32, #tpu.memory_space<vmem>> -> memref<520x64xf32, #tpu.memory_space<vmem>>
          tpu.wait_dma2 semaphore(%run_scoped3A : memref<!tpu.dma_semaphore, #tpu.memory_space<semaphore_mem>>) src(%dma_wait3A_54 : memref<520x64xf32, #tpu.memory_space<vmem>>) dst(%dma_wait3A_51 : memref<520x64xf32, #tpu.memory_space<hbm>>)
          tpu.yield
        }) : () -> ()
      } else {
      }
    } else {
    }
    return
  }
}

#map = affine_map<(d0, d1) -> (0, 0)>
#map1 = affine_map<(d0, d1) -> (0)>
module attributes {stable_mosaic.version = 14 : i64} {
  func.func @scat_kernel(%arg0: i32, %arg1: i32, %arg2: memref<10000x32xf32, #tpu.memory_space<hbm>>, %arg3: memref<10000x32xf32, #tpu.memory_space<hbm>>, %arg4: memref<327680xi32, #tpu.memory_space<hbm>>, %arg5: memref<2560x128xi32, #tpu.memory_space<hbm>>, %arg6: memref<10000x32xf32, #tpu.memory_space<hbm>>, %arg7: memref<10000x32xf32, #tpu.memory_space<hbm>>, %arg8: memref<512xi32, #tpu.memory_space<vmem>>, %arg9: memref<4x128xi32, #tpu.memory_space<vmem>>, %arg10: memref<512x32xf32, #tpu.memory_space<vmem>>, %arg11: memref<632x32xf32, #tpu.memory_space<vmem>>, %arg12: memref<10016x32xf32, #tpu.memory_space<vmem_shared>>, %arg13: memref<!tpu.dma_semaphore, #tpu.memory_space<semaphore_mem>>) attributes {dimension_semantics = [#tpu.dimension_semantics<core_parallel>, #tpu.dimension_semantics<subcore_parallel>], iteration_bounds = array<i64: 2, 16>, scalar_prefetch = 0 : i64, scratch_operands = 6 : i64, tpu.core_type = #tpu.core_type<sc_vector_subcore>, window_params = [{transform_indices = #map}, {transform_indices = #map}, {transform_indices = #map1}, {transform_indices = #map}, {transform_indices = #map}, {transform_indices = #map}]} {
    %eq3A = arith.constant 0 : i32
    %eq3A_0 = arith.cmpi eq, %arg0, %eq3A : i32
    %convert_element_type3A = arith.extui %eq3A_0 : i1 to i32
    %cond3A = arith.constant 0 : i32
    %cond3A_1 = arith.cmpi ne, %convert_element_type3A, %cond3A : i32
    scf.if %cond3A_1 {
      %lt3A = arith.constant 15 : i32
      %lt3A_7 = arith.cmpi slt, %arg1, %lt3A : i32
      %convert_element_type3A_8 = arith.extui %lt3A_7 : i1 to i32
      %cond3A_9 = arith.constant 0 : i32
      %cond3A_10 = arith.cmpi ne, %convert_element_type3A_8, %cond3A_9 : i32
      scf.if %cond3A_10 {
        %mul3A_33 = arith.constant 632 : i32
        %mul3A_34 = arith.muli %arg1, %mul3A_33 : i32
        "tpu.region"() ({
          %run_scoped3A = tpu.sem_alloc : memref<!tpu.dma_semaphore, #tpu.memory_space<semaphore_mem>>
          %dma_start3A = arith.constant 0 : i32
          %dma_start3A_35 = tpu.memref_slice %arg2[%mul3A_34, %dma_start3A] : memref<10000x32xf32, #tpu.memory_space<hbm>> -> memref<632x32xf32, #tpu.memory_space<hbm>>
          %dma_start3A_36 = arith.constant 0 : i32
          %dma_start3A_37 = tpu.memref_slice %arg2[%mul3A_34, %dma_start3A_36] : memref<10000x32xf32, #tpu.memory_space<hbm>> -> memref<632x32xf32, #tpu.memory_space<hbm>>
          tpu.enqueue_dma source(%dma_start3A_37 : memref<632x32xf32, #tpu.memory_space<hbm>>) target(%arg11 : memref<632x32xf32, #tpu.memory_space<vmem>>) target_semaphore(%run_scoped3A : memref<!tpu.dma_semaphore, #tpu.memory_space<semaphore_mem>>)
          %dma_wait3A = arith.constant 0 : i32
          %dma_wait3A_38 = tpu.memref_slice %arg2[%mul3A_34, %dma_wait3A] : memref<10000x32xf32, #tpu.memory_space<hbm>> -> memref<632x32xf32, #tpu.memory_space<hbm>>
          %dma_wait3A_39 = arith.constant 0 : i32
          %dma_wait3A_40 = tpu.memref_slice %arg2[%mul3A_34, %dma_wait3A_39] : memref<10000x32xf32, #tpu.memory_space<hbm>> -> memref<632x32xf32, #tpu.memory_space<hbm>>
          tpu.wait_dma2 semaphore(%run_scoped3A : memref<!tpu.dma_semaphore, #tpu.memory_space<semaphore_mem>>) src(%dma_wait3A_40 : memref<632x32xf32, #tpu.memory_space<hbm>>) dst(%arg11 : memref<632x32xf32, #tpu.memory_space<vmem>>)
          tpu.yield
        }) : () -> ()
        "tpu.region"() ({
          %run_scoped3A = tpu.sem_alloc : memref<!tpu.dma_semaphore, #tpu.memory_space<semaphore_mem>>
          %dma_start3A = arith.constant 0 : i32
          %dma_start3A_35 = tpu.memref_slice %arg12[%mul3A_34, %dma_start3A] : memref<10016x32xf32, #tpu.memory_space<vmem_shared>> -> memref<632x32xf32, #tpu.memory_space<vmem_shared>>
          %dma_start3A_36 = arith.constant 0 : i32
          %dma_start3A_37 = tpu.memref_slice %arg12[%mul3A_34, %dma_start3A_36] : memref<10016x32xf32, #tpu.memory_space<vmem_shared>> -> memref<632x32xf32, #tpu.memory_space<vmem_shared>>
          tpu.enqueue_dma source(%arg11 : memref<632x32xf32, #tpu.memory_space<vmem>>) target(%dma_start3A_37 : memref<632x32xf32, #tpu.memory_space<vmem_shared>>) target_semaphore(%run_scoped3A : memref<!tpu.dma_semaphore, #tpu.memory_space<semaphore_mem>>)
          %dma_wait3A = arith.constant 0 : i32
          %dma_wait3A_38 = tpu.memref_slice %arg12[%mul3A_34, %dma_wait3A] : memref<10016x32xf32, #tpu.memory_space<vmem_shared>> -> memref<632x32xf32, #tpu.memory_space<vmem_shared>>
          %dma_wait3A_39 = arith.constant 0 : i32
          %dma_wait3A_40 = tpu.memref_slice %arg12[%mul3A_34, %dma_wait3A_39] : memref<10016x32xf32, #tpu.memory_space<vmem_shared>> -> memref<632x32xf32, #tpu.memory_space<vmem_shared>>
          tpu.wait_dma2 semaphore(%run_scoped3A : memref<!tpu.dma_semaphore, #tpu.memory_space<semaphore_mem>>) src(%arg11 : memref<632x32xf32, #tpu.memory_space<vmem>>) dst(%dma_wait3A_40 : memref<632x32xf32, #tpu.memory_space<vmem_shared>>)
          tpu.yield
        }) : () -> ()
      } else {
      }
      %eq3A_11 = arith.constant 15 : i32
      %eq3A_12 = arith.cmpi eq, %arg1, %eq3A_11 : i32
      %convert_element_type3A_13 = arith.extui %eq3A_12 : i1 to i32
      %cond3A_14 = arith.constant 0 : i32
      %cond3A_15 = arith.cmpi ne, %convert_element_type3A_13, %cond3A_14 : i32
      scf.if %cond3A_15 {
        "tpu.region"() ({
          %run_scoped3A = tpu.sem_alloc : memref<!tpu.dma_semaphore, #tpu.memory_space<semaphore_mem>>
          %dma_start3A = arith.constant 0 : i32
          %dma_start3A_33 = arith.constant 0 : i32
          %dma_start3A_34 = tpu.memref_slice %arg11[%dma_start3A, %dma_start3A_33] : memref<632x32xf32, #tpu.memory_space<vmem>> -> memref<520x32xf32, #tpu.memory_space<vmem>>
          %dma_start3A_35 = arith.constant 9480 : i32
          %dma_start3A_36 = arith.constant 0 : i32
          %dma_start3A_37 = tpu.memref_slice %arg2[%dma_start3A_35, %dma_start3A_36] : memref<10000x32xf32, #tpu.memory_space<hbm>> -> memref<520x32xf32, #tpu.memory_space<hbm>>
          %dma_start3A_38 = arith.constant 0 : i32
          %dma_start3A_39 = arith.constant 0 : i32
          %dma_start3A_40 = tpu.memref_slice %arg11[%dma_start3A_38, %dma_start3A_39] : memref<632x32xf32, #tpu.memory_space<vmem>> -> memref<520x32xf32, #tpu.memory_space<vmem>>
          %dma_start3A_41 = arith.constant 9480 : i32
          %dma_start3A_42 = arith.constant 0 : i32
          %dma_start3A_43 = tpu.memref_slice %arg2[%dma_start3A_41, %dma_start3A_42] : memref<10000x32xf32, #tpu.memory_space<hbm>> -> memref<520x32xf32, #tpu.memory_space<hbm>>
          tpu.enqueue_dma source(%dma_start3A_43 : memref<520x32xf32, #tpu.memory_space<hbm>>) target(%dma_start3A_40 : memref<520x32xf32, #tpu.memory_space<vmem>>) target_semaphore(%run_scoped3A : memref<!tpu.dma_semaphore, #tpu.memory_space<semaphore_mem>>)
          %dma_wait3A = arith.constant 0 : i32
          %dma_wait3A_44 = arith.constant 0 : i32
          %dma_wait3A_45 = tpu.memref_slice %arg11[%dma_wait3A, %dma_wait3A_44] : memref<632x32xf32, #tpu.memory_space<vmem>> -> memref<520x32xf32, #tpu.memory_space<vmem>>
          %dma_wait3A_46 = arith.constant 9480 : i32
          %dma_wait3A_47 = arith.constant 0 : i32
          %dma_wait3A_48 = tpu.memref_slice %arg2[%dma_wait3A_46, %dma_wait3A_47] : memref<10000x32xf32, #tpu.memory_space<hbm>> -> memref<520x32xf32, #tpu.memory_space<hbm>>
          %dma_wait3A_49 = arith.constant 0 : i32
          %dma_wait3A_50 = arith.constant 0 : i32
          %dma_wait3A_51 = tpu.memref_slice %arg11[%dma_wait3A_49, %dma_wait3A_50] : memref<632x32xf32, #tpu.memory_space<vmem>> -> memref<520x32xf32, #tpu.memory_space<vmem>>
          %dma_wait3A_52 = arith.constant 9480 : i32
          %dma_wait3A_53 = arith.constant 0 : i32
          %dma_wait3A_54 = tpu.memref_slice %arg2[%dma_wait3A_52, %dma_wait3A_53] : memref<10000x32xf32, #tpu.memory_space<hbm>> -> memref<520x32xf32, #tpu.memory_space<hbm>>
          tpu.wait_dma2 semaphore(%run_scoped3A : memref<!tpu.dma_semaphore, #tpu.memory_space<semaphore_mem>>) src(%dma_wait3A_54 : memref<520x32xf32, #tpu.memory_space<hbm>>) dst(%dma_wait3A_51 : memref<520x32xf32, #tpu.memory_space<vmem>>)
          tpu.yield
        }) : () -> ()
        "tpu.region"() ({
          %run_scoped3A = tpu.sem_alloc : memref<!tpu.dma_semaphore, #tpu.memory_space<semaphore_mem>>
          %dma_start3A = arith.constant 0 : i32
          %dma_start3A_33 = arith.constant 0 : i32
          %dma_start3A_34 = tpu.memref_slice %arg11[%dma_start3A, %dma_start3A_33] : memref<632x32xf32, #tpu.memory_space<vmem>> -> memref<520x32xf32, #tpu.memory_space<vmem>>
          %dma_start3A_35 = arith.constant 9480 : i32
          %dma_start3A_36 = arith.constant 0 : i32
          %dma_start3A_37 = tpu.memref_slice %arg12[%dma_start3A_35, %dma_start3A_36] : memref<10016x32xf32, #tpu.memory_space<vmem_shared>> -> memref<520x32xf32, #tpu.memory_space<vmem_shared>>
          %dma_start3A_38 = arith.constant 9480 : i32
          %dma_start3A_39 = arith.constant 0 : i32
          %dma_start3A_40 = tpu.memref_slice %arg12[%dma_start3A_38, %dma_start3A_39] : memref<10016x32xf32, #tpu.memory_space<vmem_shared>> -> memref<520x32xf32, #tpu.memory_space<vmem_shared>>
          %dma_start3A_41 = arith.constant 0 : i32
          %dma_start3A_42 = arith.constant 0 : i32
          %dma_start3A_43 = tpu.memref_slice %arg11[%dma_start3A_41, %dma_start3A_42] : memref<632x32xf32, #tpu.memory_space<vmem>> -> memref<520x32xf32, #tpu.memory_space<vmem>>
          tpu.enqueue_dma source(%dma_start3A_43 : memref<520x32xf32, #tpu.memory_space<vmem>>) target(%dma_start3A_40 : memref<520x32xf32, #tpu.memory_space<vmem_shared>>) target_semaphore(%run_scoped3A : memref<!tpu.dma_semaphore, #tpu.memory_space<semaphore_mem>>)
          %dma_wait3A = arith.constant 0 : i32
          %dma_wait3A_44 = arith.constant 0 : i32
          %dma_wait3A_45 = tpu.memref_slice %arg11[%dma_wait3A, %dma_wait3A_44] : memref<632x32xf32, #tpu.memory_space<vmem>> -> memref<520x32xf32, #tpu.memory_space<vmem>>
          %dma_wait3A_46 = arith.constant 9480 : i32
          %dma_wait3A_47 = arith.constant 0 : i32
          %dma_wait3A_48 = tpu.memref_slice %arg12[%dma_wait3A_46, %dma_wait3A_47] : memref<10016x32xf32, #tpu.memory_space<vmem_shared>> -> memref<520x32xf32, #tpu.memory_space<vmem_shared>>
          %dma_wait3A_49 = arith.constant 9480 : i32
          %dma_wait3A_50 = arith.constant 0 : i32
          %dma_wait3A_51 = tpu.memref_slice %arg12[%dma_wait3A_49, %dma_wait3A_50] : memref<10016x32xf32, #tpu.memory_space<vmem_shared>> -> memref<520x32xf32, #tpu.memory_space<vmem_shared>>
          %dma_wait3A_52 = arith.constant 0 : i32
          %dma_wait3A_53 = arith.constant 0 : i32
          %dma_wait3A_54 = tpu.memref_slice %arg11[%dma_wait3A_52, %dma_wait3A_53] : memref<632x32xf32, #tpu.memory_space<vmem>> -> memref<520x32xf32, #tpu.memory_space<vmem>>
          tpu.wait_dma2 semaphore(%run_scoped3A : memref<!tpu.dma_semaphore, #tpu.memory_space<semaphore_mem>>) src(%dma_wait3A_54 : memref<520x32xf32, #tpu.memory_space<vmem>>) dst(%dma_wait3A_51 : memref<520x32xf32, #tpu.memory_space<vmem_shared>>)
          tpu.yield
        }) : () -> ()
      } else {
      }
      %barrier3A = arith.constant 0 : index
      tpu.barrier barrier_id(%barrier3A)
      %mul3A = arith.constant 160 : i32
      %mul3A_16 = arith.muli %arg1, %mul3A : i32
      %scan3A = arith.constant 0 : i32
      %scan3A_17 = arith.constant 0 : i32
      %scan3A_18 = arith.constant 40 : i32
      %scan3A_19 = arith.addi %scan3A_17, %scan3A_18 : i32
      %scan3A_20 = arith.constant 1 : i32
      scf.for %scan3A_33 = %scan3A_17 to %scan3A_19 step %scan3A_20  : i32 {
        %mul3A_34 = arith.constant 4 : i32
        %mul3A_35 = arith.muli %scan3A_33, %mul3A_34 : i32
        %add3A = arith.addi %mul3A_16, %mul3A_35 : i32
        %mul3A_36 = arith.constant 128 : i32
        %mul3A_37 = arith.muli %add3A, %mul3A_36 : i32
        "tpu.region"() ({
          %run_scoped3A_103 = tpu.sem_alloc : memref<!tpu.dma_semaphore, #tpu.memory_space<semaphore_mem>>
          %dma_start3A_104 = tpu.memref_slice %arg4[%mul3A_37] : memref<327680xi32, #tpu.memory_space<hbm>> -> memref<512xi32, #tpu.memory_space<hbm>>
          %dma_start3A_105 = tpu.memref_slice %arg4[%mul3A_37] : memref<327680xi32, #tpu.memory_space<hbm>> -> memref<512xi32, #tpu.memory_space<hbm>>
          tpu.enqueue_dma source(%dma_start3A_105 : memref<512xi32, #tpu.memory_space<hbm>>) target(%arg8 : memref<512xi32, #tpu.memory_space<vmem>>) target_semaphore(%run_scoped3A_103 : memref<!tpu.dma_semaphore, #tpu.memory_space<semaphore_mem>>)
          %dma_wait3A_106 = tpu.memref_slice %arg4[%mul3A_37] : memref<327680xi32, #tpu.memory_space<hbm>> -> memref<512xi32, #tpu.memory_space<hbm>>
          %dma_wait3A_107 = tpu.memref_slice %arg4[%mul3A_37] : memref<327680xi32, #tpu.memory_space<hbm>> -> memref<512xi32, #tpu.memory_space<hbm>>
          tpu.wait_dma2 semaphore(%run_scoped3A_103 : memref<!tpu.dma_semaphore, #tpu.memory_space<semaphore_mem>>) src(%dma_wait3A_107 : memref<512xi32, #tpu.memory_space<hbm>>) dst(%arg8 : memref<512xi32, #tpu.memory_space<vmem>>)
          tpu.yield
        }) : () -> ()
        "tpu.region"() ({
          %run_scoped3A_103 = tpu.sem_alloc : memref<!tpu.dma_semaphore, #tpu.memory_space<semaphore_mem>>
          %dma_start3A_104 = arith.constant 0 : i32
          %dma_start3A_105 = tpu.memref_slice %arg5[%add3A, %dma_start3A_104] : memref<2560x128xi32, #tpu.memory_space<hbm>> -> memref<4x128xi32, #tpu.memory_space<hbm>>
          %dma_start3A_106 = arith.constant 0 : i32
          %dma_start3A_107 = tpu.memref_slice %arg5[%add3A, %dma_start3A_106] : memref<2560x128xi32, #tpu.memory_space<hbm>> -> memref<4x128xi32, #tpu.memory_space<hbm>>
          tpu.enqueue_dma source(%dma_start3A_107 : memref<4x128xi32, #tpu.memory_space<hbm>>) target(%arg9 : memref<4x128xi32, #tpu.memory_space<vmem>>) target_semaphore(%run_scoped3A_103 : memref<!tpu.dma_semaphore, #tpu.memory_space<semaphore_mem>>)
          %dma_wait3A_108 = arith.constant 0 : i32
          %dma_wait3A_109 = tpu.memref_slice %arg5[%add3A, %dma_wait3A_108] : memref<2560x128xi32, #tpu.memory_space<hbm>> -> memref<4x128xi32, #tpu.memory_space<hbm>>
          %dma_wait3A_110 = arith.constant 0 : i32
          %dma_wait3A_111 = tpu.memref_slice %arg5[%add3A, %dma_wait3A_110] : memref<2560x128xi32, #tpu.memory_space<hbm>> -> memref<4x128xi32, #tpu.memory_space<hbm>>
          tpu.wait_dma2 semaphore(%run_scoped3A_103 : memref<!tpu.dma_semaphore, #tpu.memory_space<semaphore_mem>>) src(%dma_wait3A_111 : memref<4x128xi32, #tpu.memory_space<hbm>>) dst(%arg9 : memref<4x128xi32, #tpu.memory_space<vmem>>)
          tpu.yield
        }) : () -> ()
        %dma_start3A = arith.constant 0 : i32
        %dma_start3A_38 = arith.constant 0 : i32
        %dma_start3A_39 = tpu.memref_slice %arg10[%dma_start3A, %dma_start3A_38] : memref<512x32xf32, #tpu.memory_space<vmem>> -> memref<128x32xf32, #tpu.memory_space<vmem>>
        %dma_start3A_40 = arith.constant 0 : i32
        %dma_start3A_41 = tpu.memref_slice %arg8[%dma_start3A_40] : memref<512xi32, #tpu.memory_space<vmem>> -> memref<128xi32, #tpu.memory_space<vmem>>
        %dma_start3A_42 = arith.constant 0 : i32
        %dma_start3A_43 = arith.constant 0 : i32
        %dma_start3A_44 = tpu.memref_slice %arg2[%dma_start3A_42, %dma_start3A_43] : memref<10000x32xf32, #tpu.memory_space<hbm>> -> memref<10000x32xf32, #tpu.memory_space<hbm>>
        tpu.enqueue_indirect_dma source(%dma_start3A_44 : memref<10000x32xf32, #tpu.memory_space<hbm>>) target(%dma_start3A_39 : memref<128x32xf32, #tpu.memory_space<vmem>>) offsets(%dma_start3A_41 : memref<128xi32, #tpu.memory_space<vmem>>) semaphore(%arg13 : memref<!tpu.dma_semaphore, #tpu.memory_space<semaphore_mem>>)
        %dma_start3A_45 = arith.constant 128 : i32
        %dma_start3A_46 = arith.constant 0 : i32
        %dma_start3A_47 = tpu.memref_slice %arg10[%dma_start3A_45, %dma_start3A_46] : memref<512x32xf32, #tpu.memory_space<vmem>> -> memref<128x32xf32, #tpu.memory_space<vmem>>
        %dma_start3A_48 = arith.constant 128 : i32
        %dma_start3A_49 = tpu.memref_slice %arg8[%dma_start3A_48] : memref<512xi32, #tpu.memory_space<vmem>> -> memref<128xi32, #tpu.memory_space<vmem>>
        %dma_start3A_50 = arith.constant 0 : i32
        %dma_start3A_51 = arith.constant 0 : i32
        %dma_start3A_52 = tpu.memref_slice %arg2[%dma_start3A_50, %dma_start3A_51] : memref<10000x32xf32, #tpu.memory_space<hbm>> -> memref<10000x32xf32, #tpu.memory_space<hbm>>
        tpu.enqueue_indirect_dma source(%dma_start3A_52 : memref<10000x32xf32, #tpu.memory_space<hbm>>) target(%dma_start3A_47 : memref<128x32xf32, #tpu.memory_space<vmem>>) offsets(%dma_start3A_49 : memref<128xi32, #tpu.memory_space<vmem>>) semaphore(%arg13 : memref<!tpu.dma_semaphore, #tpu.memory_space<semaphore_mem>>)
        %dma_start3A_53 = arith.constant 256 : i32
        %dma_start3A_54 = arith.constant 0 : i32
        %dma_start3A_55 = tpu.memref_slice %arg10[%dma_start3A_53, %dma_start3A_54] : memref<512x32xf32, #tpu.memory_space<vmem>> -> memref<128x32xf32, #tpu.memory_space<vmem>>
        %dma_start3A_56 = arith.constant 256 : i32
        %dma_start3A_57 = tpu.memref_slice %arg8[%dma_start3A_56] : memref<512xi32, #tpu.memory_space<vmem>> -> memref<128xi32, #tpu.memory_space<vmem>>
        %dma_start3A_58 = arith.constant 0 : i32
        %dma_start3A_59 = arith.constant 0 : i32
        %dma_start3A_60 = tpu.memref_slice %arg2[%dma_start3A_58, %dma_start3A_59] : memref<10000x32xf32, #tpu.memory_space<hbm>> -> memref<10000x32xf32, #tpu.memory_space<hbm>>
        tpu.enqueue_indirect_dma source(%dma_start3A_60 : memref<10000x32xf32, #tpu.memory_space<hbm>>) target(%dma_start3A_55 : memref<128x32xf32, #tpu.memory_space<vmem>>) offsets(%dma_start3A_57 : memref<128xi32, #tpu.memory_space<vmem>>) semaphore(%arg13 : memref<!tpu.dma_semaphore, #tpu.memory_space<semaphore_mem>>)
        %dma_start3A_61 = arith.constant 384 : i32
        %dma_start3A_62 = arith.constant 0 : i32
        %dma_start3A_63 = tpu.memref_slice %arg10[%dma_start3A_61, %dma_start3A_62] : memref<512x32xf32, #tpu.memory_space<vmem>> -> memref<128x32xf32, #tpu.memory_space<vmem>>
        %dma_start3A_64 = arith.constant 384 : i32
        %dma_start3A_65 = tpu.memref_slice %arg8[%dma_start3A_64] : memref<512xi32, #tpu.memory_space<vmem>> -> memref<128xi32, #tpu.memory_space<vmem>>
        %dma_start3A_66 = arith.constant 0 : i32
        %dma_start3A_67 = arith.constant 0 : i32
        %dma_start3A_68 = tpu.memref_slice %arg2[%dma_start3A_66, %dma_start3A_67] : memref<10000x32xf32, #tpu.memory_space<hbm>> -> memref<10000x32xf32, #tpu.memory_space<hbm>>
        tpu.enqueue_indirect_dma source(%dma_start3A_68 : memref<10000x32xf32, #tpu.memory_space<hbm>>) target(%dma_start3A_63 : memref<128x32xf32, #tpu.memory_space<vmem>>) offsets(%dma_start3A_65 : memref<128xi32, #tpu.memory_space<vmem>>) semaphore(%arg13 : memref<!tpu.dma_semaphore, #tpu.memory_space<semaphore_mem>>)
        %dma_wait3A = arith.constant 0 : i32
        %dma_wait3A_69 = arith.constant 0 : i32
        %dma_wait3A_70 = tpu.memref_slice %arg10[%dma_wait3A, %dma_wait3A_69] : memref<512x32xf32, #tpu.memory_space<vmem>> -> memref<128x32xf32, #tpu.memory_space<vmem>>
        %dma_wait3A_71 = arith.constant 0 : i32
        %dma_wait3A_72 = tpu.memref_slice %arg8[%dma_wait3A_71] : memref<512xi32, #tpu.memory_space<vmem>> -> memref<128xi32, #tpu.memory_space<vmem>>
        %dma_wait3A_73 = arith.constant 0 : i32
        %dma_wait3A_74 = arith.constant 0 : i32
        %dma_wait3A_75 = tpu.memref_slice %arg2[%dma_wait3A_73, %dma_wait3A_74] : memref<10000x32xf32, #tpu.memory_space<hbm>> -> memref<10000x32xf32, #tpu.memory_space<hbm>>
        tpu.wait_indirect_dma semaphore(%arg13 : memref<!tpu.dma_semaphore, #tpu.memory_space<semaphore_mem>>) src(%dma_wait3A_75 : memref<10000x32xf32, #tpu.memory_space<hbm>>) dst(%dma_wait3A_70 : memref<128x32xf32, #tpu.memory_space<vmem>>)
        %dma_wait3A_76 = arith.constant 128 : i32
        %dma_wait3A_77 = arith.constant 0 : i32
        %dma_wait3A_78 = tpu.memref_slice %arg10[%dma_wait3A_76, %dma_wait3A_77] : memref<512x32xf32, #tpu.memory_space<vmem>> -> memref<128x32xf32, #tpu.memory_space<vmem>>
        %dma_wait3A_79 = arith.constant 128 : i32
        %dma_wait3A_80 = tpu.memref_slice %arg8[%dma_wait3A_79] : memref<512xi32, #tpu.memory_space<vmem>> -> memref<128xi32, #tpu.memory_space<vmem>>
        %dma_wait3A_81 = arith.constant 0 : i32
        %dma_wait3A_82 = arith.constant 0 : i32
        %dma_wait3A_83 = tpu.memref_slice %arg2[%dma_wait3A_81, %dma_wait3A_82] : memref<10000x32xf32, #tpu.memory_space<hbm>> -> memref<10000x32xf32, #tpu.memory_space<hbm>>
        tpu.wait_indirect_dma semaphore(%arg13 : memref<!tpu.dma_semaphore, #tpu.memory_space<semaphore_mem>>) src(%dma_wait3A_83 : memref<10000x32xf32, #tpu.memory_space<hbm>>) dst(%dma_wait3A_78 : memref<128x32xf32, #tpu.memory_space<vmem>>)
        %dma_wait3A_84 = arith.constant 256 : i32
        %dma_wait3A_85 = arith.constant 0 : i32
        %dma_wait3A_86 = tpu.memref_slice %arg10[%dma_wait3A_84, %dma_wait3A_85] : memref<512x32xf32, #tpu.memory_space<vmem>> -> memref<128x32xf32, #tpu.memory_space<vmem>>
        %dma_wait3A_87 = arith.constant 256 : i32
        %dma_wait3A_88 = tpu.memref_slice %arg8[%dma_wait3A_87] : memref<512xi32, #tpu.memory_space<vmem>> -> memref<128xi32, #tpu.memory_space<vmem>>
        %dma_wait3A_89 = arith.constant 0 : i32
        %dma_wait3A_90 = arith.constant 0 : i32
        %dma_wait3A_91 = tpu.memref_slice %arg2[%dma_wait3A_89, %dma_wait3A_90] : memref<10000x32xf32, #tpu.memory_space<hbm>> -> memref<10000x32xf32, #tpu.memory_space<hbm>>
        tpu.wait_indirect_dma semaphore(%arg13 : memref<!tpu.dma_semaphore, #tpu.memory_space<semaphore_mem>>) src(%dma_wait3A_91 : memref<10000x32xf32, #tpu.memory_space<hbm>>) dst(%dma_wait3A_86 : memref<128x32xf32, #tpu.memory_space<vmem>>)
        %dma_wait3A_92 = arith.constant 384 : i32
        %dma_wait3A_93 = arith.constant 0 : i32
        %dma_wait3A_94 = tpu.memref_slice %arg10[%dma_wait3A_92, %dma_wait3A_93] : memref<512x32xf32, #tpu.memory_space<vmem>> -> memref<128x32xf32, #tpu.memory_space<vmem>>
        %dma_wait3A_95 = arith.constant 384 : i32
        %dma_wait3A_96 = tpu.memref_slice %arg8[%dma_wait3A_95] : memref<512xi32, #tpu.memory_space<vmem>> -> memref<128xi32, #tpu.memory_space<vmem>>
        %dma_wait3A_97 = arith.constant 0 : i32
        %dma_wait3A_98 = arith.constant 0 : i32
        %dma_wait3A_99 = tpu.memref_slice %arg2[%dma_wait3A_97, %dma_wait3A_98] : memref<10000x32xf32, #tpu.memory_space<hbm>> -> memref<10000x32xf32, #tpu.memory_space<hbm>>
        tpu.wait_indirect_dma semaphore(%arg13 : memref<!tpu.dma_semaphore, #tpu.memory_space<semaphore_mem>>) src(%dma_wait3A_99 : memref<10000x32xf32, #tpu.memory_space<hbm>>) dst(%dma_wait3A_94 : memref<128x32xf32, #tpu.memory_space<vmem>>)
        %run_scoped3A = arith.constant 0 : i32
        "tpu.region"() ({
          %run_scoped3A_103 = tpu.sem_alloc : memref<!tpu.dma_semaphore, #tpu.memory_space<semaphore_mem>>
          %dma_start3A_104 = arith.constant 0 : i32
          %dma_start3A_105 = arith.constant 0 : i32
          %dma_start3A_106 = tpu.memref_slice %arg10[%dma_start3A_104, %dma_start3A_105] : memref<512x32xf32, #tpu.memory_space<vmem>> -> memref<128x32xf32, #tpu.memory_space<vmem>>
          %dma_start3A_107 = arith.constant 0 : i32
          %dma_start3A_108 = tpu.memref_slice %arg9[%run_scoped3A, %dma_start3A_107] : memref<4x128xi32, #tpu.memory_space<vmem>> -> memref<1x128xi32, #tpu.memory_space<vmem>>
          %dma_start3A_109 = tpu.memref_squeeze %dma_start3A_108 : memref<1x128xi32, #tpu.memory_space<vmem>> -> memref<128xi32, #tpu.memory_space<vmem>>
          %dma_start3A_110 = arith.constant 0 : i32
          %dma_start3A_111 = arith.constant 0 : i32
          %dma_start3A_112 = tpu.memref_slice %arg12[%dma_start3A_110, %dma_start3A_111] : memref<10016x32xf32, #tpu.memory_space<vmem_shared>> -> memref<10016x32xf32, #tpu.memory_space<vmem_shared>>
          tpu.enqueue_indirect_dma source(%dma_start3A_106 : memref<128x32xf32, #tpu.memory_space<vmem>>) target(%dma_start3A_112 : memref<10016x32xf32, #tpu.memory_space<vmem_shared>>) offsets(%dma_start3A_109 : memref<128xi32, #tpu.memory_space<vmem>>) semaphore(%run_scoped3A_103 : memref<!tpu.dma_semaphore, #tpu.memory_space<semaphore_mem>>) {add = true}
          %dma_wait3A_113 = arith.constant 0 : i32
          %dma_wait3A_114 = arith.constant 0 : i32
          %dma_wait3A_115 = tpu.memref_slice %arg10[%dma_wait3A_113, %dma_wait3A_114] : memref<512x32xf32, #tpu.memory_space<vmem>> -> memref<128x32xf32, #tpu.memory_space<vmem>>
          %dma_wait3A_116 = arith.constant 0 : i32
          %dma_wait3A_117 = tpu.memref_slice %arg9[%run_scoped3A, %dma_wait3A_116] : memref<4x128xi32, #tpu.memory_space<vmem>> -> memref<1x128xi32, #tpu.memory_space<vmem>>
          %dma_wait3A_118 = tpu.memref_squeeze %dma_wait3A_117 : memref<1x128xi32, #tpu.memory_space<vmem>> -> memref<128xi32, #tpu.memory_space<vmem>>
          %dma_wait3A_119 = arith.constant 0 : i32
          %dma_wait3A_120 = arith.constant 0 : i32
          %dma_wait3A_121 = tpu.memref_slice %arg12[%dma_wait3A_119, %dma_wait3A_120] : memref<10016x32xf32, #tpu.memory_space<vmem_shared>> -> memref<10016x32xf32, #tpu.memory_space<vmem_shared>>
          tpu.wait_indirect_dma semaphore(%run_scoped3A_103 : memref<!tpu.dma_semaphore, #tpu.memory_space<semaphore_mem>>) src(%dma_wait3A_115 : memref<128x32xf32, #tpu.memory_space<vmem>>) dst(%dma_wait3A_121 : memref<10016x32xf32, #tpu.memory_space<vmem_shared>>)
          tpu.yield
        }) : () -> ()
        %run_scoped3A_100 = arith.constant 1 : i32
        "tpu.region"() ({
          %run_scoped3A_103 = tpu.sem_alloc : memref<!tpu.dma_semaphore, #tpu.memory_space<semaphore_mem>>
          %dma_start3A_104 = arith.constant 128 : i32
          %dma_start3A_105 = arith.constant 0 : i32
          %dma_start3A_106 = tpu.memref_slice %arg10[%dma_start3A_104, %dma_start3A_105] : memref<512x32xf32, #tpu.memory_space<vmem>> -> memref<128x32xf32, #tpu.memory_space<vmem>>
          %dma_start3A_107 = arith.constant 0 : i32
          %dma_start3A_108 = tpu.memref_slice %arg9[%run_scoped3A_100, %dma_start3A_107] : memref<4x128xi32, #tpu.memory_space<vmem>> -> memref<1x128xi32, #tpu.memory_space<vmem>>
          %dma_start3A_109 = tpu.memref_squeeze %dma_start3A_108 : memref<1x128xi32, #tpu.memory_space<vmem>> -> memref<128xi32, #tpu.memory_space<vmem>>
          %dma_start3A_110 = arith.constant 0 : i32
          %dma_start3A_111 = arith.constant 0 : i32
          %dma_start3A_112 = tpu.memref_slice %arg12[%dma_start3A_110, %dma_start3A_111] : memref<10016x32xf32, #tpu.memory_space<vmem_shared>> -> memref<10016x32xf32, #tpu.memory_space<vmem_shared>>
          tpu.enqueue_indirect_dma source(%dma_start3A_106 : memref<128x32xf32, #tpu.memory_space<vmem>>) target(%dma_start3A_112 : memref<10016x32xf32, #tpu.memory_space<vmem_shared>>) offsets(%dma_start3A_109 : memref<128xi32, #tpu.memory_space<vmem>>) semaphore(%run_scoped3A_103 : memref<!tpu.dma_semaphore, #tpu.memory_space<semaphore_mem>>) {add = true}
          %dma_wait3A_113 = arith.constant 128 : i32
          %dma_wait3A_114 = arith.constant 0 : i32
          %dma_wait3A_115 = tpu.memref_slice %arg10[%dma_wait3A_113, %dma_wait3A_114] : memref<512x32xf32, #tpu.memory_space<vmem>> -> memref<128x32xf32, #tpu.memory_space<vmem>>
          %dma_wait3A_116 = arith.constant 0 : i32
          %dma_wait3A_117 = tpu.memref_slice %arg9[%run_scoped3A_100, %dma_wait3A_116] : memref<4x128xi32, #tpu.memory_space<vmem>> -> memref<1x128xi32, #tpu.memory_space<vmem>>
          %dma_wait3A_118 = tpu.memref_squeeze %dma_wait3A_117 : memref<1x128xi32, #tpu.memory_space<vmem>> -> memref<128xi32, #tpu.memory_space<vmem>>
          %dma_wait3A_119 = arith.constant 0 : i32
          %dma_wait3A_120 = arith.constant 0 : i32
          %dma_wait3A_121 = tpu.memref_slice %arg12[%dma_wait3A_119, %dma_wait3A_120] : memref<10016x32xf32, #tpu.memory_space<vmem_shared>> -> memref<10016x32xf32, #tpu.memory_space<vmem_shared>>
          tpu.wait_indirect_dma semaphore(%run_scoped3A_103 : memref<!tpu.dma_semaphore, #tpu.memory_space<semaphore_mem>>) src(%dma_wait3A_115 : memref<128x32xf32, #tpu.memory_space<vmem>>) dst(%dma_wait3A_121 : memref<10016x32xf32, #tpu.memory_space<vmem_shared>>)
          tpu.yield
        }) : () -> ()
        %run_scoped3A_101 = arith.constant 2 : i32
        "tpu.region"() ({
          %run_scoped3A_103 = tpu.sem_alloc : memref<!tpu.dma_semaphore, #tpu.memory_space<semaphore_mem>>
          %dma_start3A_104 = arith.constant 256 : i32
          %dma_start3A_105 = arith.constant 0 : i32
          %dma_start3A_106 = tpu.memref_slice %arg10[%dma_start3A_104, %dma_start3A_105] : memref<512x32xf32, #tpu.memory_space<vmem>> -> memref<128x32xf32, #tpu.memory_space<vmem>>
          %dma_start3A_107 = arith.constant 0 : i32
          %dma_start3A_108 = tpu.memref_slice %arg9[%run_scoped3A_101, %dma_start3A_107] : memref<4x128xi32, #tpu.memory_space<vmem>> -> memref<1x128xi32, #tpu.memory_space<vmem>>
          %dma_start3A_109 = tpu.memref_squeeze %dma_start3A_108 : memref<1x128xi32, #tpu.memory_space<vmem>> -> memref<128xi32, #tpu.memory_space<vmem>>
          %dma_start3A_110 = arith.constant 0 : i32
          %dma_start3A_111 = arith.constant 0 : i32
          %dma_start3A_112 = tpu.memref_slice %arg12[%dma_start3A_110, %dma_start3A_111] : memref<10016x32xf32, #tpu.memory_space<vmem_shared>> -> memref<10016x32xf32, #tpu.memory_space<vmem_shared>>
          tpu.enqueue_indirect_dma source(%dma_start3A_106 : memref<128x32xf32, #tpu.memory_space<vmem>>) target(%dma_start3A_112 : memref<10016x32xf32, #tpu.memory_space<vmem_shared>>) offsets(%dma_start3A_109 : memref<128xi32, #tpu.memory_space<vmem>>) semaphore(%run_scoped3A_103 : memref<!tpu.dma_semaphore, #tpu.memory_space<semaphore_mem>>) {add = true}
          %dma_wait3A_113 = arith.constant 256 : i32
          %dma_wait3A_114 = arith.constant 0 : i32
          %dma_wait3A_115 = tpu.memref_slice %arg10[%dma_wait3A_113, %dma_wait3A_114] : memref<512x32xf32, #tpu.memory_space<vmem>> -> memref<128x32xf32, #tpu.memory_space<vmem>>
          %dma_wait3A_116 = arith.constant 0 : i32
          %dma_wait3A_117 = tpu.memref_slice %arg9[%run_scoped3A_101, %dma_wait3A_116] : memref<4x128xi32, #tpu.memory_space<vmem>> -> memref<1x128xi32, #tpu.memory_space<vmem>>
          %dma_wait3A_118 = tpu.memref_squeeze %dma_wait3A_117 : memref<1x128xi32, #tpu.memory_space<vmem>> -> memref<128xi32, #tpu.memory_space<vmem>>
          %dma_wait3A_119 = arith.constant 0 : i32
          %dma_wait3A_120 = arith.constant 0 : i32
          %dma_wait3A_121 = tpu.memref_slice %arg12[%dma_wait3A_119, %dma_wait3A_120] : memref<10016x32xf32, #tpu.memory_space<vmem_shared>> -> memref<10016x32xf32, #tpu.memory_space<vmem_shared>>
          tpu.wait_indirect_dma semaphore(%run_scoped3A_103 : memref<!tpu.dma_semaphore, #tpu.memory_space<semaphore_mem>>) src(%dma_wait3A_115 : memref<128x32xf32, #tpu.memory_space<vmem>>) dst(%dma_wait3A_121 : memref<10016x32xf32, #tpu.memory_space<vmem_shared>>)
          tpu.yield
        }) : () -> ()
        %run_scoped3A_102 = arith.constant 3 : i32
        "tpu.region"() ({
          %run_scoped3A_103 = tpu.sem_alloc : memref<!tpu.dma_semaphore, #tpu.memory_space<semaphore_mem>>
          %dma_start3A_104 = arith.constant 384 : i32
          %dma_start3A_105 = arith.constant 0 : i32
          %dma_start3A_106 = tpu.memref_slice %arg10[%dma_start3A_104, %dma_start3A_105] : memref<512x32xf32, #tpu.memory_space<vmem>> -> memref<128x32xf32, #tpu.memory_space<vmem>>
          %dma_start3A_107 = arith.constant 0 : i32
          %dma_start3A_108 = tpu.memref_slice %arg9[%run_scoped3A_102, %dma_start3A_107] : memref<4x128xi32, #tpu.memory_space<vmem>> -> memref<1x128xi32, #tpu.memory_space<vmem>>
          %dma_start3A_109 = tpu.memref_squeeze %dma_start3A_108 : memref<1x128xi32, #tpu.memory_space<vmem>> -> memref<128xi32, #tpu.memory_space<vmem>>
          %dma_start3A_110 = arith.constant 0 : i32
          %dma_start3A_111 = arith.constant 0 : i32
          %dma_start3A_112 = tpu.memref_slice %arg12[%dma_start3A_110, %dma_start3A_111] : memref<10016x32xf32, #tpu.memory_space<vmem_shared>> -> memref<10016x32xf32, #tpu.memory_space<vmem_shared>>
          tpu.enqueue_indirect_dma source(%dma_start3A_106 : memref<128x32xf32, #tpu.memory_space<vmem>>) target(%dma_start3A_112 : memref<10016x32xf32, #tpu.memory_space<vmem_shared>>) offsets(%dma_start3A_109 : memref<128xi32, #tpu.memory_space<vmem>>) semaphore(%run_scoped3A_103 : memref<!tpu.dma_semaphore, #tpu.memory_space<semaphore_mem>>) {add = true}
          %dma_wait3A_113 = arith.constant 384 : i32
          %dma_wait3A_114 = arith.constant 0 : i32
          %dma_wait3A_115 = tpu.memref_slice %arg10[%dma_wait3A_113, %dma_wait3A_114] : memref<512x32xf32, #tpu.memory_space<vmem>> -> memref<128x32xf32, #tpu.memory_space<vmem>>
          %dma_wait3A_116 = arith.constant 0 : i32
          %dma_wait3A_117 = tpu.memref_slice %arg9[%run_scoped3A_102, %dma_wait3A_116] : memref<4x128xi32, #tpu.memory_space<vmem>> -> memref<1x128xi32, #tpu.memory_space<vmem>>
          %dma_wait3A_118 = tpu.memref_squeeze %dma_wait3A_117 : memref<1x128xi32, #tpu.memory_space<vmem>> -> memref<128xi32, #tpu.memory_space<vmem>>
          %dma_wait3A_119 = arith.constant 0 : i32
          %dma_wait3A_120 = arith.constant 0 : i32
          %dma_wait3A_121 = tpu.memref_slice %arg12[%dma_wait3A_119, %dma_wait3A_120] : memref<10016x32xf32, #tpu.memory_space<vmem_shared>> -> memref<10016x32xf32, #tpu.memory_space<vmem_shared>>
          tpu.wait_indirect_dma semaphore(%run_scoped3A_103 : memref<!tpu.dma_semaphore, #tpu.memory_space<semaphore_mem>>) src(%dma_wait3A_115 : memref<128x32xf32, #tpu.memory_space<vmem>>) dst(%dma_wait3A_121 : memref<10016x32xf32, #tpu.memory_space<vmem_shared>>)
          tpu.yield
        }) : () -> ()
      }
      %scan3A_21 = arith.constant 40 : i32
      %barrier3A_22 = arith.constant 0 : index
      tpu.barrier barrier_id(%barrier3A_22)
      %lt3A_23 = arith.constant 15 : i32
      %lt3A_24 = arith.cmpi slt, %arg1, %lt3A_23 : i32
      %convert_element_type3A_25 = arith.extui %lt3A_24 : i1 to i32
      %cond3A_26 = arith.constant 0 : i32
      %cond3A_27 = arith.cmpi ne, %convert_element_type3A_25, %cond3A_26 : i32
      scf.if %cond3A_27 {
        %mul3A_33 = arith.constant 632 : i32
        %mul3A_34 = arith.muli %arg1, %mul3A_33 : i32
        "tpu.region"() ({
          %run_scoped3A = tpu.sem_alloc : memref<!tpu.dma_semaphore, #tpu.memory_space<semaphore_mem>>
          %dma_start3A = arith.constant 0 : i32
          %dma_start3A_35 = tpu.memref_slice %arg12[%mul3A_34, %dma_start3A] : memref<10016x32xf32, #tpu.memory_space<vmem_shared>> -> memref<632x32xf32, #tpu.memory_space<vmem_shared>>
          %dma_start3A_36 = arith.constant 0 : i32
          %dma_start3A_37 = tpu.memref_slice %arg12[%mul3A_34, %dma_start3A_36] : memref<10016x32xf32, #tpu.memory_space<vmem_shared>> -> memref<632x32xf32, #tpu.memory_space<vmem_shared>>
          tpu.enqueue_dma source(%dma_start3A_37 : memref<632x32xf32, #tpu.memory_space<vmem_shared>>) target(%arg11 : memref<632x32xf32, #tpu.memory_space<vmem>>) target_semaphore(%run_scoped3A : memref<!tpu.dma_semaphore, #tpu.memory_space<semaphore_mem>>)
          %dma_wait3A = arith.constant 0 : i32
          %dma_wait3A_38 = tpu.memref_slice %arg12[%mul3A_34, %dma_wait3A] : memref<10016x32xf32, #tpu.memory_space<vmem_shared>> -> memref<632x32xf32, #tpu.memory_space<vmem_shared>>
          %dma_wait3A_39 = arith.constant 0 : i32
          %dma_wait3A_40 = tpu.memref_slice %arg12[%mul3A_34, %dma_wait3A_39] : memref<10016x32xf32, #tpu.memory_space<vmem_shared>> -> memref<632x32xf32, #tpu.memory_space<vmem_shared>>
          tpu.wait_dma2 semaphore(%run_scoped3A : memref<!tpu.dma_semaphore, #tpu.memory_space<semaphore_mem>>) src(%dma_wait3A_40 : memref<632x32xf32, #tpu.memory_space<vmem_shared>>) dst(%arg11 : memref<632x32xf32, #tpu.memory_space<vmem>>)
          tpu.yield
        }) : () -> ()
        "tpu.region"() ({
          %run_scoped3A = tpu.sem_alloc : memref<!tpu.dma_semaphore, #tpu.memory_space<semaphore_mem>>
          %dma_start3A = arith.constant 0 : i32
          %dma_start3A_35 = tpu.memref_slice %arg6[%mul3A_34, %dma_start3A] : memref<10000x32xf32, #tpu.memory_space<hbm>> -> memref<632x32xf32, #tpu.memory_space<hbm>>
          %dma_start3A_36 = arith.constant 0 : i32
          %dma_start3A_37 = tpu.memref_slice %arg6[%mul3A_34, %dma_start3A_36] : memref<10000x32xf32, #tpu.memory_space<hbm>> -> memref<632x32xf32, #tpu.memory_space<hbm>>
          tpu.enqueue_dma source(%arg11 : memref<632x32xf32, #tpu.memory_space<vmem>>) target(%dma_start3A_37 : memref<632x32xf32, #tpu.memory_space<hbm>>) target_semaphore(%run_scoped3A : memref<!tpu.dma_semaphore, #tpu.memory_space<semaphore_mem>>)
          %dma_wait3A = arith.constant 0 : i32
          %dma_wait3A_38 = tpu.memref_slice %arg6[%mul3A_34, %dma_wait3A] : memref<10000x32xf32, #tpu.memory_space<hbm>> -> memref<632x32xf32, #tpu.memory_space<hbm>>
          %dma_wait3A_39 = arith.constant 0 : i32
          %dma_wait3A_40 = tpu.memref_slice %arg6[%mul3A_34, %dma_wait3A_39] : memref<10000x32xf32, #tpu.memory_space<hbm>> -> memref<632x32xf32, #tpu.memory_space<hbm>>
          tpu.wait_dma2 semaphore(%run_scoped3A : memref<!tpu.dma_semaphore, #tpu.memory_space<semaphore_mem>>) src(%arg11 : memref<632x32xf32, #tpu.memory_space<vmem>>) dst(%dma_wait3A_40 : memref<632x32xf32, #tpu.memory_space<hbm>>)
          tpu.yield
        }) : () -> ()
      } else {
      }
      %eq3A_28 = arith.constant 15 : i32
      %eq3A_29 = arith.cmpi eq, %arg1, %eq3A_28 : i32
      %convert_element_type3A_30 = arith.extui %eq3A_29 : i1 to i32
      %cond3A_31 = arith.constant 0 : i32
      %cond3A_32 = arith.cmpi ne, %convert_element_type3A_30, %cond3A_31 : i32
      scf.if %cond3A_32 {
        "tpu.region"() ({
          %run_scoped3A = tpu.sem_alloc : memref<!tpu.dma_semaphore, #tpu.memory_space<semaphore_mem>>
          %dma_start3A = arith.constant 0 : i32
          %dma_start3A_33 = arith.constant 0 : i32
          %dma_start3A_34 = tpu.memref_slice %arg11[%dma_start3A, %dma_start3A_33] : memref<632x32xf32, #tpu.memory_space<vmem>> -> memref<520x32xf32, #tpu.memory_space<vmem>>
          %dma_start3A_35 = arith.constant 9480 : i32
          %dma_start3A_36 = arith.constant 0 : i32
          %dma_start3A_37 = tpu.memref_slice %arg12[%dma_start3A_35, %dma_start3A_36] : memref<10016x32xf32, #tpu.memory_space<vmem_shared>> -> memref<520x32xf32, #tpu.memory_space<vmem_shared>>
          %dma_start3A_38 = arith.constant 0 : i32
          %dma_start3A_39 = arith.constant 0 : i32
          %dma_start3A_40 = tpu.memref_slice %arg11[%dma_start3A_38, %dma_start3A_39] : memref<632x32xf32, #tpu.memory_space<vmem>> -> memref<520x32xf32, #tpu.memory_space<vmem>>
          %dma_start3A_41 = arith.constant 9480 : i32
          %dma_start3A_42 = arith.constant 0 : i32
          %dma_start3A_43 = tpu.memref_slice %arg12[%dma_start3A_41, %dma_start3A_42] : memref<10016x32xf32, #tpu.memory_space<vmem_shared>> -> memref<520x32xf32, #tpu.memory_space<vmem_shared>>
          tpu.enqueue_dma source(%dma_start3A_43 : memref<520x32xf32, #tpu.memory_space<vmem_shared>>) target(%dma_start3A_40 : memref<520x32xf32, #tpu.memory_space<vmem>>) target_semaphore(%run_scoped3A : memref<!tpu.dma_semaphore, #tpu.memory_space<semaphore_mem>>)
          %dma_wait3A = arith.constant 0 : i32
          %dma_wait3A_44 = arith.constant 0 : i32
          %dma_wait3A_45 = tpu.memref_slice %arg11[%dma_wait3A, %dma_wait3A_44] : memref<632x32xf32, #tpu.memory_space<vmem>> -> memref<520x32xf32, #tpu.memory_space<vmem>>
          %dma_wait3A_46 = arith.constant 9480 : i32
          %dma_wait3A_47 = arith.constant 0 : i32
          %dma_wait3A_48 = tpu.memref_slice %arg12[%dma_wait3A_46, %dma_wait3A_47] : memref<10016x32xf32, #tpu.memory_space<vmem_shared>> -> memref<520x32xf32, #tpu.memory_space<vmem_shared>>
          %dma_wait3A_49 = arith.constant 0 : i32
          %dma_wait3A_50 = arith.constant 0 : i32
          %dma_wait3A_51 = tpu.memref_slice %arg11[%dma_wait3A_49, %dma_wait3A_50] : memref<632x32xf32, #tpu.memory_space<vmem>> -> memref<520x32xf32, #tpu.memory_space<vmem>>
          %dma_wait3A_52 = arith.constant 9480 : i32
          %dma_wait3A_53 = arith.constant 0 : i32
          %dma_wait3A_54 = tpu.memref_slice %arg12[%dma_wait3A_52, %dma_wait3A_53] : memref<10016x32xf32, #tpu.memory_space<vmem_shared>> -> memref<520x32xf32, #tpu.memory_space<vmem_shared>>
          tpu.wait_dma2 semaphore(%run_scoped3A : memref<!tpu.dma_semaphore, #tpu.memory_space<semaphore_mem>>) src(%dma_wait3A_54 : memref<520x32xf32, #tpu.memory_space<vmem_shared>>) dst(%dma_wait3A_51 : memref<520x32xf32, #tpu.memory_space<vmem>>)
          tpu.yield
        }) : () -> ()
        "tpu.region"() ({
          %run_scoped3A = tpu.sem_alloc : memref<!tpu.dma_semaphore, #tpu.memory_space<semaphore_mem>>
          %dma_start3A = arith.constant 0 : i32
          %dma_start3A_33 = arith.constant 0 : i32
          %dma_start3A_34 = tpu.memref_slice %arg11[%dma_start3A, %dma_start3A_33] : memref<632x32xf32, #tpu.memory_space<vmem>> -> memref<520x32xf32, #tpu.memory_space<vmem>>
          %dma_start3A_35 = arith.constant 9480 : i32
          %dma_start3A_36 = arith.constant 0 : i32
          %dma_start3A_37 = tpu.memref_slice %arg6[%dma_start3A_35, %dma_start3A_36] : memref<10000x32xf32, #tpu.memory_space<hbm>> -> memref<520x32xf32, #tpu.memory_space<hbm>>
          %dma_start3A_38 = arith.constant 9480 : i32
          %dma_start3A_39 = arith.constant 0 : i32
          %dma_start3A_40 = tpu.memref_slice %arg6[%dma_start3A_38, %dma_start3A_39] : memref<10000x32xf32, #tpu.memory_space<hbm>> -> memref<520x32xf32, #tpu.memory_space<hbm>>
          %dma_start3A_41 = arith.constant 0 : i32
          %dma_start3A_42 = arith.constant 0 : i32
          %dma_start3A_43 = tpu.memref_slice %arg11[%dma_start3A_41, %dma_start3A_42] : memref<632x32xf32, #tpu.memory_space<vmem>> -> memref<520x32xf32, #tpu.memory_space<vmem>>
          tpu.enqueue_dma source(%dma_start3A_43 : memref<520x32xf32, #tpu.memory_space<vmem>>) target(%dma_start3A_40 : memref<520x32xf32, #tpu.memory_space<hbm>>) target_semaphore(%run_scoped3A : memref<!tpu.dma_semaphore, #tpu.memory_space<semaphore_mem>>)
          %dma_wait3A = arith.constant 0 : i32
          %dma_wait3A_44 = arith.constant 0 : i32
          %dma_wait3A_45 = tpu.memref_slice %arg11[%dma_wait3A, %dma_wait3A_44] : memref<632x32xf32, #tpu.memory_space<vmem>> -> memref<520x32xf32, #tpu.memory_space<vmem>>
          %dma_wait3A_46 = arith.constant 9480 : i32
          %dma_wait3A_47 = arith.constant 0 : i32
          %dma_wait3A_48 = tpu.memref_slice %arg6[%dma_wait3A_46, %dma_wait3A_47] : memref<10000x32xf32, #tpu.memory_space<hbm>> -> memref<520x32xf32, #tpu.memory_space<hbm>>
          %dma_wait3A_49 = arith.constant 9480 : i32
          %dma_wait3A_50 = arith.constant 0 : i32
          %dma_wait3A_51 = tpu.memref_slice %arg6[%dma_wait3A_49, %dma_wait3A_50] : memref<10000x32xf32, #tpu.memory_space<hbm>> -> memref<520x32xf32, #tpu.memory_space<hbm>>
          %dma_wait3A_52 = arith.constant 0 : i32
          %dma_wait3A_53 = arith.constant 0 : i32
          %dma_wait3A_54 = tpu.memref_slice %arg11[%dma_wait3A_52, %dma_wait3A_53] : memref<632x32xf32, #tpu.memory_space<vmem>> -> memref<520x32xf32, #tpu.memory_space<vmem>>
          tpu.wait_dma2 semaphore(%run_scoped3A : memref<!tpu.dma_semaphore, #tpu.memory_space<semaphore_mem>>) src(%dma_wait3A_54 : memref<520x32xf32, #tpu.memory_space<vmem>>) dst(%dma_wait3A_51 : memref<520x32xf32, #tpu.memory_space<hbm>>)
          tpu.yield
        }) : () -> ()
      } else {
      }
    } else {
    }
    %eq3A_2 = arith.constant 1 : i32
    %eq3A_3 = arith.cmpi eq, %arg0, %eq3A_2 : i32
    %convert_element_type3A_4 = arith.extui %eq3A_3 : i1 to i32
    %cond3A_5 = arith.constant 0 : i32
    %cond3A_6 = arith.cmpi ne, %convert_element_type3A_4, %cond3A_5 : i32
    scf.if %cond3A_6 {
      %lt3A = arith.constant 15 : i32
      %lt3A_7 = arith.cmpi slt, %arg1, %lt3A : i32
      %convert_element_type3A_8 = arith.extui %lt3A_7 : i1 to i32
      %cond3A_9 = arith.constant 0 : i32
      %cond3A_10 = arith.cmpi ne, %convert_element_type3A_8, %cond3A_9 : i32
      scf.if %cond3A_10 {
        %mul3A_33 = arith.constant 632 : i32
        %mul3A_34 = arith.muli %arg1, %mul3A_33 : i32
        "tpu.region"() ({
          %run_scoped3A = tpu.sem_alloc : memref<!tpu.dma_semaphore, #tpu.memory_space<semaphore_mem>>
          %dma_start3A = arith.constant 0 : i32
          %dma_start3A_35 = tpu.memref_slice %arg3[%mul3A_34, %dma_start3A] : memref<10000x32xf32, #tpu.memory_space<hbm>> -> memref<632x32xf32, #tpu.memory_space<hbm>>
          %dma_start3A_36 = arith.constant 0 : i32
          %dma_start3A_37 = tpu.memref_slice %arg3[%mul3A_34, %dma_start3A_36] : memref<10000x32xf32, #tpu.memory_space<hbm>> -> memref<632x32xf32, #tpu.memory_space<hbm>>
          tpu.enqueue_dma source(%dma_start3A_37 : memref<632x32xf32, #tpu.memory_space<hbm>>) target(%arg11 : memref<632x32xf32, #tpu.memory_space<vmem>>) target_semaphore(%run_scoped3A : memref<!tpu.dma_semaphore, #tpu.memory_space<semaphore_mem>>)
          %dma_wait3A = arith.constant 0 : i32
          %dma_wait3A_38 = tpu.memref_slice %arg3[%mul3A_34, %dma_wait3A] : memref<10000x32xf32, #tpu.memory_space<hbm>> -> memref<632x32xf32, #tpu.memory_space<hbm>>
          %dma_wait3A_39 = arith.constant 0 : i32
          %dma_wait3A_40 = tpu.memref_slice %arg3[%mul3A_34, %dma_wait3A_39] : memref<10000x32xf32, #tpu.memory_space<hbm>> -> memref<632x32xf32, #tpu.memory_space<hbm>>
          tpu.wait_dma2 semaphore(%run_scoped3A : memref<!tpu.dma_semaphore, #tpu.memory_space<semaphore_mem>>) src(%dma_wait3A_40 : memref<632x32xf32, #tpu.memory_space<hbm>>) dst(%arg11 : memref<632x32xf32, #tpu.memory_space<vmem>>)
          tpu.yield
        }) : () -> ()
        "tpu.region"() ({
          %run_scoped3A = tpu.sem_alloc : memref<!tpu.dma_semaphore, #tpu.memory_space<semaphore_mem>>
          %dma_start3A = arith.constant 0 : i32
          %dma_start3A_35 = tpu.memref_slice %arg12[%mul3A_34, %dma_start3A] : memref<10016x32xf32, #tpu.memory_space<vmem_shared>> -> memref<632x32xf32, #tpu.memory_space<vmem_shared>>
          %dma_start3A_36 = arith.constant 0 : i32
          %dma_start3A_37 = tpu.memref_slice %arg12[%mul3A_34, %dma_start3A_36] : memref<10016x32xf32, #tpu.memory_space<vmem_shared>> -> memref<632x32xf32, #tpu.memory_space<vmem_shared>>
          tpu.enqueue_dma source(%arg11 : memref<632x32xf32, #tpu.memory_space<vmem>>) target(%dma_start3A_37 : memref<632x32xf32, #tpu.memory_space<vmem_shared>>) target_semaphore(%run_scoped3A : memref<!tpu.dma_semaphore, #tpu.memory_space<semaphore_mem>>)
          %dma_wait3A = arith.constant 0 : i32
          %dma_wait3A_38 = tpu.memref_slice %arg12[%mul3A_34, %dma_wait3A] : memref<10016x32xf32, #tpu.memory_space<vmem_shared>> -> memref<632x32xf32, #tpu.memory_space<vmem_shared>>
          %dma_wait3A_39 = arith.constant 0 : i32
          %dma_wait3A_40 = tpu.memref_slice %arg12[%mul3A_34, %dma_wait3A_39] : memref<10016x32xf32, #tpu.memory_space<vmem_shared>> -> memref<632x32xf32, #tpu.memory_space<vmem_shared>>
          tpu.wait_dma2 semaphore(%run_scoped3A : memref<!tpu.dma_semaphore, #tpu.memory_space<semaphore_mem>>) src(%arg11 : memref<632x32xf32, #tpu.memory_space<vmem>>) dst(%dma_wait3A_40 : memref<632x32xf32, #tpu.memory_space<vmem_shared>>)
          tpu.yield
        }) : () -> ()
      } else {
      }
      %eq3A_11 = arith.constant 15 : i32
      %eq3A_12 = arith.cmpi eq, %arg1, %eq3A_11 : i32
      %convert_element_type3A_13 = arith.extui %eq3A_12 : i1 to i32
      %cond3A_14 = arith.constant 0 : i32
      %cond3A_15 = arith.cmpi ne, %convert_element_type3A_13, %cond3A_14 : i32
      scf.if %cond3A_15 {
        "tpu.region"() ({
          %run_scoped3A = tpu.sem_alloc : memref<!tpu.dma_semaphore, #tpu.memory_space<semaphore_mem>>
          %dma_start3A = arith.constant 0 : i32
          %dma_start3A_33 = arith.constant 0 : i32
          %dma_start3A_34 = tpu.memref_slice %arg11[%dma_start3A, %dma_start3A_33] : memref<632x32xf32, #tpu.memory_space<vmem>> -> memref<520x32xf32, #tpu.memory_space<vmem>>
          %dma_start3A_35 = arith.constant 9480 : i32
          %dma_start3A_36 = arith.constant 0 : i32
          %dma_start3A_37 = tpu.memref_slice %arg3[%dma_start3A_35, %dma_start3A_36] : memref<10000x32xf32, #tpu.memory_space<hbm>> -> memref<520x32xf32, #tpu.memory_space<hbm>>
          %dma_start3A_38 = arith.constant 0 : i32
          %dma_start3A_39 = arith.constant 0 : i32
          %dma_start3A_40 = tpu.memref_slice %arg11[%dma_start3A_38, %dma_start3A_39] : memref<632x32xf32, #tpu.memory_space<vmem>> -> memref<520x32xf32, #tpu.memory_space<vmem>>
          %dma_start3A_41 = arith.constant 9480 : i32
          %dma_start3A_42 = arith.constant 0 : i32
          %dma_start3A_43 = tpu.memref_slice %arg3[%dma_start3A_41, %dma_start3A_42] : memref<10000x32xf32, #tpu.memory_space<hbm>> -> memref<520x32xf32, #tpu.memory_space<hbm>>
          tpu.enqueue_dma source(%dma_start3A_43 : memref<520x32xf32, #tpu.memory_space<hbm>>) target(%dma_start3A_40 : memref<520x32xf32, #tpu.memory_space<vmem>>) target_semaphore(%run_scoped3A : memref<!tpu.dma_semaphore, #tpu.memory_space<semaphore_mem>>)
          %dma_wait3A = arith.constant 0 : i32
          %dma_wait3A_44 = arith.constant 0 : i32
          %dma_wait3A_45 = tpu.memref_slice %arg11[%dma_wait3A, %dma_wait3A_44] : memref<632x32xf32, #tpu.memory_space<vmem>> -> memref<520x32xf32, #tpu.memory_space<vmem>>
          %dma_wait3A_46 = arith.constant 9480 : i32
          %dma_wait3A_47 = arith.constant 0 : i32
          %dma_wait3A_48 = tpu.memref_slice %arg3[%dma_wait3A_46, %dma_wait3A_47] : memref<10000x32xf32, #tpu.memory_space<hbm>> -> memref<520x32xf32, #tpu.memory_space<hbm>>
          %dma_wait3A_49 = arith.constant 0 : i32
          %dma_wait3A_50 = arith.constant 0 : i32
          %dma_wait3A_51 = tpu.memref_slice %arg11[%dma_wait3A_49, %dma_wait3A_50] : memref<632x32xf32, #tpu.memory_space<vmem>> -> memref<520x32xf32, #tpu.memory_space<vmem>>
          %dma_wait3A_52 = arith.constant 9480 : i32
          %dma_wait3A_53 = arith.constant 0 : i32
          %dma_wait3A_54 = tpu.memref_slice %arg3[%dma_wait3A_52, %dma_wait3A_53] : memref<10000x32xf32, #tpu.memory_space<hbm>> -> memref<520x32xf32, #tpu.memory_space<hbm>>
          tpu.wait_dma2 semaphore(%run_scoped3A : memref<!tpu.dma_semaphore, #tpu.memory_space<semaphore_mem>>) src(%dma_wait3A_54 : memref<520x32xf32, #tpu.memory_space<hbm>>) dst(%dma_wait3A_51 : memref<520x32xf32, #tpu.memory_space<vmem>>)
          tpu.yield
        }) : () -> ()
        "tpu.region"() ({
          %run_scoped3A = tpu.sem_alloc : memref<!tpu.dma_semaphore, #tpu.memory_space<semaphore_mem>>
          %dma_start3A = arith.constant 0 : i32
          %dma_start3A_33 = arith.constant 0 : i32
          %dma_start3A_34 = tpu.memref_slice %arg11[%dma_start3A, %dma_start3A_33] : memref<632x32xf32, #tpu.memory_space<vmem>> -> memref<520x32xf32, #tpu.memory_space<vmem>>
          %dma_start3A_35 = arith.constant 9480 : i32
          %dma_start3A_36 = arith.constant 0 : i32
          %dma_start3A_37 = tpu.memref_slice %arg12[%dma_start3A_35, %dma_start3A_36] : memref<10016x32xf32, #tpu.memory_space<vmem_shared>> -> memref<520x32xf32, #tpu.memory_space<vmem_shared>>
          %dma_start3A_38 = arith.constant 9480 : i32
          %dma_start3A_39 = arith.constant 0 : i32
          %dma_start3A_40 = tpu.memref_slice %arg12[%dma_start3A_38, %dma_start3A_39] : memref<10016x32xf32, #tpu.memory_space<vmem_shared>> -> memref<520x32xf32, #tpu.memory_space<vmem_shared>>
          %dma_start3A_41 = arith.constant 0 : i32
          %dma_start3A_42 = arith.constant 0 : i32
          %dma_start3A_43 = tpu.memref_slice %arg11[%dma_start3A_41, %dma_start3A_42] : memref<632x32xf32, #tpu.memory_space<vmem>> -> memref<520x32xf32, #tpu.memory_space<vmem>>
          tpu.enqueue_dma source(%dma_start3A_43 : memref<520x32xf32, #tpu.memory_space<vmem>>) target(%dma_start3A_40 : memref<520x32xf32, #tpu.memory_space<vmem_shared>>) target_semaphore(%run_scoped3A : memref<!tpu.dma_semaphore, #tpu.memory_space<semaphore_mem>>)
          %dma_wait3A = arith.constant 0 : i32
          %dma_wait3A_44 = arith.constant 0 : i32
          %dma_wait3A_45 = tpu.memref_slice %arg11[%dma_wait3A, %dma_wait3A_44] : memref<632x32xf32, #tpu.memory_space<vmem>> -> memref<520x32xf32, #tpu.memory_space<vmem>>
          %dma_wait3A_46 = arith.constant 9480 : i32
          %dma_wait3A_47 = arith.constant 0 : i32
          %dma_wait3A_48 = tpu.memref_slice %arg12[%dma_wait3A_46, %dma_wait3A_47] : memref<10016x32xf32, #tpu.memory_space<vmem_shared>> -> memref<520x32xf32, #tpu.memory_space<vmem_shared>>
          %dma_wait3A_49 = arith.constant 9480 : i32
          %dma_wait3A_50 = arith.constant 0 : i32
          %dma_wait3A_51 = tpu.memref_slice %arg12[%dma_wait3A_49, %dma_wait3A_50] : memref<10016x32xf32, #tpu.memory_space<vmem_shared>> -> memref<520x32xf32, #tpu.memory_space<vmem_shared>>
          %dma_wait3A_52 = arith.constant 0 : i32
          %dma_wait3A_53 = arith.constant 0 : i32
          %dma_wait3A_54 = tpu.memref_slice %arg11[%dma_wait3A_52, %dma_wait3A_53] : memref<632x32xf32, #tpu.memory_space<vmem>> -> memref<520x32xf32, #tpu.memory_space<vmem>>
          tpu.wait_dma2 semaphore(%run_scoped3A : memref<!tpu.dma_semaphore, #tpu.memory_space<semaphore_mem>>) src(%dma_wait3A_54 : memref<520x32xf32, #tpu.memory_space<vmem>>) dst(%dma_wait3A_51 : memref<520x32xf32, #tpu.memory_space<vmem_shared>>)
          tpu.yield
        }) : () -> ()
      } else {
      }
      %barrier3A = arith.constant 0 : index
      tpu.barrier barrier_id(%barrier3A)
      %mul3A = arith.constant 160 : i32
      %mul3A_16 = arith.muli %arg1, %mul3A : i32
      %scan3A = arith.constant 0 : i32
      %scan3A_17 = arith.constant 0 : i32
      %scan3A_18 = arith.constant 40 : i32
      %scan3A_19 = arith.addi %scan3A_17, %scan3A_18 : i32
      %scan3A_20 = arith.constant 1 : i32
      scf.for %scan3A_33 = %scan3A_17 to %scan3A_19 step %scan3A_20  : i32 {
        %mul3A_34 = arith.constant 4 : i32
        %mul3A_35 = arith.muli %scan3A_33, %mul3A_34 : i32
        %add3A = arith.addi %mul3A_16, %mul3A_35 : i32
        %mul3A_36 = arith.constant 128 : i32
        %mul3A_37 = arith.muli %add3A, %mul3A_36 : i32
        "tpu.region"() ({
          %run_scoped3A_103 = tpu.sem_alloc : memref<!tpu.dma_semaphore, #tpu.memory_space<semaphore_mem>>
          %dma_start3A_104 = tpu.memref_slice %arg4[%mul3A_37] : memref<327680xi32, #tpu.memory_space<hbm>> -> memref<512xi32, #tpu.memory_space<hbm>>
          %dma_start3A_105 = tpu.memref_slice %arg4[%mul3A_37] : memref<327680xi32, #tpu.memory_space<hbm>> -> memref<512xi32, #tpu.memory_space<hbm>>
          tpu.enqueue_dma source(%dma_start3A_105 : memref<512xi32, #tpu.memory_space<hbm>>) target(%arg8 : memref<512xi32, #tpu.memory_space<vmem>>) target_semaphore(%run_scoped3A_103 : memref<!tpu.dma_semaphore, #tpu.memory_space<semaphore_mem>>)
          %dma_wait3A_106 = tpu.memref_slice %arg4[%mul3A_37] : memref<327680xi32, #tpu.memory_space<hbm>> -> memref<512xi32, #tpu.memory_space<hbm>>
          %dma_wait3A_107 = tpu.memref_slice %arg4[%mul3A_37] : memref<327680xi32, #tpu.memory_space<hbm>> -> memref<512xi32, #tpu.memory_space<hbm>>
          tpu.wait_dma2 semaphore(%run_scoped3A_103 : memref<!tpu.dma_semaphore, #tpu.memory_space<semaphore_mem>>) src(%dma_wait3A_107 : memref<512xi32, #tpu.memory_space<hbm>>) dst(%arg8 : memref<512xi32, #tpu.memory_space<vmem>>)
          tpu.yield
        }) : () -> ()
        "tpu.region"() ({
          %run_scoped3A_103 = tpu.sem_alloc : memref<!tpu.dma_semaphore, #tpu.memory_space<semaphore_mem>>
          %dma_start3A_104 = arith.constant 0 : i32
          %dma_start3A_105 = tpu.memref_slice %arg5[%add3A, %dma_start3A_104] : memref<2560x128xi32, #tpu.memory_space<hbm>> -> memref<4x128xi32, #tpu.memory_space<hbm>>
          %dma_start3A_106 = arith.constant 0 : i32
          %dma_start3A_107 = tpu.memref_slice %arg5[%add3A, %dma_start3A_106] : memref<2560x128xi32, #tpu.memory_space<hbm>> -> memref<4x128xi32, #tpu.memory_space<hbm>>
          tpu.enqueue_dma source(%dma_start3A_107 : memref<4x128xi32, #tpu.memory_space<hbm>>) target(%arg9 : memref<4x128xi32, #tpu.memory_space<vmem>>) target_semaphore(%run_scoped3A_103 : memref<!tpu.dma_semaphore, #tpu.memory_space<semaphore_mem>>)
          %dma_wait3A_108 = arith.constant 0 : i32
          %dma_wait3A_109 = tpu.memref_slice %arg5[%add3A, %dma_wait3A_108] : memref<2560x128xi32, #tpu.memory_space<hbm>> -> memref<4x128xi32, #tpu.memory_space<hbm>>
          %dma_wait3A_110 = arith.constant 0 : i32
          %dma_wait3A_111 = tpu.memref_slice %arg5[%add3A, %dma_wait3A_110] : memref<2560x128xi32, #tpu.memory_space<hbm>> -> memref<4x128xi32, #tpu.memory_space<hbm>>
          tpu.wait_dma2 semaphore(%run_scoped3A_103 : memref<!tpu.dma_semaphore, #tpu.memory_space<semaphore_mem>>) src(%dma_wait3A_111 : memref<4x128xi32, #tpu.memory_space<hbm>>) dst(%arg9 : memref<4x128xi32, #tpu.memory_space<vmem>>)
          tpu.yield
        }) : () -> ()
        %dma_start3A = arith.constant 0 : i32
        %dma_start3A_38 = arith.constant 0 : i32
        %dma_start3A_39 = tpu.memref_slice %arg10[%dma_start3A, %dma_start3A_38] : memref<512x32xf32, #tpu.memory_space<vmem>> -> memref<128x32xf32, #tpu.memory_space<vmem>>
        %dma_start3A_40 = arith.constant 0 : i32
        %dma_start3A_41 = tpu.memref_slice %arg8[%dma_start3A_40] : memref<512xi32, #tpu.memory_space<vmem>> -> memref<128xi32, #tpu.memory_space<vmem>>
        %dma_start3A_42 = arith.constant 0 : i32
        %dma_start3A_43 = arith.constant 0 : i32
        %dma_start3A_44 = tpu.memref_slice %arg3[%dma_start3A_42, %dma_start3A_43] : memref<10000x32xf32, #tpu.memory_space<hbm>> -> memref<10000x32xf32, #tpu.memory_space<hbm>>
        tpu.enqueue_indirect_dma source(%dma_start3A_44 : memref<10000x32xf32, #tpu.memory_space<hbm>>) target(%dma_start3A_39 : memref<128x32xf32, #tpu.memory_space<vmem>>) offsets(%dma_start3A_41 : memref<128xi32, #tpu.memory_space<vmem>>) semaphore(%arg13 : memref<!tpu.dma_semaphore, #tpu.memory_space<semaphore_mem>>)
        %dma_start3A_45 = arith.constant 128 : i32
        %dma_start3A_46 = arith.constant 0 : i32
        %dma_start3A_47 = tpu.memref_slice %arg10[%dma_start3A_45, %dma_start3A_46] : memref<512x32xf32, #tpu.memory_space<vmem>> -> memref<128x32xf32, #tpu.memory_space<vmem>>
        %dma_start3A_48 = arith.constant 128 : i32
        %dma_start3A_49 = tpu.memref_slice %arg8[%dma_start3A_48] : memref<512xi32, #tpu.memory_space<vmem>> -> memref<128xi32, #tpu.memory_space<vmem>>
        %dma_start3A_50 = arith.constant 0 : i32
        %dma_start3A_51 = arith.constant 0 : i32
        %dma_start3A_52 = tpu.memref_slice %arg3[%dma_start3A_50, %dma_start3A_51] : memref<10000x32xf32, #tpu.memory_space<hbm>> -> memref<10000x32xf32, #tpu.memory_space<hbm>>
        tpu.enqueue_indirect_dma source(%dma_start3A_52 : memref<10000x32xf32, #tpu.memory_space<hbm>>) target(%dma_start3A_47 : memref<128x32xf32, #tpu.memory_space<vmem>>) offsets(%dma_start3A_49 : memref<128xi32, #tpu.memory_space<vmem>>) semaphore(%arg13 : memref<!tpu.dma_semaphore, #tpu.memory_space<semaphore_mem>>)
        %dma_start3A_53 = arith.constant 256 : i32
        %dma_start3A_54 = arith.constant 0 : i32
        %dma_start3A_55 = tpu.memref_slice %arg10[%dma_start3A_53, %dma_start3A_54] : memref<512x32xf32, #tpu.memory_space<vmem>> -> memref<128x32xf32, #tpu.memory_space<vmem>>
        %dma_start3A_56 = arith.constant 256 : i32
        %dma_start3A_57 = tpu.memref_slice %arg8[%dma_start3A_56] : memref<512xi32, #tpu.memory_space<vmem>> -> memref<128xi32, #tpu.memory_space<vmem>>
        %dma_start3A_58 = arith.constant 0 : i32
        %dma_start3A_59 = arith.constant 0 : i32
        %dma_start3A_60 = tpu.memref_slice %arg3[%dma_start3A_58, %dma_start3A_59] : memref<10000x32xf32, #tpu.memory_space<hbm>> -> memref<10000x32xf32, #tpu.memory_space<hbm>>
        tpu.enqueue_indirect_dma source(%dma_start3A_60 : memref<10000x32xf32, #tpu.memory_space<hbm>>) target(%dma_start3A_55 : memref<128x32xf32, #tpu.memory_space<vmem>>) offsets(%dma_start3A_57 : memref<128xi32, #tpu.memory_space<vmem>>) semaphore(%arg13 : memref<!tpu.dma_semaphore, #tpu.memory_space<semaphore_mem>>)
        %dma_start3A_61 = arith.constant 384 : i32
        %dma_start3A_62 = arith.constant 0 : i32
        %dma_start3A_63 = tpu.memref_slice %arg10[%dma_start3A_61, %dma_start3A_62] : memref<512x32xf32, #tpu.memory_space<vmem>> -> memref<128x32xf32, #tpu.memory_space<vmem>>
        %dma_start3A_64 = arith.constant 384 : i32
        %dma_start3A_65 = tpu.memref_slice %arg8[%dma_start3A_64] : memref<512xi32, #tpu.memory_space<vmem>> -> memref<128xi32, #tpu.memory_space<vmem>>
        %dma_start3A_66 = arith.constant 0 : i32
        %dma_start3A_67 = arith.constant 0 : i32
        %dma_start3A_68 = tpu.memref_slice %arg3[%dma_start3A_66, %dma_start3A_67] : memref<10000x32xf32, #tpu.memory_space<hbm>> -> memref<10000x32xf32, #tpu.memory_space<hbm>>
        tpu.enqueue_indirect_dma source(%dma_start3A_68 : memref<10000x32xf32, #tpu.memory_space<hbm>>) target(%dma_start3A_63 : memref<128x32xf32, #tpu.memory_space<vmem>>) offsets(%dma_start3A_65 : memref<128xi32, #tpu.memory_space<vmem>>) semaphore(%arg13 : memref<!tpu.dma_semaphore, #tpu.memory_space<semaphore_mem>>)
        %dma_wait3A = arith.constant 0 : i32
        %dma_wait3A_69 = arith.constant 0 : i32
        %dma_wait3A_70 = tpu.memref_slice %arg10[%dma_wait3A, %dma_wait3A_69] : memref<512x32xf32, #tpu.memory_space<vmem>> -> memref<128x32xf32, #tpu.memory_space<vmem>>
        %dma_wait3A_71 = arith.constant 0 : i32
        %dma_wait3A_72 = tpu.memref_slice %arg8[%dma_wait3A_71] : memref<512xi32, #tpu.memory_space<vmem>> -> memref<128xi32, #tpu.memory_space<vmem>>
        %dma_wait3A_73 = arith.constant 0 : i32
        %dma_wait3A_74 = arith.constant 0 : i32
        %dma_wait3A_75 = tpu.memref_slice %arg3[%dma_wait3A_73, %dma_wait3A_74] : memref<10000x32xf32, #tpu.memory_space<hbm>> -> memref<10000x32xf32, #tpu.memory_space<hbm>>
        tpu.wait_indirect_dma semaphore(%arg13 : memref<!tpu.dma_semaphore, #tpu.memory_space<semaphore_mem>>) src(%dma_wait3A_75 : memref<10000x32xf32, #tpu.memory_space<hbm>>) dst(%dma_wait3A_70 : memref<128x32xf32, #tpu.memory_space<vmem>>)
        %dma_wait3A_76 = arith.constant 128 : i32
        %dma_wait3A_77 = arith.constant 0 : i32
        %dma_wait3A_78 = tpu.memref_slice %arg10[%dma_wait3A_76, %dma_wait3A_77] : memref<512x32xf32, #tpu.memory_space<vmem>> -> memref<128x32xf32, #tpu.memory_space<vmem>>
        %dma_wait3A_79 = arith.constant 128 : i32
        %dma_wait3A_80 = tpu.memref_slice %arg8[%dma_wait3A_79] : memref<512xi32, #tpu.memory_space<vmem>> -> memref<128xi32, #tpu.memory_space<vmem>>
        %dma_wait3A_81 = arith.constant 0 : i32
        %dma_wait3A_82 = arith.constant 0 : i32
        %dma_wait3A_83 = tpu.memref_slice %arg3[%dma_wait3A_81, %dma_wait3A_82] : memref<10000x32xf32, #tpu.memory_space<hbm>> -> memref<10000x32xf32, #tpu.memory_space<hbm>>
        tpu.wait_indirect_dma semaphore(%arg13 : memref<!tpu.dma_semaphore, #tpu.memory_space<semaphore_mem>>) src(%dma_wait3A_83 : memref<10000x32xf32, #tpu.memory_space<hbm>>) dst(%dma_wait3A_78 : memref<128x32xf32, #tpu.memory_space<vmem>>)
        %dma_wait3A_84 = arith.constant 256 : i32
        %dma_wait3A_85 = arith.constant 0 : i32
        %dma_wait3A_86 = tpu.memref_slice %arg10[%dma_wait3A_84, %dma_wait3A_85] : memref<512x32xf32, #tpu.memory_space<vmem>> -> memref<128x32xf32, #tpu.memory_space<vmem>>
        %dma_wait3A_87 = arith.constant 256 : i32
        %dma_wait3A_88 = tpu.memref_slice %arg8[%dma_wait3A_87] : memref<512xi32, #tpu.memory_space<vmem>> -> memref<128xi32, #tpu.memory_space<vmem>>
        %dma_wait3A_89 = arith.constant 0 : i32
        %dma_wait3A_90 = arith.constant 0 : i32
        %dma_wait3A_91 = tpu.memref_slice %arg3[%dma_wait3A_89, %dma_wait3A_90] : memref<10000x32xf32, #tpu.memory_space<hbm>> -> memref<10000x32xf32, #tpu.memory_space<hbm>>
        tpu.wait_indirect_dma semaphore(%arg13 : memref<!tpu.dma_semaphore, #tpu.memory_space<semaphore_mem>>) src(%dma_wait3A_91 : memref<10000x32xf32, #tpu.memory_space<hbm>>) dst(%dma_wait3A_86 : memref<128x32xf32, #tpu.memory_space<vmem>>)
        %dma_wait3A_92 = arith.constant 384 : i32
        %dma_wait3A_93 = arith.constant 0 : i32
        %dma_wait3A_94 = tpu.memref_slice %arg10[%dma_wait3A_92, %dma_wait3A_93] : memref<512x32xf32, #tpu.memory_space<vmem>> -> memref<128x32xf32, #tpu.memory_space<vmem>>
        %dma_wait3A_95 = arith.constant 384 : i32
        %dma_wait3A_96 = tpu.memref_slice %arg8[%dma_wait3A_95] : memref<512xi32, #tpu.memory_space<vmem>> -> memref<128xi32, #tpu.memory_space<vmem>>
        %dma_wait3A_97 = arith.constant 0 : i32
        %dma_wait3A_98 = arith.constant 0 : i32
        %dma_wait3A_99 = tpu.memref_slice %arg3[%dma_wait3A_97, %dma_wait3A_98] : memref<10000x32xf32, #tpu.memory_space<hbm>> -> memref<10000x32xf32, #tpu.memory_space<hbm>>
        tpu.wait_indirect_dma semaphore(%arg13 : memref<!tpu.dma_semaphore, #tpu.memory_space<semaphore_mem>>) src(%dma_wait3A_99 : memref<10000x32xf32, #tpu.memory_space<hbm>>) dst(%dma_wait3A_94 : memref<128x32xf32, #tpu.memory_space<vmem>>)
        %run_scoped3A = arith.constant 0 : i32
        "tpu.region"() ({
          %run_scoped3A_103 = tpu.sem_alloc : memref<!tpu.dma_semaphore, #tpu.memory_space<semaphore_mem>>
          %dma_start3A_104 = arith.constant 0 : i32
          %dma_start3A_105 = arith.constant 0 : i32
          %dma_start3A_106 = tpu.memref_slice %arg10[%dma_start3A_104, %dma_start3A_105] : memref<512x32xf32, #tpu.memory_space<vmem>> -> memref<128x32xf32, #tpu.memory_space<vmem>>
          %dma_start3A_107 = arith.constant 0 : i32
          %dma_start3A_108 = tpu.memref_slice %arg9[%run_scoped3A, %dma_start3A_107] : memref<4x128xi32, #tpu.memory_space<vmem>> -> memref<1x128xi32, #tpu.memory_space<vmem>>
          %dma_start3A_109 = tpu.memref_squeeze %dma_start3A_108 : memref<1x128xi32, #tpu.memory_space<vmem>> -> memref<128xi32, #tpu.memory_space<vmem>>
          %dma_start3A_110 = arith.constant 0 : i32
          %dma_start3A_111 = arith.constant 0 : i32
          %dma_start3A_112 = tpu.memref_slice %arg12[%dma_start3A_110, %dma_start3A_111] : memref<10016x32xf32, #tpu.memory_space<vmem_shared>> -> memref<10016x32xf32, #tpu.memory_space<vmem_shared>>
          tpu.enqueue_indirect_dma source(%dma_start3A_106 : memref<128x32xf32, #tpu.memory_space<vmem>>) target(%dma_start3A_112 : memref<10016x32xf32, #tpu.memory_space<vmem_shared>>) offsets(%dma_start3A_109 : memref<128xi32, #tpu.memory_space<vmem>>) semaphore(%run_scoped3A_103 : memref<!tpu.dma_semaphore, #tpu.memory_space<semaphore_mem>>) {add = true}
          %dma_wait3A_113 = arith.constant 0 : i32
          %dma_wait3A_114 = arith.constant 0 : i32
          %dma_wait3A_115 = tpu.memref_slice %arg10[%dma_wait3A_113, %dma_wait3A_114] : memref<512x32xf32, #tpu.memory_space<vmem>> -> memref<128x32xf32, #tpu.memory_space<vmem>>
          %dma_wait3A_116 = arith.constant 0 : i32
          %dma_wait3A_117 = tpu.memref_slice %arg9[%run_scoped3A, %dma_wait3A_116] : memref<4x128xi32, #tpu.memory_space<vmem>> -> memref<1x128xi32, #tpu.memory_space<vmem>>
          %dma_wait3A_118 = tpu.memref_squeeze %dma_wait3A_117 : memref<1x128xi32, #tpu.memory_space<vmem>> -> memref<128xi32, #tpu.memory_space<vmem>>
          %dma_wait3A_119 = arith.constant 0 : i32
          %dma_wait3A_120 = arith.constant 0 : i32
          %dma_wait3A_121 = tpu.memref_slice %arg12[%dma_wait3A_119, %dma_wait3A_120] : memref<10016x32xf32, #tpu.memory_space<vmem_shared>> -> memref<10016x32xf32, #tpu.memory_space<vmem_shared>>
          tpu.wait_indirect_dma semaphore(%run_scoped3A_103 : memref<!tpu.dma_semaphore, #tpu.memory_space<semaphore_mem>>) src(%dma_wait3A_115 : memref<128x32xf32, #tpu.memory_space<vmem>>) dst(%dma_wait3A_121 : memref<10016x32xf32, #tpu.memory_space<vmem_shared>>)
          tpu.yield
        }) : () -> ()
        %run_scoped3A_100 = arith.constant 1 : i32
        "tpu.region"() ({
          %run_scoped3A_103 = tpu.sem_alloc : memref<!tpu.dma_semaphore, #tpu.memory_space<semaphore_mem>>
          %dma_start3A_104 = arith.constant 128 : i32
          %dma_start3A_105 = arith.constant 0 : i32
          %dma_start3A_106 = tpu.memref_slice %arg10[%dma_start3A_104, %dma_start3A_105] : memref<512x32xf32, #tpu.memory_space<vmem>> -> memref<128x32xf32, #tpu.memory_space<vmem>>
          %dma_start3A_107 = arith.constant 0 : i32
          %dma_start3A_108 = tpu.memref_slice %arg9[%run_scoped3A_100, %dma_start3A_107] : memref<4x128xi32, #tpu.memory_space<vmem>> -> memref<1x128xi32, #tpu.memory_space<vmem>>
          %dma_start3A_109 = tpu.memref_squeeze %dma_start3A_108 : memref<1x128xi32, #tpu.memory_space<vmem>> -> memref<128xi32, #tpu.memory_space<vmem>>
          %dma_start3A_110 = arith.constant 0 : i32
          %dma_start3A_111 = arith.constant 0 : i32
          %dma_start3A_112 = tpu.memref_slice %arg12[%dma_start3A_110, %dma_start3A_111] : memref<10016x32xf32, #tpu.memory_space<vmem_shared>> -> memref<10016x32xf32, #tpu.memory_space<vmem_shared>>
          tpu.enqueue_indirect_dma source(%dma_start3A_106 : memref<128x32xf32, #tpu.memory_space<vmem>>) target(%dma_start3A_112 : memref<10016x32xf32, #tpu.memory_space<vmem_shared>>) offsets(%dma_start3A_109 : memref<128xi32, #tpu.memory_space<vmem>>) semaphore(%run_scoped3A_103 : memref<!tpu.dma_semaphore, #tpu.memory_space<semaphore_mem>>) {add = true}
          %dma_wait3A_113 = arith.constant 128 : i32
          %dma_wait3A_114 = arith.constant 0 : i32
          %dma_wait3A_115 = tpu.memref_slice %arg10[%dma_wait3A_113, %dma_wait3A_114] : memref<512x32xf32, #tpu.memory_space<vmem>> -> memref<128x32xf32, #tpu.memory_space<vmem>>
          %dma_wait3A_116 = arith.constant 0 : i32
          %dma_wait3A_117 = tpu.memref_slice %arg9[%run_scoped3A_100, %dma_wait3A_116] : memref<4x128xi32, #tpu.memory_space<vmem>> -> memref<1x128xi32, #tpu.memory_space<vmem>>
          %dma_wait3A_118 = tpu.memref_squeeze %dma_wait3A_117 : memref<1x128xi32, #tpu.memory_space<vmem>> -> memref<128xi32, #tpu.memory_space<vmem>>
          %dma_wait3A_119 = arith.constant 0 : i32
          %dma_wait3A_120 = arith.constant 0 : i32
          %dma_wait3A_121 = tpu.memref_slice %arg12[%dma_wait3A_119, %dma_wait3A_120] : memref<10016x32xf32, #tpu.memory_space<vmem_shared>> -> memref<10016x32xf32, #tpu.memory_space<vmem_shared>>
          tpu.wait_indirect_dma semaphore(%run_scoped3A_103 : memref<!tpu.dma_semaphore, #tpu.memory_space<semaphore_mem>>) src(%dma_wait3A_115 : memref<128x32xf32, #tpu.memory_space<vmem>>) dst(%dma_wait3A_121 : memref<10016x32xf32, #tpu.memory_space<vmem_shared>>)
          tpu.yield
        }) : () -> ()
        %run_scoped3A_101 = arith.constant 2 : i32
        "tpu.region"() ({
          %run_scoped3A_103 = tpu.sem_alloc : memref<!tpu.dma_semaphore, #tpu.memory_space<semaphore_mem>>
          %dma_start3A_104 = arith.constant 256 : i32
          %dma_start3A_105 = arith.constant 0 : i32
          %dma_start3A_106 = tpu.memref_slice %arg10[%dma_start3A_104, %dma_start3A_105] : memref<512x32xf32, #tpu.memory_space<vmem>> -> memref<128x32xf32, #tpu.memory_space<vmem>>
          %dma_start3A_107 = arith.constant 0 : i32
          %dma_start3A_108 = tpu.memref_slice %arg9[%run_scoped3A_101, %dma_start3A_107] : memref<4x128xi32, #tpu.memory_space<vmem>> -> memref<1x128xi32, #tpu.memory_space<vmem>>
          %dma_start3A_109 = tpu.memref_squeeze %dma_start3A_108 : memref<1x128xi32, #tpu.memory_space<vmem>> -> memref<128xi32, #tpu.memory_space<vmem>>
          %dma_start3A_110 = arith.constant 0 : i32
          %dma_start3A_111 = arith.constant 0 : i32
          %dma_start3A_112 = tpu.memref_slice %arg12[%dma_start3A_110, %dma_start3A_111] : memref<10016x32xf32, #tpu.memory_space<vmem_shared>> -> memref<10016x32xf32, #tpu.memory_space<vmem_shared>>
          tpu.enqueue_indirect_dma source(%dma_start3A_106 : memref<128x32xf32, #tpu.memory_space<vmem>>) target(%dma_start3A_112 : memref<10016x32xf32, #tpu.memory_space<vmem_shared>>) offsets(%dma_start3A_109 : memref<128xi32, #tpu.memory_space<vmem>>) semaphore(%run_scoped3A_103 : memref<!tpu.dma_semaphore, #tpu.memory_space<semaphore_mem>>) {add = true}
          %dma_wait3A_113 = arith.constant 256 : i32
          %dma_wait3A_114 = arith.constant 0 : i32
          %dma_wait3A_115 = tpu.memref_slice %arg10[%dma_wait3A_113, %dma_wait3A_114] : memref<512x32xf32, #tpu.memory_space<vmem>> -> memref<128x32xf32, #tpu.memory_space<vmem>>
          %dma_wait3A_116 = arith.constant 0 : i32
          %dma_wait3A_117 = tpu.memref_slice %arg9[%run_scoped3A_101, %dma_wait3A_116] : memref<4x128xi32, #tpu.memory_space<vmem>> -> memref<1x128xi32, #tpu.memory_space<vmem>>
          %dma_wait3A_118 = tpu.memref_squeeze %dma_wait3A_117 : memref<1x128xi32, #tpu.memory_space<vmem>> -> memref<128xi32, #tpu.memory_space<vmem>>
          %dma_wait3A_119 = arith.constant 0 : i32
          %dma_wait3A_120 = arith.constant 0 : i32
          %dma_wait3A_121 = tpu.memref_slice %arg12[%dma_wait3A_119, %dma_wait3A_120] : memref<10016x32xf32, #tpu.memory_space<vmem_shared>> -> memref<10016x32xf32, #tpu.memory_space<vmem_shared>>
          tpu.wait_indirect_dma semaphore(%run_scoped3A_103 : memref<!tpu.dma_semaphore, #tpu.memory_space<semaphore_mem>>) src(%dma_wait3A_115 : memref<128x32xf32, #tpu.memory_space<vmem>>) dst(%dma_wait3A_121 : memref<10016x32xf32, #tpu.memory_space<vmem_shared>>)
          tpu.yield
        }) : () -> ()
        %run_scoped3A_102 = arith.constant 3 : i32
        "tpu.region"() ({
          %run_scoped3A_103 = tpu.sem_alloc : memref<!tpu.dma_semaphore, #tpu.memory_space<semaphore_mem>>
          %dma_start3A_104 = arith.constant 384 : i32
          %dma_start3A_105 = arith.constant 0 : i32
          %dma_start3A_106 = tpu.memref_slice %arg10[%dma_start3A_104, %dma_start3A_105] : memref<512x32xf32, #tpu.memory_space<vmem>> -> memref<128x32xf32, #tpu.memory_space<vmem>>
          %dma_start3A_107 = arith.constant 0 : i32
          %dma_start3A_108 = tpu.memref_slice %arg9[%run_scoped3A_102, %dma_start3A_107] : memref<4x128xi32, #tpu.memory_space<vmem>> -> memref<1x128xi32, #tpu.memory_space<vmem>>
          %dma_start3A_109 = tpu.memref_squeeze %dma_start3A_108 : memref<1x128xi32, #tpu.memory_space<vmem>> -> memref<128xi32, #tpu.memory_space<vmem>>
          %dma_start3A_110 = arith.constant 0 : i32
          %dma_start3A_111 = arith.constant 0 : i32
          %dma_start3A_112 = tpu.memref_slice %arg12[%dma_start3A_110, %dma_start3A_111] : memref<10016x32xf32, #tpu.memory_space<vmem_shared>> -> memref<10016x32xf32, #tpu.memory_space<vmem_shared>>
          tpu.enqueue_indirect_dma source(%dma_start3A_106 : memref<128x32xf32, #tpu.memory_space<vmem>>) target(%dma_start3A_112 : memref<10016x32xf32, #tpu.memory_space<vmem_shared>>) offsets(%dma_start3A_109 : memref<128xi32, #tpu.memory_space<vmem>>) semaphore(%run_scoped3A_103 : memref<!tpu.dma_semaphore, #tpu.memory_space<semaphore_mem>>) {add = true}
          %dma_wait3A_113 = arith.constant 384 : i32
          %dma_wait3A_114 = arith.constant 0 : i32
          %dma_wait3A_115 = tpu.memref_slice %arg10[%dma_wait3A_113, %dma_wait3A_114] : memref<512x32xf32, #tpu.memory_space<vmem>> -> memref<128x32xf32, #tpu.memory_space<vmem>>
          %dma_wait3A_116 = arith.constant 0 : i32
          %dma_wait3A_117 = tpu.memref_slice %arg9[%run_scoped3A_102, %dma_wait3A_116] : memref<4x128xi32, #tpu.memory_space<vmem>> -> memref<1x128xi32, #tpu.memory_space<vmem>>
          %dma_wait3A_118 = tpu.memref_squeeze %dma_wait3A_117 : memref<1x128xi32, #tpu.memory_space<vmem>> -> memref<128xi32, #tpu.memory_space<vmem>>
          %dma_wait3A_119 = arith.constant 0 : i32
          %dma_wait3A_120 = arith.constant 0 : i32
          %dma_wait3A_121 = tpu.memref_slice %arg12[%dma_wait3A_119, %dma_wait3A_120] : memref<10016x32xf32, #tpu.memory_space<vmem_shared>> -> memref<10016x32xf32, #tpu.memory_space<vmem_shared>>
          tpu.wait_indirect_dma semaphore(%run_scoped3A_103 : memref<!tpu.dma_semaphore, #tpu.memory_space<semaphore_mem>>) src(%dma_wait3A_115 : memref<128x32xf32, #tpu.memory_space<vmem>>) dst(%dma_wait3A_121 : memref<10016x32xf32, #tpu.memory_space<vmem_shared>>)
          tpu.yield
        }) : () -> ()
      }
      %scan3A_21 = arith.constant 40 : i32
      %barrier3A_22 = arith.constant 0 : index
      tpu.barrier barrier_id(%barrier3A_22)
      %lt3A_23 = arith.constant 15 : i32
      %lt3A_24 = arith.cmpi slt, %arg1, %lt3A_23 : i32
      %convert_element_type3A_25 = arith.extui %lt3A_24 : i1 to i32
      %cond3A_26 = arith.constant 0 : i32
      %cond3A_27 = arith.cmpi ne, %convert_element_type3A_25, %cond3A_26 : i32
      scf.if %cond3A_27 {
        %mul3A_33 = arith.constant 632 : i32
        %mul3A_34 = arith.muli %arg1, %mul3A_33 : i32
        "tpu.region"() ({
          %run_scoped3A = tpu.sem_alloc : memref<!tpu.dma_semaphore, #tpu.memory_space<semaphore_mem>>
          %dma_start3A = arith.constant 0 : i32
          %dma_start3A_35 = tpu.memref_slice %arg12[%mul3A_34, %dma_start3A] : memref<10016x32xf32, #tpu.memory_space<vmem_shared>> -> memref<632x32xf32, #tpu.memory_space<vmem_shared>>
          %dma_start3A_36 = arith.constant 0 : i32
          %dma_start3A_37 = tpu.memref_slice %arg12[%mul3A_34, %dma_start3A_36] : memref<10016x32xf32, #tpu.memory_space<vmem_shared>> -> memref<632x32xf32, #tpu.memory_space<vmem_shared>>
          tpu.enqueue_dma source(%dma_start3A_37 : memref<632x32xf32, #tpu.memory_space<vmem_shared>>) target(%arg11 : memref<632x32xf32, #tpu.memory_space<vmem>>) target_semaphore(%run_scoped3A : memref<!tpu.dma_semaphore, #tpu.memory_space<semaphore_mem>>)
          %dma_wait3A = arith.constant 0 : i32
          %dma_wait3A_38 = tpu.memref_slice %arg12[%mul3A_34, %dma_wait3A] : memref<10016x32xf32, #tpu.memory_space<vmem_shared>> -> memref<632x32xf32, #tpu.memory_space<vmem_shared>>
          %dma_wait3A_39 = arith.constant 0 : i32
          %dma_wait3A_40 = tpu.memref_slice %arg12[%mul3A_34, %dma_wait3A_39] : memref<10016x32xf32, #tpu.memory_space<vmem_shared>> -> memref<632x32xf32, #tpu.memory_space<vmem_shared>>
          tpu.wait_dma2 semaphore(%run_scoped3A : memref<!tpu.dma_semaphore, #tpu.memory_space<semaphore_mem>>) src(%dma_wait3A_40 : memref<632x32xf32, #tpu.memory_space<vmem_shared>>) dst(%arg11 : memref<632x32xf32, #tpu.memory_space<vmem>>)
          tpu.yield
        }) : () -> ()
        "tpu.region"() ({
          %run_scoped3A = tpu.sem_alloc : memref<!tpu.dma_semaphore, #tpu.memory_space<semaphore_mem>>
          %dma_start3A = arith.constant 0 : i32
          %dma_start3A_35 = tpu.memref_slice %arg7[%mul3A_34, %dma_start3A] : memref<10000x32xf32, #tpu.memory_space<hbm>> -> memref<632x32xf32, #tpu.memory_space<hbm>>
          %dma_start3A_36 = arith.constant 0 : i32
          %dma_start3A_37 = tpu.memref_slice %arg7[%mul3A_34, %dma_start3A_36] : memref<10000x32xf32, #tpu.memory_space<hbm>> -> memref<632x32xf32, #tpu.memory_space<hbm>>
          tpu.enqueue_dma source(%arg11 : memref<632x32xf32, #tpu.memory_space<vmem>>) target(%dma_start3A_37 : memref<632x32xf32, #tpu.memory_space<hbm>>) target_semaphore(%run_scoped3A : memref<!tpu.dma_semaphore, #tpu.memory_space<semaphore_mem>>)
          %dma_wait3A = arith.constant 0 : i32
          %dma_wait3A_38 = tpu.memref_slice %arg7[%mul3A_34, %dma_wait3A] : memref<10000x32xf32, #tpu.memory_space<hbm>> -> memref<632x32xf32, #tpu.memory_space<hbm>>
          %dma_wait3A_39 = arith.constant 0 : i32
          %dma_wait3A_40 = tpu.memref_slice %arg7[%mul3A_34, %dma_wait3A_39] : memref<10000x32xf32, #tpu.memory_space<hbm>> -> memref<632x32xf32, #tpu.memory_space<hbm>>
          tpu.wait_dma2 semaphore(%run_scoped3A : memref<!tpu.dma_semaphore, #tpu.memory_space<semaphore_mem>>) src(%arg11 : memref<632x32xf32, #tpu.memory_space<vmem>>) dst(%dma_wait3A_40 : memref<632x32xf32, #tpu.memory_space<hbm>>)
          tpu.yield
        }) : () -> ()
      } else {
      }
      %eq3A_28 = arith.constant 15 : i32
      %eq3A_29 = arith.cmpi eq, %arg1, %eq3A_28 : i32
      %convert_element_type3A_30 = arith.extui %eq3A_29 : i1 to i32
      %cond3A_31 = arith.constant 0 : i32
      %cond3A_32 = arith.cmpi ne, %convert_element_type3A_30, %cond3A_31 : i32
      scf.if %cond3A_32 {
        "tpu.region"() ({
          %run_scoped3A = tpu.sem_alloc : memref<!tpu.dma_semaphore, #tpu.memory_space<semaphore_mem>>
          %dma_start3A = arith.constant 0 : i32
          %dma_start3A_33 = arith.constant 0 : i32
          %dma_start3A_34 = tpu.memref_slice %arg11[%dma_start3A, %dma_start3A_33] : memref<632x32xf32, #tpu.memory_space<vmem>> -> memref<520x32xf32, #tpu.memory_space<vmem>>
          %dma_start3A_35 = arith.constant 9480 : i32
          %dma_start3A_36 = arith.constant 0 : i32
          %dma_start3A_37 = tpu.memref_slice %arg12[%dma_start3A_35, %dma_start3A_36] : memref<10016x32xf32, #tpu.memory_space<vmem_shared>> -> memref<520x32xf32, #tpu.memory_space<vmem_shared>>
          %dma_start3A_38 = arith.constant 0 : i32
          %dma_start3A_39 = arith.constant 0 : i32
          %dma_start3A_40 = tpu.memref_slice %arg11[%dma_start3A_38, %dma_start3A_39] : memref<632x32xf32, #tpu.memory_space<vmem>> -> memref<520x32xf32, #tpu.memory_space<vmem>>
          %dma_start3A_41 = arith.constant 9480 : i32
          %dma_start3A_42 = arith.constant 0 : i32
          %dma_start3A_43 = tpu.memref_slice %arg12[%dma_start3A_41, %dma_start3A_42] : memref<10016x32xf32, #tpu.memory_space<vmem_shared>> -> memref<520x32xf32, #tpu.memory_space<vmem_shared>>
          tpu.enqueue_dma source(%dma_start3A_43 : memref<520x32xf32, #tpu.memory_space<vmem_shared>>) target(%dma_start3A_40 : memref<520x32xf32, #tpu.memory_space<vmem>>) target_semaphore(%run_scoped3A : memref<!tpu.dma_semaphore, #tpu.memory_space<semaphore_mem>>)
          %dma_wait3A = arith.constant 0 : i32
          %dma_wait3A_44 = arith.constant 0 : i32
          %dma_wait3A_45 = tpu.memref_slice %arg11[%dma_wait3A, %dma_wait3A_44] : memref<632x32xf32, #tpu.memory_space<vmem>> -> memref<520x32xf32, #tpu.memory_space<vmem>>
          %dma_wait3A_46 = arith.constant 9480 : i32
          %dma_wait3A_47 = arith.constant 0 : i32
          %dma_wait3A_48 = tpu.memref_slice %arg12[%dma_wait3A_46, %dma_wait3A_47] : memref<10016x32xf32, #tpu.memory_space<vmem_shared>> -> memref<520x32xf32, #tpu.memory_space<vmem_shared>>
          %dma_wait3A_49 = arith.constant 0 : i32
          %dma_wait3A_50 = arith.constant 0 : i32
          %dma_wait3A_51 = tpu.memref_slice %arg11[%dma_wait3A_49, %dma_wait3A_50] : memref<632x32xf32, #tpu.memory_space<vmem>> -> memref<520x32xf32, #tpu.memory_space<vmem>>
          %dma_wait3A_52 = arith.constant 9480 : i32
          %dma_wait3A_53 = arith.constant 0 : i32
          %dma_wait3A_54 = tpu.memref_slice %arg12[%dma_wait3A_52, %dma_wait3A_53] : memref<10016x32xf32, #tpu.memory_space<vmem_shared>> -> memref<520x32xf32, #tpu.memory_space<vmem_shared>>
          tpu.wait_dma2 semaphore(%run_scoped3A : memref<!tpu.dma_semaphore, #tpu.memory_space<semaphore_mem>>) src(%dma_wait3A_54 : memref<520x32xf32, #tpu.memory_space<vmem_shared>>) dst(%dma_wait3A_51 : memref<520x32xf32, #tpu.memory_space<vmem>>)
          tpu.yield
        }) : () -> ()
        "tpu.region"() ({
          %run_scoped3A = tpu.sem_alloc : memref<!tpu.dma_semaphore, #tpu.memory_space<semaphore_mem>>
          %dma_start3A = arith.constant 0 : i32
          %dma_start3A_33 = arith.constant 0 : i32
          %dma_start3A_34 = tpu.memref_slice %arg11[%dma_start3A, %dma_start3A_33] : memref<632x32xf32, #tpu.memory_space<vmem>> -> memref<520x32xf32, #tpu.memory_space<vmem>>
          %dma_start3A_35 = arith.constant 9480 : i32
          %dma_start3A_36 = arith.constant 0 : i32
          %dma_start3A_37 = tpu.memref_slice %arg7[%dma_start3A_35, %dma_start3A_36] : memref<10000x32xf32, #tpu.memory_space<hbm>> -> memref<520x32xf32, #tpu.memory_space<hbm>>
          %dma_start3A_38 = arith.constant 9480 : i32
          %dma_start3A_39 = arith.constant 0 : i32
          %dma_start3A_40 = tpu.memref_slice %arg7[%dma_start3A_38, %dma_start3A_39] : memref<10000x32xf32, #tpu.memory_space<hbm>> -> memref<520x32xf32, #tpu.memory_space<hbm>>
          %dma_start3A_41 = arith.constant 0 : i32
          %dma_start3A_42 = arith.constant 0 : i32
          %dma_start3A_43 = tpu.memref_slice %arg11[%dma_start3A_41, %dma_start3A_42] : memref<632x32xf32, #tpu.memory_space<vmem>> -> memref<520x32xf32, #tpu.memory_space<vmem>>
          tpu.enqueue_dma source(%dma_start3A_43 : memref<520x32xf32, #tpu.memory_space<vmem>>) target(%dma_start3A_40 : memref<520x32xf32, #tpu.memory_space<hbm>>) target_semaphore(%run_scoped3A : memref<!tpu.dma_semaphore, #tpu.memory_space<semaphore_mem>>)
          %dma_wait3A = arith.constant 0 : i32
          %dma_wait3A_44 = arith.constant 0 : i32
          %dma_wait3A_45 = tpu.memref_slice %arg11[%dma_wait3A, %dma_wait3A_44] : memref<632x32xf32, #tpu.memory_space<vmem>> -> memref<520x32xf32, #tpu.memory_space<vmem>>
          %dma_wait3A_46 = arith.constant 9480 : i32
          %dma_wait3A_47 = arith.constant 0 : i32
          %dma_wait3A_48 = tpu.memref_slice %arg7[%dma_wait3A_46, %dma_wait3A_47] : memref<10000x32xf32, #tpu.memory_space<hbm>> -> memref<520x32xf32, #tpu.memory_space<hbm>>
          %dma_wait3A_49 = arith.constant 9480 : i32
          %dma_wait3A_50 = arith.constant 0 : i32
          %dma_wait3A_51 = tpu.memref_slice %arg7[%dma_wait3A_49, %dma_wait3A_50] : memref<10000x32xf32, #tpu.memory_space<hbm>> -> memref<520x32xf32, #tpu.memory_space<hbm>>
          %dma_wait3A_52 = arith.constant 0 : i32
          %dma_wait3A_53 = arith.constant 0 : i32
          %dma_wait3A_54 = tpu.memref_slice %arg11[%dma_wait3A_52, %dma_wait3A_53] : memref<632x32xf32, #tpu.memory_space<vmem>> -> memref<520x32xf32, #tpu.memory_space<vmem>>
          tpu.wait_dma2 semaphore(%run_scoped3A : memref<!tpu.dma_semaphore, #tpu.memory_space<semaphore_mem>>) src(%dma_wait3A_54 : memref<520x32xf32, #tpu.memory_space<vmem>>) dst(%dma_wait3A_51 : memref<520x32xf32, #tpu.memory_space<hbm>>)
          tpu.yield
        }) : () -> ()
      } else {
      }
    } else {
    }
    return
  }
}

module attributes {stable_mosaic.version = 14 : i64} {
  func.func @_prep_body(%arg0: i32, %arg1: memref<2000x1xf32, #tpu.memory_space<vmem>>, %arg2: memref<2000x1xf32, #tpu.memory_space<vmem>>, %arg3: memref<2000x128xf32, #tpu.memory_space<vmem>>, %arg4: memref<128x32xf32, #tpu.memory_space<vmem>>, %arg5: memref<128x32xf32, #tpu.memory_space<vmem>>, %arg6: memref<2000x1xf32, #tpu.memory_space<vmem>>, %arg7: memref<2000x32xf32, #tpu.memory_space<vmem>>, %arg8: memref<2000x32xf32, #tpu.memory_space<vmem>>) attributes {dimension_semantics = [#tpu.dimension_semantics<arbitrary>], iteration_bounds = array<i64: 5>, scalar_prefetch = 0 : i64, scratch_operands = 0 : i64, tpu.core_type = #tpu.core_type<tc>, window_params = [{transform_indices = @transform_0, window_bounds = array<i64: 2000, 1>}, {transform_indices = @transform_1, window_bounds = array<i64: 2000, 1>}, {transform_indices = @transform_2, window_bounds = array<i64: 2000, 128>}, {pipeline_mode = #tpu.pipeline_mode<synchronous>, transform_indices = @transform_3, window_bounds = array<i64: 128, 32>}, {pipeline_mode = #tpu.pipeline_mode<synchronous>, transform_indices = @transform_4, window_bounds = array<i64: 128, 32>}, {transform_indices = @transform_5, window_bounds = array<i64: 2000, 1>}, {transform_indices = @transform_6, window_bounds = array<i64: 2000, 32>}, {transform_indices = @transform_7, window_bounds = array<i64: 2000, 32>}]} {
    %get3A = arith.constant 0 : index
    %get3A_0 = arith.constant 0 : index
    %get3A_1 = vector.load %arg1[%get3A, %get3A_0] : memref<2000x1xf32, #tpu.memory_space<vmem>>, vector<2000x1xf32>
    %get3A_2 = arith.constant 0 : index
    %get3A_3 = arith.constant 0 : index
    %get3A_4 = vector.load %arg2[%get3A_2, %get3A_3] : memref<2000x1xf32, #tpu.memory_space<vmem>>, vector<2000x1xf32>
    %add3A = arith.addf %get3A_1, %get3A_4 : vector<2000x1xf32>
    %add3A_5 = arith.constant 1.000000e+00 : f32
    %add3A_6 = vector.broadcast %add3A_5 : f32 to vector<2000x1xf32>
    %add3A_7 = arith.addf %add3A, %add3A_6 : vector<2000x1xf32>
    %rsqrt3A = math.rsqrt %add3A_7 : vector<2000x1xf32>
    %swap3A = arith.constant 0 : index
    %swap3A_8 = arith.constant 0 : index
    %swap3A_9 = vector.load %arg6[%swap3A, %swap3A_8] : memref<2000x1xf32, #tpu.memory_space<vmem>>, vector<2000x1xf32>
    tpu.vector_store %arg6[%swap3A, %swap3A_8], %rsqrt3A {strides = array<i32>} : memref<2000x1xf32, #tpu.memory_space<vmem>>, vector<2000x1xf32>,
    %get3A_10 = arith.constant 0 : index
    %get3A_11 = arith.constant 0 : index
    %get3A_12 = vector.load %arg3[%get3A_10, %get3A_11] : memref<2000x128xf32, #tpu.memory_space<vmem>>, vector<2000x128xf32>
    %get3A_13 = arith.constant 0 : index
    %get3A_14 = arith.constant 0 : index
    %get3A_15 = vector.load %arg4[%get3A_13, %get3A_14] : memref<128x32xf32, #tpu.memory_space<vmem>>, vector<128x32xf32>
    %dot_general3A = arith.constant dense<0.000000e+00> : vector<2000x32xf32>
    %dot_general3A_16 = tpu.matmul %get3A_12, %get3A_15, %dot_general3A {dimension_numbers = #tpu.dot_dimension_numbers<[1], [0], [0], [1], [0, 0, 1, 1], [], []>, transpose_lhs_hint = false} : vector<2000x128xf32>, vector<128x32xf32>, vector<2000x32xf32> -> vector<2000x32xf32>
    %mul3A = vector.broadcast %rsqrt3A : vector<2000x1xf32> to vector<2000x32xf32>
    %mul3A_17 = arith.mulf %mul3A, %dot_general3A_16 : vector<2000x32xf32>
    %swap3A_18 = arith.constant 0 : index
    %swap3A_19 = arith.constant 0 : index
    %swap3A_20 = vector.load %arg7[%swap3A_18, %swap3A_19] : memref<2000x32xf32, #tpu.memory_space<vmem>>, vector<2000x32xf32>
    tpu.vector_store %arg7[%swap3A_18, %swap3A_19], %mul3A_17 {strides = array<i32>} : memref<2000x32xf32, #tpu.memory_space<vmem>>, vector<2000x32xf32>,
    %get3A_21 = arith.constant 0 : index
    %get3A_22 = arith.constant 0 : index
    %get3A_23 = vector.load %arg3[%get3A_21, %get3A_22] : memref<2000x128xf32, #tpu.memory_space<vmem>>, vector<2000x128xf32>
    %get3A_24 = arith.constant 0 : index
    %get3A_25 = arith.constant 0 : index
    %get3A_26 = vector.load %arg5[%get3A_24, %get3A_25] : memref<128x32xf32, #tpu.memory_space<vmem>>, vector<128x32xf32>
    %dot_general3A_27 = arith.constant dense<0.000000e+00> : vector<2000x32xf32>
    %dot_general3A_28 = tpu.matmul %get3A_23, %get3A_26, %dot_general3A_27 {dimension_numbers = #tpu.dot_dimension_numbers<[1], [0], [0], [1], [0, 0, 1, 1], [], []>, transpose_lhs_hint = false} : vector<2000x128xf32>, vector<128x32xf32>, vector<2000x32xf32> -> vector<2000x32xf32>
    %mul3A_29 = vector.broadcast %rsqrt3A : vector<2000x1xf32> to vector<2000x32xf32>
    %mul3A_30 = arith.mulf %mul3A_29, %dot_general3A_28 : vector<2000x32xf32>
    %swap3A_31 = arith.constant 0 : index
    %swap3A_32 = arith.constant 0 : index
    %swap3A_33 = vector.load %arg8[%swap3A_31, %swap3A_32] : memref<2000x32xf32, #tpu.memory_space<vmem>>, vector<2000x32xf32>
    tpu.vector_store %arg8[%swap3A_31, %swap3A_32], %mul3A_30 {strides = array<i32>} : memref<2000x32xf32, #tpu.memory_space<vmem>>, vector<2000x32xf32>,
    return
  }
  func.func @transform_0(%arg0: i32) -> (i32, i32) {
    %c0_i32 = arith.constant 0 : i32
    %c0_i32_0 = arith.constant 0 : i32
    return %arg0, %c0_i32 : i32, i32
  }
  func.func @transform_1(%arg0: i32) -> (i32, i32) {
    %add3A = arith.constant 5 : i32
    %add3A_0 = arith.addi %arg0, %add3A : i32
    %c0_i32 = arith.constant 0 : i32
    %c0_i32_1 = arith.constant 0 : i32
    return %add3A_0, %c0_i32 : i32, i32
  }
  func.func @transform_2(%arg0: i32) -> (i32, i32) {
    %c0_i32 = arith.constant 0 : i32
    %c0_i32_0 = arith.constant 0 : i32
    return %arg0, %c0_i32 : i32, i32
  }
  func.func @transform_3(%arg0: i32) -> (i32, i32) {
    %c0_i32 = arith.constant 0 : i32
    %c0_i32_0 = arith.constant 0 : i32
    %c0_i32_1 = arith.constant 0 : i32
    return %c0_i32, %c0_i32_0 : i32, i32
  }
  func.func @transform_4(%arg0: i32) -> (i32, i32) {
    %c0_i32 = arith.constant 0 : i32
    %c0_i32_0 = arith.constant 0 : i32
    %c0_i32_1 = arith.constant 0 : i32
    return %c0_i32, %c0_i32_0 : i32, i32
  }
  func.func @transform_5(%arg0: i32) -> (i32, i32) {
    %c0_i32 = arith.constant 0 : i32
    %c0_i32_0 = arith.constant 0 : i32
    return %arg0, %c0_i32 : i32, i32
  }
  func.func @transform_6(%arg0: i32) -> (i32, i32) {
    %c0_i32 = arith.constant 0 : i32
    %c0_i32_0 = arith.constant 0 : i32
    return %arg0, %c0_i32 : i32, i32
  }
  func.func @transform_7(%arg0: i32) -> (i32, i32) {
    %c0_i32 = arith.constant 0 : i32
    %c0_i32_0 = arith.constant 0 : i32
    return %arg0, %c0_i32 : i32, i32
  }
}

module attributes {stable_mosaic.version = 14 : i64} {
  func.func @_mid_body(%arg0: i32, %arg1: memref<2000x32xf32, #tpu.memory_space<vmem>>, %arg2: memref<2000x32xf32, #tpu.memory_space<vmem>>, %arg3: memref<2000x1xf32, #tpu.memory_space<vmem>>, %arg4: memref<1x64xf32, #tpu.memory_space<vmem>>, %arg5: memref<64x64xf32, #tpu.memory_space<vmem>>, %arg6: memref<64x64xf32, #tpu.memory_space<vmem>>, %arg7: memref<2000x64xf32, #tpu.memory_space<vmem>>, %arg8: memref<2000x64xf32, #tpu.memory_space<vmem>>) attributes {dimension_semantics = [#tpu.dimension_semantics<arbitrary>], iteration_bounds = array<i64: 5>, scalar_prefetch = 0 : i64, scratch_operands = 0 : i64, tpu.core_type = #tpu.core_type<tc>, window_params = [{transform_indices = @transform_0, window_bounds = array<i64: 2000, 32>}, {transform_indices = @transform_1, window_bounds = array<i64: 2000, 32>}, {transform_indices = @transform_2, window_bounds = array<i64: 2000, 1>}, {pipeline_mode = #tpu.pipeline_mode<synchronous>, transform_indices = @transform_3, window_bounds = array<i64: 1, 64>}, {pipeline_mode = #tpu.pipeline_mode<synchronous>, transform_indices = @transform_4, window_bounds = array<i64: 64, 64>}, {pipeline_mode = #tpu.pipeline_mode<synchronous>, transform_indices = @transform_5, window_bounds = array<i64: 64, 64>}, {transform_indices = @transform_6, window_bounds = array<i64: 2000, 64>}, {transform_indices = @transform_7, window_bounds = array<i64: 2000, 64>}]} {
    %get3A = arith.constant 0 : index
    %get3A_0 = arith.constant 0 : index
    %get3A_1 = vector.load %arg3[%get3A, %get3A_0] : memref<2000x1xf32, #tpu.memory_space<vmem>>, vector<2000x1xf32>
    %get3A_2 = arith.constant 0 : index
    %get3A_3 = arith.constant 0 : index
    %get3A_4 = vector.load %arg1[%get3A_2, %get3A_3] : memref<2000x32xf32, #tpu.memory_space<vmem>>, vector<2000x32xf32>
    %get3A_5 = arith.constant 0 : index
    %get3A_6 = arith.constant 0 : index
    %get3A_7 = vector.load %arg2[%get3A_5, %get3A_6] : memref<2000x32xf32, #tpu.memory_space<vmem>>, vector<2000x32xf32>
    %concatenate3A = tpu.concatenate %get3A_4, %get3A_7 in 1 : vector<2000x32xf32>, vector<2000x32xf32> -> vector<2000x64xf32>
    %mul3A = vector.broadcast %get3A_1 : vector<2000x1xf32> to vector<2000x64xf32>
    %mul3A_8 = arith.mulf %mul3A, %concatenate3A : vector<2000x64xf32>
    %get3A_9 = arith.constant 0 : index
    %get3A_10 = arith.constant 0 : index
    %get3A_11 = vector.load %arg4[%get3A_9, %get3A_10] : memref<1x64xf32, #tpu.memory_space<vmem>>, vector<1x64xf32>
    %add3A = vector.broadcast %get3A_11 : vector<1x64xf32> to vector<2000x64xf32>
    %add3A_12 = arith.addf %mul3A_8, %add3A : vector<2000x64xf32>
    %max3A = arith.constant 0.000000e+00 : f32
    %max3A_13 = vector.broadcast %max3A : f32 to vector<2000x64xf32>
    %max3A_14 = arith.maximumf %add3A_12, %max3A_13 : vector<2000x64xf32>
    %get3A_15 = arith.constant 0 : index
    %get3A_16 = arith.constant 0 : index
    %get3A_17 = vector.load %arg5[%get3A_15, %get3A_16] : memref<64x64xf32, #tpu.memory_space<vmem>>, vector<64x64xf32>
    %dot_general3A = arith.constant dense<0.000000e+00> : vector<2000x64xf32>
    %dot_general3A_18 = tpu.matmul %max3A_14, %get3A_17, %dot_general3A {dimension_numbers = #tpu.dot_dimension_numbers<[1], [0], [0], [1], [0, 0, 1, 1], [], []>, transpose_lhs_hint = false} : vector<2000x64xf32>, vector<64x64xf32>, vector<2000x64xf32> -> vector<2000x64xf32>
    %mul3A_19 = vector.broadcast %get3A_1 : vector<2000x1xf32> to vector<2000x64xf32>
    %mul3A_20 = arith.mulf %mul3A_19, %dot_general3A_18 : vector<2000x64xf32>
    %swap3A = arith.constant 0 : index
    %swap3A_21 = arith.constant 0 : index
    %swap3A_22 = vector.load %arg7[%swap3A, %swap3A_21] : memref<2000x64xf32, #tpu.memory_space<vmem>>, vector<2000x64xf32>
    tpu.vector_store %arg7[%swap3A, %swap3A_21], %mul3A_20 {strides = array<i32>} : memref<2000x64xf32, #tpu.memory_space<vmem>>, vector<2000x64xf32>,
    %get3A_23 = arith.constant 0 : index
    %get3A_24 = arith.constant 0 : index
    %get3A_25 = vector.load %arg6[%get3A_23, %get3A_24] : memref<64x64xf32, #tpu.memory_space<vmem>>, vector<64x64xf32>
    %dot_general3A_26 = arith.constant dense<0.000000e+00> : vector<2000x64xf32>
    %dot_general3A_27 = tpu.matmul %max3A_14, %get3A_25, %dot_general3A_26 {dimension_numbers = #tpu.dot_dimension_numbers<[1], [0], [0], [1], [0, 0, 1, 1], [], []>, transpose_lhs_hint = false} : vector<2000x64xf32>, vector<64x64xf32>, vector<2000x64xf32> -> vector<2000x64xf32>
    %mul3A_28 = vector.broadcast %get3A_1 : vector<2000x1xf32> to vector<2000x64xf32>
    %mul3A_29 = arith.mulf %mul3A_28, %dot_general3A_27 : vector<2000x64xf32>
    %swap3A_30 = arith.constant 0 : index
    %swap3A_31 = arith.constant 0 : index
    %swap3A_32 = vector.load %arg8[%swap3A_30, %swap3A_31] : memref<2000x64xf32, #tpu.memory_space<vmem>>, vector<2000x64xf32>
    tpu.vector_store %arg8[%swap3A_30, %swap3A_31], %mul3A_29 {strides = array<i32>} : memref<2000x64xf32, #tpu.memory_space<vmem>>, vector<2000x64xf32>,
    return
  }
  func.func @transform_0(%arg0: i32) -> (i32, i32) {
    %c0_i32 = arith.constant 0 : i32
    %c0_i32_0 = arith.constant 0 : i32
    return %arg0, %c0_i32 : i32, i32
  }
  func.func @transform_1(%arg0: i32) -> (i32, i32) {
    %c0_i32 = arith.constant 0 : i32
    %c0_i32_0 = arith.constant 0 : i32
    return %arg0, %c0_i32 : i32, i32
  }
  func.func @transform_2(%arg0: i32) -> (i32, i32) {
    %c0_i32 = arith.constant 0 : i32
    %c0_i32_0 = arith.constant 0 : i32
    return %arg0, %c0_i32 : i32, i32
  }
  func.func @transform_3(%arg0: i32) -> (i32, i32) {
    %c0_i32 = arith.constant 0 : i32
    %c0_i32_0 = arith.constant 0 : i32
    %c0_i32_1 = arith.constant 0 : i32
    return %c0_i32, %c0_i32_0 : i32, i32
  }
  func.func @transform_4(%arg0: i32) -> (i32, i32) {
    %c0_i32 = arith.constant 0 : i32
    %c0_i32_0 = arith.constant 0 : i32
    %c0_i32_1 = arith.constant 0 : i32
    return %c0_i32, %c0_i32_0 : i32, i32
  }
  func.func @transform_5(%arg0: i32) -> (i32, i32) {
    %c0_i32 = arith.constant 0 : i32
    %c0_i32_0 = arith.constant 0 : i32
    %c0_i32_1 = arith.constant 0 : i32
    return %c0_i32, %c0_i32_0 : i32, i32
  }
  func.func @transform_6(%arg0: i32) -> (i32, i32) {
    %c0_i32 = arith.constant 0 : i32
    %c0_i32_0 = arith.constant 0 : i32
    return %arg0, %c0_i32 : i32, i32
  }
  func.func @transform_7(%arg0: i32) -> (i32, i32) {
    %c0_i32 = arith.constant 0 : i32
    %c0_i32_0 = arith.constant 0 : i32
    return %arg0, %c0_i32 : i32, i32
  }
}

module attributes {stable_mosaic.version = 14 : i64} {
  func.func @_segmax_body(%arg0: i32, %arg1: memref<2000x64xf32, #tpu.memory_space<vmem>>, %arg2: memref<2000x64xf32, #tpu.memory_space<vmem>>, %arg3: memref<2000x1xf32, #tpu.memory_space<vmem>>, %arg4: memref<1x128xf32, #tpu.memory_space<vmem>>, %arg5: memref<2000x1xi32, #tpu.memory_space<vmem>>, %arg6: memref<128x128xf32, #tpu.memory_space<vmem>>) attributes {dimension_semantics = [#tpu.dimension_semantics<arbitrary>], iteration_bounds = array<i64: 5>, scalar_prefetch = 0 : i64, scratch_operands = 0 : i64, tpu.core_type = #tpu.core_type<tc>, window_params = [{transform_indices = @transform_0, window_bounds = array<i64: 2000, 64>}, {transform_indices = @transform_1, window_bounds = array<i64: 2000, 64>}, {transform_indices = @transform_2, window_bounds = array<i64: 2000, 1>}, {pipeline_mode = #tpu.pipeline_mode<synchronous>, transform_indices = @transform_3, window_bounds = array<i64: 1, 128>}, {transform_indices = @transform_4, window_bounds = array<i64: 2000, 1>}, {pipeline_mode = #tpu.pipeline_mode<synchronous>, transform_indices = @transform_5, window_bounds = array<i64: 128, 128>}]} {
    %eq3A = arith.constant 0 : i32
    %eq3A_0 = arith.cmpi eq, %arg0, %eq3A : i32
    %convert_element_type3A = arith.extui %eq3A_0 : i1 to i32
    %cond3A = arith.constant 0xFF800000 : f32
    %cond3A_1 = arith.constant 0 : i32
    %cond3A_2 = arith.cmpi ne, %convert_element_type3A, %cond3A_1 : i32
    scf.if %cond3A_2 {
      %broadcast_in_dim3A = vector.broadcast %cond3A : f32 to vector<128x128xf32>
      %swap3A_46 = arith.constant 0 : index
      %swap3A_47 = arith.constant 0 : index
      %swap3A_48 = vector.load %arg6[%swap3A_46, %swap3A_47] : memref<128x128xf32, #tpu.memory_space<vmem>>, vector<128x128xf32>
      tpu.vector_store %arg6[%swap3A_46, %swap3A_47], %broadcast_in_dim3A {strides = array<i32>} : memref<128x128xf32, #tpu.memory_space<vmem>>, vector<128x128xf32>,
    } else {
    }
    %get3A = arith.constant 0 : index
    %get3A_3 = arith.constant 0 : index
    %get3A_4 = vector.load %arg1[%get3A, %get3A_3] : memref<2000x64xf32, #tpu.memory_space<vmem>>, vector<2000x64xf32>
    %get3A_5 = arith.constant 0 : index
    %get3A_6 = arith.constant 0 : index
    %get3A_7 = vector.load %arg2[%get3A_5, %get3A_6] : memref<2000x64xf32, #tpu.memory_space<vmem>>, vector<2000x64xf32>
    %concatenate3A = tpu.concatenate %get3A_4, %get3A_7 in 1 : vector<2000x64xf32>, vector<2000x64xf32> -> vector<2000x128xf32>
    %get3A_8 = arith.constant 0 : index
    %get3A_9 = arith.constant 0 : index
    %get3A_10 = vector.load %arg3[%get3A_8, %get3A_9] : memref<2000x1xf32, #tpu.memory_space<vmem>>, vector<2000x1xf32>
    %mul3A = vector.broadcast %get3A_10 : vector<2000x1xf32> to vector<2000x128xf32>
    %mul3A_11 = arith.mulf %mul3A, %concatenate3A : vector<2000x128xf32>
    %get3A_12 = arith.constant 0 : index
    %get3A_13 = arith.constant 0 : index
    %get3A_14 = vector.load %arg4[%get3A_12, %get3A_13] : memref<1x128xf32, #tpu.memory_space<vmem>>, vector<1x128xf32>
    %add3A = vector.broadcast %get3A_14 : vector<1x128xf32> to vector<2000x128xf32>
    %add3A_15 = arith.addf %mul3A_11, %add3A : vector<2000x128xf32>
    %max3A = arith.constant 0.000000e+00 : f32
    %max3A_16 = vector.broadcast %max3A : f32 to vector<2000x128xf32>
    %max3A_17 = arith.maximumf %add3A_15, %max3A_16 : vector<2000x128xf32>
    %get3A_18 = arith.constant 0 : index
    %get3A_19 = arith.constant 0 : index
    %get3A_20 = vector.load %arg5[%get3A_18, %get3A_19] : memref<2000x1xi32, #tpu.memory_space<vmem>>, vector<2000x1xi32>
    %reduce_min3A = vector.shape_cast %get3A_20 : vector<2000x1xi32> to vector<1x2000x1xi32>
    %reduce_min3A_21 = arith.constant dense<2147483647> : vector<1xi32>
    %reduce_min3A_22 = vector.multi_reduction <minsi>, %reduce_min3A, %reduce_min3A_21 [1, 2] : vector<1x2000x1xi32> to vector<1xi32>
    %reduce_min3A_23 = vector.shape_cast %reduce_min3A_22 : vector<1xi32> to vector<1x1x1xi32>
    %reduce_min3A_24 = vector.extract %reduce_min3A_23[0, 0, 0] : i32 from vector<1x1x1xi32>
    %reduce_max3A = vector.shape_cast %get3A_20 : vector<2000x1xi32> to vector<1x2000x1xi32>
    %reduce_max3A_25 = arith.constant dense<-2147483648> : vector<1xi32>
    %reduce_max3A_26 = vector.multi_reduction <maxsi>, %reduce_max3A, %reduce_max3A_25 [1, 2] : vector<1x2000x1xi32> to vector<1xi32>
    %reduce_max3A_27 = vector.shape_cast %reduce_max3A_26 : vector<1xi32> to vector<1x1x1xi32>
    %reduce_max3A_28 = vector.extract %reduce_max3A_27[0, 0, 0] : i32 from vector<1x1x1xi32>
    %iota3A = tpu.iota {dimensions = array<i32: 0>} : vector<128x1xi32>
    %add3A_29 = arith.constant 1 : i32
    %add3A_30 = arith.addi %reduce_max3A_28, %add3A_29 : i32
    %get3A_31 = arith.constant 0 : index
    %get3A_32 = arith.constant 0 : index
    %get3A_33 = vector.load %arg6[%get3A_31, %get3A_32] : memref<128x128xf32, #tpu.memory_space<vmem>>, vector<128x128xf32>
    %while3A = arith.constant 0xFF800000 : f32
    %while3A_34 = arith.subi %add3A_30, %reduce_min3A_24 : i32
    %while3A_35 = arith.addi %reduce_min3A_24, %while3A_34 : i32
    %while3A_36 = arith.constant 1 : i32
    %while3A_37 = arith.divsi %while3A_34, %while3A_36 : i32
    %while3A_38 = arith.muli %while3A_37, %while3A_36 : i32
    %while3A_39 = arith.addi %reduce_min3A_24, %while3A_38 : i32
    %while3A_40 = arith.constant 1 : i32
    %while3A_41 = scf.for %while3A_46 = %reduce_min3A_24 to %while3A_39 step %while3A_40 iter_args(%while3A_47 = %get3A_33) -> (vector<128x128xf32>)  : i32 {
      %eq3A_48 = vector.broadcast %while3A_46 : i32 to vector<2000x1xi32>
      %eq3A_49 = arith.cmpi eq, %get3A_20, %eq3A_48 : vector<2000x1xi32>
      %broadcast_in_dim3A = vector.shape_cast %eq3A_49 : vector<2000x1xi1> to vector<2000x1xi1>
      %broadcast_in_dim3A_50 = vector.broadcast %broadcast_in_dim3A : vector<2000x1xi1> to vector<2000x128xi1>
      %broadcast_in_dim3A_51 = vector.broadcast %while3A : f32 to vector<2000x128xf32>
      %select_n3A = arith.select %broadcast_in_dim3A_50, %max3A_17, %broadcast_in_dim3A_51 : vector<2000x128xi1>, vector<2000x128xf32>
      %reduce_max3A_52 = arith.constant dense<0xFF800000> : vector<128xf32>
      %reduce_max3A_53 = vector.multi_reduction <maximumf>, %select_n3A, %reduce_max3A_52 [0] : vector<2000x128xf32> to vector<128xf32>
      %broadcast_in_dim3A_54 = vector.shape_cast %reduce_max3A_53 : vector<128xf32> to vector<1x128xf32>
      %eq3A_55 = vector.broadcast %while3A_46 : i32 to vector<128x1xi32>
      %eq3A_56 = arith.cmpi eq, %iota3A, %eq3A_55 : vector<128x1xi32>
      %max3A_57 = vector.broadcast %broadcast_in_dim3A_54 : vector<1x128xf32> to vector<128x128xf32>
      %max3A_58 = arith.maximumf %while3A_47, %max3A_57 : vector<128x128xf32>
      %broadcast_in_dim3A_59 = vector.shape_cast %eq3A_56 : vector<128x1xi1> to vector<128x1xi1>
      %broadcast_in_dim3A_60 = vector.broadcast %broadcast_in_dim3A_59 : vector<128x1xi1> to vector<128x128xi1>
      %select_n3A_61 = arith.select %broadcast_in_dim3A_60, %max3A_58, %while3A_47 : vector<128x128xi1>, vector<128x128xf32>
      scf.yield %select_n3A_61 : vector<128x128xf32>
    }
    %while3A_42 = arith.constant 1 : i32
    %while3A_43 = scf.for %while3A_46 = %while3A_39 to %while3A_35 step %while3A_42 iter_args(%while3A_47 = %while3A_41) -> (vector<128x128xf32>)  : i32 {
      %eq3A_48 = vector.broadcast %while3A_46 : i32 to vector<2000x1xi32>
      %eq3A_49 = arith.cmpi eq, %get3A_20, %eq3A_48 : vector<2000x1xi32>
      %broadcast_in_dim3A = vector.shape_cast %eq3A_49 : vector<2000x1xi1> to vector<2000x1xi1>
      %broadcast_in_dim3A_50 = vector.broadcast %broadcast_in_dim3A : vector<2000x1xi1> to vector<2000x128xi1>
      %broadcast_in_dim3A_51 = vector.broadcast %while3A : f32 to vector<2000x128xf32>
      %select_n3A = arith.select %broadcast_in_dim3A_50, %max3A_17, %broadcast_in_dim3A_51 : vector<2000x128xi1>, vector<2000x128xf32>
      %reduce_max3A_52 = arith.constant dense<0xFF800000> : vector<128xf32>
      %reduce_max3A_53 = vector.multi_reduction <maximumf>, %select_n3A, %reduce_max3A_52 [0] : vector<2000x128xf32> to vector<128xf32>
      %broadcast_in_dim3A_54 = vector.shape_cast %reduce_max3A_53 : vector<128xf32> to vector<1x128xf32>
      %eq3A_55 = vector.broadcast %while3A_46 : i32 to vector<128x1xi32>
      %eq3A_56 = arith.cmpi eq, %iota3A, %eq3A_55 : vector<128x1xi32>
      %max3A_57 = vector.broadcast %broadcast_in_dim3A_54 : vector<1x128xf32> to vector<128x128xf32>
      %max3A_58 = arith.maximumf %while3A_47, %max3A_57 : vector<128x128xf32>
      %broadcast_in_dim3A_59 = vector.shape_cast %eq3A_56 : vector<128x1xi1> to vector<128x1xi1>
      %broadcast_in_dim3A_60 = vector.broadcast %broadcast_in_dim3A_59 : vector<128x1xi1> to vector<128x128xi1>
      %select_n3A_61 = arith.select %broadcast_in_dim3A_60, %max3A_58, %while3A_47 : vector<128x128xi1>, vector<128x128xf32>
      scf.yield %select_n3A_61 : vector<128x128xf32>
    }
    %swap3A = arith.constant 0 : index
    %swap3A_44 = arith.constant 0 : index
    %swap3A_45 = vector.load %arg6[%swap3A, %swap3A_44] : memref<128x128xf32, #tpu.memory_space<vmem>>, vector<128x128xf32>
    tpu.vector_store %arg6[%swap3A, %swap3A_44], %while3A_43 {strides = array<i32>} : memref<128x128xf32, #tpu.memory_space<vmem>>, vector<128x128xf32>,
    return
  }
  func.func @transform_0(%arg0: i32) -> (i32, i32) {
    %c0_i32 = arith.constant 0 : i32
    %c0_i32_0 = arith.constant 0 : i32
    return %arg0, %c0_i32 : i32, i32
  }
  func.func @transform_1(%arg0: i32) -> (i32, i32) {
    %c0_i32 = arith.constant 0 : i32
    %c0_i32_0 = arith.constant 0 : i32
    return %arg0, %c0_i32 : i32, i32
  }
  func.func @transform_2(%arg0: i32) -> (i32, i32) {
    %c0_i32 = arith.constant 0 : i32
    %c0_i32_0 = arith.constant 0 : i32
    return %arg0, %c0_i32 : i32, i32
  }
  func.func @transform_3(%arg0: i32) -> (i32, i32) {
    %c0_i32 = arith.constant 0 : i32
    %c0_i32_0 = arith.constant 0 : i32
    %c0_i32_1 = arith.constant 0 : i32
    return %c0_i32, %c0_i32_0 : i32, i32
  }
  func.func @transform_4(%arg0: i32) -> (i32, i32) {
    %c0_i32 = arith.constant 0 : i32
    %c0_i32_0 = arith.constant 0 : i32
    return %arg0, %c0_i32 : i32, i32
  }
  func.func @transform_5(%arg0: i32) -> (i32, i32) {
    %c0_i32 = arith.constant 0 : i32
    %c0_i32_0 = arith.constant 0 : i32
    %c0_i32_1 = arith.constant 0 : i32
    return %c0_i32, %c0_i32_0 : i32, i32
  }
}

module attributes {stable_mosaic.version = 14 : i64} {
  func.func @_tail_body(%arg0: i32, %arg1: memref<8x128xf32, #tpu.memory_space<vmem>>, %arg2: memref<8x1000x25xf32, #tpu.memory_space<vmem>>, %arg3: memref<128x64xf32, #tpu.memory_space<vmem>>, %arg4: memref<1x64xf32, #tpu.memory_space<vmem>>, %arg5: memref<25x192xf32, #tpu.memory_space<vmem>>, %arg6: memref<1x1x64xf32, #tpu.memory_space<vmem>>, %arg7: memref<64x64xf32, #tpu.memory_space<vmem>>, %arg8: memref<1x64xf32, #tpu.memory_space<vmem>>, %arg9: memref<128x64xf32, #tpu.memory_space<vmem>>, %arg10: memref<1x64xf32, #tpu.memory_space<vmem>>, %arg11: memref<64x128xf32, #tpu.memory_space<vmem>>, %arg12: memref<1x128xf32, #tpu.memory_space<vmem>>, %arg13: memref<8x128xf32, #tpu.memory_space<vmem>>) attributes {dimension_semantics = [#tpu.dimension_semantics<arbitrary>], iteration_bounds = array<i64: 16>, scalar_prefetch = 0 : i64, scratch_operands = 0 : i64, tpu.core_type = #tpu.core_type<tc>, window_params = [{transform_indices = @transform_0, window_bounds = array<i64: 8, 128>}, {transform_indices = @transform_1, window_bounds = array<i64: 8, 1000, 25>}, {pipeline_mode = #tpu.pipeline_mode<synchronous>, transform_indices = @transform_2, window_bounds = array<i64: 128, 64>}, {pipeline_mode = #tpu.pipeline_mode<synchronous>, transform_indices = @transform_3, window_bounds = array<i64: 1, 64>}, {pipeline_mode = #tpu.pipeline_mode<synchronous>, transform_indices = @transform_4, window_bounds = array<i64: 25, 192>}, {pipeline_mode = #tpu.pipeline_mode<synchronous>, transform_indices = @transform_5, window_bounds = array<i64: 1, 1, 64>}, {pipeline_mode = #tpu.pipeline_mode<synchronous>, transform_indices = @transform_6, window_bounds = array<i64: 64, 64>}, {pipeline_mode = #tpu.pipeline_mode<synchronous>, transform_indices = @transform_7, window_bounds = array<i64: 1, 64>}, {pipeline_mode = #tpu.pipeline_mode<synchronous>, transform_indices = @transform_8, window_bounds = array<i64: 128, 64>}, {pipeline_mode = #tpu.pipeline_mode<synchronous>, transform_indices = @transform_9, window_bounds = array<i64: 1, 64>}, {pipeline_mode = #tpu.pipeline_mode<synchronous>, transform_indices = @transform_10, window_bounds = array<i64: 64, 128>}, {pipeline_mode = #tpu.pipeline_mode<synchronous>, transform_indices = @transform_11, window_bounds = array<i64: 1, 128>}, {transform_indices = @transform_12, window_bounds = array<i64: 8, 128>}]} {
    %get3A = arith.constant 0 : index
    %get3A_0 = arith.constant 0 : index
    %get3A_1 = vector.load %arg1[%get3A, %get3A_0] : memref<8x128xf32, #tpu.memory_space<vmem>>, vector<8x128xf32>
    %get3A_2 = arith.constant 0 : index
    %get3A_3 = arith.constant 0 : index
    %get3A_4 = vector.load %arg3[%get3A_2, %get3A_3] : memref<128x64xf32, #tpu.memory_space<vmem>>, vector<128x64xf32>
    %dot_general3A = arith.constant dense<0.000000e+00> : vector<8x64xf32>
    %dot_general3A_5 = tpu.matmul %get3A_1, %get3A_4, %dot_general3A {dimension_numbers = #tpu.dot_dimension_numbers<[1], [0], [0], [1], [0, 0, 1, 1], [], []>, transpose_lhs_hint = false} : vector<8x128xf32>, vector<128x64xf32>, vector<8x64xf32> -> vector<8x64xf32>
    %get3A_6 = arith.constant 0 : index
    %get3A_7 = arith.constant 0 : index
    %get3A_8 = vector.load %arg4[%get3A_6, %get3A_7] : memref<1x64xf32, #tpu.memory_space<vmem>>, vector<1x64xf32>
    %add3A = vector.broadcast %get3A_8 : vector<1x64xf32> to vector<8x64xf32>
    %add3A_9 = arith.addf %dot_general3A_5, %add3A : vector<8x64xf32>
    %get3A_10 = arith.constant 0 : index
    %get3A_11 = arith.constant 0 : index
    %get3A_12 = arith.constant 0 : index
    %get3A_13 = vector.load %arg2[%get3A_10, %get3A_11, %get3A_12] : memref<8x1000x25xf32, #tpu.memory_space<vmem>>, vector<8x1000x25xf32>
    %reshape3A = vector.shape_cast %get3A_13 : vector<8x1000x25xf32> to vector<8000x25xf32>
    %get3A_14 = arith.constant 0 : index
    %get3A_15 = arith.constant 0 : index
    %get3A_16 = vector.load %arg5[%get3A_14, %get3A_15] : memref<25x192xf32, #tpu.memory_space<vmem>>, vector<25x192xf32>
    %dot_general3A_17 = arith.constant dense<0.000000e+00> : vector<8000x192xf32>
    %dot_general3A_18 = tpu.matmul %reshape3A, %get3A_16, %dot_general3A_17 {dimension_numbers = #tpu.dot_dimension_numbers<[1], [0], [0], [1], [0, 0, 1, 1], [], []>, transpose_lhs_hint = false} : vector<8000x25xf32>, vector<25x192xf32>, vector<8000x192xf32> -> vector<8000x192xf32>
    %reshape3A_19 = vector.shape_cast %dot_general3A_18 : vector<8000x192xf32> to vector<8x1000x192xf32>
    %slice3A = vector.extract_strided_slice %reshape3A_19 {offsets = [0, 0, 0], sizes = [8, 998, 64], strides = [1, 1, 1]} : vector<8x1000x192xf32> to vector<8x998x64xf32>
    %slice3A_20 = vector.extract_strided_slice %reshape3A_19 {offsets = [0, 1, 64], sizes = [8, 998, 64], strides = [1, 1, 1]} : vector<8x1000x192xf32> to vector<8x998x64xf32>
    %add3A_21 = arith.addf %slice3A, %slice3A_20 : vector<8x998x64xf32>
    %slice3A_22 = vector.extract_strided_slice %reshape3A_19 {offsets = [0, 2, 128], sizes = [8, 998, 64], strides = [1, 1, 1]} : vector<8x1000x192xf32> to vector<8x998x64xf32>
    %add3A_23 = arith.addf %add3A_21, %slice3A_22 : vector<8x998x64xf32>
    %get3A_24 = arith.constant 0 : index
    %get3A_25 = arith.constant 0 : index
    %get3A_26 = arith.constant 0 : index
    %get3A_27 = vector.load %arg6[%get3A_24, %get3A_25, %get3A_26] : memref<1x1x64xf32, #tpu.memory_space<vmem>>, vector<1x1x64xf32>
    %add3A_28 = vector.broadcast %get3A_27 : vector<1x1x64xf32> to vector<8x998x64xf32>
    %add3A_29 = arith.addf %add3A_23, %add3A_28 : vector<8x998x64xf32>
    %reduce_max3A = arith.constant dense<0xFF800000> : vector<8x64xf32>
    %reduce_max3A_30 = vector.multi_reduction <maximumf>, %add3A_29, %reduce_max3A [1] : vector<8x998x64xf32> to vector<8x64xf32>
    %max3A = arith.constant 0.000000e+00 : f32
    %max3A_31 = vector.broadcast %max3A : f32 to vector<8x64xf32>
    %max3A_32 = arith.maximumf %reduce_max3A_30, %max3A_31 : vector<8x64xf32>
    %get3A_33 = arith.constant 0 : index
    %get3A_34 = arith.constant 0 : index
    %get3A_35 = vector.load %arg7[%get3A_33, %get3A_34] : memref<64x64xf32, #tpu.memory_space<vmem>>, vector<64x64xf32>
    %dot_general3A_36 = arith.constant dense<0.000000e+00> : vector<8x64xf32>
    %dot_general3A_37 = tpu.matmul %max3A_32, %get3A_35, %dot_general3A_36 {dimension_numbers = #tpu.dot_dimension_numbers<[1], [0], [0], [1], [0, 0, 1, 1], [], []>, transpose_lhs_hint = false} : vector<8x64xf32>, vector<64x64xf32>, vector<8x64xf32> -> vector<8x64xf32>
    %get3A_38 = arith.constant 0 : index
    %get3A_39 = arith.constant 0 : index
    %get3A_40 = vector.load %arg8[%get3A_38, %get3A_39] : memref<1x64xf32, #tpu.memory_space<vmem>>, vector<1x64xf32>
    %add3A_41 = vector.broadcast %get3A_40 : vector<1x64xf32> to vector<8x64xf32>
    %add3A_42 = arith.addf %dot_general3A_37, %add3A_41 : vector<8x64xf32>
    %concatenate3A = tpu.concatenate %add3A_9, %add3A_42 in 1 : vector<8x64xf32>, vector<8x64xf32> -> vector<8x128xf32>
    %get3A_43 = arith.constant 0 : index
    %get3A_44 = arith.constant 0 : index
    %get3A_45 = vector.load %arg9[%get3A_43, %get3A_44] : memref<128x64xf32, #tpu.memory_space<vmem>>, vector<128x64xf32>
    %dot_general3A_46 = arith.constant dense<0.000000e+00> : vector<8x64xf32>
    %dot_general3A_47 = tpu.matmul %concatenate3A, %get3A_45, %dot_general3A_46 {dimension_numbers = #tpu.dot_dimension_numbers<[1], [0], [0], [1], [0, 0, 1, 1], [], []>, transpose_lhs_hint = false} : vector<8x128xf32>, vector<128x64xf32>, vector<8x64xf32> -> vector<8x64xf32>
    %get3A_48 = arith.constant 0 : index
    %get3A_49 = arith.constant 0 : index
    %get3A_50 = vector.load %arg10[%get3A_48, %get3A_49] : memref<1x64xf32, #tpu.memory_space<vmem>>, vector<1x64xf32>
    %add3A_51 = vector.broadcast %get3A_50 : vector<1x64xf32> to vector<8x64xf32>
    %add3A_52 = arith.addf %dot_general3A_47, %add3A_51 : vector<8x64xf32>
    %max3A_53 = arith.constant 0.000000e+00 : f32
    %max3A_54 = vector.broadcast %max3A_53 : f32 to vector<8x64xf32>
    %max3A_55 = arith.maximumf %add3A_52, %max3A_54 : vector<8x64xf32>
    %get3A_56 = arith.constant 0 : index
    %get3A_57 = arith.constant 0 : index
    %get3A_58 = vector.load %arg11[%get3A_56, %get3A_57] : memref<64x128xf32, #tpu.memory_space<vmem>>, vector<64x128xf32>
    %dot_general3A_59 = arith.constant dense<0.000000e+00> : vector<8x128xf32>
    %dot_general3A_60 = tpu.matmul %max3A_55, %get3A_58, %dot_general3A_59 {dimension_numbers = #tpu.dot_dimension_numbers<[1], [0], [0], [1], [0, 0, 1, 1], [], []>, transpose_lhs_hint = false} : vector<8x64xf32>, vector<64x128xf32>, vector<8x128xf32> -> vector<8x128xf32>
    %get3A_61 = arith.constant 0 : index
    %get3A_62 = arith.constant 0 : index
    %get3A_63 = vector.load %arg12[%get3A_61, %get3A_62] : memref<1x128xf32, #tpu.memory_space<vmem>>, vector<1x128xf32>
    %add3A_64 = vector.broadcast %get3A_63 : vector<1x128xf32> to vector<8x128xf32>
    %add3A_65 = arith.addf %dot_general3A_60, %add3A_64 : vector<8x128xf32>
    %swap3A = arith.constant 0 : index
    %swap3A_66 = arith.constant 0 : index
    %swap3A_67 = vector.load %arg13[%swap3A, %swap3A_66] : memref<8x128xf32, #tpu.memory_space<vmem>>, vector<8x128xf32>
    tpu.vector_store %arg13[%swap3A, %swap3A_66], %add3A_65 {strides = array<i32>} : memref<8x128xf32, #tpu.memory_space<vmem>>, vector<8x128xf32>,
    return
  }
  func.func @transform_0(%arg0: i32) -> (i32, i32) {
    %c0_i32 = arith.constant 0 : i32
    %c0_i32_0 = arith.constant 0 : i32
    return %arg0, %c0_i32 : i32, i32
  }
  func.func @transform_1(%arg0: i32) -> (i32, i32, i32) {
    %c0_i32 = arith.constant 0 : i32
    %c0_i32_0 = arith.constant 0 : i32
    %c0_i32_1 = arith.constant 0 : i32
    return %arg0, %c0_i32, %c0_i32_0 : i32, i32, i32
  }
  func.func @transform_2(%arg0: i32) -> (i32, i32) {
    %c0_i32 = arith.constant 0 : i32
    %c0_i32_0 = arith.constant 0 : i32
    %c0_i32_1 = arith.constant 0 : i32
    return %c0_i32, %c0_i32_0 : i32, i32
  }
  func.func @transform_3(%arg0: i32) -> (i32, i32) {
    %c0_i32 = arith.constant 0 : i32
    %c0_i32_0 = arith.constant 0 : i32
    %c0_i32_1 = arith.constant 0 : i32
    return %c0_i32, %c0_i32_0 : i32, i32
  }
  func.func @transform_4(%arg0: i32) -> (i32, i32) {
    %c0_i32 = arith.constant 0 : i32
    %c0_i32_0 = arith.constant 0 : i32
    %c0_i32_1 = arith.constant 0 : i32
    return %c0_i32, %c0_i32_0 : i32, i32
  }
  func.func @transform_5(%arg0: i32) -> (i32, i32, i32) {
    %c0_i32 = arith.constant 0 : i32
    %c0_i32_0 = arith.constant 0 : i32
    %c0_i32_1 = arith.constant 0 : i32
    %c0_i32_2 = arith.constant 0 : i32
    return %c0_i32, %c0_i32_0, %c0_i32_1 : i32, i32, i32
  }
  func.func @transform_6(%arg0: i32) -> (i32, i32) {
    %c0_i32 = arith.constant 0 : i32
    %c0_i32_0 = arith.constant 0 : i32
    %c0_i32_1 = arith.constant 0 : i32
    return %c0_i32, %c0_i32_0 : i32, i32
  }
  func.func @transform_7(%arg0: i32) -> (i32, i32) {
    %c0_i32 = arith.constant 0 : i32
    %c0_i32_0 = arith.constant 0 : i32
    %c0_i32_1 = arith.constant 0 : i32
    return %c0_i32, %c0_i32_0 : i32, i32
  }
  func.func @transform_8(%arg0: i32) -> (i32, i32) {
    %c0_i32 = arith.constant 0 : i32
    %c0_i32_0 = arith.constant 0 : i32
    %c0_i32_1 = arith.constant 0 : i32
    return %c0_i32, %c0_i32_0 : i32, i32
  }
  func.func @transform_9(%arg0: i32) -> (i32, i32) {
    %c0_i32 = arith.constant 0 : i32
    %c0_i32_0 = arith.constant 0 : i32
    %c0_i32_1 = arith.constant 0 : i32
    return %c0_i32, %c0_i32_0 : i32, i32
  }
  func.func @transform_10(%arg0: i32) -> (i32, i32) {
    %c0_i32 = arith.constant 0 : i32
    %c0_i32_0 = arith.constant 0 : i32
    %c0_i32_1 = arith.constant 0 : i32
    return %c0_i32, %c0_i32_0 : i32, i32
  }
  func.func @transform_11(%arg0: i32) -> (i32, i32) {
    %c0_i32 = arith.constant 0 : i32
    %c0_i32_0 = arith.constant 0 : i32
    %c0_i32_1 = arith.constant 0 : i32
    return %c0_i32, %c0_i32_0 : i32, i32
  }
  func.func @transform_12(%arg0: i32) -> (i32, i32) {
    %c0_i32 = arith.constant 0 : i32
    %c0_i32_0 = arith.constant 0 : i32
    return %arg0, %c0_i32 : i32, i32
  }
}

</mosaic_0001>

<sc_bundles>
// kernel: kernel.12.cloned.1.call-start
scs
__scs_entry_jumppad:
0x0: {  	(pc) =	sbr.rel $0x88, $3  }
0x1: {  	(tag) =	ssettag $0x0;
	lr =	simm.s32 $0x1  }
0x2: {  	[smem:$0x3F8F] =	sst lr;
	_ =	strace $0xD0000000  }
0x3: {  	_ = 	snop  }
0x4: {  	_ = 	snop  }
0x5: {  	_ = 	snop  }
0x6: {  	_ = 	snop  }
0x7: {  	_ = 	snop  }
__scs_overlays_trampoline_lowered:
0x8: {  	[smem:$0x3F9E] =	sst s0  }
0x9: {  	[smem:$0x3F9F] =	sst s1  }
0xa: {  	[smem:$0x3FA0] =	sst s2  }
0xb: {  	[smem:$0x3FA1] =	sst s3  }
0xc: {  	[smem:$0x3FA2] =	sst s4  }
0xd: {  	[smem:$0x3FA3] =	sst s5  }
0xe: {  	[smem:$0x3FA4] =	sst s6  }
0xf: {  	[smem:$0x3FA5] =	sst s7  }
0x10: {  	[smem:$0x3FA6] =	sst s8  }
0x11: {  	[smem:$0x3FA7] =	sst s9;
	s0 =	simm.s32 @!p0 $0x0  }
0x12: {  	s1 =	sld [smem:$0x3F8D];
	s0 =	simm.s32 @p0 $0x1  }
0x13: {  	[smem:$0x3FA8] =	sst s0;
	s0 =	simm.s32 @!p1 $0x0  }
0x14: {  	s2 =	sld [smem:$0x3F8C];
	s0 =	simm.s32 @p1 $0x1  }
0x15: {  	[smem:$0x3FA9] =	sst s0;
	s0 =	simm.s32 @!p2 $0x0  }
0x16: {  	s3 =	sld [smem:$0x3FDB];
	s0 =	simm.s32 @p2 $0x1  }
0x17: {  	s4 =	simm.s32 $0x1BF5;
	[smem:$0x3FAB] =	sst s0  }
0x18: {  	s0 =	sld [smem:$0x3F8E];
	_ =	swait.ge [sflag:s4], $0x0  }
0x19: {  	s7 =	sld [smem:$0x3F8F]  }
0x1a: {  	s8 =	sadd.s32 $0xFFFFE003, lr  }
0x1b: {  	s9 =	sadd.s32 $0xFFFFFEF7, lr;
	s5 =	simm.s32 $0xFFFFFFFF;
	p2 =	slt.u32 s8, $0xFFFFF086  }
0x1c: {  	p1 =	slt.u32 s9, $0xF7A;
	s5 =	simm.s32 @!p2 $0x0  }
0x1d: {  	s5 =	simm.s32 @p1 $0x1;
	p0 =	seq.s32 s7, s2  }
0x1e: {  	s7 =	smul.u32 @!p0 $0xF7A, s2;
	p2 =	seq.s32 @!p0 s5, $0x0  }
0x1f: {  	s9 =	smul.u32 $0xF7A, s1;
	s8 =	simm.s32 @!p0 $0x1BF5;
	p2 =	por !p2, p0  }
0x20: {  	[sflag:s8] =	ssyncset.s32 @!p0 $0xFFFFF086;
	s6 =	sadd.s32 @!p0 s3, s7;
	s7 =	simm.s32 @!p0 $0x108  }
0x21: {  	s3 =	sadd.s32 s3, s9;
	s6 =	sadd.s32 @!p0 $0x88, s6;
	s7 =	simm.s32 @p2 $0x1082  }
0x22: {  	[simem:s7], [sflag:s8] =	dma.local @!p0 [hbm:s6], $0xF7A  }
0x23: {  	s9 =	sor.u32 $0xD0000000, s2;
	s6 =	simm.s32 $0x108;
	_ =	swait.ge @!p0 [sflag:s8], $0x0  }
0x24: {  	s3 =	sadd.s32 $0x88, s3;
	s6 =	simm.s32 @!p1 $0x1082;
	[sflag:s4] =	ssyncset.s32 $0xFFFFF086  }
0x25: {  	[simem:s6], [sflag:s4] =	dma.local [hbm:s3], $0xF7A  }
0x26: {  	[smem:$0x3F8F] =	sst s1;
	(tag) =	ssettag s2;
	_ =	strace s9  }
0x27: {  	s1 =	sld [smem:$0x3F9F]  }
0x28: {  	s2 =	sld [smem:$0x3FA0]  }
0x29: {  	s4 =	sld [smem:$0x3FA2]  }
0x2a: {  	p0 =	seq.s32 s5, $0x0;
	s5 =	sld [smem:$0x3FA3]  }
0x2b: {  	s6 =	sld [smem:$0x3FA4]  }
0x2c: {  	s7 =	sld [smem:$0x3FA5]  }
0x2d: {  	s3 =	simm.s32 $0x108;
	s8 =	sld [smem:$0x3FA6]  }
0x2e: {  	s3 =	simm.s32 @!p0 $0x1082;
	s9 =	sld [smem:$0x3FA7]  }
0x2f: {  	lr =	sadd.s32 s0, s3;
	s0 =	sld [smem:$0x3F9E]  }
0x30: {  	s3 =	sld [smem:$0x3FA1]  }
0x31: {  	[smem:$0x3FAA] =	sst s10  }
0x32: {  	s10 =	sld [smem:$0x3FA8];
	_ =	sdelay $0x3  }
0x33: {  	p0 =	seq.s32 s10, $0x1;
	s10 =	sld [smem:$0x3FAA];
	_ =	sdelay $0x3  }
0x34: {  	[smem:$0x3FAA] =	sst s10  }
0x35: {  	s10 =	sld [smem:$0x3FA9];
	_ =	sdelay $0x3  }
0x36: {  	p1 =	seq.s32 s10, $0x1;
	s10 =	sld [smem:$0x3FAA];
	_ =	sdelay $0x3  }
0x37: {  	[smem:$0x3FAA] =	sst s10  }
0x38: {  	s10 =	sld [smem:$0x3FAB]  }
0x39: {  	_ = 	snop;
	(pc) =	sbr.ind lr, $3  }
0x3a: {  	_ = 	snop  }
0x3b: {  	_ = 	snop  }
0x3c: {  	p2 =	seq.s32 s10, $0x1;
	s10 =	sld [smem:$0x3FAA]  }
0x3d: {  	_ =	shalt  }
0x3e: {  	_ =	shalt  }
0x3f: {  	_ =	shalt  }
0x40: {  	_ =	shalt  }
0x41: {  	_ =	shalt  }
0x42: {  	_ =	shalt  }
0x43: {  	_ =	shalt  }
0x44: {  	_ =	shalt  }
0x45: {  	_ =	shalt  }
0x46: {  	_ =	shalt  }
0x47: {  	_ =	shalt  }
0x48: {  	_ =	shalt  }
0x49: {  	_ =	shalt  }
0x4a: {  	_ =	shalt  }
0x4b: {  	_ =	shalt  }
0x4c: {  	_ =	shalt  }
0x4d: {  	_ =	shalt  }
0x4e: {  	_ =	shalt  }
0x4f: {  	_ =	shalt  }
0x50: {  	_ =	shalt  }
0x51: {  	_ =	shalt  }
0x52: {  	_ =	shalt  }
0x53: {  	_ =	shalt  }
0x54: {  	_ =	shalt  }
0x55: {  	_ =	shalt  }
0x56: {  	_ =	shalt  }
0x57: {  	_ =	shalt  }
0x58: {  	_ =	shalt  }
0x59: {  	_ =	shalt  }
0x5a: {  	_ =	shalt  }
0x5b: {  	_ =	shalt  }
0x5c: {  	_ =	shalt  }
0x5d: {  	_ =	shalt  }
0x5e: {  	_ =	shalt  }
0x5f: {  	_ =	shalt  }
0x60: {  	_ =	shalt  }
0x61: {  	_ =	shalt  }
0x62: {  	_ =	shalt  }
0x63: {  	_ =	shalt  }
0x64: {  	_ =	shalt  }
0x65: {  	_ =	shalt  }
0x66: {  	_ =	shalt  }
0x67: {  	_ =	shalt  }
0x68: {  	_ =	shalt  }
0x69: {  	_ =	shalt  }
0x6a: {  	_ =	shalt  }
0x6b: {  	_ =	shalt  }
0x6c: {  	_ =	shalt  }
0x6d: {  	_ =	shalt  }
0x6e: {  	_ =	shalt  }
0x6f: {  	_ =	shalt  }
0x70: {  	_ =	shalt  }
0x71: {  	_ =	shalt  }
0x72: {  	_ =	shalt  }
0x73: {  	_ =	shalt  }
0x74: {  	_ =	shalt  }
0x75: {  	_ =	shalt  }
0x76: {  	_ =	shalt  }
0x77: {  	_ =	shalt  }
0x78: {  	_ =	shalt  }
0x79: {  	_ =	shalt  }
0x7a: {  	_ =	shalt  }
0x7b: {  	_ =	shalt  }
0x7c: {  	_ =	shalt  }
0x7d: {  	_ =	shalt  }
0x7e: {  	_ =	shalt  }
0x7f: {  	_ =	shalt  }
0x80: {  	_ =	shalt  }
0x81: {  	_ =	shalt  }
0x82: {  	_ =	shalt  }
0x83: {  	_ =	shalt  }
0x84: {  	_ =	shalt  }
0x85: {  	_ =	shalt  }
0x86: {  	_ =	shalt  }
0x87: {  	_ =	shalt  }
.Lfunc_end0:
.L_simem_size_0:
called_computation.1_lowered:
.L_overlay_start_0:
0x88: {  	s2 =	sld [smem:$0x3FD9]  }
0x89: {  	s3 =	sld [smem:$0x3FFE];
	_ =	sdelay $0x1  }
0x8a: {  	s1 =	srdreg.scid  }
0x8b: {  	s0 =	sand.u32 $0x1, s1  }
0x8c: {  	s16 =	sshll.u32 s0, $0xA;
	s2 =	sadd.s32 s3, s2  }
0x8d: {  	s2 =	sadd.s32 s2, s16  }
0x8e: {  	[smem:$0x3FB6] =	sst s2  }
0x8f: {  	_ = 	snop  }
0x90: {  	(tm) =	ssettm $0x1  }
0x91: {  	s17 =	sld [smem:$0x3FFB];
	_ =	sdelay $0x3  }
0x92: {  	_ =	strace s17  }
0x93: {  	s2 =	sld [smem:$0x3FFC];
	_ =	sdelay $0x3  }
0x94: {  	_ =	strace s2  }
0x95: {  	s2 =	sld [smem:$0x3FFD];
	_ =	sdelay $0x3  }
0x96: {  	_ =	strace s2  }
0x97: {  	_ =	strace $0x8FFFFFFF  }
0x98: {  	s18 =	sld [smem:$0x3FDB];
	_ =	sdelay $0x1  }
0x99: {  	s19 =	simm.s32 $_scs_section_size  }
0x9a: {  	s4 =	simm.s32 $_size__tile_overlayer_lowered;
	s5 =	simm.s32 $_tile_overlayer_lowered  }
0x9b: {  	s22 =	simm.s32 $0x1BFF;
	s21 =	sshll.u32 s5, $0x1;
	s2 =	sadd.s32 s19, s18  }
0x9c: {  	s6 =	simm.s32 $0x0;
	s20 =	sshll.u32 s4, $0x1;
	s4 =	sadd.s32 s21, s2  }
0x9d: {  	[timem:s6], [sflag:s22] =	dma.local [hbm:s4], s20  }
0x9e: {  	_ =	swait.ge [sflag:s22], s20  }
0x9f: {  	s3 =	ssub.s32 $0x0, s20;
	[sflag:s22] =	ssyncset.done $0x0  }
0xa0: {  	[sflag:s22] =	ssyncadd.s32 s3;
	_ =	sdelay $0x1  }
0xa1: {  	s23 =	simm.s32 $0x1B8B  }
0xa2: {  	_ =	swait.ge [sflag:s23], $0x1  }
0xa3: {  	[sflag:s23] =	ssyncset.done $0x0  }
0xa4: {  	s25 =	simm.s32 $0x1B8E;
	s24 =	sld [smem:$0x3FFE];
	[sflag:s23] =	ssyncadd.s32 $0xFFFFFFFF  }
0xa5: {  	s26 =	simm.s32 $execute0_lowered;
	[smem:$0x3FD2] =	sst s25  }
0xa6: {  	s4 =	sshll.u32 s26, $0x1;
	_ =	strace $0x80000049;
	[dreg:$0x1] =	wrdreg $0xFFFFFFFF  }
0xa7: {  	s28 =	simm.s32 $_size_execute0_lowered;
	s2 =	sadd.s32 s2, s4;
	[dreg:$0x0] =	wrdreg $0x0  }
0xa8: {  	s4 =	sshll.u32 s28, $0x1;
	[dreg:$0x2] =	wrdreg s2  }
0xa9: {  	[dreg:$0x3] =	wrdreg s4  }
0xaa: {  	[dreg:$0x4] =	wrdreg $0xC0  }
0xab: {  	_ =	task [dreg:s6], $0x5FFFF  }
0xac: {  	[dreg:$0x1] =	wrdreg $0xFFFFFFFF  }
0xad: {  	[dreg:$0x0] =	wrdreg $0x60  }
0xae: {  	[dreg:$0x2] =	wrdreg s24  }
0xaf: {  	[dreg:$0x3] =	wrdreg $0x93000  }
0xb0: {  	[dreg:$0x4] =	wrdreg $0x9  }
0xb1: {  	_ =	task.clear_ibuf [dreg:s6], $0x5FFFF;
	_ =	strace $0x90000049  }
0xb2: {  	s29 =	simm.s32 $0x9;
	_ =	strace $0x8000004B  }
0xb3: {  	_ =	swait.ge [sflag:s29], $0x1  }
0xb4: {  	[sflag:s29] =	ssyncadd.s32 $0xFFFFFFFF  }
0xb5: {  	_ =	strace $0x9000004B  }
0xb6: {  	_ =	sfence  }
0xb7: {  	s30 =	sld [smem:$0x0];
	_ =	sdelay $0x2  }
0xb8: {  	s31 =	sshll.u32 s1, $0xD;
	s1 =	sshrl.u32 s1, $0x2  }
0xb9: {  	s3 =	sand.u32 $0x4000, s31;
	s1 =	sadd.s32 s1, s30  }
0xba: {  	s0 =	sor.u32 s3, s0;
	s1 =	sshll.u32 s1, $0x11  }
0xbb: {  	s0 =	sor.u32 s1, s0  }
0xbc: {  	s0 =	sadd.s32 $0x8F2B, s0  }
0xbd: {  	[sflag:s0] =	ssyncadd.remote.s32 $0x1  }
0xbe: {  	_ =	sfence.sel $0xFFFF  }
0xbf: {  	[dreg:$0x0] =	wrdreg $0xFFFFFFFF;
	(pc) =	sbr.abs _section_cstart, $3  }
0xc0: {  	[dreg:$0x1] =	wrdreg $0xFFFFFFFF  }
0xc1: {  	_ =	task.clear_ibuf [dreg:s6], $0x2FFFF;
	_ =	strace $0x9FFFFFFF  }
0xc2: {  	(tm) =	ssettm $0x7FFFFFFF  }
0xc3: {  	_ =	shalt  }
tec
execute0_lowered:
.L_overlay_start_1:
0x0: {  	(tag) =	ssettag $0x1  }
0x1: {  	s0 =	rddreg [dreg:$0x0]  }
0x2: {  	s2 =	rddreg [dreg:$0x1]  }
0x3: {  	s3 =	simm.s32 $0x0;
	s12 =	stileid.u32;
	s5 =	srdreg.scid  }
0x4: {  	s19 =	simm.s32 $0x2;
	s20 =	simm.s32 $0x200;
	s21 =	simm.s32 $0x80  }
0x5: {  	s28 =	simm.s32 $0x3400;
	s29 =	simm.s32 $0x1;
	s30 =	simm.s32 $0x280  }
0x6: {  	s31 =	simm.s32 $0x300;
	[smem:$0x7FF] =	sst s3;
	s1 =	smul.u32 $0x4F00, s12  }
0x7: {  	s4 =	sadd.s32 $0x40600, s0;
	s6 =	smul.u32 $0xA00, s12;
	s7 =	sand.u32 $0x1, s5  }
0x8: {  	s5 =	sadd.s32 $0x4A400, s0;
	s23 =	sadd.s32 $0x49A20, s0;
	s25 =	sadd.s32 $0x67420, s0  }
0x9: {  	s13 =	sadd.s32 $0x53820, s0;
	s15 =	sadd.s32 $0x5D620, s0;
	p1 =	seq.s32 s12, $0xF  }
0xa: {  	_ =	strace $0x8000004A;
	s9 =	ssub.s32 $0x2, s7;
	[dreg:$0x4] =	wrdreg s23  }
0xb: {  	p0 =	seq.s32 s7, $0x1;
	[dreg:$0x6] =	wrdreg s25;
	s23 =	simm.s32 $0x1400  }
0xc: {  	s25 =	simm.s32 $0x2400;
	s8 =	sshrl.u32 s1, $0x3;
	s6 =	sadd.s32 s6, s0  }
0xd: {  	s11 =	sshrl.u32 s9, $0x1;
	s7 =	sadd.s32 s1, s2;
	s1 =	simm.s32 $0x0  }
0xe: {  	s10 =	sadd.s32 s8, s0;
	s16 =	ssub.s32 s9, s11;
	s22 =	sadd.s32 s4, s8  }
.Ltmp0:
0xf: {  	s9 =	sadd.s32 $0x4A100, s2;
	s26 =	sadd.s32 s5, s8;
	(pc) =	sbr.rel .LBB2_1-.Ltmp0, $4  }
0x10: {  	s17 =	sadd.s32 $0x5400, s6;
	s18 =	sadd.s32 $0xF400, s6;
	[dreg:$0x3] =	wrdreg s22  }
0x11: {  	s0 =	simm.s32 $0x380;
	s24 =	sadd.s32 $0x5E000, s10;
	[dreg:$0x7] =	wrdreg s26  }
0x12: {  	s14 =	sadd.s32 $0x54200, s10;
	s16 =	smax.u32 s16, $0x1;
	s22 =	simm.s32 $0x400  }
0x13: {  	s26 =	simm.s32 $0x180;
	[dreg:$0x5] =	wrdreg s24;
	s24 =	simm.s32 $0x100  }
.LBB2_7:
0x14: {  	s8 =	sadd.s32 s6, s18;
	[sflag:s19] =	ssyncadd.s32 $0xFFFFF000  }
0x15: {  	[tilespmem:s3], [sflag:$0x2] =	stream.linear.gather [hbm4b:s8+s3], $0x200, $0x38;
	[tilespmem:$0xE140] =	vst v63  }
0x16: {  	_ =	swait.ge [sflag:s19], $0x200  }
0x17: {  	[sflag:s19] =	ssyncset.done $0x0  }
0x18: {  	s12 =	sadd.s32 s6, s17;
	[sflag:s19] =	ssyncadd.s32 $0xFFFFFE00  }
0x19: {  	[tilespmem:s20], [sflag:$0x2] =	stream.linear.gather [hbm4b:s12+s3], $0x200, $0x38;
	[tilespmem:$0xE140] =	vst v63  }
0x1a: {  	_ =	swait.ge [sflag:s19], $0x200  }
0x1b: {  	[sflag:s19] =	ssyncset.done $0x0  }
0x1c: {  	[sflag:s19] =	ssyncadd.s32 $0xFFFFFE00  }
0x1d: {  	[tilespmem:s22], [sflag:$0x1] =	stream.indirect.gather [hbm4b:s5+s21], $0x20, s3, s21, $0xb8;
	[tilespmem:$0xE140] =	vst v63  }
0x1e: {  	_ = 	snop  }
0x1f: {  	[tilespmem:s23], [sflag:$0x1] =	stream.indirect.gather [hbm4b:s5+s21], $0x20, s21, s21, $0xb8;
	[tilespmem:$0xE140] =	vst v63  }
0x20: {  	_ = 	snop  }
0x21: {  	[tilespmem:s25], [sflag:$0x1] =	stream.indirect.gather [hbm4b:s5+s21], $0x20, s24, s21, $0xb8;
	[tilespmem:$0xE140] =	vst v63  }
0x22: {  	_ = 	snop  }
0x23: {  	[tilespmem:s28], [sflag:$0x1] =	stream.indirect.gather [hbm4b:s5+s21], $0x20, s26, s21, $0xb8;
	[tilespmem:$0xE140] =	vst v63  }
0x24: {  	_ =	swait.ge [sflag:s29], $0x1000  }
0x25: {  	[sflag:s29] =	ssyncset.done $0x0  }
0x26: {  	[sflag:s29] =	ssyncadd.s32 $0xFFFFF000  }
0x27: {  	_ =	swait.ge [sflag:s29], $0x1000  }
0x28: {  	[sflag:s29] =	ssyncset.done $0x0  }
0x29: {  	[sflag:s29] =	ssyncadd.s32 $0xFFFFF000  }
0x2a: {  	_ =	swait.ge [sflag:s29], $0x1000  }
0x2b: {  	[sflag:s29] =	ssyncset.done $0x0  }
0x2c: {  	[sflag:s29] =	ssyncadd.s32 $0xFFFFF000  }
0x2d: {  	_ =	swait.ge [sflag:s29], $0x1000  }
0x2e: {  	[sflag:s29] =	ssyncset.done $0x0  }
0x2f: {  	[sflag:s29] =	ssyncadd.s32 $0xFFFFF000  }
0x30: {  	[spmem:s2] =	stream.indirect.scatter.add.f32 [tilespmem:s22], [sflag:$0x2], $0x20, s20, s21, $0xb8;
	[tilespmem:$0xE140] =	vst v63  }
0x31: {  	_ =	swait.ge [sflag:s19], $0x1000  }
0x32: {  	[sflag:s19] =	ssyncset.done $0x0  }
0x33: {  	[sflag:s19] =	ssyncadd.s32 $0xFFFFF000  }
0x34: {  	[spmem:s2] =	stream.indirect.scatter.add.f32 [tilespmem:s23], [sflag:$0x2], $0x20, s30, s21, $0xb8;
	[tilespmem:$0xE140] =	vst v63  }
0x35: {  	_ =	swait.ge [sflag:s19], $0x1000  }
0x36: {  	[sflag:s19] =	ssyncset.done $0x0  }
0x37: {  	[sflag:s19] =	ssyncadd.s32 $0xFFFFF000  }
0x38: {  	[spmem:s2] =	stream.indirect.scatter.add.f32 [tilespmem:s25], [sflag:$0x2], $0x20, s31, s21, $0xb8;
	[tilespmem:$0xE140] =	vst v63  }
0x39: {  	_ =	swait.ge [sflag:s19], $0x1000  }
0x3a: {  	[sflag:s19] =	ssyncset.done $0x0  }
0x3b: {  	[sflag:s19] =	ssyncadd.s32 $0xFFFFF000  }
0x3c: {  	[spmem:s2] =	stream.indirect.scatter.add.f32 [tilespmem:s28], [sflag:$0x2], $0x20, s0, s21, $0xb8;
	[tilespmem:$0xE140] =	vst v63  }
0x3d: {  	_ =	swait.ge [sflag:s19], $0x1000  }
0x3e: {  	[sflag:s19] =	ssyncset.done $0x0  }
0x3f: {  	[sflag:s19] =	ssyncadd.s32 $0xFFFFF000  }
0x40: {  	s6 =	simm.s32 @p1 $0x4400;
	s8 =	simm.s32 @p1 $0x2;
	[bflag:$0x0] =	sbarrier.arrive $0xFFFF  }
0x41: {  	[tilespmem:s6], [sflag:$0x2] =	stream.linear.gather @p1 [spmem:s9], $0x4100, $0x38;
	[tilespmem:$0xE140] =	vst v63  }
0x42: {  	_ =	swait.ge @p1 [sflag:s8], $0x4100  }
0x43: {  	[sflag:s8] =	ssyncset.done @p1 $0x0  }
0x44: {  	s10 =	simm.s32 @p1 $0x0;
	[sflag:s8] =	ssyncadd.s32 @p1 $0xFFFFBF00  }
0x45: {  	[hbm4b:s15+s10] =	stream.linear.scatter @p1 [tilespmem:s6], [sflag:$0x2], $0x4100, $0x38;
	[tilespmem:$0xE140] =	vst v63  }
0x46: {  	_ =	swait.ge @p1 [sflag:s8], $0x4100  }
0x47: {  	[sflag:s8] =	ssyncset.done @p1 $0x0  }
0x48: {  	s6 =	simm.s32 @!p1 $0x4400;
	[sflag:s8] =	ssyncadd.s32 @p1 $0xFFFFBF00;
	s8 =	simm.s32 @!p1 $0x2  }
0x49: {  	[tilespmem:s6], [sflag:$0x2] =	stream.linear.gather @!p1 [spmem:s7], $0x4F00, $0x38;
	[tilespmem:$0xE140] =	vst v63  }
0x4a: {  	_ =	swait.ge @!p1 [sflag:s8], $0x4F00  }
0x4b: {  	[sflag:s8] =	ssyncset.done @!p1 $0x0  }
0x4c: {  	s10 =	simm.s32 @!p1 $0x0;
	[sflag:s8] =	ssyncadd.s32 @!p1 $0xFFFFB100  }
0x4d: {  	[hbm4b:s14+s10] =	stream.linear.scatter @!p1 [tilespmem:s6], [sflag:$0x2], $0x4F00, $0x38;
	[tilespmem:$0xE140] =	vst v63  }
0x4e: {  	_ =	swait.ge @!p1 [sflag:s8], $0x4F00  }
0x4f: {  	[sflag:s8] =	ssyncset.done @!p1 $0x0  }
0x50: {  	[sflag:s8] =	ssyncadd.s32 @!p1 $0xFFFFB100  }
.LBB2_8:
0x51: {  	s1 =	sadd.s32 $0x1, s1  }
0x52: {  	p2 =	sne.s32 s1, s16  }
.Ltmp1:
0x53: {  	_ = 	snop;
	(pc) =	sbr.rel @!p2 .LBB2_9-.Ltmp1, $1  }
0x54: {  	_ =	sdelay $0x3  }
.LBB2_1:
.Ltmp2:
0x55: {  	(pc) =	sbr.rel @!p0 .LBB2_2-.Ltmp2, $1  }
0x56: {  	_ =	sdelay $0x3  }
0x57: {  	s6 =	simm.s32 @p1 $0x0;
	s8 =	simm.s32 @p1 $0x4400  }
0x58: {  	[tilespmem:s8], [sflag:$0x2] =	stream.linear.gather @p1 [hbm4b:s13+s6], $0x4100, $0x38;
	[tilespmem:$0xE140] =	vst v63  }
0x59: {  	s6 =	simm.s32 @p1 $0x2  }
0x5a: {  	_ =	swait.ge @p1 [sflag:s6], $0x4100  }
0x5b: {  	[sflag:s6] =	ssyncset.done @p1 $0x0  }
0x5c: {  	[sflag:s6] =	ssyncadd.s32 @p1 $0xFFFFBF00  }
0x5d: {  	[spmem:s9] =	stream.linear.scatter @p1 [tilespmem:s8], [sflag:$0x2], $0x4100, $0x38;
	[tilespmem:$0xE140] =	vst v63  }
0x5e: {  	_ =	swait.ge @p1 [sflag:s6], $0x4100  }
0x5f: {  	s8 =	simm.s32 @!p1 $0x4400;
	[sflag:s6] =	ssyncset.done @p1 $0x0  }
0x60: {  	s10 =	rddreg [dreg:$0x7];
	[sflag:s6] =	ssyncadd.s32 @p1 $0xFFFFBF00;
	s6 =	simm.s32 @!p1 $0x0  }
0x61: {  	[tilespmem:s8], [sflag:$0x2] =	stream.linear.gather @!p1 [hbm4b:s10+s6], $0x4F00, $0x38;
	[tilespmem:$0xE140] =	vst v63  }
0x62: {  	s6 =	simm.s32 @!p1 $0x2  }
0x63: {  	_ =	swait.ge @!p1 [sflag:s6], $0x4F00  }
0x64: {  	[sflag:s6] =	ssyncset.done @!p1 $0x0  }
0x65: {  	[sflag:s6] =	ssyncadd.s32 @!p1 $0xFFFFB100  }
0x66: {  	[spmem:s7] =	stream.linear.scatter @!p1 [tilespmem:s8], [sflag:$0x2], $0x4F00, $0x38;
	[tilespmem:$0xE140] =	vst v63  }
0x67: {  	_ =	swait.ge @!p1 [sflag:s6], $0x4F00  }
0x68: {  	[sflag:s6] =	ssyncset.done @!p1 $0x0  }
0x69: {  	[sflag:s6] =	ssyncadd.s32 @!p1 $0xFFFFB100  }
0x6a: {  	s11 =	sadd.s32 $0x0, s18;
	[bflag:$0x0] =	sbarrier.arrive $0xFFFF  }
0x6b: {  	[tilespmem:s3], [sflag:$0x2] =	stream.linear.gather [hbm4b:s11+s3], $0x200, $0x38;
	[tilespmem:$0xE140] =	vst v63  }
0x6c: {  	_ =	swait.ge [sflag:s19], $0x200  }
0x6d: {  	[sflag:s19] =	ssyncset.done $0x0  }
0x6e: {  	s12 =	sadd.s32 $0x0, s17;
	[sflag:s19] =	ssyncadd.s32 $0xFFFFFE00  }
0x6f: {  	[tilespmem:s20], [sflag:$0x2] =	stream.linear.gather [hbm4b:s12+s3], $0x200, $0x38;
	[tilespmem:$0xE140] =	vst v63  }
0x70: {  	_ =	swait.ge [sflag:s19], $0x200  }
0x71: {  	[sflag:s19] =	ssyncset.done $0x0  }
0x72: {  	[sflag:s19] =	ssyncadd.s32 $0xFFFFFE00  }
0x73: {  	[tilespmem:s22], [sflag:$0x1] =	stream.indirect.gather [hbm4b:s5+s21], $0x20, s3, s21, $0xb8;
	[tilespmem:$0xE140] =	vst v63  }
0x74: {  	_ = 	snop  }
0x75: {  	[tilespmem:s23], [sflag:$0x1] =	stream.indirect.gather [hbm4b:s5+s21], $0x20, s21, s21, $0xb8;
	[tilespmem:$0xE140] =	vst v63  }
0x76: {  	_ = 	snop  }
0x77: {  	[tilespmem:s25], [sflag:$0x1] =	stream.indirect.gather [hbm4b:s5+s21], $0x20, s24, s21, $0xb8;
	[tilespmem:$0xE140] =	vst v63  }
0x78: {  	_ = 	snop  }
0x79: {  	[tilespmem:s28], [sflag:$0x1] =	stream.indirect.gather [hbm4b:s5+s21], $0x20, s26, s21, $0xb8;
	[tilespmem:$0xE140] =	vst v63  }
0x7a: {  	_ =	swait.ge [sflag:s29], $0x1000  }
0x7b: {  	[sflag:s29] =	ssyncset.done $0x0  }
0x7c: {  	[sflag:s29] =	ssyncadd.s32 $0xFFFFF000  }
0x7d: {  	_ =	swait.ge [sflag:s29], $0x1000  }
0x7e: {  	[sflag:s29] =	ssyncset.done $0x0  }
0x7f: {  	[sflag:s29] =	ssyncadd.s32 $0xFFFFF000  }
0x80: {  	_ =	swait.ge [sflag:s29], $0x1000  }
0x81: {  	[sflag:s29] =	ssyncset.done $0x0  }
0x82: {  	[sflag:s29] =	ssyncadd.s32 $0xFFFFF000  }
0x83: {  	_ =	swait.ge [sflag:s29], $0x1000  }
0x84: {  	[sflag:s29] =	ssyncset.done $0x0  }
0x85: {  	[sflag:s29] =	ssyncadd.s32 $0xFFFFF000  }
0x86: {  	[spmem:s2] =	stream.indirect.scatter.add.f32 [tilespmem:s22], [sflag:$0x2], $0x20, s20, s21, $0xb8;
	[tilespmem:$0xE140] =	vst v63  }
0x87: {  	_ =	swait.ge [sflag:s19], $0x1000  }
0x88: {  	[sflag:s19] =	ssyncset.done $0x0  }
0x89: {  	[sflag:s19] =	ssyncadd.s32 $0xFFFFF000  }
0x8a: {  	[spmem:s2] =	stream.indirect.scatter.add.f32 [tilespmem:s23], [sflag:$0x2], $0x20, s30, s21, $0xb8;
	[tilespmem:$0xE140] =	vst v63  }
0x8b: {  	_ =	swait.ge [sflag:s19], $0x1000  }
0x8c: {  	[sflag:s19] =	ssyncset.done $0x0  }
0x8d: {  	[sflag:s19] =	ssyncadd.s32 $0xFFFFF000  }
0x8e: {  	[spmem:s2] =	stream.indirect.scatter.add.f32 [tilespmem:s25], [sflag:$0x2], $0x20, s31, s21, $0xb8;
	[tilespmem:$0xE140] =	vst v63  }
0x8f: {  	_ =	swait.ge [sflag:s19], $0x1000  }
0x90: {  	[sflag:s19] =	ssyncset.done $0x0  }
0x91: {  	[sflag:s19] =	ssyncadd.s32 $0xFFFFF000  }
0x92: {  	[spmem:s2] =	stream.indirect.scatter.add.f32 [tilespmem:s28], [sflag:$0x2], $0x20, s0, s21, $0xb8;
	[tilespmem:$0xE140] =	vst v63  }
0x93: {  	_ =	swait.ge [sflag:s19], $0x1000  }
0x94: {  	s10 =	simm.s32 $0x80;
	s6 =	simm.s32 $0x40;
	[sflag:s19] =	ssyncset.done $0x0  }
.LBB2_6:
0x95: {  	s11 =	sadd.s32 s6, s18  }
0x96: {  	[sflag:s19] =	ssyncadd.s32 $0xFFFFF000;
	s12 =	smov.u32 s10;
	s8 =	sadd.s32 $0x40, s10  }
0x97: {  	[tilespmem:s3], [sflag:$0x2] =	stream.linear.gather [hbm4b:s11+s3], $0x200, $0x38;
	[tilespmem:$0xE140] =	vst v63  }
0x98: {  	p2 =	sne.s32 s10, $0x9C0;
	_ =	swait.ge [sflag:s19], $0x200  }
0x99: {  	[sflag:s19] =	ssyncset.done $0x0  }
0x9a: {  	s10 =	sadd.s32 s6, s17;
	s6 =	smov.u32 s12;
	[sflag:s19] =	ssyncadd.s32 $0xFFFFFE00  }
0x9b: {  	[tilespmem:s20], [sflag:$0x2] =	stream.linear.gather [hbm4b:s10+s3], $0x200, $0x38;
	[tilespmem:$0xE140] =	vst v63  }
0x9c: {  	_ =	swait.ge [sflag:s19], $0x200  }
0x9d: {  	[sflag:s19] =	ssyncset.done $0x0  }
0x9e: {  	[sflag:s19] =	ssyncadd.s32 $0xFFFFFE00  }
0x9f: {  	[tilespmem:s22], [sflag:$0x1] =	stream.indirect.gather [hbm4b:s5+s21], $0x20, s3, s21, $0xb8;
	[tilespmem:$0xE140] =	vst v63  }
0xa0: {  	_ = 	snop  }
0xa1: {  	[tilespmem:s23], [sflag:$0x1] =	stream.indirect.gather [hbm4b:s5+s21], $0x20, s21, s21, $0xb8;
	[tilespmem:$0xE140] =	vst v63  }
0xa2: {  	_ = 	snop  }
0xa3: {  	[tilespmem:s25], [sflag:$0x1] =	stream.indirect.gather [hbm4b:s5+s21], $0x20, s24, s21, $0xb8;
	[tilespmem:$0xE140] =	vst v63  }
0xa4: {  	_ = 	snop  }
0xa5: {  	[tilespmem:s28], [sflag:$0x1] =	stream.indirect.gather [hbm4b:s5+s21], $0x20, s26, s21, $0xb8;
	[tilespmem:$0xE140] =	vst v63  }
0xa6: {  	_ =	swait.ge [sflag:s29], $0x1000  }
0xa7: {  	[sflag:s29] =	ssyncset.done $0x0  }
0xa8: {  	[sflag:s29] =	ssyncadd.s32 $0xFFFFF000  }
0xa9: {  	_ =	swait.ge [sflag:s29], $0x1000  }
0xaa: {  	[sflag:s29] =	ssyncset.done $0x0  }
0xab: {  	[sflag:s29] =	ssyncadd.s32 $0xFFFFF000  }
0xac: {  	_ =	swait.ge [sflag:s29], $0x1000  }
0xad: {  	[sflag:s29] =	ssyncset.done $0x0  }
0xae: {  	[sflag:s29] =	ssyncadd.s32 $0xFFFFF000  }
0xaf: {  	_ =	swait.ge [sflag:s29], $0x1000  }
0xb0: {  	[sflag:s29] =	ssyncset.done $0x0  }
0xb1: {  	[sflag:s29] =	ssyncadd.s32 $0xFFFFF000  }
0xb2: {  	[spmem:s2] =	stream.indirect.scatter.add.f32 [tilespmem:s22], [sflag:$0x2], $0x20, s20, s21, $0xb8;
	[tilespmem:$0xE140] =	vst v63  }
0xb3: {  	_ =	swait.ge [sflag:s19], $0x1000  }
0xb4: {  	[sflag:s19] =	ssyncset.done $0x0  }
0xb5: {  	[sflag:s19] =	ssyncadd.s32 $0xFFFFF000  }
0xb6: {  	[spmem:s2] =	stream.indirect.scatter.add.f32 [tilespmem:s23], [sflag:$0x2], $0x20, s30, s21, $0xb8;
	[tilespmem:$0xE140] =	vst v63  }
0xb7: {  	_ =	swait.ge [sflag:s19], $0x1000  }
0xb8: {  	[sflag:s19] =	ssyncset.done $0x0  }
0xb9: {  	[sflag:s19] =	ssyncadd.s32 $0xFFFFF000  }
0xba: {  	[spmem:s2] =	stream.indirect.scatter.add.f32 [tilespmem:s25], [sflag:$0x2], $0x20, s31, s21, $0xb8;
	[tilespmem:$0xE140] =	vst v63  }
0xbb: {  	_ =	swait.ge [sflag:s19], $0x1000  }
.Ltmp3:
0xbc: {  	[sflag:s19] =	ssyncset.done $0x0;
	(pc) =	sbr.rel @p2 .LBB2_6-.Ltmp3, $4  }
0xbd: {  	[sflag:s19] =	ssyncadd.s32 $0xFFFFF000  }
0xbe: {  	[spmem:s2] =	stream.indirect.scatter.add.f32 [tilespmem:s28], [sflag:$0x2], $0x20, s0, s21, $0xb8;
	[tilespmem:$0xE140] =	vst v63  }
0xbf: {  	_ =	swait.ge [sflag:s19], $0x1000  }
0xc0: {  	s10 =	smov.u32 s8;
	[sflag:s19] =	ssyncset.done $0x0  }
.Ltmp4:
0xc1: {  	_ = 	snop;
	(pc) =	sbr.rel .LBB2_7-.Ltmp4, $1  }
0xc2: {  	_ =	sdelay $0x3  }
.LBB2_2:
0xc3: {  	s6 =	simm.s32 @p1 $0x0;
	s8 =	simm.s32 @p1 $0x4400;
	s10 =	rddreg [dreg:$0x4]  }
0xc4: {  	[tilespmem:s8], [sflag:$0x2] =	stream.linear.gather @p1 [hbm4b:s10+s6], $0x4100, $0x38;
	[tilespmem:$0xE140] =	vst v63  }
0xc5: {  	s6 =	simm.s32 @p1 $0x2  }
0xc6: {  	_ =	swait.ge @p1 [sflag:s6], $0x4100  }
0xc7: {  	[sflag:s6] =	ssyncset.done @p1 $0x0  }
0xc8: {  	[sflag:s6] =	ssyncadd.s32 @p1 $0xFFFFBF00  }
0xc9: {  	[spmem:s9] =	stream.linear.scatter @p1 [tilespmem:s8], [sflag:$0x2], $0x4100, $0x38;
	[tilespmem:$0xE140] =	vst v63  }
0xca: {  	_ =	swait.ge @p1 [sflag:s6], $0x4100  }
0xcb: {  	s8 =	simm.s32 @!p1 $0x4400;
	[sflag:s6] =	ssyncset.done @p1 $0x0  }
0xcc: {  	s10 =	rddreg [dreg:$0x3];
	[sflag:s6] =	ssyncadd.s32 @p1 $0xFFFFBF00;
	s6 =	simm.s32 @!p1 $0x0  }
0xcd: {  	[tilespmem:s8], [sflag:$0x2] =	stream.linear.gather @!p1 [hbm4b:s10+s6], $0x4F00, $0x38;
	[tilespmem:$0xE140] =	vst v63  }
0xce: {  	s6 =	simm.s32 @!p1 $0x2  }
0xcf: {  	_ =	swait.ge @!p1 [sflag:s6], $0x4F00  }
0xd0: {  	[sflag:s6] =	ssyncset.done @!p1 $0x0  }
0xd1: {  	[sflag:s6] =	ssyncadd.s32 @!p1 $0xFFFFB100  }
0xd2: {  	[spmem:s7] =	stream.linear.scatter @!p1 [tilespmem:s8], [sflag:$0x2], $0x4F00, $0x38;
	[tilespmem:$0xE140] =	vst v63  }
0xd3: {  	_ =	swait.ge @!p1 [sflag:s6], $0x4F00  }
0xd4: {  	[sflag:s6] =	ssyncset.done @!p1 $0x0  }
0xd5: {  	[sflag:s6] =	ssyncadd.s32 @!p1 $0xFFFFB100  }
0xd6: {  	s11 =	sadd.s32 $0x0, s18;
	[bflag:$0x0] =	sbarrier.arrive $0xFFFF  }
0xd7: {  	[tilespmem:s3], [sflag:$0x2] =	stream.linear.gather [hbm4b:s11+s3], $0x200, $0x38;
	[tilespmem:$0xE140] =	vst v63  }
0xd8: {  	_ =	swait.ge [sflag:s19], $0x200  }
0xd9: {  	[sflag:s19] =	ssyncset.done $0x0  }
0xda: {  	s12 =	sadd.s32 $0x0, s17;
	[sflag:s19] =	ssyncadd.s32 $0xFFFFFE00  }
0xdb: {  	[tilespmem:s20], [sflag:$0x2] =	stream.linear.gather [hbm4b:s12+s3], $0x200, $0x38;
	[tilespmem:$0xE140] =	vst v63  }
0xdc: {  	_ =	swait.ge [sflag:s19], $0x200  }
0xdd: {  	[sflag:s19] =	ssyncset.done $0x0  }
0xde: {  	[sflag:s19] =	ssyncadd.s32 $0xFFFFFE00  }
0xdf: {  	[tilespmem:s22], [sflag:$0x1] =	stream.indirect.gather [hbm4b:s4+s21], $0x20, s3, s21, $0xb8;
	[tilespmem:$0xE140] =	vst v63  }
0xe0: {  	_ = 	snop  }
0xe1: {  	[tilespmem:s23], [sflag:$0x1] =	stream.indirect.gather [hbm4b:s4+s21], $0x20, s21, s21, $0xb8;
	[tilespmem:$0xE140] =	vst v63  }
0xe2: {  	_ = 	snop  }
0xe3: {  	[tilespmem:s25], [sflag:$0x1] =	stream.indirect.gather [hbm4b:s4+s21], $0x20, s24, s21, $0xb8;
	[tilespmem:$0xE140] =	vst v63  }
0xe4: {  	_ = 	snop  }
0xe5: {  	[tilespmem:s28], [sflag:$0x1] =	stream.indirect.gather [hbm4b:s4+s21], $0x20, s26, s21, $0xb8;
	[tilespmem:$0xE140] =	vst v63  }
0xe6: {  	_ =	swait.ge [sflag:s29], $0x1000  }
0xe7: {  	[sflag:s29] =	ssyncset.done $0x0  }
0xe8: {  	[sflag:s29] =	ssyncadd.s32 $0xFFFFF000  }
0xe9: {  	_ =	swait.ge [sflag:s29], $0x1000  }
0xea: {  	[sflag:s29] =	ssyncset.done $0x0  }
0xeb: {  	[sflag:s29] =	ssyncadd.s32 $0xFFFFF000  }
0xec: {  	_ =	swait.ge [sflag:s29], $0x1000  }
0xed: {  	[sflag:s29] =	ssyncset.done $0x0  }
0xee: {  	[sflag:s29] =	ssyncadd.s32 $0xFFFFF000  }
0xef: {  	_ =	swait.ge [sflag:s29], $0x1000  }
0xf0: {  	[sflag:s29] =	ssyncset.done $0x0  }
0xf1: {  	[sflag:s29] =	ssyncadd.s32 $0xFFFFF000  }
0xf2: {  	[spmem:s2] =	stream.indirect.scatter.add.f32 [tilespmem:s22], [sflag:$0x2], $0x20, s20, s21, $0xb8;
	[tilespmem:$0xE140] =	vst v63  }
0xf3: {  	_ =	swait.ge [sflag:s19], $0x1000  }
0xf4: {  	[sflag:s19] =	ssyncset.done $0x0  }
0xf5: {  	[sflag:s19] =	ssyncadd.s32 $0xFFFFF000  }
0xf6: {  	[spmem:s2] =	stream.indirect.scatter.add.f32 [tilespmem:s23], [sflag:$0x2], $0x20, s30, s21, $0xb8;
	[tilespmem:$0xE140] =	vst v63  }
0xf7: {  	_ =	swait.ge [sflag:s19], $0x1000  }
0xf8: {  	[sflag:s19] =	ssyncset.done $0x0  }
0xf9: {  	[sflag:s19] =	ssyncadd.s32 $0xFFFFF000  }
0xfa: {  	[spmem:s2] =	stream.indirect.scatter.add.f32 [tilespmem:s25], [sflag:$0x2], $0x20, s31, s21, $0xb8;
	[tilespmem:$0xE140] =	vst v63  }
0xfb: {  	_ =	swait.ge [sflag:s19], $0x1000  }
0xfc: {  	[sflag:s19] =	ssyncset.done $0x0  }
0xfd: {  	[sflag:s19] =	ssyncadd.s32 $0xFFFFF000  }
0xfe: {  	[spmem:s2] =	stream.indirect.scatter.add.f32 [tilespmem:s28], [sflag:$0x2], $0x20, s0, s21, $0xb8;
	[tilespmem:$0xE140] =	vst v63  }
0xff: {  	_ =	swait.ge [sflag:s19], $0x1000  }
0x100: {  	s8 =	simm.s32 $0x80;
	s6 =	simm.s32 $0x40;
	[sflag:s19] =	ssyncset.done $0x0  }
.LBB2_3:
0x101: {  	s11 =	sadd.s32 s6, s18  }
0x102: {  	[sflag:s19] =	ssyncadd.s32 $0xFFFFF000;
	s12 =	smov.u32 s8;
	s10 =	sadd.s32 $0x40, s8  }
0x103: {  	[tilespmem:s3], [sflag:$0x2] =	stream.linear.gather [hbm4b:s11+s3], $0x200, $0x38;
	[tilespmem:$0xE140] =	vst v63  }
0x104: {  	p2 =	sne.s32 s8, $0x9C0;
	_ =	swait.ge [sflag:s19], $0x200  }
0x105: {  	[sflag:s19] =	ssyncset.done $0x0  }
0x106: {  	s8 =	sadd.s32 s6, s17;
	s6 =	smov.u32 s12;
	[sflag:s19] =	ssyncadd.s32 $0xFFFFFE00  }
0x107: {  	[tilespmem:s20], [sflag:$0x2] =	stream.linear.gather [hbm4b:s8+s3], $0x200, $0x38;
	[tilespmem:$0xE140] =	vst v63  }
0x108: {  	_ =	swait.ge [sflag:s19], $0x200  }
0x109: {  	[sflag:s19] =	ssyncset.done $0x0  }
0x10a: {  	[sflag:s19] =	ssyncadd.s32 $0xFFFFFE00  }
0x10b: {  	[tilespmem:s22], [sflag:$0x1] =	stream.indirect.gather [hbm4b:s4+s21], $0x20, s3, s21, $0xb8;
	[tilespmem:$0xE140] =	vst v63  }
0x10c: {  	_ = 	snop  }
0x10d: {  	[tilespmem:s23], [sflag:$0x1] =	stream.indirect.gather [hbm4b:s4+s21], $0x20, s21, s21, $0xb8;
	[tilespmem:$0xE140] =	vst v63  }
0x10e: {  	_ = 	snop  }
0x10f: {  	[tilespmem:s25], [sflag:$0x1] =	stream.indirect.gather [hbm4b:s4+s21], $0x20, s24, s21, $0xb8;
	[tilespmem:$0xE140] =	vst v63  }
0x110: {  	_ = 	snop  }
0x111: {  	[tilespmem:s28], [sflag:$0x1] =	stream.indirect.gather [hbm4b:s4+s21], $0x20, s26, s21, $0xb8;
	[tilespmem:$0xE140] =	vst v63  }
0x112: {  	_ =	swait.ge [sflag:s29], $0x1000  }
0x113: {  	[sflag:s29] =	ssyncset.done $0x0  }
0x114: {  	[sflag:s29] =	ssyncadd.s32 $0xFFFFF000  }
0x115: {  	_ =	swait.ge [sflag:s29], $0x1000  }
0x116: {  	[sflag:s29] =	ssyncset.done $0x0  }
0x117: {  	[sflag:s29] =	ssyncadd.s32 $0xFFFFF000  }
0x118: {  	_ =	swait.ge [sflag:s29], $0x1000  }
0x119: {  	[sflag:s29] =	ssyncset.done $0x0  }
0x11a: {  	[sflag:s29] =	ssyncadd.s32 $0xFFFFF000  }
0x11b: {  	_ =	swait.ge [sflag:s29], $0x1000  }
0x11c: {  	[sflag:s29] =	ssyncset.done $0x0  }
0x11d: {  	[sflag:s29] =	ssyncadd.s32 $0xFFFFF000  }
0x11e: {  	[spmem:s2] =	stream.indirect.scatter.add.f32 [tilespmem:s22], [sflag:$0x2], $0x20, s20, s21, $0xb8;
	[tilespmem:$0xE140] =	vst v63  }
0x11f: {  	_ =	swait.ge [sflag:s19], $0x1000  }
0x120: {  	[sflag:s19] =	ssyncset.done $0x0  }
0x121: {  	[sflag:s19] =	ssyncadd.s32 $0xFFFFF000  }
0x122: {  	[spmem:s2] =	stream.indirect.scatter.add.f32 [tilespmem:s23], [sflag:$0x2], $0x20, s30, s21, $0xb8;
	[tilespmem:$0xE140] =	vst v63  }
0x123: {  	_ =	swait.ge [sflag:s19], $0x1000  }
0x124: {  	[sflag:s19] =	ssyncset.done $0x0  }
0x125: {  	[sflag:s19] =	ssyncadd.s32 $0xFFFFF000  }
0x126: {  	[spmem:s2] =	stream.indirect.scatter.add.f32 [tilespmem:s25], [sflag:$0x2], $0x20, s31, s21, $0xb8;
	[tilespmem:$0xE140] =	vst v63  }
0x127: {  	_ =	swait.ge [sflag:s19], $0x1000  }
.Ltmp5:
0x128: {  	[sflag:s19] =	ssyncset.done $0x0;
	(pc) =	sbr.rel @p2 .LBB2_3-.Ltmp5, $4  }
0x129: {  	[sflag:s19] =	ssyncadd.s32 $0xFFFFF000  }
0x12a: {  	[spmem:s2] =	stream.indirect.scatter.add.f32 [tilespmem:s28], [sflag:$0x2], $0x20, s0, s21, $0xb8;
	[tilespmem:$0xE140] =	vst v63  }
0x12b: {  	_ =	swait.ge [sflag:s19], $0x1000  }
0x12c: {  	s8 =	smov.u32 s10;
	[sflag:s19] =	ssyncset.done $0x0  }
0x12d: {  	s8 =	sadd.s32 s6, s18;
	[sflag:s19] =	ssyncadd.s32 $0xFFFFF000  }
0x12e: {  	[tilespmem:s3], [sflag:$0x2] =	stream.linear.gather [hbm4b:s8+s3], $0x200, $0x38;
	[tilespmem:$0xE140] =	vst v63  }
0x12f: {  	_ =	swait.ge [sflag:s19], $0x200  }
0x130: {  	[sflag:s19] =	ssyncset.done $0x0  }
0x131: {  	s12 =	sadd.s32 s6, s17;
	[sflag:s19] =	ssyncadd.s32 $0xFFFFFE00  }
0x132: {  	[tilespmem:s20], [sflag:$0x2] =	stream.linear.gather [hbm4b:s12+s3], $0x200, $0x38;
	[tilespmem:$0xE140] =	vst v63  }
0x133: {  	_ =	swait.ge [sflag:s19], $0x200  }
0x134: {  	[sflag:s19] =	ssyncset.done $0x0  }
0x135: {  	[sflag:s19] =	ssyncadd.s32 $0xFFFFFE00  }
0x136: {  	[tilespmem:s22], [sflag:$0x1] =	stream.indirect.gather [hbm4b:s4+s21], $0x20, s3, s21, $0xb8;
	[tilespmem:$0xE140] =	vst v63  }
0x137: {  	_ = 	snop  }
0x138: {  	[tilespmem:s23], [sflag:$0x1] =	stream.indirect.gather [hbm4b:s4+s21], $0x20, s21, s21, $0xb8;
	[tilespmem:$0xE140] =	vst v63  }
0x139: {  	_ = 	snop  }
0x13a: {  	[tilespmem:s25], [sflag:$0x1] =	stream.indirect.gather [hbm4b:s4+s21], $0x20, s24, s21, $0xb8;
	[tilespmem:$0xE140] =	vst v63  }
0x13b: {  	_ = 	snop  }
0x13c: {  	[tilespmem:s28], [sflag:$0x1] =	stream.indirect.gather [hbm4b:s4+s21], $0x20, s26, s21, $0xb8;
	[tilespmem:$0xE140] =	vst v63  }
0x13d: {  	_ =	swait.ge [sflag:s29], $0x1000  }
0x13e: {  	[sflag:s29] =	ssyncset.done $0x0  }
0x13f: {  	[sflag:s29] =	ssyncadd.s32 $0xFFFFF000  }
0x140: {  	_ =	swait.ge [sflag:s29], $0x1000  }
0x141: {  	[sflag:s29] =	ssyncset.done $0x0  }
0x142: {  	[sflag:s29] =	ssyncadd.s32 $0xFFFFF000  }
0x143: {  	_ =	swait.ge [sflag:s29], $0x1000  }
0x144: {  	[sflag:s29] =	ssyncset.done $0x0  }
0x145: {  	[sflag:s29] =	ssyncadd.s32 $0xFFFFF000  }
0x146: {  	_ =	swait.ge [sflag:s29], $0x1000  }
0x147: {  	[sflag:s29] =	ssyncset.done $0x0  }
0x148: {  	[sflag:s29] =	ssyncadd.s32 $0xFFFFF000  }
0x149: {  	[spmem:s2] =	stream.indirect.scatter.add.f32 [tilespmem:s22], [sflag:$0x2], $0x20, s20, s21, $0xb8;
	[tilespmem:$0xE140] =	vst v63  }
0x14a: {  	_ =	swait.ge [sflag:s19], $0x1000  }
0x14b: {  	[sflag:s19] =	ssyncset.done $0x0  }
0x14c: {  	[sflag:s19] =	ssyncadd.s32 $0xFFFFF000  }
0x14d: {  	[spmem:s2] =	stream.indirect.scatter.add.f32 [tilespmem:s23], [sflag:$0x2], $0x20, s30, s21, $0xb8;
	[tilespmem:$0xE140] =	vst v63  }
0x14e: {  	_ =	swait.ge [sflag:s19], $0x1000  }
0x14f: {  	[sflag:s19] =	ssyncset.done $0x0  }
0x150: {  	[sflag:s19] =	ssyncadd.s32 $0xFFFFF000  }
0x151: {  	[spmem:s2] =	stream.indirect.scatter.add.f32 [tilespmem:s25], [sflag:$0x2], $0x20, s31, s21, $0xb8;
	[tilespmem:$0xE140] =	vst v63  }
0x152: {  	_ =	swait.ge [sflag:s19], $0x1000  }
0x153: {  	[sflag:s19] =	ssyncset.done $0x0  }
0x154: {  	[sflag:s19] =	ssyncadd.s32 $0xFFFFF000  }
0x155: {  	[spmem:s2] =	stream.indirect.scatter.add.f32 [tilespmem:s28], [sflag:$0x2], $0x20, s0, s21, $0xb8;
	[tilespmem:$0xE140] =	vst v63  }
0x156: {  	_ =	swait.ge [sflag:s19], $0x1000  }
0x157: {  	[sflag:s19] =	ssyncset.done $0x0  }
0x158: {  	[sflag:s19] =	ssyncadd.s32 $0xFFFFF000  }
0x159: {  	s6 =	simm.s32 @p1 $0x4400;
	s8 =	simm.s32 @p1 $0x2;
	[bflag:$0x0] =	sbarrier.arrive $0xFFFF  }
0x15a: {  	[tilespmem:s6], [sflag:$0x2] =	stream.linear.gather @p1 [spmem:s9], $0x4100, $0x38;
	[tilespmem:$0xE140] =	vst v63  }
0x15b: {  	_ =	swait.ge @p1 [sflag:s8], $0x4100  }
0x15c: {  	[sflag:s8] =	ssyncset.done @p1 $0x0  }
0x15d: {  	s10 =	simm.s32 @p1 $0x0;
	s11 =	rddreg [dreg:$0x6];
	[sflag:s8] =	ssyncadd.s32 @p1 $0xFFFFBF00  }
0x15e: {  	[hbm4b:s11+s10] =	stream.linear.scatter @p1 [tilespmem:s6], [sflag:$0x2], $0x4100, $0x38;
	[tilespmem:$0xE140] =	vst v63  }
0x15f: {  	_ =	swait.ge @p1 [sflag:s8], $0x4100  }
0x160: {  	[sflag:s8] =	ssyncset.done @p1 $0x0  }
0x161: {  	s6 =	simm.s32 @!p1 $0x4400;
	[sflag:s8] =	ssyncadd.s32 @p1 $0xFFFFBF00;
	s8 =	simm.s32 @!p1 $0x2  }
0x162: {  	[tilespmem:s6], [sflag:$0x2] =	stream.linear.gather @!p1 [spmem:s7], $0x4F00, $0x38;
	[tilespmem:$0xE140] =	vst v63  }
0x163: {  	_ =	swait.ge @!p1 [sflag:s8], $0x4F00  }
0x164: {  	s10 =	simm.s32 @!p1 $0x0;
	[sflag:s8] =	ssyncset.done @!p1 $0x0  }
.Ltmp6:
0x165: {  	s11 =	rddreg [dreg:$0x5];
	[sflag:s8] =	ssyncadd.s32 @!p1 $0xFFFFB100;
	(pc) =	sbr.rel .LBB2_8-.Ltmp6, $4  }
0x166: {  	[hbm4b:s11+s10] =	stream.linear.scatter @!p1 [tilespmem:s6], [sflag:$0x2], $0x4F00, $0x38;
	[tilespmem:$0xE140] =	vst v63  }
0x167: {  	_ =	swait.ge @!p1 [sflag:s8], $0x4F00  }
0x168: {  	[sflag:s8] =	ssyncset.done @!p1 $0x0  }
0x169: {  	[sflag:s8] =	ssyncadd.s32 @!p1 $0xFFFFB100  }
.LBB2_9:
0x16a: {  	_ =	sfence.sel $0x180000  }
0x16b: {  	[bflag:$0x0] =	sbarrier.arrive $0xFFFF  }
0x16c: {  	_ =	strace $0x9000004A  }
0x16d: {  	s0 =	stileid.u32;
	[bflag:$0x2] =	sbarrier.arrive $0xFFFF  }
0x16e: {  	p0 =	sne.s32 s0, $0x0;
	s0 =	rddreg [dreg:$0x2]  }
0x16f: {  	s0 =	sadd.s32 @!p0 $0x100000, s0  }
0x170: {  	[sflag:s0] =	ssyncadd.tile.s32 @!p0 $0x1;
	_ =	shalt  }
.Lfunc_end2:
_tile_overlayer_lowered:
.L_overlay_start_2:
0x171: {  	(tag) =	ssettag $0x2  }
0x172: {  	s0 =	rddreg [dreg:$0x0];
	s2 =	stileid.u32  }
0x173: {  	s1 =	rddreg [dreg:$0x1];
	p0 =	sne.s32 s2, $0x0  }
0x174: {  	s3 =	rddreg [dreg:$0x2];
	[bflag:$0x3] =	sbarrier.arrive $0xFFFF;
	s2 =	simm.s32 @!p0 $0x1C02  }
0x175: {  	[timem:s3], [sflag:s2] =	dma.local @!p0 [hbm:s0], s1  }
0x176: {  	s0 =	simm.s32 @!p0 $0x2  }
0x177: {  	_ =	swait.ge @!p0 [sflag:s0], s1  }
0x178: {  	s1 =	ssub.s32 @!p0 $0x0, s1;
	[sflag:s0] =	ssyncset.done @!p0 $0x0  }
0x179: {  	[sflag:s0] =	ssyncadd.s32 @!p0 s1  }
0x17a: {  	[bflag:$0x3] =	sbarrier.arrive $0xFFFF  }
0x17b: {  	_ =	shalt  }

// kernel: kernel.15.cloned.1.call-start
scs
__scs_entry_jumppad:
0x0: {  	(pc) =	sbr.rel $0x88, $3  }
0x1: {  	(tag) =	ssettag $0x0;
	lr =	simm.s32 $0x1  }
0x2: {  	[smem:$0x3F8F] =	sst lr;
	_ =	strace $0xD0000000  }
0x3: {  	_ = 	snop  }
0x4: {  	_ = 	snop  }
0x5: {  	_ = 	snop  }
0x6: {  	_ = 	snop  }
0x7: {  	_ = 	snop  }
__scs_overlays_trampoline_lowered:
0x8: {  	[smem:$0x3F9E] =	sst s0  }
0x9: {  	[smem:$0x3F9F] =	sst s1  }
0xa: {  	[smem:$0x3FA0] =	sst s2  }
0xb: {  	[smem:$0x3FA1] =	sst s3  }
0xc: {  	[smem:$0x3FA2] =	sst s4  }
0xd: {  	[smem:$0x3FA3] =	sst s5  }
0xe: {  	[smem:$0x3FA4] =	sst s6  }
0xf: {  	[smem:$0x3FA5] =	sst s7  }
0x10: {  	[smem:$0x3FA6] =	sst s8  }
0x11: {  	[smem:$0x3FA7] =	sst s9;
	s0 =	simm.s32 @!p0 $0x0  }
0x12: {  	s1 =	sld [smem:$0x3F8D];
	s0 =	simm.s32 @p0 $0x1  }
0x13: {  	[smem:$0x3FA8] =	sst s0;
	s0 =	simm.s32 @!p1 $0x0  }
0x14: {  	s2 =	sld [smem:$0x3F8C];
	s0 =	simm.s32 @p1 $0x1  }
0x15: {  	[smem:$0x3FA9] =	sst s0;
	s0 =	simm.s32 @!p2 $0x0  }
0x16: {  	s3 =	sld [smem:$0x3FDB];
	s0 =	simm.s32 @p2 $0x1  }
0x17: {  	s4 =	simm.s32 $0x1BF5;
	[smem:$0x3FAB] =	sst s0  }
0x18: {  	s0 =	sld [smem:$0x3F8E];
	_ =	swait.ge [sflag:s4], $0x0  }
0x19: {  	s7 =	sld [smem:$0x3F8F]  }
0x1a: {  	s8 =	sadd.s32 $0xFFFFE003, lr  }
0x1b: {  	s9 =	sadd.s32 $0xFFFFFEF7, lr;
	s5 =	simm.s32 $0xFFFFFFFF;
	p2 =	slt.u32 s8, $0xFFFFF086  }
0x1c: {  	p1 =	slt.u32 s9, $0xF7A;
	s5 =	simm.s32 @!p2 $0x0  }
0x1d: {  	s5 =	simm.s32 @p1 $0x1;
	p0 =	seq.s32 s7, s2  }
0x1e: {  	s7 =	smul.u32 @!p0 $0xF7A, s2;
	p2 =	seq.s32 @!p0 s5, $0x0  }
0x1f: {  	s9 =	smul.u32 $0xF7A, s1;
	s8 =	simm.s32 @!p0 $0x1BF5;
	p2 =	por !p2, p0  }
0x20: {  	[sflag:s8] =	ssyncset.s32 @!p0 $0xFFFFF086;
	s6 =	sadd.s32 @!p0 s3, s7;
	s7 =	simm.s32 @!p0 $0x108  }
0x21: {  	s3 =	sadd.s32 s3, s9;
	s6 =	sadd.s32 @!p0 $0x88, s6;
	s7 =	simm.s32 @p2 $0x1082  }
0x22: {  	[simem:s7], [sflag:s8] =	dma.local @!p0 [hbm:s6], $0xF7A  }
0x23: {  	s9 =	sor.u32 $0xD0000000, s2;
	s6 =	simm.s32 $0x108;
	_ =	swait.ge @!p0 [sflag:s8], $0x0  }
0x24: {  	s3 =	sadd.s32 $0x88, s3;
	s6 =	simm.s32 @!p1 $0x1082;
	[sflag:s4] =	ssyncset.s32 $0xFFFFF086  }
0x25: {  	[simem:s6], [sflag:s4] =	dma.local [hbm:s3], $0xF7A  }
0x26: {  	[smem:$0x3F8F] =	sst s1;
	(tag) =	ssettag s2;
	_ =	strace s9  }
0x27: {  	s1 =	sld [smem:$0x3F9F]  }
0x28: {  	s2 =	sld [smem:$0x3FA0]  }
0x29: {  	s4 =	sld [smem:$0x3FA2]  }
0x2a: {  	p0 =	seq.s32 s5, $0x0;
	s5 =	sld [smem:$0x3FA3]  }
0x2b: {  	s6 =	sld [smem:$0x3FA4]  }
0x2c: {  	s7 =	sld [smem:$0x3FA5]  }
0x2d: {  	s3 =	simm.s32 $0x108;
	s8 =	sld [smem:$0x3FA6]  }
0x2e: {  	s3 =	simm.s32 @!p0 $0x1082;
	s9 =	sld [smem:$0x3FA7]  }
0x2f: {  	lr =	sadd.s32 s0, s3;
	s0 =	sld [smem:$0x3F9E]  }
0x30: {  	s3 =	sld [smem:$0x3FA1]  }
0x31: {  	[smem:$0x3FAA] =	sst s10  }
0x32: {  	s10 =	sld [smem:$0x3FA8];
	_ =	sdelay $0x3  }
0x33: {  	p0 =	seq.s32 s10, $0x1;
	s10 =	sld [smem:$0x3FAA];
	_ =	sdelay $0x3  }
0x34: {  	[smem:$0x3FAA] =	sst s10  }
0x35: {  	s10 =	sld [smem:$0x3FA9];
	_ =	sdelay $0x3  }
0x36: {  	p1 =	seq.s32 s10, $0x1;
	s10 =	sld [smem:$0x3FAA];
	_ =	sdelay $0x3  }
0x37: {  	[smem:$0x3FAA] =	sst s10  }
0x38: {  	s10 =	sld [smem:$0x3FAB]  }
0x39: {  	_ = 	snop;
	(pc) =	sbr.ind lr, $3  }
0x3a: {  	_ = 	snop  }
0x3b: {  	_ = 	snop  }
0x3c: {  	p2 =	seq.s32 s10, $0x1;
	s10 =	sld [smem:$0x3FAA]  }
0x3d: {  	_ =	shalt  }
0x3e: {  	_ =	shalt  }
0x3f: {  	_ =	shalt  }
0x40: {  	_ =	shalt  }
0x41: {  	_ =	shalt  }
0x42: {  	_ =	shalt  }
0x43: {  	_ =	shalt  }
0x44: {  	_ =	shalt  }
0x45: {  	_ =	shalt  }
0x46: {  	_ =	shalt  }
0x47: {  	_ =	shalt  }
0x48: {  	_ =	shalt  }
0x49: {  	_ =	shalt  }
0x4a: {  	_ =	shalt  }
0x4b: {  	_ =	shalt  }
0x4c: {  	_ =	shalt  }
0x4d: {  	_ =	shalt  }
0x4e: {  	_ =	shalt  }
0x4f: {  	_ =	shalt  }
0x50: {  	_ =	shalt  }
0x51: {  	_ =	shalt  }
0x52: {  	_ =	shalt  }
0x53: {  	_ =	shalt  }
0x54: {  	_ =	shalt  }
0x55: {  	_ =	shalt  }
0x56: {  	_ =	shalt  }
0x57: {  	_ =	shalt  }
0x58: {  	_ =	shalt  }
0x59: {  	_ =	shalt  }
0x5a: {  	_ =	shalt  }
0x5b: {  	_ =	shalt  }
0x5c: {  	_ =	shalt  }
0x5d: {  	_ =	shalt  }
0x5e: {  	_ =	shalt  }
0x5f: {  	_ =	shalt  }
0x60: {  	_ =	shalt  }
0x61: {  	_ =	shalt  }
0x62: {  	_ =	shalt  }
0x63: {  	_ =	shalt  }
0x64: {  	_ =	shalt  }
0x65: {  	_ =	shalt  }
0x66: {  	_ =	shalt  }
0x67: {  	_ =	shalt  }
0x68: {  	_ =	shalt  }
0x69: {  	_ =	shalt  }
0x6a: {  	_ =	shalt  }
0x6b: {  	_ =	shalt  }
0x6c: {  	_ =	shalt  }
0x6d: {  	_ =	shalt  }
0x6e: {  	_ =	shalt  }
0x6f: {  	_ =	shalt  }
0x70: {  	_ =	shalt  }
0x71: {  	_ =	shalt  }
0x72: {  	_ =	shalt  }
0x73: {  	_ =	shalt  }
0x74: {  	_ =	shalt  }
0x75: {  	_ =	shalt  }
0x76: {  	_ =	shalt  }
0x77: {  	_ =	shalt  }
0x78: {  	_ =	shalt  }
0x79: {  	_ =	shalt  }
0x7a: {  	_ =	shalt  }
0x7b: {  	_ =	shalt  }
0x7c: {  	_ =	shalt  }
0x7d: {  	_ =	shalt  }
0x7e: {  	_ =	shalt  }
0x7f: {  	_ =	shalt  }
0x80: {  	_ =	shalt  }
0x81: {  	_ =	shalt  }
0x82: {  	_ =	shalt  }
0x83: {  	_ =	shalt  }
0x84: {  	_ =	shalt  }
0x85: {  	_ =	shalt  }
0x86: {  	_ =	shalt  }
0x87: {  	_ =	shalt  }
.Lfunc_end0:
.L_simem_size_0:
called_computation.2_lowered:
.L_overlay_start_0:
0x88: {  	s2 =	sld [smem:$0x3FD9]  }
0x89: {  	s3 =	sld [smem:$0x3FFE];
	_ =	sdelay $0x1  }
0x8a: {  	s1 =	srdreg.scid  }
0x8b: {  	s0 =	sand.u32 $0x1, s1  }
0x8c: {  	s16 =	sshll.u32 s0, $0xA;
	s2 =	sadd.s32 s3, s2  }
0x8d: {  	s2 =	sadd.s32 s2, s16  }
0x8e: {  	[smem:$0x3FB6] =	sst s2  }
0x8f: {  	_ = 	snop  }
0x90: {  	(tm) =	ssettm $0x1  }
0x91: {  	s17 =	sld [smem:$0x3FFB];
	_ =	sdelay $0x3  }
0x92: {  	_ =	strace s17  }
0x93: {  	s2 =	sld [smem:$0x3FFC];
	_ =	sdelay $0x3  }
0x94: {  	_ =	strace s2  }
0x95: {  	s2 =	sld [smem:$0x3FFD];
	_ =	sdelay $0x3  }
0x96: {  	_ =	strace s2  }
0x97: {  	_ =	strace $0x8FFFFFFF  }
0x98: {  	s18 =	sld [smem:$0x3FDB];
	_ =	sdelay $0x1  }
0x99: {  	s19 =	simm.s32 $_scs_section_size  }
0x9a: {  	s4 =	simm.s32 $_size__tile_overlayer_lowered;
	s5 =	simm.s32 $_tile_overlayer_lowered  }
0x9b: {  	s22 =	simm.s32 $0x1BFF;
	s21 =	sshll.u32 s5, $0x1;
	s2 =	sadd.s32 s19, s18  }
0x9c: {  	s6 =	simm.s32 $0x0;
	s20 =	sshll.u32 s4, $0x1;
	s4 =	sadd.s32 s21, s2  }
0x9d: {  	[timem:s6], [sflag:s22] =	dma.local [hbm:s4], s20  }
0x9e: {  	_ =	swait.ge [sflag:s22], s20  }
0x9f: {  	s3 =	ssub.s32 $0x0, s20;
	[sflag:s22] =	ssyncset.done $0x0  }
0xa0: {  	[sflag:s22] =	ssyncadd.s32 s3;
	_ =	sdelay $0x1  }
0xa1: {  	s23 =	simm.s32 $0x1B8B  }
0xa2: {  	_ =	swait.ge [sflag:s23], $0x1  }
0xa3: {  	[sflag:s23] =	ssyncset.done $0x0  }
0xa4: {  	s25 =	simm.s32 $0x1B8E;
	s24 =	sld [smem:$0x3FFE];
	[sflag:s23] =	ssyncadd.s32 $0xFFFFFFFF  }
0xa5: {  	s26 =	simm.s32 $execute0_lowered;
	[smem:$0x3FD2] =	sst s25  }
0xa6: {  	s4 =	sshll.u32 s26, $0x1;
	_ =	strace $0x8000004C;
	[dreg:$0x1] =	wrdreg $0xFFFFFFFF  }
0xa7: {  	s28 =	simm.s32 $_size_execute0_lowered;
	s2 =	sadd.s32 s2, s4;
	[dreg:$0x0] =	wrdreg $0x0  }
0xa8: {  	s4 =	sshll.u32 s28, $0x1;
	[dreg:$0x2] =	wrdreg s2  }
0xa9: {  	[dreg:$0x3] =	wrdreg s4  }
0xaa: {  	[dreg:$0x4] =	wrdreg $0xC0  }
0xab: {  	_ =	task [dreg:s6], $0x5FFFF  }
0xac: {  	[dreg:$0x1] =	wrdreg $0xFFFFFFFF  }
0xad: {  	[dreg:$0x0] =	wrdreg $0x60  }
0xae: {  	[dreg:$0x2] =	wrdreg s24  }
0xaf: {  	[dreg:$0x3] =	wrdreg $0x122000  }
0xb0: {  	[dreg:$0x4] =	wrdreg $0x9  }
0xb1: {  	_ =	task.clear_ibuf [dreg:s6], $0x5FFFF;
	_ =	strace $0x9000004C  }
0xb2: {  	s29 =	simm.s32 $0x9;
	_ =	strace $0x8000004E  }
0xb3: {  	_ =	swait.ge [sflag:s29], $0x1  }
0xb4: {  	[sflag:s29] =	ssyncadd.s32 $0xFFFFFFFF  }
0xb5: {  	_ =	strace $0x9000004E  }
0xb6: {  	_ =	sfence  }
0xb7: {  	s30 =	sld [smem:$0x0];
	_ =	sdelay $0x2  }
0xb8: {  	s31 =	sshll.u32 s1, $0xD;
	s1 =	sshrl.u32 s1, $0x2  }
0xb9: {  	s3 =	sand.u32 $0x4000, s31;
	s1 =	sadd.s32 s1, s30  }
0xba: {  	s0 =	sor.u32 s3, s0;
	s1 =	sshll.u32 s1, $0x11  }
0xbb: {  	s0 =	sor.u32 s1, s0  }
0xbc: {  	s0 =	sadd.s32 $0x8F2B, s0  }
0xbd: {  	[sflag:s0] =	ssyncadd.remote.s32 $0x1  }
0xbe: {  	_ =	sfence.sel $0xFFFF  }
0xbf: {  	[dreg:$0x0] =	wrdreg $0xFFFFFFFF;
	(pc) =	sbr.abs _section_cstart, $3  }
0xc0: {  	[dreg:$0x1] =	wrdreg $0xFFFFFFFF  }
0xc1: {  	_ =	task.clear_ibuf [dreg:s6], $0x2FFFF;
	_ =	strace $0x9FFFFFFF  }
0xc2: {  	(tm) =	ssettm $0x7FFFFFFF  }
0xc3: {  	_ =	shalt  }
tec
execute0_lowered:
.L_overlay_start_1:
0x0: {  	(tag) =	ssettag $0x1  }
0x1: {  	s0 =	rddreg [dreg:$0x0]  }
0x2: {  	s2 =	rddreg [dreg:$0x1]  }
0x3: {  	s3 =	simm.s32 $0x0;
	s12 =	stileid.u32;
	s5 =	srdreg.scid  }
0x4: {  	s19 =	simm.s32 $0x2;
	s20 =	simm.s32 $0x200;
	s21 =	simm.s32 $0x80  }
0x5: {  	s28 =	simm.s32 $0x6400;
	s29 =	simm.s32 $0x1;
	s30 =	simm.s32 $0x280  }
0x6: {  	s31 =	simm.s32 $0x300;
	[smem:$0x7FF] =	sst s3;
	s1 =	smul.u32 $0x9E00, s12  }
0x7: {  	s4 =	sadd.s32 $0x40600, s0;
	s6 =	smul.u32 $0xA00, s12;
	s7 =	sand.u32 $0x1, s5  }
0x8: {  	s5 =	sadd.s32 $0x54000, s0;
	s23 =	sadd.s32 $0x52E40, s0;
	s25 =	sadd.s32 $0x8DC40, s0  }
0x9: {  	s13 =	sadd.s32 $0x66840, s0;
	s15 =	sadd.s32 $0x7A240, s0;
	p1 =	seq.s32 s12, $0xF  }
0xa: {  	_ =	strace $0x8000004D;
	s9 =	ssub.s32 $0x2, s7;
	[dreg:$0x4] =	wrdreg s23  }
0xb: {  	p0 =	seq.s32 s7, $0x1;
	[dreg:$0x6] =	wrdreg s25;
	s23 =	simm.s32 $0x2400  }
0xc: {  	s25 =	simm.s32 $0x4400;
	s8 =	sshrl.u32 s1, $0x3;
	s6 =	sadd.s32 s6, s0  }
0xd: {  	s11 =	sshrl.u32 s9, $0x1;
	s7 =	sadd.s32 s1, s2;
	s1 =	simm.s32 $0x0  }
0xe: {  	s10 =	sadd.s32 s8, s0;
	s16 =	ssub.s32 s9, s11;
	s22 =	sadd.s32 s4, s8  }
.Ltmp0:
0xf: {  	s9 =	sadd.s32 $0x94200, s2;
	s26 =	sadd.s32 s5, s8;
	(pc) =	sbr.rel .LBB2_1-.Ltmp0, $4  }
0x10: {  	s17 =	sadd.s32 $0x5400, s6;
	s18 =	sadd.s32 $0xF400, s6;
	[dreg:$0x3] =	wrdreg s22  }
0x11: {  	s0 =	simm.s32 $0x380;
	s24 =	sadd.s32 $0x7B400, s10;
	[dreg:$0x7] =	wrdreg s26  }
0x12: {  	s14 =	sadd.s32 $0x67A00, s10;
	s16 =	smax.u32 s16, $0x1;
	s22 =	simm.s32 $0x400  }
0x13: {  	s26 =	simm.s32 $0x180;
	[dreg:$0x5] =	wrdreg s24;
	s24 =	simm.s32 $0x100  }
.LBB2_7:
0x14: {  	s8 =	sadd.s32 s6, s18;
	[sflag:s19] =	ssyncadd.s32 $0xFFFFE000  }
0x15: {  	[tilespmem:s3], [sflag:$0x2] =	stream.linear.gather [hbm4b:s8+s3], $0x200, $0x38;
	[tilespmem:$0x1BE80] =	vst v63  }
0x16: {  	_ =	swait.ge [sflag:s19], $0x200  }
0x17: {  	[sflag:s19] =	ssyncset.done $0x0  }
0x18: {  	s12 =	sadd.s32 s6, s17;
	[sflag:s19] =	ssyncadd.s32 $0xFFFFFE00  }
0x19: {  	[tilespmem:s20], [sflag:$0x2] =	stream.linear.gather [hbm4b:s12+s3], $0x200, $0x38;
	[tilespmem:$0x1BE80] =	vst v63  }
0x1a: {  	_ =	swait.ge [sflag:s19], $0x200  }
0x1b: {  	[sflag:s19] =	ssyncset.done $0x0  }
0x1c: {  	[sflag:s19] =	ssyncadd.s32 $0xFFFFFE00  }
0x1d: {  	[tilespmem:s22], [sflag:$0x1] =	stream.indirect.gather [hbm4b:s5+s21], $0x40, s3, s21, $0xb8;
	[tilespmem:$0x1BE80] =	vst v63  }
0x1e: {  	_ = 	snop  }
0x1f: {  	[tilespmem:s23], [sflag:$0x1] =	stream.indirect.gather [hbm4b:s5+s21], $0x40, s21, s21, $0xb8;
	[tilespmem:$0x1BE80] =	vst v63  }
0x20: {  	_ = 	snop  }
0x21: {  	[tilespmem:s25], [sflag:$0x1] =	stream.indirect.gather [hbm4b:s5+s21], $0x40, s24, s21, $0xb8;
	[tilespmem:$0x1BE80] =	vst v63  }
0x22: {  	_ = 	snop  }
0x23: {  	[tilespmem:s28], [sflag:$0x1] =	stream.indirect.gather [hbm4b:s5+s21], $0x40, s26, s21, $0xb8;
	[tilespmem:$0x1BE80] =	vst v63  }
0x24: {  	_ =	swait.ge [sflag:s29], $0x2000  }
0x25: {  	[sflag:s29] =	ssyncset.done $0x0  }
0x26: {  	[sflag:s29] =	ssyncadd.s32 $0xFFFFE000  }
0x27: {  	_ =	swait.ge [sflag:s29], $0x2000  }
0x28: {  	[sflag:s29] =	ssyncset.done $0x0  }
0x29: {  	[sflag:s29] =	ssyncadd.s32 $0xFFFFE000  }
0x2a: {  	_ =	swait.ge [sflag:s29], $0x2000  }
0x2b: {  	[sflag:s29] =	ssyncset.done $0x0  }
0x2c: {  	[sflag:s29] =	ssyncadd.s32 $0xFFFFE000  }
0x2d: {  	_ =	swait.ge [sflag:s29], $0x2000  }
0x2e: {  	[sflag:s29] =	ssyncset.done $0x0  }
0x2f: {  	[sflag:s29] =	ssyncadd.s32 $0xFFFFE000  }
0x30: {  	[spmem:s2] =	stream.indirect.scatter.add.f32 [tilespmem:s22], [sflag:$0x2], $0x40, s20, s21, $0xb8;
	[tilespmem:$0x1BE80] =	vst v63  }
0x31: {  	_ =	swait.ge [sflag:s19], $0x2000  }
0x32: {  	[sflag:s19] =	ssyncset.done $0x0  }
0x33: {  	[sflag:s19] =	ssyncadd.s32 $0xFFFFE000  }
0x34: {  	[spmem:s2] =	stream.indirect.scatter.add.f32 [tilespmem:s23], [sflag:$0x2], $0x40, s30, s21, $0xb8;
	[tilespmem:$0x1BE80] =	vst v63  }
0x35: {  	_ =	swait.ge [sflag:s19], $0x2000  }
0x36: {  	[sflag:s19] =	ssyncset.done $0x0  }
0x37: {  	[sflag:s19] =	ssyncadd.s32 $0xFFFFE000  }
0x38: {  	[spmem:s2] =	stream.indirect.scatter.add.f32 [tilespmem:s25], [sflag:$0x2], $0x40, s31, s21, $0xb8;
	[tilespmem:$0x1BE80] =	vst v63  }
0x39: {  	_ =	swait.ge [sflag:s19], $0x2000  }
0x3a: {  	[sflag:s19] =	ssyncset.done $0x0  }
0x3b: {  	[sflag:s19] =	ssyncadd.s32 $0xFFFFE000  }
0x3c: {  	[spmem:s2] =	stream.indirect.scatter.add.f32 [tilespmem:s28], [sflag:$0x2], $0x40, s0, s21, $0xb8;
	[tilespmem:$0x1BE80] =	vst v63  }
0x3d: {  	_ =	swait.ge [sflag:s19], $0x2000  }
0x3e: {  	[sflag:s19] =	ssyncset.done $0x0  }
0x3f: {  	[sflag:s19] =	ssyncadd.s32 $0xFFFFE000  }
0x40: {  	s6 =	simm.s32 @p1 $0x8400;
	s8 =	simm.s32 @p1 $0x2;
	[bflag:$0x0] =	sbarrier.arrive $0xFFFF  }
0x41: {  	[tilespmem:s6], [sflag:$0x2] =	stream.linear.gather @p1 [spmem:s9], $0x8200, $0x38;
	[tilespmem:$0x1BE80] =	vst v63  }
0x42: {  	_ =	swait.ge @p1 [sflag:s8], $0x8200  }
0x43: {  	[sflag:s8] =	ssyncset.done @p1 $0x0  }
0x44: {  	s10 =	simm.s32 @p1 $0x0;
	[sflag:s8] =	ssyncadd.s32 @p1 $0xFFFF7E00  }
0x45: {  	[hbm4b:s15+s10] =	stream.linear.scatter @p1 [tilespmem:s6], [sflag:$0x2], $0x8200, $0x38;
	[tilespmem:$0x1BE80] =	vst v63  }
0x46: {  	_ =	swait.ge @p1 [sflag:s8], $0x8200  }
0x47: {  	[sflag:s8] =	ssyncset.done @p1 $0x0  }
0x48: {  	s6 =	simm.s32 @!p1 $0x8400;
	[sflag:s8] =	ssyncadd.s32 @p1 $0xFFFF7E00;
	s8 =	simm.s32 @!p1 $0x2  }
0x49: {  	[tilespmem:s6], [sflag:$0x2] =	stream.linear.gather @!p1 [spmem:s7], $0x9E00, $0x38;
	[tilespmem:$0x1BE80] =	vst v63  }
0x4a: {  	_ =	swait.ge @!p1 [sflag:s8], $0x9E00  }
0x4b: {  	[sflag:s8] =	ssyncset.done @!p1 $0x0  }
0x4c: {  	s10 =	simm.s32 @!p1 $0x0;
	[sflag:s8] =	ssyncadd.s32 @!p1 $0xFFFF6200  }
0x4d: {  	[hbm4b:s14+s10] =	stream.linear.scatter @!p1 [tilespmem:s6], [sflag:$0x2], $0x9E00, $0x38;
	[tilespmem:$0x1BE80] =	vst v63  }
0x4e: {  	_ =	swait.ge @!p1 [sflag:s8], $0x9E00  }
0x4f: {  	[sflag:s8] =	ssyncset.done @!p1 $0x0  }
0x50: {  	[sflag:s8] =	ssyncadd.s32 @!p1 $0xFFFF6200  }
.LBB2_8:
0x51: {  	s1 =	sadd.s32 $0x1, s1  }
0x52: {  	p2 =	sne.s32 s1, s16  }
.Ltmp1:
0x53: {  	_ = 	snop;
	(pc) =	sbr.rel @!p2 .LBB2_9-.Ltmp1, $1  }
0x54: {  	_ =	sdelay $0x3  }
.LBB2_1:
.Ltmp2:
0x55: {  	(pc) =	sbr.rel @!p0 .LBB2_2-.Ltmp2, $1  }
0x56: {  	_ =	sdelay $0x3  }
0x57: {  	s6 =	simm.s32 @p1 $0x0;
	s8 =	simm.s32 @p1 $0x8400  }
0x58: {  	[tilespmem:s8], [sflag:$0x2] =	stream.linear.gather @p1 [hbm4b:s13+s6], $0x8200, $0x38;
	[tilespmem:$0x1BE80] =	vst v63  }
0x59: {  	s6 =	simm.s32 @p1 $0x2  }
0x5a: {  	_ =	swait.ge @p1 [sflag:s6], $0x8200  }
0x5b: {  	[sflag:s6] =	ssyncset.done @p1 $0x0  }
0x5c: {  	[sflag:s6] =	ssyncadd.s32 @p1 $0xFFFF7E00  }
0x5d: {  	[spmem:s9] =	stream.linear.scatter @p1 [tilespmem:s8], [sflag:$0x2], $0x8200, $0x38;
	[tilespmem:$0x1BE80] =	vst v63  }
0x5e: {  	_ =	swait.ge @p1 [sflag:s6], $0x8200  }
0x5f: {  	s8 =	simm.s32 @!p1 $0x8400;
	[sflag:s6] =	ssyncset.done @p1 $0x0  }
0x60: {  	s10 =	rddreg [dreg:$0x7];
	[sflag:s6] =	ssyncadd.s32 @p1 $0xFFFF7E00;
	s6 =	simm.s32 @!p1 $0x0  }
0x61: {  	[tilespmem:s8], [sflag:$0x2] =	stream.linear.gather @!p1 [hbm4b:s10+s6], $0x9E00, $0x38;
	[tilespmem:$0x1BE80] =	vst v63  }
0x62: {  	s6 =	simm.s32 @!p1 $0x2  }
0x63: {  	_ =	swait.ge @!p1 [sflag:s6], $0x9E00  }
0x64: {  	[sflag:s6] =	ssyncset.done @!p1 $0x0  }
0x65: {  	[sflag:s6] =	ssyncadd.s32 @!p1 $0xFFFF6200  }
0x66: {  	[spmem:s7] =	stream.linear.scatter @!p1 [tilespmem:s8], [sflag:$0x2], $0x9E00, $0x38;
	[tilespmem:$0x1BE80] =	vst v63  }
0x67: {  	_ =	swait.ge @!p1 [sflag:s6], $0x9E00  }
0x68: {  	[sflag:s6] =	ssyncset.done @!p1 $0x0  }
0x69: {  	[sflag:s6] =	ssyncadd.s32 @!p1 $0xFFFF6200  }
0x6a: {  	s11 =	sadd.s32 $0x0, s18;
	[bflag:$0x0] =	sbarrier.arrive $0xFFFF  }
0x6b: {  	[tilespmem:s3], [sflag:$0x2] =	stream.linear.gather [hbm4b:s11+s3], $0x200, $0x38;
	[tilespmem:$0x1BE80] =	vst v63  }
0x6c: {  	_ =	swait.ge [sflag:s19], $0x200  }
0x6d: {  	[sflag:s19] =	ssyncset.done $0x0  }
0x6e: {  	s12 =	sadd.s32 $0x0, s17;
	[sflag:s19] =	ssyncadd.s32 $0xFFFFFE00  }
0x6f: {  	[tilespmem:s20], [sflag:$0x2] =	stream.linear.gather [hbm4b:s12+s3], $0x200, $0x38;
	[tilespmem:$0x1BE80] =	vst v63  }
0x70: {  	_ =	swait.ge [sflag:s19], $0x200  }
0x71: {  	[sflag:s19] =	ssyncset.done $0x0  }
0x72: {  	[sflag:s19] =	ssyncadd.s32 $0xFFFFFE00  }
0x73: {  	[tilespmem:s22], [sflag:$0x1] =	stream.indirect.gather [hbm4b:s5+s21], $0x40, s3, s21, $0xb8;
	[tilespmem:$0x1BE80] =	vst v63  }
0x74: {  	_ = 	snop  }
0x75: {  	[tilespmem:s23], [sflag:$0x1] =	stream.indirect.gather [hbm4b:s5+s21], $0x40, s21, s21, $0xb8;
	[tilespmem:$0x1BE80] =	vst v63  }
0x76: {  	_ = 	snop  }
0x77: {  	[tilespmem:s25], [sflag:$0x1] =	stream.indirect.gather [hbm4b:s5+s21], $0x40, s24, s21, $0xb8;
	[tilespmem:$0x1BE80] =	vst v63  }
0x78: {  	_ = 	snop  }
0x79: {  	[tilespmem:s28], [sflag:$0x1] =	stream.indirect.gather [hbm4b:s5+s21], $0x40, s26, s21, $0xb8;
	[tilespmem:$0x1BE80] =	vst v63  }
0x7a: {  	_ =	swait.ge [sflag:s29], $0x2000  }
0x7b: {  	[sflag:s29] =	ssyncset.done $0x0  }
0x7c: {  	[sflag:s29] =	ssyncadd.s32 $0xFFFFE000  }
0x7d: {  	_ =	swait.ge [sflag:s29], $0x2000  }
0x7e: {  	[sflag:s29] =	ssyncset.done $0x0  }
0x7f: {  	[sflag:s29] =	ssyncadd.s32 $0xFFFFE000  }
0x80: {  	_ =	swait.ge [sflag:s29], $0x2000  }
0x81: {  	[sflag:s29] =	ssyncset.done $0x0  }
0x82: {  	[sflag:s29] =	ssyncadd.s32 $0xFFFFE000  }
0x83: {  	_ =	swait.ge [sflag:s29], $0x2000  }
0x84: {  	[sflag:s29] =	ssyncset.done $0x0  }
0x85: {  	[sflag:s29] =	ssyncadd.s32 $0xFFFFE000  }
0x86: {  	[spmem:s2] =	stream.indirect.scatter.add.f32 [tilespmem:s22], [sflag:$0x2], $0x40, s20, s21, $0xb8;
	[tilespmem:$0x1BE80] =	vst v63  }
0x87: {  	_ =	swait.ge [sflag:s19], $0x2000  }
0x88: {  	[sflag:s19] =	ssyncset.done $0x0  }
0x89: {  	[sflag:s19] =	ssyncadd.s32 $0xFFFFE000  }
0x8a: {  	[spmem:s2] =	stream.indirect.scatter.add.f32 [tilespmem:s23], [sflag:$0x2], $0x40, s30, s21, $0xb8;
	[tilespmem:$0x1BE80] =	vst v63  }
0x8b: {  	_ =	swait.ge [sflag:s19], $0x2000  }
0x8c: {  	[sflag:s19] =	ssyncset.done $0x0  }
0x8d: {  	[sflag:s19] =	ssyncadd.s32 $0xFFFFE000  }
0x8e: {  	[spmem:s2] =	stream.indirect.scatter.add.f32 [tilespmem:s25], [sflag:$0x2], $0x40, s31, s21, $0xb8;
	[tilespmem:$0x1BE80] =	vst v63  }
0x8f: {  	_ =	swait.ge [sflag:s19], $0x2000  }
0x90: {  	[sflag:s19] =	ssyncset.done $0x0  }
0x91: {  	[sflag:s19] =	ssyncadd.s32 $0xFFFFE000  }
0x92: {  	[spmem:s2] =	stream.indirect.scatter.add.f32 [tilespmem:s28], [sflag:$0x2], $0x40, s0, s21, $0xb8;
	[tilespmem:$0x1BE80] =	vst v63  }
0x93: {  	_ =	swait.ge [sflag:s19], $0x2000  }
0x94: {  	s10 =	simm.s32 $0x80;
	s6 =	simm.s32 $0x40;
	[sflag:s19] =	ssyncset.done $0x0  }
.LBB2_6:
0x95: {  	s11 =	sadd.s32 s6, s18  }
0x96: {  	[sflag:s19] =	ssyncadd.s32 $0xFFFFE000;
	s12 =	smov.u32 s10;
	s8 =	sadd.s32 $0x40, s10  }
0x97: {  	[tilespmem:s3], [sflag:$0x2] =	stream.linear.gather [hbm4b:s11+s3], $0x200, $0x38;
	[tilespmem:$0x1BE80] =	vst v63  }
0x98: {  	p2 =	sne.s32 s10, $0x9C0;
	_ =	swait.ge [sflag:s19], $0x200  }
0x99: {  	[sflag:s19] =	ssyncset.done $0x0  }
0x9a: {  	s10 =	sadd.s32 s6, s17;
	s6 =	smov.u32 s12;
	[sflag:s19] =	ssyncadd.s32 $0xFFFFFE00  }
0x9b: {  	[tilespmem:s20], [sflag:$0x2] =	stream.linear.gather [hbm4b:s10+s3], $0x200, $0x38;
	[tilespmem:$0x1BE80] =	vst v63  }
0x9c: {  	_ =	swait.ge [sflag:s19], $0x200  }
0x9d: {  	[sflag:s19] =	ssyncset.done $0x0  }
0x9e: {  	[sflag:s19] =	ssyncadd.s32 $0xFFFFFE00  }
0x9f: {  	[tilespmem:s22], [sflag:$0x1] =	stream.indirect.gather [hbm4b:s5+s21], $0x40, s3, s21, $0xb8;
	[tilespmem:$0x1BE80] =	vst v63  }
0xa0: {  	_ = 	snop  }
0xa1: {  	[tilespmem:s23], [sflag:$0x1] =	stream.indirect.gather [hbm4b:s5+s21], $0x40, s21, s21, $0xb8;
	[tilespmem:$0x1BE80] =	vst v63  }
0xa2: {  	_ = 	snop  }
0xa3: {  	[tilespmem:s25], [sflag:$0x1] =	stream.indirect.gather [hbm4b:s5+s21], $0x40, s24, s21, $0xb8;
	[tilespmem:$0x1BE80] =	vst v63  }
0xa4: {  	_ = 	snop  }
0xa5: {  	[tilespmem:s28], [sflag:$0x1] =	stream.indirect.gather [hbm4b:s5+s21], $0x40, s26, s21, $0xb8;
	[tilespmem:$0x1BE80] =	vst v63  }
0xa6: {  	_ =	swait.ge [sflag:s29], $0x2000  }
0xa7: {  	[sflag:s29] =	ssyncset.done $0x0  }
0xa8: {  	[sflag:s29] =	ssyncadd.s32 $0xFFFFE000  }
0xa9: {  	_ =	swait.ge [sflag:s29], $0x2000  }
0xaa: {  	[sflag:s29] =	ssyncset.done $0x0  }
0xab: {  	[sflag:s29] =	ssyncadd.s32 $0xFFFFE000  }
0xac: {  	_ =	swait.ge [sflag:s29], $0x2000  }
0xad: {  	[sflag:s29] =	ssyncset.done $0x0  }
0xae: {  	[sflag:s29] =	ssyncadd.s32 $0xFFFFE000  }
0xaf: {  	_ =	swait.ge [sflag:s29], $0x2000  }
0xb0: {  	[sflag:s29] =	ssyncset.done $0x0  }
0xb1: {  	[sflag:s29] =	ssyncadd.s32 $0xFFFFE000  }
0xb2: {  	[spmem:s2] =	stream.indirect.scatter.add.f32 [tilespmem:s22], [sflag:$0x2], $0x40, s20, s21, $0xb8;
	[tilespmem:$0x1BE80] =	vst v63  }
0xb3: {  	_ =	swait.ge [sflag:s19], $0x2000  }
0xb4: {  	[sflag:s19] =	ssyncset.done $0x0  }
0xb5: {  	[sflag:s19] =	ssyncadd.s32 $0xFFFFE000  }
0xb6: {  	[spmem:s2] =	stream.indirect.scatter.add.f32 [tilespmem:s23], [sflag:$0x2], $0x40, s30, s21, $0xb8;
	[tilespmem:$0x1BE80] =	vst v63  }
0xb7: {  	_ =	swait.ge [sflag:s19], $0x2000  }
0xb8: {  	[sflag:s19] =	ssyncset.done $0x0  }
0xb9: {  	[sflag:s19] =	ssyncadd.s32 $0xFFFFE000  }
0xba: {  	[spmem:s2] =	stream.indirect.scatter.add.f32 [tilespmem:s25], [sflag:$0x2], $0x40, s31, s21, $0xb8;
	[tilespmem:$0x1BE80] =	vst v63  }
0xbb: {  	_ =	swait.ge [sflag:s19], $0x2000  }
.Ltmp3:
0xbc: {  	[sflag:s19] =	ssyncset.done $0x0;
	(pc) =	sbr.rel @p2 .LBB2_6-.Ltmp3, $4  }
0xbd: {  	[sflag:s19] =	ssyncadd.s32 $0xFFFFE000  }
0xbe: {  	[spmem:s2] =	stream.indirect.scatter.add.f32 [tilespmem:s28], [sflag:$0x2], $0x40, s0, s21, $0xb8;
	[tilespmem:$0x1BE80] =	vst v63  }
0xbf: {  	_ =	swait.ge [sflag:s19], $0x2000  }
0xc0: {  	s10 =	smov.u32 s8;
	[sflag:s19] =	ssyncset.done $0x0  }
.Ltmp4:
0xc1: {  	_ = 	snop;
	(pc) =	sbr.rel .LBB2_7-.Ltmp4, $1  }
0xc2: {  	_ =	sdelay $0x3  }
.LBB2_2:
0xc3: {  	s6 =	simm.s32 @p1 $0x0;
	s8 =	simm.s32 @p1 $0x8400;
	s10 =	rddreg [dreg:$0x4]  }
0xc4: {  	[tilespmem:s8], [sflag:$0x2] =	stream.linear.gather @p1 [hbm4b:s10+s6], $0x8200, $0x38;
	[tilespmem:$0x1BE80] =	vst v63  }
0xc5: {  	s6 =	simm.s32 @p1 $0x2  }
0xc6: {  	_ =	swait.ge @p1 [sflag:s6], $0x8200  }
0xc7: {  	[sflag:s6] =	ssyncset.done @p1 $0x0  }
0xc8: {  	[sflag:s6] =	ssyncadd.s32 @p1 $0xFFFF7E00  }
0xc9: {  	[spmem:s9] =	stream.linear.scatter @p1 [tilespmem:s8], [sflag:$0x2], $0x8200, $0x38;
	[tilespmem:$0x1BE80] =	vst v63  }
0xca: {  	_ =	swait.ge @p1 [sflag:s6], $0x8200  }
0xcb: {  	s8 =	simm.s32 @!p1 $0x8400;
	[sflag:s6] =	ssyncset.done @p1 $0x0  }
0xcc: {  	s10 =	rddreg [dreg:$0x3];
	[sflag:s6] =	ssyncadd.s32 @p1 $0xFFFF7E00;
	s6 =	simm.s32 @!p1 $0x0  }
0xcd: {  	[tilespmem:s8], [sflag:$0x2] =	stream.linear.gather @!p1 [hbm4b:s10+s6], $0x9E00, $0x38;
	[tilespmem:$0x1BE80] =	vst v63  }
0xce: {  	s6 =	simm.s32 @!p1 $0x2  }
0xcf: {  	_ =	swait.ge @!p1 [sflag:s6], $0x9E00  }
0xd0: {  	[sflag:s6] =	ssyncset.done @!p1 $0x0  }
0xd1: {  	[sflag:s6] =	ssyncadd.s32 @!p1 $0xFFFF6200  }
0xd2: {  	[spmem:s7] =	stream.linear.scatter @!p1 [tilespmem:s8], [sflag:$0x2], $0x9E00, $0x38;
	[tilespmem:$0x1BE80] =	vst v63  }
0xd3: {  	_ =	swait.ge @!p1 [sflag:s6], $0x9E00  }
0xd4: {  	[sflag:s6] =	ssyncset.done @!p1 $0x0  }
0xd5: {  	[sflag:s6] =	ssyncadd.s32 @!p1 $0xFFFF6200  }
0xd6: {  	s11 =	sadd.s32 $0x0, s18;
	[bflag:$0x0] =	sbarrier.arrive $0xFFFF  }
0xd7: {  	[tilespmem:s3], [sflag:$0x2] =	stream.linear.gather [hbm4b:s11+s3], $0x200, $0x38;
	[tilespmem:$0x1BE80] =	vst v63  }
0xd8: {  	_ =	swait.ge [sflag:s19], $0x200  }
0xd9: {  	[sflag:s19] =	ssyncset.done $0x0  }
0xda: {  	s12 =	sadd.s32 $0x0, s17;
	[sflag:s19] =	ssyncadd.s32 $0xFFFFFE00  }
0xdb: {  	[tilespmem:s20], [sflag:$0x2] =	stream.linear.gather [hbm4b:s12+s3], $0x200, $0x38;
	[tilespmem:$0x1BE80] =	vst v63  }
0xdc: {  	_ =	swait.ge [sflag:s19], $0x200  }
0xdd: {  	[sflag:s19] =	ssyncset.done $0x0  }
0xde: {  	[sflag:s19] =	ssyncadd.s32 $0xFFFFFE00  }
0xdf: {  	[tilespmem:s22], [sflag:$0x1] =	stream.indirect.gather [hbm4b:s4+s21], $0x40, s3, s21, $0xb8;
	[tilespmem:$0x1BE80] =	vst v63  }
0xe0: {  	_ = 	snop  }
0xe1: {  	[tilespmem:s23], [sflag:$0x1] =	stream.indirect.gather [hbm4b:s4+s21], $0x40, s21, s21, $0xb8;
	[tilespmem:$0x1BE80] =	vst v63  }
0xe2: {  	_ = 	snop  }
0xe3: {  	[tilespmem:s25], [sflag:$0x1] =	stream.indirect.gather [hbm4b:s4+s21], $0x40, s24, s21, $0xb8;
	[tilespmem:$0x1BE80] =	vst v63  }
0xe4: {  	_ = 	snop  }
0xe5: {  	[tilespmem:s28], [sflag:$0x1] =	stream.indirect.gather [hbm4b:s4+s21], $0x40, s26, s21, $0xb8;
	[tilespmem:$0x1BE80] =	vst v63  }
0xe6: {  	_ =	swait.ge [sflag:s29], $0x2000  }
0xe7: {  	[sflag:s29] =	ssyncset.done $0x0  }
0xe8: {  	[sflag:s29] =	ssyncadd.s32 $0xFFFFE000  }
0xe9: {  	_ =	swait.ge [sflag:s29], $0x2000  }
0xea: {  	[sflag:s29] =	ssyncset.done $0x0  }
0xeb: {  	[sflag:s29] =	ssyncadd.s32 $0xFFFFE000  }
0xec: {  	_ =	swait.ge [sflag:s29], $0x2000  }
0xed: {  	[sflag:s29] =	ssyncset.done $0x0  }
0xee: {  	[sflag:s29] =	ssyncadd.s32 $0xFFFFE000  }
0xef: {  	_ =	swait.ge [sflag:s29], $0x2000  }
0xf0: {  	[sflag:s29] =	ssyncset.done $0x0  }
0xf1: {  	[sflag:s29] =	ssyncadd.s32 $0xFFFFE000  }
0xf2: {  	[spmem:s2] =	stream.indirect.scatter.add.f32 [tilespmem:s22], [sflag:$0x2], $0x40, s20, s21, $0xb8;
	[tilespmem:$0x1BE80] =	vst v63  }
0xf3: {  	_ =	swait.ge [sflag:s19], $0x2000  }
0xf4: {  	[sflag:s19] =	ssyncset.done $0x0  }
0xf5: {  	[sflag:s19] =	ssyncadd.s32 $0xFFFFE000  }
0xf6: {  	[spmem:s2] =	stream.indirect.scatter.add.f32 [tilespmem:s23], [sflag:$0x2], $0x40, s30, s21, $0xb8;
	[tilespmem:$0x1BE80] =	vst v63  }
0xf7: {  	_ =	swait.ge [sflag:s19], $0x2000  }
0xf8: {  	[sflag:s19] =	ssyncset.done $0x0  }
0xf9: {  	[sflag:s19] =	ssyncadd.s32 $0xFFFFE000  }
0xfa: {  	[spmem:s2] =	stream.indirect.scatter.add.f32 [tilespmem:s25], [sflag:$0x2], $0x40, s31, s21, $0xb8;
	[tilespmem:$0x1BE80] =	vst v63  }
0xfb: {  	_ =	swait.ge [sflag:s19], $0x2000  }
0xfc: {  	[sflag:s19] =	ssyncset.done $0x0  }
0xfd: {  	[sflag:s19] =	ssyncadd.s32 $0xFFFFE000  }
0xfe: {  	[spmem:s2] =	stream.indirect.scatter.add.f32 [tilespmem:s28], [sflag:$0x2], $0x40, s0, s21, $0xb8;
	[tilespmem:$0x1BE80] =	vst v63  }
0xff: {  	_ =	swait.ge [sflag:s19], $0x2000  }
0x100: {  	s8 =	simm.s32 $0x80;
	s6 =	simm.s32 $0x40;
	[sflag:s19] =	ssyncset.done $0x0  }
.LBB2_3:
0x101: {  	s11 =	sadd.s32 s6, s18  }
0x102: {  	[sflag:s19] =	ssyncadd.s32 $0xFFFFE000;
	s12 =	smov.u32 s8;
	s10 =	sadd.s32 $0x40, s8  }
0x103: {  	[tilespmem:s3], [sflag:$0x2] =	stream.linear.gather [hbm4b:s11+s3], $0x200, $0x38;
	[tilespmem:$0x1BE80] =	vst v63  }
0x104: {  	p2 =	sne.s32 s8, $0x9C0;
	_ =	swait.ge [sflag:s19], $0x200  }
0x105: {  	[sflag:s19] =	ssyncset.done $0x0  }
0x106: {  	s8 =	sadd.s32 s6, s17;
	s6 =	smov.u32 s12;
	[sflag:s19] =	ssyncadd.s32 $0xFFFFFE00  }
0x107: {  	[tilespmem:s20], [sflag:$0x2] =	stream.linear.gather [hbm4b:s8+s3], $0x200, $0x38;
	[tilespmem:$0x1BE80] =	vst v63  }
0x108: {  	_ =	swait.ge [sflag:s19], $0x200  }
0x109: {  	[sflag:s19] =	ssyncset.done $0x0  }
0x10a: {  	[sflag:s19] =	ssyncadd.s32 $0xFFFFFE00  }
0x10b: {  	[tilespmem:s22], [sflag:$0x1] =	stream.indirect.gather [hbm4b:s4+s21], $0x40, s3, s21, $0xb8;
	[tilespmem:$0x1BE80] =	vst v63  }
0x10c: {  	_ = 	snop  }
0x10d: {  	[tilespmem:s23], [sflag:$0x1] =	stream.indirect.gather [hbm4b:s4+s21], $0x40, s21, s21, $0xb8;
	[tilespmem:$0x1BE80] =	vst v63  }
0x10e: {  	_ = 	snop  }
0x10f: {  	[tilespmem:s25], [sflag:$0x1] =	stream.indirect.gather [hbm4b:s4+s21], $0x40, s24, s21, $0xb8;
	[tilespmem:$0x1BE80] =	vst v63  }
0x110: {  	_ = 	snop  }
0x111: {  	[tilespmem:s28], [sflag:$0x1] =	stream.indirect.gather [hbm4b:s4+s21], $0x40, s26, s21, $0xb8;
	[tilespmem:$0x1BE80] =	vst v63  }
0x112: {  	_ =	swait.ge [sflag:s29], $0x2000  }
0x113: {  	[sflag:s29] =	ssyncset.done $0x0  }
0x114: {  	[sflag:s29] =	ssyncadd.s32 $0xFFFFE000  }
0x115: {  	_ =	swait.ge [sflag:s29], $0x2000  }
0x116: {  	[sflag:s29] =	ssyncset.done $0x0  }
0x117: {  	[sflag:s29] =	ssyncadd.s32 $0xFFFFE000  }
0x118: {  	_ =	swait.ge [sflag:s29], $0x2000  }
0x119: {  	[sflag:s29] =	ssyncset.done $0x0  }
0x11a: {  	[sflag:s29] =	ssyncadd.s32 $0xFFFFE000  }
0x11b: {  	_ =	swait.ge [sflag:s29], $0x2000  }
0x11c: {  	[sflag:s29] =	ssyncset.done $0x0  }
0x11d: {  	[sflag:s29] =	ssyncadd.s32 $0xFFFFE000  }
0x11e: {  	[spmem:s2] =	stream.indirect.scatter.add.f32 [tilespmem:s22], [sflag:$0x2], $0x40, s20, s21, $0xb8;
	[tilespmem:$0x1BE80] =	vst v63  }
0x11f: {  	_ =	swait.ge [sflag:s19], $0x2000  }
0x120: {  	[sflag:s19] =	ssyncset.done $0x0  }
0x121: {  	[sflag:s19] =	ssyncadd.s32 $0xFFFFE000  }
0x122: {  	[spmem:s2] =	stream.indirect.scatter.add.f32 [tilespmem:s23], [sflag:$0x2], $0x40, s30, s21, $0xb8;
	[tilespmem:$0x1BE80] =	vst v63  }
0x123: {  	_ =	swait.ge [sflag:s19], $0x2000  }
0x124: {  	[sflag:s19] =	ssyncset.done $0x0  }
0x125: {  	[sflag:s19] =	ssyncadd.s32 $0xFFFFE000  }
0x126: {  	[spmem:s2] =	stream.indirect.scatter.add.f32 [tilespmem:s25], [sflag:$0x2], $0x40, s31, s21, $0xb8;
	[tilespmem:$0x1BE80] =	vst v63  }
0x127: {  	_ =	swait.ge [sflag:s19], $0x2000  }
.Ltmp5:
0x128: {  	[sflag:s19] =	ssyncset.done $0x0;
	(pc) =	sbr.rel @p2 .LBB2_3-.Ltmp5, $4  }
0x129: {  	[sflag:s19] =	ssyncadd.s32 $0xFFFFE000  }
0x12a: {  	[spmem:s2] =	stream.indirect.scatter.add.f32 [tilespmem:s28], [sflag:$0x2], $0x40, s0, s21, $0xb8;
	[tilespmem:$0x1BE80] =	vst v63  }
0x12b: {  	_ =	swait.ge [sflag:s19], $0x2000  }
0x12c: {  	s8 =	smov.u32 s10;
	[sflag:s19] =	ssyncset.done $0x0  }
0x12d: {  	s8 =	sadd.s32 s6, s18;
	[sflag:s19] =	ssyncadd.s32 $0xFFFFE000  }
0x12e: {  	[tilespmem:s3], [sflag:$0x2] =	stream.linear.gather [hbm4b:s8+s3], $0x200, $0x38;
	[tilespmem:$0x1BE80] =	vst v63  }
0x12f: {  	_ =	swait.ge [sflag:s19], $0x200  }
0x130: {  	[sflag:s19] =	ssyncset.done $0x0  }
0x131: {  	s12 =	sadd.s32 s6, s17;
	[sflag:s19] =	ssyncadd.s32 $0xFFFFFE00  }
0x132: {  	[tilespmem:s20], [sflag:$0x2] =	stream.linear.gather [hbm4b:s12+s3], $0x200, $0x38;
	[tilespmem:$0x1BE80] =	vst v63  }
0x133: {  	_ =	swait.ge [sflag:s19], $0x200  }
0x134: {  	[sflag:s19] =	ssyncset.done $0x0  }
0x135: {  	[sflag:s19] =	ssyncadd.s32 $0xFFFFFE00  }
0x136: {  	[tilespmem:s22], [sflag:$0x1] =	stream.indirect.gather [hbm4b:s4+s21], $0x40, s3, s21, $0xb8;
	[tilespmem:$0x1BE80] =	vst v63  }
0x137: {  	_ = 	snop  }
0x138: {  	[tilespmem:s23], [sflag:$0x1] =	stream.indirect.gather [hbm4b:s4+s21], $0x40, s21, s21, $0xb8;
	[tilespmem:$0x1BE80] =	vst v63  }
0x139: {  	_ = 	snop  }
0x13a: {  	[tilespmem:s25], [sflag:$0x1] =	stream.indirect.gather [hbm4b:s4+s21], $0x40, s24, s21, $0xb8;
	[tilespmem:$0x1BE80] =	vst v63  }
0x13b: {  	_ = 	snop  }
0x13c: {  	[tilespmem:s28], [sflag:$0x1] =	stream.indirect.gather [hbm4b:s4+s21], $0x40, s26, s21, $0xb8;
	[tilespmem:$0x1BE80] =	vst v63  }
0x13d: {  	_ =	swait.ge [sflag:s29], $0x2000  }
0x13e: {  	[sflag:s29] =	ssyncset.done $0x0  }
0x13f: {  	[sflag:s29] =	ssyncadd.s32 $0xFFFFE000  }
0x140: {  	_ =	swait.ge [sflag:s29], $0x2000  }
0x141: {  	[sflag:s29] =	ssyncset.done $0x0  }
0x142: {  	[sflag:s29] =	ssyncadd.s32 $0xFFFFE000  }
0x143: {  	_ =	swait.ge [sflag:s29], $0x2000  }
0x144: {  	[sflag:s29] =	ssyncset.done $0x0  }
0x145: {  	[sflag:s29] =	ssyncadd.s32 $0xFFFFE000  }
0x146: {  	_ =	swait.ge [sflag:s29], $0x2000  }
0x147: {  	[sflag:s29] =	ssyncset.done $0x0  }
0x148: {  	[sflag:s29] =	ssyncadd.s32 $0xFFFFE000  }
0x149: {  	[spmem:s2] =	stream.indirect.scatter.add.f32 [tilespmem:s22], [sflag:$0x2], $0x40, s20, s21, $0xb8;
	[tilespmem:$0x1BE80] =	vst v63  }
0x14a: {  	_ =	swait.ge [sflag:s19], $0x2000  }
0x14b: {  	[sflag:s19] =	ssyncset.done $0x0  }
0x14c: {  	[sflag:s19] =	ssyncadd.s32 $0xFFFFE000  }
0x14d: {  	[spmem:s2] =	stream.indirect.scatter.add.f32 [tilespmem:s23], [sflag:$0x2], $0x40, s30, s21, $0xb8;
	[tilespmem:$0x1BE80] =	vst v63  }
0x14e: {  	_ =	swait.ge [sflag:s19], $0x2000  }
0x14f: {  	[sflag:s19] =	ssyncset.done $0x0  }
0x150: {  	[sflag:s19] =	ssyncadd.s32 $0xFFFFE000  }
0x151: {  	[spmem:s2] =	stream.indirect.scatter.add.f32 [tilespmem:s25], [sflag:$0x2], $0x40, s31, s21, $0xb8;
	[tilespmem:$0x1BE80] =	vst v63  }
0x152: {  	_ =	swait.ge [sflag:s19], $0x2000  }
0x153: {  	[sflag:s19] =	ssyncset.done $0x0  }
0x154: {  	[sflag:s19] =	ssyncadd.s32 $0xFFFFE000  }
0x155: {  	[spmem:s2] =	stream.indirect.scatter.add.f32 [tilespmem:s28], [sflag:$0x2], $0x40, s0, s21, $0xb8;
	[tilespmem:$0x1BE80] =	vst v63  }
0x156: {  	_ =	swait.ge [sflag:s19], $0x2000  }
0x157: {  	[sflag:s19] =	ssyncset.done $0x0  }
0x158: {  	[sflag:s19] =	ssyncadd.s32 $0xFFFFE000  }
0x159: {  	s6 =	simm.s32 @p1 $0x8400;
	s8 =	simm.s32 @p1 $0x2;
	[bflag:$0x0] =	sbarrier.arrive $0xFFFF  }
0x15a: {  	[tilespmem:s6], [sflag:$0x2] =	stream.linear.gather @p1 [spmem:s9], $0x8200, $0x38;
	[tilespmem:$0x1BE80] =	vst v63  }
0x15b: {  	_ =	swait.ge @p1 [sflag:s8], $0x8200  }
0x15c: {  	[sflag:s8] =	ssyncset.done @p1 $0x0  }
0x15d: {  	s10 =	simm.s32 @p1 $0x0;
	s11 =	rddreg [dreg:$0x6];
	[sflag:s8] =	ssyncadd.s32 @p1 $0xFFFF7E00  }
0x15e: {  	[hbm4b:s11+s10] =	stream.linear.scatter @p1 [tilespmem:s6], [sflag:$0x2], $0x8200, $0x38;
	[tilespmem:$0x1BE80] =	vst v63  }
0x15f: {  	_ =	swait.ge @p1 [sflag:s8], $0x8200  }
0x160: {  	[sflag:s8] =	ssyncset.done @p1 $0x0  }
0x161: {  	s6 =	simm.s32 @!p1 $0x8400;
	[sflag:s8] =	ssyncadd.s32 @p1 $0xFFFF7E00;
	s8 =	simm.s32 @!p1 $0x2  }
0x162: {  	[tilespmem:s6], [sflag:$0x2] =	stream.linear.gather @!p1 [spmem:s7], $0x9E00, $0x38;
	[tilespmem:$0x1BE80] =	vst v63  }
0x163: {  	_ =	swait.ge @!p1 [sflag:s8], $0x9E00  }
0x164: {  	s10 =	simm.s32 @!p1 $0x0;
	[sflag:s8] =	ssyncset.done @!p1 $0x0  }
.Ltmp6:
0x165: {  	s11 =	rddreg [dreg:$0x5];
	[sflag:s8] =	ssyncadd.s32 @!p1 $0xFFFF6200;
	(pc) =	sbr.rel .LBB2_8-.Ltmp6, $4  }
0x166: {  	[hbm4b:s11+s10] =	stream.linear.scatter @!p1 [tilespmem:s6], [sflag:$0x2], $0x9E00, $0x38;
	[tilespmem:$0x1BE80] =	vst v63  }
0x167: {  	_ =	swait.ge @!p1 [sflag:s8], $0x9E00  }
0x168: {  	[sflag:s8] =	ssyncset.done @!p1 $0x0  }
0x169: {  	[sflag:s8] =	ssyncadd.s32 @!p1 $0xFFFF6200  }
.LBB2_9:
0x16a: {  	_ =	sfence.sel $0x180000  }
0x16b: {  	[bflag:$0x0] =	sbarrier.arrive $0xFFFF  }
0x16c: {  	_ =	strace $0x9000004D  }
0x16d: {  	s0 =	stileid.u32;
	[bflag:$0x2] =	sbarrier.arrive $0xFFFF  }
0x16e: {  	p0 =	sne.s32 s0, $0x0;
	s0 =	rddreg [dreg:$0x2]  }
0x16f: {  	s0 =	sadd.s32 @!p0 $0x100000, s0  }
0x170: {  	[sflag:s0] =	ssyncadd.tile.s32 @!p0 $0x1;
	_ =	shalt  }
.Lfunc_end2:
_tile_overlayer_lowered:
.L_overlay_start_2:
0x171: {  	(tag) =	ssettag $0x2  }
0x172: {  	s0 =	rddreg [dreg:$0x0];
	s2 =	stileid.u32  }
0x173: {  	s1 =	rddreg [dreg:$0x1];
	p0 =	sne.s32 s2, $0x0  }
0x174: {  	s3 =	rddreg [dreg:$0x2];
	[bflag:$0x3] =	sbarrier.arrive $0xFFFF;
	s2 =	simm.s32 @!p0 $0x1C02  }
0x175: {  	[timem:s3], [sflag:s2] =	dma.local @!p0 [hbm:s0], s1  }
0x176: {  	s0 =	simm.s32 @!p0 $0x2  }
0x177: {  	_ =	swait.ge @!p0 [sflag:s0], s1  }
0x178: {  	s1 =	ssub.s32 @!p0 $0x0, s1;
	[sflag:s0] =	ssyncset.done @!p0 $0x0  }
0x179: {  	[sflag:s0] =	ssyncadd.s32 @!p0 s1  }
0x17a: {  	[bflag:$0x3] =	sbarrier.arrive $0xFFFF  }
0x17b: {  	_ =	shalt  }

// kernel: kernel.9.cloned.1.call-start
scs
__scs_entry_jumppad:
0x0: {  	(pc) =	sbr.rel $0x88, $3  }
0x1: {  	(tag) =	ssettag $0x0;
	lr =	simm.s32 $0x1  }
0x2: {  	[smem:$0x3F8F] =	sst lr;
	_ =	strace $0xD0000000  }
0x3: {  	_ = 	snop  }
0x4: {  	_ = 	snop  }
0x5: {  	_ = 	snop  }
0x6: {  	_ = 	snop  }
0x7: {  	_ = 	snop  }
__scs_overlays_trampoline_lowered:
0x8: {  	[smem:$0x3F9E] =	sst s0  }
0x9: {  	[smem:$0x3F9F] =	sst s1  }
0xa: {  	[smem:$0x3FA0] =	sst s2  }
0xb: {  	[smem:$0x3FA1] =	sst s3  }
0xc: {  	[smem:$0x3FA2] =	sst s4  }
0xd: {  	[smem:$0x3FA3] =	sst s5  }
0xe: {  	[smem:$0x3FA4] =	sst s6  }
0xf: {  	[smem:$0x3FA5] =	sst s7  }
0x10: {  	[smem:$0x3FA6] =	sst s8  }
0x11: {  	[smem:$0x3FA7] =	sst s9;
	s0 =	simm.s32 @!p0 $0x0  }
0x12: {  	s1 =	sld [smem:$0x3F8D];
	s0 =	simm.s32 @p0 $0x1  }
0x13: {  	[smem:$0x3FA8] =	sst s0;
	s0 =	simm.s32 @!p1 $0x0  }
0x14: {  	s2 =	sld [smem:$0x3F8C];
	s0 =	simm.s32 @p1 $0x1  }
0x15: {  	[smem:$0x3FA9] =	sst s0;
	s0 =	simm.s32 @!p2 $0x0  }
0x16: {  	s3 =	sld [smem:$0x3FDB];
	s0 =	simm.s32 @p2 $0x1  }
0x17: {  	s4 =	simm.s32 $0x1BF5;
	[smem:$0x3FAB] =	sst s0  }
0x18: {  	s0 =	sld [smem:$0x3F8E];
	_ =	swait.ge [sflag:s4], $0x0  }
0x19: {  	s7 =	sld [smem:$0x3F8F]  }
0x1a: {  	s8 =	sadd.s32 $0xFFFFE003, lr  }
0x1b: {  	s9 =	sadd.s32 $0xFFFFFEF7, lr;
	s5 =	simm.s32 $0xFFFFFFFF;
	p2 =	slt.u32 s8, $0xFFFFF086  }
0x1c: {  	p1 =	slt.u32 s9, $0xF7A;
	s5 =	simm.s32 @!p2 $0x0  }
0x1d: {  	s5 =	simm.s32 @p1 $0x1;
	p0 =	seq.s32 s7, s2  }
0x1e: {  	s7 =	smul.u32 @!p0 $0xF7A, s2;
	p2 =	seq.s32 @!p0 s5, $0x0  }
0x1f: {  	s9 =	smul.u32 $0xF7A, s1;
	s8 =	simm.s32 @!p0 $0x1BF5;
	p2 =	por !p2, p0  }
0x20: {  	[sflag:s8] =	ssyncset.s32 @!p0 $0xFFFFF086;
	s6 =	sadd.s32 @!p0 s3, s7;
	s7 =	simm.s32 @!p0 $0x108  }
0x21: {  	s3 =	sadd.s32 s3, s9;
	s6 =	sadd.s32 @!p0 $0x88, s6;
	s7 =	simm.s32 @p2 $0x1082  }
0x22: {  	[simem:s7], [sflag:s8] =	dma.local @!p0 [hbm:s6], $0xF7A  }
0x23: {  	s9 =	sor.u32 $0xD0000000, s2;
	s6 =	simm.s32 $0x108;
	_ =	swait.ge @!p0 [sflag:s8], $0x0  }
0x24: {  	s3 =	sadd.s32 $0x88, s3;
	s6 =	simm.s32 @!p1 $0x1082;
	[sflag:s4] =	ssyncset.s32 $0xFFFFF086  }
0x25: {  	[simem:s6], [sflag:s4] =	dma.local [hbm:s3], $0xF7A  }
0x26: {  	[smem:$0x3F8F] =	sst s1;
	(tag) =	ssettag s2;
	_ =	strace s9  }
0x27: {  	s1 =	sld [smem:$0x3F9F]  }
0x28: {  	s2 =	sld [smem:$0x3FA0]  }
0x29: {  	s4 =	sld [smem:$0x3FA2]  }
0x2a: {  	p0 =	seq.s32 s5, $0x0;
	s5 =	sld [smem:$0x3FA3]  }
0x2b: {  	s6 =	sld [smem:$0x3FA4]  }
0x2c: {  	s7 =	sld [smem:$0x3FA5]  }
0x2d: {  	s3 =	simm.s32 $0x108;
	s8 =	sld [smem:$0x3FA6]  }
0x2e: {  	s3 =	simm.s32 @!p0 $0x1082;
	s9 =	sld [smem:$0x3FA7]  }
0x2f: {  	lr =	sadd.s32 s0, s3;
	s0 =	sld [smem:$0x3F9E]  }
0x30: {  	s3 =	sld [smem:$0x3FA1]  }
0x31: {  	[smem:$0x3FAA] =	sst s10  }
0x32: {  	s10 =	sld [smem:$0x3FA8];
	_ =	sdelay $0x3  }
0x33: {  	p0 =	seq.s32 s10, $0x1;
	s10 =	sld [smem:$0x3FAA];
	_ =	sdelay $0x3  }
0x34: {  	[smem:$0x3FAA] =	sst s10  }
0x35: {  	s10 =	sld [smem:$0x3FA9];
	_ =	sdelay $0x3  }
0x36: {  	p1 =	seq.s32 s10, $0x1;
	s10 =	sld [smem:$0x3FAA];
	_ =	sdelay $0x3  }
0x37: {  	[smem:$0x3FAA] =	sst s10  }
0x38: {  	s10 =	sld [smem:$0x3FAB]  }
0x39: {  	_ = 	snop;
	(pc) =	sbr.ind lr, $3  }
0x3a: {  	_ = 	snop  }
0x3b: {  	_ = 	snop  }
0x3c: {  	p2 =	seq.s32 s10, $0x1;
	s10 =	sld [smem:$0x3FAA]  }
0x3d: {  	_ =	shalt  }
0x3e: {  	_ =	shalt  }
0x3f: {  	_ =	shalt  }
0x40: {  	_ =	shalt  }
0x41: {  	_ =	shalt  }
0x42: {  	_ =	shalt  }
0x43: {  	_ =	shalt  }
0x44: {  	_ =	shalt  }
0x45: {  	_ =	shalt  }
0x46: {  	_ =	shalt  }
0x47: {  	_ =	shalt  }
0x48: {  	_ =	shalt  }
0x49: {  	_ =	shalt  }
0x4a: {  	_ =	shalt  }
0x4b: {  	_ =	shalt  }
0x4c: {  	_ =	shalt  }
0x4d: {  	_ =	shalt  }
0x4e: {  	_ =	shalt  }
0x4f: {  	_ =	shalt  }
0x50: {  	_ =	shalt  }
0x51: {  	_ =	shalt  }
0x52: {  	_ =	shalt  }
0x53: {  	_ =	shalt  }
0x54: {  	_ =	shalt  }
0x55: {  	_ =	shalt  }
0x56: {  	_ =	shalt  }
0x57: {  	_ =	shalt  }
0x58: {  	_ =	shalt  }
0x59: {  	_ =	shalt  }
0x5a: {  	_ =	shalt  }
0x5b: {  	_ =	shalt  }
0x5c: {  	_ =	shalt  }
0x5d: {  	_ =	shalt  }
0x5e: {  	_ =	shalt  }
0x5f: {  	_ =	shalt  }
0x60: {  	_ =	shalt  }
0x61: {  	_ =	shalt  }
0x62: {  	_ =	shalt  }
0x63: {  	_ =	shalt  }
0x64: {  	_ =	shalt  }
0x65: {  	_ =	shalt  }
0x66: {  	_ =	shalt  }
0x67: {  	_ =	shalt  }
0x68: {  	_ =	shalt  }
0x69: {  	_ =	shalt  }
0x6a: {  	_ =	shalt  }
0x6b: {  	_ =	shalt  }
0x6c: {  	_ =	shalt  }
0x6d: {  	_ =	shalt  }
0x6e: {  	_ =	shalt  }
0x6f: {  	_ =	shalt  }
0x70: {  	_ =	shalt  }
0x71: {  	_ =	shalt  }
0x72: {  	_ =	shalt  }
0x73: {  	_ =	shalt  }
0x74: {  	_ =	shalt  }
0x75: {  	_ =	shalt  }
0x76: {  	_ =	shalt  }
0x77: {  	_ =	shalt  }
0x78: {  	_ =	shalt  }
0x79: {  	_ =	shalt  }
0x7a: {  	_ =	shalt  }
0x7b: {  	_ =	shalt  }
0x7c: {  	_ =	shalt  }
0x7d: {  	_ =	shalt  }
0x7e: {  	_ =	shalt  }
0x7f: {  	_ =	shalt  }
0x80: {  	_ =	shalt  }
0x81: {  	_ =	shalt  }
0x82: {  	_ =	shalt  }
0x83: {  	_ =	shalt  }
0x84: {  	_ =	shalt  }
0x85: {  	_ =	shalt  }
0x86: {  	_ =	shalt  }
0x87: {  	_ =	shalt  }
.Lfunc_end0:
.L_simem_size_0:
called_computation_lowered:
.L_overlay_start_0:
0x88: {  	s2 =	sld [smem:$0x3FD9]  }
0x89: {  	s3 =	sld [smem:$0x3FFE];
	_ =	sdelay $0x1  }
0x8a: {  	s1 =	srdreg.scid  }
0x8b: {  	s0 =	sand.u32 $0x1, s1  }
0x8c: {  	s16 =	sshll.u32 s0, $0xA;
	s2 =	sadd.s32 s3, s2  }
0x8d: {  	s2 =	sadd.s32 s2, s16  }
0x8e: {  	[smem:$0x3FB6] =	sst s2  }
0x8f: {  	_ = 	snop  }
0x90: {  	(tm) =	ssettm $0x1  }
0x91: {  	s17 =	sld [smem:$0x3FFB];
	_ =	sdelay $0x3  }
0x92: {  	_ =	strace s17  }
0x93: {  	s2 =	sld [smem:$0x3FFC];
	_ =	sdelay $0x3  }
0x94: {  	_ =	strace s2  }
0x95: {  	s2 =	sld [smem:$0x3FFD];
	_ =	sdelay $0x3  }
0x96: {  	_ =	strace s2  }
0x97: {  	_ =	strace $0x8FFFFFFF  }
0x98: {  	s18 =	sld [smem:$0x3FDB];
	_ =	sdelay $0x1  }
0x99: {  	s19 =	simm.s32 $_scs_section_size  }
0x9a: {  	s4 =	simm.s32 $_size__tile_overlayer_lowered;
	s5 =	simm.s32 $_tile_overlayer_lowered  }
0x9b: {  	s22 =	simm.s32 $0x1BFF;
	s21 =	sshll.u32 s5, $0x1;
	s2 =	sadd.s32 s19, s18  }
0x9c: {  	s6 =	simm.s32 $0x0;
	s20 =	sshll.u32 s4, $0x1;
	s4 =	sadd.s32 s21, s2  }
0x9d: {  	[timem:s6], [sflag:s22] =	dma.local [hbm:s4], s20  }
0x9e: {  	_ =	swait.ge [sflag:s22], s20  }
0x9f: {  	s3 =	ssub.s32 $0x0, s20;
	[sflag:s22] =	ssyncset.done $0x0  }
0xa0: {  	[sflag:s22] =	ssyncadd.s32 s3;
	_ =	sdelay $0x1  }
0xa1: {  	s23 =	simm.s32 $0x1B8B  }
0xa2: {  	_ =	swait.ge [sflag:s23], $0x1  }
0xa3: {  	[sflag:s23] =	ssyncset.done $0x0  }
0xa4: {  	s25 =	simm.s32 $0x1B8E;
	s24 =	sld [smem:$0x3FFE];
	[sflag:s23] =	ssyncadd.s32 $0xFFFFFFFF  }
0xa5: {  	s26 =	simm.s32 $execute0_lowered;
	[smem:$0x3FD2] =	sst s25  }
0xa6: {  	s4 =	sshll.u32 s26, $0x1;
	_ =	strace $0x80000046;
	[dreg:$0x1] =	wrdreg $0xFFFFFFFF  }
0xa7: {  	s28 =	simm.s32 $_size_execute0_lowered;
	s2 =	sadd.s32 s2, s4;
	[dreg:$0x0] =	wrdreg $0x0  }
0xa8: {  	s4 =	sshll.u32 s28, $0x1;
	[dreg:$0x2] =	wrdreg s2  }
0xa9: {  	[dreg:$0x3] =	wrdreg s4  }
0xaa: {  	[dreg:$0x4] =	wrdreg $0xC0  }
0xab: {  	_ =	task [dreg:s6], $0x5FFFF  }
0xac: {  	[dreg:$0x1] =	wrdreg $0xFFFFFFFF  }
0xad: {  	[dreg:$0x0] =	wrdreg $0x60  }
0xae: {  	[dreg:$0x2] =	wrdreg s24  }
0xaf: {  	[dreg:$0x3] =	wrdreg $0x5000  }
0xb0: {  	[dreg:$0x4] =	wrdreg $0x9  }
0xb1: {  	_ =	task.clear_ibuf [dreg:s6], $0x5FFFF;
	_ =	strace $0x90000046  }
0xb2: {  	s29 =	simm.s32 $0x9;
	_ =	strace $0x80000048  }
0xb3: {  	_ =	swait.ge [sflag:s29], $0x1  }
0xb4: {  	[sflag:s29] =	ssyncadd.s32 $0xFFFFFFFF  }
0xb5: {  	_ =	strace $0x90000048  }
0xb6: {  	_ =	sfence  }
0xb7: {  	s30 =	sld [smem:$0x0];
	_ =	sdelay $0x2  }
0xb8: {  	s31 =	sshll.u32 s1, $0xD;
	s1 =	sshrl.u32 s1, $0x2  }
0xb9: {  	s3 =	sand.u32 $0x4000, s31;
	s1 =	sadd.s32 s1, s30  }
0xba: {  	s0 =	sor.u32 s3, s0;
	s1 =	sshll.u32 s1, $0x11  }
0xbb: {  	s0 =	sor.u32 s1, s0  }
0xbc: {  	s0 =	sadd.s32 $0x8F2B, s0  }
0xbd: {  	[sflag:s0] =	ssyncadd.remote.s32 $0x1  }
0xbe: {  	_ =	sfence.sel $0xFFFF  }
0xbf: {  	[dreg:$0x0] =	wrdreg $0xFFFFFFFF;
	(pc) =	sbr.abs _section_cstart, $3  }
0xc0: {  	[dreg:$0x1] =	wrdreg $0xFFFFFFFF  }
0xc1: {  	_ =	task.clear_ibuf [dreg:s6], $0x2FFFF;
	_ =	strace $0x9FFFFFFF  }
0xc2: {  	(tm) =	ssettm $0x7FFFFFFF  }
0xc3: {  	_ =	shalt  }
tec
execute0_lowered:
.L_overlay_start_1:
0x0: {  	(tag) =	ssettag $0x1  }
0x1: {  	s5 =	rddreg [dreg:$0x0]  }
0x2: {  	s1 =	rddreg [dreg:$0x1]  }
0x3: {  	s0 =	rddreg [dreg:$0x2];
	s3 =	simm.s32 $0x0;
	s6 =	srdreg.scid  }
0x4: {  	s2 =	stileid.u32;
	s15 =	simm.s32 $0x100;
	s16 =	simm.s32 $0x180  }
0x5: {  	s17 =	simm.s32 $0x0;
	[smem:$0x7FF] =	sst s3;
	s30 =	smul.u32 $0xA00, s2  }
0x6: {  	s4 =	sadd.s32 $0x5400, s5;
	s7 =	sand.u32 $0x1, s6;
	s9 =	smul.u32 $0x280, s2  }
0x7: {  	s8 =	sadd.s32 $0x19400, s5;
	s13 =	smul.u32 $0x5000, s2;
	p0 =	seq.s32 s2, $0xF  }
0x8: {  	_ =	strace $0x80000047;
	s31 =	ssub.s32 $0x2, s7;
	s11 =	smul.u32 $0x2710, s7  }
0x9: {  	s14 =	smul.u32 $0x2800, s7;
	s10 =	sshrl.u32 s31, $0x1;
	s6 =	sshrl.u32 s30, $0x2  }
0xa: {  	s7 =	sadd.s32 s9, s1;
	s10 =	ssub.s32 s31, s10;
	s5 =	sadd.s32 s6, s1  }
0xb: {  	s6 =	sadd.s32 $0x2580, s1;
	s12 =	sadd.s32 s9, s11;
	s11 =	sshrl.u32 s11, $0x3  }
0xc: {  	s12 =	sshrl.u32 s12, $0x3;
	s11 =	sadd.s32 s8, s11;
	s10 =	smax.u32 s10, $0x1  }
0xd: {  	s8 =	sadd.s32 s8, s12;
	s9 =	sadd.s32 $0x4B0, s11;
	s11 =	sadd.s32 s14, s13  }
0xe: {  	v0 =	vimm.f32 $1.000000000e+00;
	v1 =	vimm.f32 $0.0e+00;
	s12 =	simm.s32 $0x1;
	s13 =	simm.s32 $0x80;
	s14 =	simm.s32 $0x200  }
.LBB2_1:
0xf: {  	[tilespmem:$0x200] =	vst v0  }
0x10: {  	[tilespmem:$0x210] =	vst v0  }
0x11: {  	[tilespmem:$0x220] =	vst v0  }
0x12: {  	[tilespmem:$0x230] =	vst v0  }
0x13: {  	[tilespmem:$0x240] =	vst v0  }
0x14: {  	[tilespmem:$0x250] =	vst v0  }
0x15: {  	[tilespmem:$0x260] =	vst v0  }
0x16: {  	[tilespmem:$0x270] =	vst v0  }
0x17: {  	[tilespmem:$0x280] =	vst v1  }
0x18: {  	[tilespmem:$0x290] =	vst v1  }
0x19: {  	[tilespmem:$0x2A0] =	vst v1  }
0x1a: {  	[tilespmem:$0x2B0] =	vst v1  }
0x1b: {  	[tilespmem:$0x2C0] =	vst v1  }
0x1c: {  	[tilespmem:$0x2D0] =	vst v1  }
0x1d: {  	[tilespmem:$0x2E0] =	vst v1  }
0x1e: {  	[tilespmem:$0x2F0] =	vst v1  }
0x1f: {  	[tilespmem:$0x300] =	vst v1  }
0x20: {  	[tilespmem:$0x310] =	vst v1  }
0x21: {  	[tilespmem:$0x320] =	vst v1  }
0x22: {  	[tilespmem:$0x330] =	vst v1  }
0x23: {  	[tilespmem:$0x340] =	vst v1  }
0x24: {  	[tilespmem:$0x350] =	vst v1  }
0x25: {  	[tilespmem:$0x360] =	vst v1  }
0x26: {  	[tilespmem:$0x370] =	vst v1  }
0x27: {  	[tilespmem:$0x380] =	vst v1  }
0x28: {  	[tilespmem:$0x390] =	vst v1  }
0x29: {  	[tilespmem:$0x3A0] =	vst v1  }
0x2a: {  	[tilespmem:$0x3B0] =	vst v1  }
0x2b: {  	[tilespmem:$0x3C0] =	vst v1  }
0x2c: {  	[tilespmem:$0x3D0] =	vst v1  }
0x2d: {  	[tilespmem:$0x3E0] =	vst v1  }
0x2e: {  	[tilespmem:$0x3F0] =	vst v1  }
0x2f: {  	[tilespmem:$0x400] =	vst v1  }
0x30: {  	[tilespmem:$0x410] =	vst v1  }
0x31: {  	[tilespmem:$0x420] =	vst v1  }
0x32: {  	[tilespmem:$0x430] =	vst v1  }
0x33: {  	[tilespmem:$0x440] =	vst v1  }
0x34: {  	[tilespmem:$0x450] =	vst v1  }
0x35: {  	[tilespmem:$0x460] =	vst v1  }
0x36: {  	[tilespmem:$0x470] =	vst v1  }
0x37: {  	[tilespmem:$0x480] =	vst v1  }
0x38: {  	[tilespmem:$0x490] =	vst v1  }
0x39: {  	[tilespmem:$0x4A0] =	vst v1  }
0x3a: {  	[tilespmem:$0x4B0] =	vst v1  }
0x3b: {  	[tilespmem:$0x4C0] =	vst v1  }
0x3c: {  	[tilespmem:$0x4D0] =	vst v1  }
0x3d: {  	[tilespmem:$0x4E0] =	vst v1  }
0x3e: {  	[tilespmem:$0x4F0] =	vst v1;
	s18 =	simm.s32 @p0 $0x280  }
0x3f: {  	[spmem:s6] =	stream.linear.scatter @p0 [tilespmem:s18], [sflag:$0x1], $0x1A0, $0x38;
	[tilespmem:$0x778] =	vst v63  }
0x40: {  	s18 =	simm.s32 @p0 $0x1  }
0x41: {  	_ =	swait.ge @p0 [sflag:s18], $0x1A0  }
0x42: {  	[sflag:s18] =	ssyncset.done @p0 $0x0  }
0x43: {  	[sflag:s18] =	ssyncadd.s32 @p0 $0xFFFFFE60;
	s18 =	simm.s32 @!p0 $0x280  }
0x44: {  	[spmem:s5] =	stream.linear.scatter @!p0 [tilespmem:s18], [sflag:$0x1], $0x280, $0x38;
	[tilespmem:$0x778] =	vst v63  }
0x45: {  	s19 =	sadd.s32 $0x0, s11;
	s18 =	simm.s32 @!p0 $0x1  }
0x46: {  	s20 =	sand.u32 $0x200, s3;
	s19 =	sand.u32 $0xFFC00, s19;
	_ =	swait.ge @!p0 [sflag:s18], $0x280  }
0x47: {  	s19 =	sor.u32 s20, s19;
	[sflag:s18] =	ssyncset.done @!p0 $0x0  }
0x48: {  	s28 =	sshrl.u32 s19, $0x3;
	[sflag:s18] =	ssyncadd.s32 @!p0 $0xFFFFFD80  }
0x49: {  	s18 =	sadd.s32 s4, s28;
	[bflag:$0x0] =	sbarrier.arrive $0xFFFF  }
0x4a: {  	[tilespmem:s3], [sflag:$0x1] =	stream.linear.gather [hbm4b:s18+s3], $0x200, $0x38;
	[tilespmem:$0x778] =	vst v63  }
0x4b: {  	_ =	swait.ge [sflag:s12], $0x200  }
0x4c: {  	[sflag:s12] =	ssyncset.done $0x0  }
0x4d: {  	[sflag:s12] =	ssyncadd.s32 $0xFFFFFE00  }
0x4e: {  	[spmem:s1] =	stream.indirect.scatter.add.f32 [tilespmem:s14], [sflag:$0x1], $0x1, s3, s13, $0xb8;
	[tilespmem:$0x778] =	vst v63  }
0x4f: {  	_ =	swait.ge [sflag:s12], $0x80  }
0x50: {  	[sflag:s12] =	ssyncset.done $0x0  }
0x51: {  	[sflag:s12] =	ssyncadd.s32 $0xFFFFFF80  }
0x52: {  	[spmem:s1] =	stream.indirect.scatter.add.f32 [tilespmem:s14], [sflag:$0x1], $0x1, s13, s13, $0xb8;
	[tilespmem:$0x778] =	vst v63  }
0x53: {  	_ =	swait.ge [sflag:s12], $0x80  }
0x54: {  	[sflag:s12] =	ssyncset.done $0x0  }
0x55: {  	[sflag:s12] =	ssyncadd.s32 $0xFFFFFF80  }
0x56: {  	[spmem:s1] =	stream.indirect.scatter.add.f32 [tilespmem:s14], [sflag:$0x1], $0x1, s15, s13, $0xb8;
	[tilespmem:$0x778] =	vst v63  }
0x57: {  	_ =	swait.ge [sflag:s12], $0x80  }
0x58: {  	[sflag:s12] =	ssyncset.done $0x0  }
0x59: {  	s29 =	simm.s32 $0x200;
	s30 =	sadd.s32 $0x200, s11;
	[sflag:s12] =	ssyncadd.s32 $0xFFFFFF80  }
0x5a: {  	[spmem:s1] =	stream.indirect.scatter.add.f32 [tilespmem:s14], [sflag:$0x1], $0x1, s16, s13, $0xb8;
	[tilespmem:$0x778] =	vst v63  }
0x5b: {  	s31 =	sand.u32 $0x200, s29;
	s19 =	sand.u32 $0xFFC00, s30;
	_ =	swait.ge [sflag:s12], $0x80  }
0x5c: {  	s19 =	sor.u32 s31, s19;
	s18 =	simm.s32 $0x400;
	[sflag:s12] =	ssyncset.done $0x0  }
.LBB2_2:
0x5d: {  	s19 =	sshrl.u32 s19, $0x3  }
0x5e: {  	[sflag:s12] =	ssyncadd.s32 $0xFFFFFF80;
	s20 =	smov.u32 s18;
	s21 =	sadd.s32 $0x200, s18  }
0x5f: {  	p1 =	sne.s32 s18, $0x2600;
	s18 =	sadd.s32 s4, s19  }
0x60: {  	[tilespmem:s3], [sflag:$0x1] =	stream.linear.gather [hbm4b:s18+s3], $0x200, $0x38;
	[tilespmem:$0x778] =	vst v63  }
0x61: {  	_ =	swait.ge [sflag:s12], $0x200  }
0x62: {  	[sflag:s12] =	ssyncset.done $0x0  }
0x63: {  	[sflag:s12] =	ssyncadd.s32 $0xFFFFFE00  }
0x64: {  	[spmem:s1] =	stream.indirect.scatter.add.f32 [tilespmem:s14], [sflag:$0x1], $0x1, s3, s13, $0xb8;
	[tilespmem:$0x778] =	vst v63  }
0x65: {  	_ =	swait.ge [sflag:s12], $0x80  }
0x66: {  	[sflag:s12] =	ssyncset.done $0x0  }
0x67: {  	[sflag:s12] =	ssyncadd.s32 $0xFFFFFF80  }
0x68: {  	[spmem:s1] =	stream.indirect.scatter.add.f32 [tilespmem:s14], [sflag:$0x1], $0x1, s13, s13, $0xb8;
	[tilespmem:$0x778] =	vst v63  }
0x69: {  	_ =	swait.ge [sflag:s12], $0x80  }
0x6a: {  	[sflag:s12] =	ssyncset.done $0x0  }
0x6b: {  	[sflag:s12] =	ssyncadd.s32 $0xFFFFFF80  }
0x6c: {  	[spmem:s1] =	stream.indirect.scatter.add.f32 [tilespmem:s14], [sflag:$0x1], $0x1, s15, s13, $0xb8;
	[tilespmem:$0x778] =	vst v63  }
0x6d: {  	_ =	swait.ge [sflag:s12], $0x80  }
.Ltmp0:
0x6e: {  	[sflag:s12] =	ssyncset.done $0x0;
	(pc) =	sbr.rel @p1 .LBB2_2-.Ltmp0, $4  }
0x6f: {  	s18 =	sadd.s32 s20, s11;
	[sflag:s12] =	ssyncadd.s32 $0xFFFFFF80  }
0x70: {  	[spmem:s1] =	stream.indirect.scatter.add.f32 [tilespmem:s14], [sflag:$0x1], $0x1, s16, s13, $0xb8;
	[tilespmem:$0x778] =	vst v63  }
0x71: {  	s19 =	sand.u32 $0x200, s20;
	s18 =	sand.u32 $0xFFC00, s18;
	_ =	swait.ge [sflag:s12], $0x80  }
0x72: {  	s19 =	sor.u32 s19, s18;
	s18 =	smov.u32 s21;
	[sflag:s12] =	ssyncset.done $0x0  }
0x73: {  	s18 =	sshrl.u32 s19, $0x3  }
0x74: {  	[sflag:s12] =	ssyncadd.s32 $0xFFFFFF80;
	s18 =	sadd.s32 s4, s18  }
0x75: {  	[tilespmem:s3], [sflag:$0x1] =	stream.linear.gather [hbm4b:s18+s3], $0x200, $0x38;
	[tilespmem:$0x778] =	vst v63  }
0x76: {  	_ =	swait.ge [sflag:s12], $0x200  }
0x77: {  	[sflag:s12] =	ssyncset.done $0x0  }
0x78: {  	[sflag:s12] =	ssyncadd.s32 $0xFFFFFE00  }
0x79: {  	[spmem:s1] =	stream.indirect.scatter.add.f32 [tilespmem:s14], [sflag:$0x1], $0x1, s3, s13, $0xb8;
	[tilespmem:$0x778] =	vst v63  }
0x7a: {  	_ =	swait.ge [sflag:s12], $0x80  }
0x7b: {  	[sflag:s12] =	ssyncset.done $0x0  }
0x7c: {  	[sflag:s12] =	ssyncadd.s32 $0xFFFFFF80  }
0x7d: {  	[spmem:s1] =	stream.indirect.scatter.add.f32 [tilespmem:s14], [sflag:$0x1], $0x1, s13, s13, $0xb8;
	[tilespmem:$0x778] =	vst v63  }
0x7e: {  	_ =	swait.ge [sflag:s12], $0x80  }
0x7f: {  	[sflag:s12] =	ssyncset.done $0x0  }
0x80: {  	[sflag:s12] =	ssyncadd.s32 $0xFFFFFF80  }
0x81: {  	[spmem:s1] =	stream.indirect.scatter.add.f32 [tilespmem:s14], [sflag:$0x1], $0x1, s15, s13, $0xb8;
	[tilespmem:$0x778] =	vst v63  }
0x82: {  	_ =	swait.ge [sflag:s12], $0x80  }
0x83: {  	[sflag:s12] =	ssyncset.done $0x0  }
0x84: {  	[sflag:s12] =	ssyncadd.s32 $0xFFFFFF80  }
0x85: {  	[spmem:s1] =	stream.indirect.scatter.add.f32 [tilespmem:s14], [sflag:$0x1], $0x1, s16, s13, $0xb8;
	[tilespmem:$0x778] =	vst v63  }
0x86: {  	_ =	swait.ge [sflag:s12], $0x80  }
0x87: {  	[sflag:s12] =	ssyncset.done $0x0  }
0x88: {  	[sflag:s12] =	ssyncadd.s32 $0xFFFFFF80  }
0x89: {  	s19 =	simm.s32 @p0 $0x1;
	s18 =	simm.s32 @p0 $0x280;
	[bflag:$0x0] =	sbarrier.arrive $0xFFFF  }
0x8a: {  	[tilespmem:s18], [sflag:$0x1] =	stream.linear.gather @p0 [spmem:s6], $0x190, $0x38;
	[tilespmem:$0x778] =	vst v63  }
0x8b: {  	_ =	swait.ge @p0 [sflag:s19], $0x190  }
0x8c: {  	[sflag:s19] =	ssyncset.done @p0 $0x0  }
0x8d: {  	s20 =	simm.s32 @p0 $0x0;
	[sflag:s19] =	ssyncadd.s32 @p0 $0xFFFFFE70  }
0x8e: {  	[hbm4b:s9+s20] =	stream.linear.scatter @p0 [tilespmem:s18], [sflag:$0x1], $0x190, $0x38;
	[tilespmem:$0x778] =	vst v63  }
0x8f: {  	_ =	swait.ge @p0 [sflag:s19], $0x190  }
0x90: {  	[sflag:s19] =	ssyncset.done @p0 $0x0  }
0x91: {  	s18 =	simm.s32 @!p0 $0x280;
	[sflag:s19] =	ssyncadd.s32 @p0 $0xFFFFFE70;
	s19 =	simm.s32 @!p0 $0x1  }
0x92: {  	[tilespmem:s18], [sflag:$0x1] =	stream.linear.gather @!p0 [spmem:s7], $0x280, $0x38;
	[tilespmem:$0x778] =	vst v63  }
0x93: {  	s17 =	sadd.s32 $0x1, s17;
	_ =	swait.ge @!p0 [sflag:s19], $0x280  }
0x94: {  	p1 =	sne.s32 s17, s10;
	[sflag:s19] =	ssyncset.done @!p0 $0x0  }
.Ltmp1:
0x95: {  	s20 =	simm.s32 @!p0 $0x0;
	[sflag:s19] =	ssyncadd.s32 @!p0 $0xFFFFFD80;
	(pc) =	sbr.rel @p1 .LBB2_1-.Ltmp1, $4  }
0x96: {  	[hbm4b:s8+s20] =	stream.linear.scatter @!p0 [tilespmem:s18], [sflag:$0x1], $0x280, $0x38;
	[tilespmem:$0x778] =	vst v63  }
0x97: {  	_ =	swait.ge @!p0 [sflag:s19], $0x280  }
0x98: {  	[sflag:s19] =	ssyncset.done @!p0 $0x0  }
0x99: {  	[sflag:s19] =	ssyncadd.s32 @!p0 $0xFFFFFD80  }
0x9a: {  	_ =	sfence.sel $0x180000  }
0x9b: {  	[bflag:$0x0] =	sbarrier.arrive $0xFFFF  }
0x9c: {  	p0 =	sne.s32 s2, $0x0;
	_ =	strace $0x90000047  }
0x9d: {  	s0 =	sadd.s32 @!p0 $0x100000, s0;
	[bflag:$0x2] =	sbarrier.arrive $0xFFFF  }
0x9e: {  	[sflag:s0] =	ssyncadd.tile.s32 @!p0 $0x1;
	_ =	shalt  }
.Lfunc_end2:
_tile_overlayer_lowered:
.L_overlay_start_2:
0x9f: {  	(tag) =	ssettag $0x2  }
0xa0: {  	s0 =	rddreg [dreg:$0x0];
	s2 =	stileid.u32  }
0xa1: {  	s1 =	rddreg [dreg:$0x1];
	p0 =	sne.s32 s2, $0x0  }
0xa2: {  	s3 =	rddreg [dreg:$0x2];
	[bflag:$0x3] =	sbarrier.arrive $0xFFFF;
	s2 =	simm.s32 @!p0 $0x1C01  }
0xa3: {  	[timem:s3], [sflag:s2] =	dma.local @!p0 [hbm:s0], s1  }
0xa4: {  	s0 =	simm.s32 @!p0 $0x1  }
0xa5: {  	_ =	swait.ge @!p0 [sflag:s0], s1  }
0xa6: {  	s1 =	ssub.s32 @!p0 $0x0, s1;
	[sflag:s0] =	ssyncset.done @!p0 $0x0  }
0xa7: {  	[sflag:s0] =	ssyncadd.s32 @!p0 s1  }
0xa8: {  	[bflag:$0x3] =	sbarrier.arrive $0xFFFF  }
0xa9: {  	_ =	shalt  }

</sc_bundles>
